<compile_context>
chip_gen: v7x
topology: tpu7x:2x2x1
jax: 0.10.2.dev20260603
libtpu: 0.0.44.dev20260713+nightly
codegen_flags: <defaults>
</compile_context>

<pallas_src>
import functools

import jax
import jax.numpy as jnp
from jax import lax
from jax.experimental import pallas as pl
from jax.experimental.pallas import tpu as pltpu
from jax.experimental.pallas import tpu_sc as plsc


def _i32(v):
    return jnp.int32(v)


NC = 2
NS = 16
NW = NC * NS
LANES = 16
CHUNK = 128
NCH = 8
JUNK = 128


@functools.partial(jax.jit, static_argnames=("N", "D", "real_chunks"))
def _scatter_phase(x, srcp, dstp, *, N, D, real_chunks):
    padded_chunks = srcp.shape[0]
    tbatch = padded_chunks // (NW * NCH)
    assert padded_chunks == tbatch * NW * NCH
    assert tbatch % 2 == 0
    pairs = tbatch // 2
    span = (N // NS) // 8 * 8
    last_span = N - span * (NS - 1)
    assert last_span % 8 == 0

    mesh = plsc.VectorSubcoreMesh(core_axis_name="c", subcore_axis_name="s")

    @functools.partial(
        pl.kernel,
        out_type=[
            jax.ShapeDtypeStruct((NC, N, D), jnp.float32),
            jax.ShapeDtypeStruct((NW * LANES,), jnp.int32),
        ],
        mesh=mesh,
        scratch_types=[
            pltpu.VMEM_SHARED((N + JUNK, D), jnp.float32),
            [pltpu.VMEM((NCH, CHUNK), jnp.int32)] * 2,
            [pltpu.VMEM((NCH, CHUNK), jnp.int32)] * 2,
            [pltpu.VMEM((CHUNK, D), jnp.float32)] * 2,
            pltpu.VMEM((LANES,), jnp.int32),
            [pltpu.SemaphoreType.DMA] * 2,
            [pltpu.SemaphoreType.DMA] * 2,
            [pltpu.SemaphoreType.DMA] * 2,
        ],
    )
    def scatter_k(x_hbm, src_hbm, dst_hbm, part_hbm, max_hbm,
                  acc_sh, src_idx, dst_idx, rows, maxv_v,
                  gsems, ssems, ixsems):
        c = lax.axis_index("c")
        s = lax.axis_index("s")
        wid = s * NC + c
        rows_a = rows[0]

        row0_t0 = pl.multiple_of(wid * _i32(NCH), 8)
        row0_t1 = pl.multiple_of((_i32(NW) + wid) * _i32(NCH), 8)

        def idx_issue(row0, slot):
            pltpu.async_copy(src_hbm.at[pl.ds(row0, NCH)],
                             src_idx[slot], ixsems[slot])
            pltpu.async_copy(dst_hbm.at[pl.ds(row0, NCH)],
                             dst_idx[slot], ixsems[slot])

        idx_issue(row0_t0, 0)
        idx_issue(row0_t1, 1)

        def zero_row(r, carry):
            for j in range(D // LANES):
                rows_a[r, pl.ds(j * LANES, LANES)] = jnp.zeros(
                    (LANES,), jnp.float32)
            return carry
        lax.fori_loop(_i32(0), _i32(CHUNK), zero_row, _i32(0))
        span0 = s * _i32(span)

        def zero_span(nrows):
            for q in range(nrows // CHUNK):
                pltpu.sync_copy(rows_a,
                                acc_sh.at[pl.ds(span0 + q * CHUNK, CHUNK)])
            rem = nrows % CHUNK
            if rem:
                pltpu.sync_copy(
                    rows_a.at[pl.ds(0, rem)],
                    acc_sh.at[pl.ds(span0 + (nrows - rem), rem)])

        @pl.when(s < _i32(NS - 1))
        def _():
            zero_span(span)

        @pl.when(s == _i32(NS - 1))
        def _():
            zero_span(last_span + JUNK)

        maxv_v[...] = jnp.zeros((LANES,), jnp.int32)
        plsc.subcore_barrier()

        step_rows = 2 * NW * NCH

        def idx_wait(row0, slot):
            pltpu.make_async_copy(src_hbm.at[pl.ds(row0, NCH)],
                                  src_idx[slot], ixsems[slot]).wait()
            pltpu.make_async_copy(dst_hbm.at[pl.ds(row0, NCH)],
                                  dst_idx[slot], ixsems[slot]).wait()

        def do_max(row0, slot):
            m = maxv_v[...]
            for j in range(NCH):
                keep = (row0 + _i32(j)) < _i32(real_chunks)
                mm = m
                for t in range(CHUNK // LANES):
                    mm = jnp.maximum(
                        mm, src_idx[slot][j, pl.ds(t * LANES, LANES)])
                    mm = jnp.maximum(
                        mm, dst_idx[slot][j, pl.ds(t * LANES, LANES)])
                m = jnp.where(keep, mm, m)
            maxv_v[...] = m

        def pair_body(i, carry):
            row0a = pl.multiple_of(
                (i * _i32(2 * NW) + wid) * _i32(NCH), 8)
            row0b = row0a + _i32(NW * NCH)
            row0 = (row0a, row0b)

            def gather_issue(g):
                slot, j, p = g // NCH, g % NCH, g % 2
                return pltpu.async_copy(
                    x_hbm.at[src_idx[slot].at[_i32(j)]], rows[p], gsems[p])

            def scatter_issue(g):
                slot, j, p = g // NCH, g % NCH, g % 2
                return pltpu.async_copy(
                    rows[p], acc_sh.at[dst_idx[slot].at[_i32(j)]],
                    ssems[p], add=True)

            total = 2 * NCH
            idx_wait(row0a, 0)
            do_max(row0a, 0)
            cg = [None] * total
            cs = [None] * total
            for g in range(2):
                cg[g] = gather_issue(g)
            for g in range(total):
                if g == NCH:
                    do_max(row0b, 1)
                cg[g].wait()
                cs[g] = scatter_issue(g)
                nx = g + 2
                if nx < total:
                    cs[g].wait()
                    if nx == NCH:
                        idx_wait(row0b, 1)
                    cg[nx] = gather_issue(nx)
                if g == NCH - 1:
                    @pl.when(i < _i32(pairs - 1))
                    def _():
                        idx_issue(row0a + _i32(step_rows), 0)
            for g in range(total - 2, total):
                cs[g].wait()

            @pl.when(i < _i32(pairs - 1))
            def _():
                idx_issue(row0b + _i32(step_rows), 1)
            return carry

        lax.fori_loop(_i32(0), _i32(pairs), pair_body, _i32(0))

        plsc.subcore_barrier()

        moff = pl.multiple_of(wid * _i32(LANES), 8)
        wmax = pltpu.async_copy(maxv_v, max_hbm.at[pl.ds(moff, LANES)],
                                gsems[0])

        @pl.when(s < _i32(NS - 1))
        def _():
            pltpu.sync_copy(acc_sh.at[pl.ds(span0, span)],
                            part_hbm.at[c, pl.ds(span0, span)])

        @pl.when(s == _i32(NS - 1))
        def _():
            pltpu.sync_copy(acc_sh.at[pl.ds(span0, last_span)],
                            part_hbm.at[c, pl.ds(span0, last_span)])

        wmax.wait()

    return scatter_k(x, srcp, dstp)


@functools.partial(jax.jit, static_argnames=("N", "D"))
def _combine_phase(part, x, maxes, *, N, D):
    blk = 2000
    assert N % blk == 0

    def body(part_ref, x_ref, max_ref, o_ref):
        nn = jnp.max(max_ref[...]) + 1
        rows = (pl.program_id(0) * blk
                + lax.broadcasted_iota(jnp.int32, (blk, D), 0))
        xm = jnp.where(rows < nn, x_ref[...], 0.0)
        o_ref[...] = jnp.maximum(part_ref[0] + part_ref[1] + xm, 0.0)

    return pl.pallas_call(
        body,
        grid=(N // blk,),
        in_specs=[
            pl.BlockSpec((NC, blk, D), lambda i: (_i32(0), i, _i32(0))),
            pl.BlockSpec((blk, D), lambda i: (i, _i32(0))),
            pl.BlockSpec((NW, LANES), lambda i: (_i32(0), _i32(0))),
        ],
        out_specs=pl.BlockSpec((blk, D), lambda i: (i, _i32(0))),
        out_shape=jax.ShapeDtypeStruct((N, D), jnp.float32),
    )(part, x, maxes)


def kernel(x, edge_index):
    N, D = x.shape
    E = edge_index.shape[1]
    assert E % CHUNK == 0
    real_chunks = E // CHUNK
    grain = NW * NCH
    padded_chunks = -(-real_chunks // grain) * grain
    pad = padded_chunks - real_chunks
    ei = edge_index.astype(jnp.int32)
    src2 = ei[0].reshape(real_chunks, CHUNK)
    dst2 = ei[1].reshape(real_chunks, CHUNK)
    if pad:
        lane = jnp.arange(CHUNK, dtype=jnp.int32)
        padblk = jnp.broadcast_to(lane[None, :], (pad, CHUNK))
        srcp = jnp.concatenate([src2, padblk], axis=0)
        dstp = jnp.concatenate([dst2, padblk + N], axis=0)
    else:
        srcp, dstp = src2, dst2
    part, maxes = _scatter_phase(x, srcp, dstp, N=N, D=D,
                                 real_chunks=real_chunks)
    return _combine_phase(part, x, maxes.reshape(NW, LANES), N=N, D=D)

# --- scband reference (transcript-rebuilt; emitter-appended) ---
"""Pipeline reference for scband-combined-model-12953621365421 (READ-ONLY COPY).

The authoritative reference and input builder live on the scoring server;
editing this copy changes nothing except your own understanding.
"""

import jax, jax.numpy as jnp
import numpy as np
jax.config.update("jax_enable_x64", True)


def setup_inputs(seed: int = 0) -> dict:
    key = jax.random.key(seed)
    k1, k2 = jax.random.split(key)
    x = jax.random.normal(k1, (10000, 128), dtype=jnp.float32)
    edge_index = jax.random.randint(k2, (2, 320000), 0, 10000, dtype=jnp.int64)
    return {"x": x, "edge_index": edge_index}


def reference(x, edge_index):
    # CombinedModel pipeline: GCNNorm -> MessageGeneration -> MessageAggregation
    edge_index = edge_index.astype(jnp.int64)
    num_nodes = jnp.max(edge_index) + 1
    E = edge_index.shape[1]
    N = x.shape[0]

    # --- GCNNorm (gcn_norm with add_self_loops=True, improved=False) ---
    edge_weight = jnp.ones((E,), dtype=jnp.float32)
    loop = jnp.arange(N, dtype=edge_index.dtype)
    loop_valid = loop < num_nodes
    ei = jnp.concatenate([edge_index, jnp.stack([loop, loop], axis=0)], axis=1)
    ew = jnp.concatenate([edge_weight, loop_valid.astype(jnp.float32)], axis=0)
    row, col = ei[0], ei[1]
    deg = jax.ops.segment_sum(ew, col, num_segments=N)
    deg_inv_sqrt = jnp.where(deg > 0, jnp.power(jnp.where(deg > 0, deg, 1.0), -0.5), 0.0)
    norm_edge_weight = deg_inv_sqrt[row] * ew * deg_inv_sqrt[col]
    # (norm_edge_weight is returned by GCNNorm but, faithful to the original
    # CombinedModel, it is not consumed by MessageGeneration)

    # --- MessageGeneration: identity message gather from source nodes ---
    edge_valid = jnp.concatenate(
        [jnp.ones((E,), dtype=jnp.bool_), loop_valid], axis=0
    )
    messages = jnp.where(edge_valid[:, None], x[row], jnp.zeros((), dtype=x.dtype))

    # --- MessageAggregation: scatter_add at dst index, dim_size = x.shape[0], then relu ---
    out = jax.ops.segment_sum(messages, col, num_segments=x.shape[0])
    out = jax.nn.relu(out)
    return out

if __name__ == "__main__":
    import jax
    _d = setup_inputs()
    print(jax.jit(kernel)(*tuple(_d.values())))

</pallas_src>

<mosaic_0001>
#map = affine_map<(d0, d1) -> (0, 0)>
#map1 = affine_map<(d0, d1) -> (0, 0, 0)>
#map2 = affine_map<(d0, d1) -> (0)>
module attributes {stable_mosaic.version = 14 : i64} {
  func.func @scatter_k(%arg0: i32, %arg1: i32, %arg2: memref<10000x128xf32, #tpu.memory_space<hbm>>, %arg3: memref<2560x128xi32, #tpu.memory_space<hbm>>, %arg4: memref<2560x128xi32, #tpu.memory_space<hbm>>, %arg5: memref<2x10000x128xf32, #tpu.memory_space<hbm>>, %arg6: memref<512xi32, #tpu.memory_space<hbm>>, %arg7: memref<10128x128xf32, #tpu.memory_space<vmem_shared>>, %arg8: memref<8x128xi32, #tpu.memory_space<vmem>>, %arg9: memref<8x128xi32, #tpu.memory_space<vmem>>, %arg10: memref<8x128xi32, #tpu.memory_space<vmem>>, %arg11: memref<8x128xi32, #tpu.memory_space<vmem>>, %arg12: memref<128x128xf32, #tpu.memory_space<vmem>>, %arg13: memref<128x128xf32, #tpu.memory_space<vmem>>, %arg14: memref<16xi32, #tpu.memory_space<vmem>>, %arg15: memref<!tpu.dma_semaphore, #tpu.memory_space<semaphore_mem>>, %arg16: memref<!tpu.dma_semaphore, #tpu.memory_space<semaphore_mem>>, %arg17: memref<!tpu.dma_semaphore, #tpu.memory_space<semaphore_mem>>, %arg18: memref<!tpu.dma_semaphore, #tpu.memory_space<semaphore_mem>>, %arg19: memref<!tpu.dma_semaphore, #tpu.memory_space<semaphore_mem>>, %arg20: memref<!tpu.dma_semaphore, #tpu.memory_space<semaphore_mem>>) attributes {dimension_semantics = [#tpu.dimension_semantics<core_parallel>, #tpu.dimension_semantics<subcore_parallel>], iteration_bounds = array<i64: 2, 16>, scalar_prefetch = 0 : i64, scratch_operands = 14 : i64, tpu.core_type = #tpu.core_type<sc_vector_subcore>, window_params = [{transform_indices = #map}, {transform_indices = #map}, {transform_indices = #map}, {transform_indices = #map1}, {transform_indices = #map2}]} {
    %mul3A = arith.constant 2 : i32
    %mul3A_0 = arith.muli %arg1, %mul3A : i32
    %add3A = arith.addi %mul3A_0, %arg0 : i32
    %mul3A_1 = arith.constant 8 : i32
    %mul3A_2 = arith.muli %add3A, %mul3A_1 : i32
    %multiple_of3A = tpu.assume_multiple %mul3A_2, 8 : i32
    %add3A_3 = arith.constant 32 : i32
    %add3A_4 = arith.addi %add3A_3, %add3A : i32
    %mul3A_5 = arith.constant 8 : i32
    %mul3A_6 = arith.muli %add3A_4, %mul3A_5 : i32
    %multiple_of3A_7 = tpu.assume_multiple %mul3A_6, 8 : i32
    %dma_start3A = arith.constant 0 : i32
    %dma_start3A_8 = tpu.memref_slice %arg3[%multiple_of3A, %dma_start3A] : memref<2560x128xi32, #tpu.memory_space<hbm>> -> memref<8x128xi32, #tpu.memory_space<hbm>>
    %dma_start3A_9 = arith.constant 0 : i32
    %dma_start3A_10 = tpu.memref_slice %arg3[%multiple_of3A, %dma_start3A_9] : memref<2560x128xi32, #tpu.memory_space<hbm>> -> memref<8x128xi32, #tpu.memory_space<hbm>>
    tpu.enqueue_dma source(%dma_start3A_10 : memref<8x128xi32, #tpu.memory_space<hbm>>) target(%arg8 : memref<8x128xi32, #tpu.memory_space<vmem>>) target_semaphore(%arg19 : memref<!tpu.dma_semaphore, #tpu.memory_space<semaphore_mem>>)
    %dma_start3A_11 = arith.constant 0 : i32
    %dma_start3A_12 = tpu.memref_slice %arg4[%multiple_of3A, %dma_start3A_11] : memref<2560x128xi32, #tpu.memory_space<hbm>> -> memref<8x128xi32, #tpu.memory_space<hbm>>
    %dma_start3A_13 = arith.constant 0 : i32
    %dma_start3A_14 = tpu.memref_slice %arg4[%multiple_of3A, %dma_start3A_13] : memref<2560x128xi32, #tpu.memory_space<hbm>> -> memref<8x128xi32, #tpu.memory_space<hbm>>
    tpu.enqueue_dma source(%dma_start3A_14 : memref<8x128xi32, #tpu.memory_space<hbm>>) target(%arg10 : memref<8x128xi32, #tpu.memory_space<vmem>>) target_semaphore(%arg19 : memref<!tpu.dma_semaphore, #tpu.memory_space<semaphore_mem>>)
    %dma_start3A_15 = arith.constant 0 : i32
    %dma_start3A_16 = tpu.memref_slice %arg3[%multiple_of3A_7, %dma_start3A_15] : memref<2560x128xi32, #tpu.memory_space<hbm>> -> memref<8x128xi32, #tpu.memory_space<hbm>>
    %dma_start3A_17 = arith.constant 0 : i32
    %dma_start3A_18 = tpu.memref_slice %arg3[%multiple_of3A_7, %dma_start3A_17] : memref<2560x128xi32, #tpu.memory_space<hbm>> -> memref<8x128xi32, #tpu.memory_space<hbm>>
    tpu.enqueue_dma source(%dma_start3A_18 : memref<8x128xi32, #tpu.memory_space<hbm>>) target(%arg9 : memref<8x128xi32, #tpu.memory_space<vmem>>) target_semaphore(%arg20 : memref<!tpu.dma_semaphore, #tpu.memory_space<semaphore_mem>>)
    %dma_start3A_19 = arith.constant 0 : i32
    %dma_start3A_20 = tpu.memref_slice %arg4[%multiple_of3A_7, %dma_start3A_19] : memref<2560x128xi32, #tpu.memory_space<hbm>> -> memref<8x128xi32, #tpu.memory_space<hbm>>
    %dma_start3A_21 = arith.constant 0 : i32
    %dma_start3A_22 = tpu.memref_slice %arg4[%multiple_of3A_7, %dma_start3A_21] : memref<2560x128xi32, #tpu.memory_space<hbm>> -> memref<8x128xi32, #tpu.memory_space<hbm>>
    tpu.enqueue_dma source(%dma_start3A_22 : memref<8x128xi32, #tpu.memory_space<hbm>>) target(%arg11 : memref<8x128xi32, #tpu.memory_space<vmem>>) target_semaphore(%arg20 : memref<!tpu.dma_semaphore, #tpu.memory_space<semaphore_mem>>)
    %while3A = arith.constant 0 : i32
    %while3A_23 = arith.constant 0 : i32
    %while3A_24 = arith.constant 128 : i32
    %while3A_25 = arith.subi %while3A_24, %while3A_23 : i32
    %while3A_26 = arith.addi %while3A_23, %while3A_25 : i32
    %while3A_27 = arith.constant 1 : i32
    %while3A_28 = arith.divsi %while3A_25, %while3A_27 : i32
    %while3A_29 = arith.muli %while3A_28, %while3A_27 : i32
    %while3A_30 = arith.addi %while3A_23, %while3A_29 : i32
    %while3A_31 = arith.constant 1 : i32
    scf.for %while3A_73 = %while3A_23 to %while3A_30 step %while3A_31  : i32 {
      %broadcast_in_dim3A_74 = arith.constant 0.000000e+00 : f32
      %broadcast_in_dim3A_75 = vector.broadcast %broadcast_in_dim3A_74 : f32 to vector<16xf32>
      %swap3A_76 = arith.index_cast %while3A_73 : i32 to index
      %swap3A_77 = arith.constant 0 : index
      %swap3A_78 = tpu.vector_load %arg12[%swap3A_76, %swap3A_77] {strides = array<i32>} : memref<128x128xf32, #tpu.memory_space<vmem>>, vector<1x16xf32>,
      %swap3A_79 = vector.shape_cast %swap3A_78 : vector<1x16xf32> to vector<16xf32>
      %swap3A_80 = vector.shape_cast %broadcast_in_dim3A_75 : vector<16xf32> to vector<1x16xf32>
      tpu.vector_store %arg12[%swap3A_76, %swap3A_77], %swap3A_80 {strides = array<i32>} : memref<128x128xf32, #tpu.memory_space<vmem>>, vector<1x16xf32>,
      %broadcast_in_dim3A_81 = arith.constant 0.000000e+00 : f32
      %broadcast_in_dim3A_82 = vector.broadcast %broadcast_in_dim3A_81 : f32 to vector<16xf32>
      %swap3A_83 = arith.index_cast %while3A_73 : i32 to index
      %swap3A_84 = arith.constant 16 : index
      %swap3A_85 = tpu.vector_load %arg12[%swap3A_83, %swap3A_84] {strides = array<i32>} : memref<128x128xf32, #tpu.memory_space<vmem>>, vector<1x16xf32>,
      %swap3A_86 = vector.shape_cast %swap3A_85 : vector<1x16xf32> to vector<16xf32>
      %swap3A_87 = vector.shape_cast %broadcast_in_dim3A_82 : vector<16xf32> to vector<1x16xf32>
      tpu.vector_store %arg12[%swap3A_83, %swap3A_84], %swap3A_87 {strides = array<i32>} : memref<128x128xf32, #tpu.memory_space<vmem>>, vector<1x16xf32>,
      %broadcast_in_dim3A_88 = arith.constant 0.000000e+00 : f32
      %broadcast_in_dim3A_89 = vector.broadcast %broadcast_in_dim3A_88 : f32 to vector<16xf32>
      %swap3A_90 = arith.index_cast %while3A_73 : i32 to index
      %swap3A_91 = arith.constant 32 : index
      %swap3A_92 = tpu.vector_load %arg12[%swap3A_90, %swap3A_91] {strides = array<i32>} : memref<128x128xf32, #tpu.memory_space<vmem>>, vector<1x16xf32>,
      %swap3A_93 = vector.shape_cast %swap3A_92 : vector<1x16xf32> to vector<16xf32>
      %swap3A_94 = vector.shape_cast %broadcast_in_dim3A_89 : vector<16xf32> to vector<1x16xf32>
      tpu.vector_store %arg12[%swap3A_90, %swap3A_91], %swap3A_94 {strides = array<i32>} : memref<128x128xf32, #tpu.memory_space<vmem>>, vector<1x16xf32>,
      %broadcast_in_dim3A_95 = arith.constant 0.000000e+00 : f32
      %broadcast_in_dim3A_96 = vector.broadcast %broadcast_in_dim3A_95 : f32 to vector<16xf32>
      %swap3A_97 = arith.index_cast %while3A_73 : i32 to index
      %swap3A_98 = arith.constant 48 : index
      %swap3A_99 = tpu.vector_load %arg12[%swap3A_97, %swap3A_98] {strides = array<i32>} : memref<128x128xf32, #tpu.memory_space<vmem>>, vector<1x16xf32>,
      %swap3A_100 = vector.shape_cast %swap3A_99 : vector<1x16xf32> to vector<16xf32>
      %swap3A_101 = vector.shape_cast %broadcast_in_dim3A_96 : vector<16xf32> to vector<1x16xf32>
      tpu.vector_store %arg12[%swap3A_97, %swap3A_98], %swap3A_101 {strides = array<i32>} : memref<128x128xf32, #tpu.memory_space<vmem>>, vector<1x16xf32>,
      %broadcast_in_dim3A_102 = arith.constant 0.000000e+00 : f32
      %broadcast_in_dim3A_103 = vector.broadcast %broadcast_in_dim3A_102 : f32 to vector<16xf32>
      %swap3A_104 = arith.index_cast %while3A_73 : i32 to index
      %swap3A_105 = arith.constant 64 : index
      %swap3A_106 = tpu.vector_load %arg12[%swap3A_104, %swap3A_105] {strides = array<i32>} : memref<128x128xf32, #tpu.memory_space<vmem>>, vector<1x16xf32>,
      %swap3A_107 = vector.shape_cast %swap3A_106 : vector<1x16xf32> to vector<16xf32>
      %swap3A_108 = vector.shape_cast %broadcast_in_dim3A_103 : vector<16xf32> to vector<1x16xf32>
      tpu.vector_store %arg12[%swap3A_104, %swap3A_105], %swap3A_108 {strides = array<i32>} : memref<128x128xf32, #tpu.memory_space<vmem>>, vector<1x16xf32>,
      %broadcast_in_dim3A_109 = arith.constant 0.000000e+00 : f32
      %broadcast_in_dim3A_110 = vector.broadcast %broadcast_in_dim3A_109 : f32 to vector<16xf32>
      %swap3A_111 = arith.index_cast %while3A_73 : i32 to index
      %swap3A_112 = arith.constant 80 : index
      %swap3A_113 = tpu.vector_load %arg12[%swap3A_111, %swap3A_112] {strides = array<i32>} : memref<128x128xf32, #tpu.memory_space<vmem>>, vector<1x16xf32>,
      %swap3A_114 = vector.shape_cast %swap3A_113 : vector<1x16xf32> to vector<16xf32>
      %swap3A_115 = vector.shape_cast %broadcast_in_dim3A_110 : vector<16xf32> to vector<1x16xf32>
      tpu.vector_store %arg12[%swap3A_111, %swap3A_112], %swap3A_115 {strides = array<i32>} : memref<128x128xf32, #tpu.memory_space<vmem>>, vector<1x16xf32>,
      %broadcast_in_dim3A_116 = arith.constant 0.000000e+00 : f32
      %broadcast_in_dim3A_117 = vector.broadcast %broadcast_in_dim3A_116 : f32 to vector<16xf32>
      %swap3A_118 = arith.index_cast %while3A_73 : i32 to index
      %swap3A_119 = arith.constant 96 : index
      %swap3A_120 = tpu.vector_load %arg12[%swap3A_118, %swap3A_119] {strides = array<i32>} : memref<128x128xf32, #tpu.memory_space<vmem>>, vector<1x16xf32>,
      %swap3A_121 = vector.shape_cast %swap3A_120 : vector<1x16xf32> to vector<16xf32>
      %swap3A_122 = vector.shape_cast %broadcast_in_dim3A_117 : vector<16xf32> to vector<1x16xf32>
      tpu.vector_store %arg12[%swap3A_118, %swap3A_119], %swap3A_122 {strides = array<i32>} : memref<128x128xf32, #tpu.memory_space<vmem>>, vector<1x16xf32>,
      %broadcast_in_dim3A_123 = arith.constant 0.000000e+00 : f32
      %broadcast_in_dim3A_124 = vector.broadcast %broadcast_in_dim3A_123 : f32 to vector<16xf32>
      %swap3A_125 = arith.index_cast %while3A_73 : i32 to index
      %swap3A_126 = arith.constant 112 : index
      %swap3A_127 = tpu.vector_load %arg12[%swap3A_125, %swap3A_126] {strides = array<i32>} : memref<128x128xf32, #tpu.memory_space<vmem>>, vector<1x16xf32>,
      %swap3A_128 = vector.shape_cast %swap3A_127 : vector<1x16xf32> to vector<16xf32>
      %swap3A_129 = vector.shape_cast %broadcast_in_dim3A_124 : vector<16xf32> to vector<1x16xf32>
      tpu.vector_store %arg12[%swap3A_125, %swap3A_126], %swap3A_129 {strides = array<i32>} : memref<128x128xf32, #tpu.memory_space<vmem>>, vector<1x16xf32>,
    }
    %while3A_32 = arith.constant 1 : i32
    scf.for %while3A_73 = %while3A_30 to %while3A_26 step %while3A_32  : i32 {
      %broadcast_in_dim3A_74 = arith.constant 0.000000e+00 : f32
      %broadcast_in_dim3A_75 = vector.broadcast %broadcast_in_dim3A_74 : f32 to vector<16xf32>
      %swap3A_76 = arith.index_cast %while3A_73 : i32 to index
      %swap3A_77 = arith.constant 0 : index
      %swap3A_78 = tpu.vector_load %arg12[%swap3A_76, %swap3A_77] {strides = array<i32>} : memref<128x128xf32, #tpu.memory_space<vmem>>, vector<1x16xf32>,
      %swap3A_79 = vector.shape_cast %swap3A_78 : vector<1x16xf32> to vector<16xf32>
      %swap3A_80 = vector.shape_cast %broadcast_in_dim3A_75 : vector<16xf32> to vector<1x16xf32>
      tpu.vector_store %arg12[%swap3A_76, %swap3A_77], %swap3A_80 {strides = array<i32>} : memref<128x128xf32, #tpu.memory_space<vmem>>, vector<1x16xf32>,
      %broadcast_in_dim3A_81 = arith.constant 0.000000e+00 : f32
      %broadcast_in_dim3A_82 = vector.broadcast %broadcast_in_dim3A_81 : f32 to vector<16xf32>
      %swap3A_83 = arith.index_cast %while3A_73 : i32 to index
      %swap3A_84 = arith.constant 16 : index
      %swap3A_85 = tpu.vector_load %arg12[%swap3A_83, %swap3A_84] {strides = array<i32>} : memref<128x128xf32, #tpu.memory_space<vmem>>, vector<1x16xf32>,
      %swap3A_86 = vector.shape_cast %swap3A_85 : vector<1x16xf32> to vector<16xf32>
      %swap3A_87 = vector.shape_cast %broadcast_in_dim3A_82 : vector<16xf32> to vector<1x16xf32>
      tpu.vector_store %arg12[%swap3A_83, %swap3A_84], %swap3A_87 {strides = array<i32>} : memref<128x128xf32, #tpu.memory_space<vmem>>, vector<1x16xf32>,
      %broadcast_in_dim3A_88 = arith.constant 0.000000e+00 : f32
      %broadcast_in_dim3A_89 = vector.broadcast %broadcast_in_dim3A_88 : f32 to vector<16xf32>
      %swap3A_90 = arith.index_cast %while3A_73 : i32 to index
      %swap3A_91 = arith.constant 32 : index
      %swap3A_92 = tpu.vector_load %arg12[%swap3A_90, %swap3A_91] {strides = array<i32>} : memref<128x128xf32, #tpu.memory_space<vmem>>, vector<1x16xf32>,
      %swap3A_93 = vector.shape_cast %swap3A_92 : vector<1x16xf32> to vector<16xf32>
      %swap3A_94 = vector.shape_cast %broadcast_in_dim3A_89 : vector<16xf32> to vector<1x16xf32>
      tpu.vector_store %arg12[%swap3A_90, %swap3A_91], %swap3A_94 {strides = array<i32>} : memref<128x128xf32, #tpu.memory_space<vmem>>, vector<1x16xf32>,
      %broadcast_in_dim3A_95 = arith.constant 0.000000e+00 : f32
      %broadcast_in_dim3A_96 = vector.broadcast %broadcast_in_dim3A_95 : f32 to vector<16xf32>
      %swap3A_97 = arith.index_cast %while3A_73 : i32 to index
      %swap3A_98 = arith.constant 48 : index
      %swap3A_99 = tpu.vector_load %arg12[%swap3A_97, %swap3A_98] {strides = array<i32>} : memref<128x128xf32, #tpu.memory_space<vmem>>, vector<1x16xf32>,
      %swap3A_100 = vector.shape_cast %swap3A_99 : vector<1x16xf32> to vector<16xf32>
      %swap3A_101 = vector.shape_cast %broadcast_in_dim3A_96 : vector<16xf32> to vector<1x16xf32>
      tpu.vector_store %arg12[%swap3A_97, %swap3A_98], %swap3A_101 {strides = array<i32>} : memref<128x128xf32, #tpu.memory_space<vmem>>, vector<1x16xf32>,
      %broadcast_in_dim3A_102 = arith.constant 0.000000e+00 : f32
      %broadcast_in_dim3A_103 = vector.broadcast %broadcast_in_dim3A_102 : f32 to vector<16xf32>
      %swap3A_104 = arith.index_cast %while3A_73 : i32 to index
      %swap3A_105 = arith.constant 64 : index
      %swap3A_106 = tpu.vector_load %arg12[%swap3A_104, %swap3A_105] {strides = array<i32>} : memref<128x128xf32, #tpu.memory_space<vmem>>, vector<1x16xf32>,
      %swap3A_107 = vector.shape_cast %swap3A_106 : vector<1x16xf32> to vector<16xf32>
      %swap3A_108 = vector.shape_cast %broadcast_in_dim3A_103 : vector<16xf32> to vector<1x16xf32>
      tpu.vector_store %arg12[%swap3A_104, %swap3A_105], %swap3A_108 {strides = array<i32>} : memref<128x128xf32, #tpu.memory_space<vmem>>, vector<1x16xf32>,
      %broadcast_in_dim3A_109 = arith.constant 0.000000e+00 : f32
      %broadcast_in_dim3A_110 = vector.broadcast %broadcast_in_dim3A_109 : f32 to vector<16xf32>
      %swap3A_111 = arith.index_cast %while3A_73 : i32 to index
      %swap3A_112 = arith.constant 80 : index
      %swap3A_113 = tpu.vector_load %arg12[%swap3A_111, %swap3A_112] {strides = array<i32>} : memref<128x128xf32, #tpu.memory_space<vmem>>, vector<1x16xf32>,
      %swap3A_114 = vector.shape_cast %swap3A_113 : vector<1x16xf32> to vector<16xf32>
      %swap3A_115 = vector.shape_cast %broadcast_in_dim3A_110 : vector<16xf32> to vector<1x16xf32>
      tpu.vector_store %arg12[%swap3A_111, %swap3A_112], %swap3A_115 {strides = array<i32>} : memref<128x128xf32, #tpu.memory_space<vmem>>, vector<1x16xf32>,
      %broadcast_in_dim3A_116 = arith.constant 0.000000e+00 : f32
      %broadcast_in_dim3A_117 = vector.broadcast %broadcast_in_dim3A_116 : f32 to vector<16xf32>
      %swap3A_118 = arith.index_cast %while3A_73 : i32 to index
      %swap3A_119 = arith.constant 96 : index
      %swap3A_120 = tpu.vector_load %arg12[%swap3A_118, %swap3A_119] {strides = array<i32>} : memref<128x128xf32, #tpu.memory_space<vmem>>, vector<1x16xf32>,
      %swap3A_121 = vector.shape_cast %swap3A_120 : vector<1x16xf32> to vector<16xf32>
      %swap3A_122 = vector.shape_cast %broadcast_in_dim3A_117 : vector<16xf32> to vector<1x16xf32>
      tpu.vector_store %arg12[%swap3A_118, %swap3A_119], %swap3A_122 {strides = array<i32>} : memref<128x128xf32, #tpu.memory_space<vmem>>, vector<1x16xf32>,
      %broadcast_in_dim3A_123 = arith.constant 0.000000e+00 : f32
      %broadcast_in_dim3A_124 = vector.broadcast %broadcast_in_dim3A_123 : f32 to vector<16xf32>
      %swap3A_125 = arith.index_cast %while3A_73 : i32 to index
      %swap3A_126 = arith.constant 112 : index
      %swap3A_127 = tpu.vector_load %arg12[%swap3A_125, %swap3A_126] {strides = array<i32>} : memref<128x128xf32, #tpu.memory_space<vmem>>, vector<1x16xf32>,
      %swap3A_128 = vector.shape_cast %swap3A_127 : vector<1x16xf32> to vector<16xf32>
      %swap3A_129 = vector.shape_cast %broadcast_in_dim3A_124 : vector<16xf32> to vector<1x16xf32>
      tpu.vector_store %arg12[%swap3A_125, %swap3A_126], %swap3A_129 {strides = array<i32>} : memref<128x128xf32, #tpu.memory_space<vmem>>, vector<1x16xf32>,
    }
    %mul3A_33 = arith.constant 624 : i32
    %mul3A_34 = arith.muli %arg1, %mul3A_33 : i32
    %lt3A = arith.constant 15 : i32
    %lt3A_35 = arith.cmpi slt, %arg1, %lt3A : i32
    %convert_element_type3A = arith.extui %lt3A_35 : i1 to i32
    %cond3A = arith.constant 0 : i32
    %cond3A_36 = arith.cmpi ne, %convert_element_type3A, %cond3A : i32
    scf.if %cond3A_36 {
      %add3A_73 = arith.constant 0 : i32
      %add3A_74 = arith.addi %mul3A_34, %add3A_73 : i32
      "tpu.region"() ({
        %run_scoped3A = tpu.sem_alloc : memref<!tpu.dma_semaphore, #tpu.memory_space<semaphore_mem>>
        %dma_start3A_83 = arith.constant 0 : i32
        %dma_start3A_84 = tpu.memref_slice %arg7[%add3A_74, %dma_start3A_83] : memref<10128x128xf32, #tpu.memory_space<vmem_shared>> -> memref<128x128xf32, #tpu.memory_space<vmem_shared>>
        %dma_start3A_85 = arith.constant 0 : i32
        %dma_start3A_86 = tpu.memref_slice %arg7[%add3A_74, %dma_start3A_85] : memref<10128x128xf32, #tpu.memory_space<vmem_shared>> -> memref<128x128xf32, #tpu.memory_space<vmem_shared>>
        tpu.enqueue_dma source(%arg12 : memref<128x128xf32, #tpu.memory_space<vmem>>) target(%dma_start3A_86 : memref<128x128xf32, #tpu.memory_space<vmem_shared>>) target_semaphore(%run_scoped3A : memref<!tpu.dma_semaphore, #tpu.memory_space<semaphore_mem>>)
        %dma_wait3A_87 = arith.constant 0 : i32
        %dma_wait3A_88 = tpu.memref_slice %arg7[%add3A_74, %dma_wait3A_87] : memref<10128x128xf32, #tpu.memory_space<vmem_shared>> -> memref<128x128xf32, #tpu.memory_space<vmem_shared>>
        %dma_wait3A_89 = arith.constant 0 : i32
        %dma_wait3A_90 = tpu.memref_slice %arg7[%add3A_74, %dma_wait3A_89] : memref<10128x128xf32, #tpu.memory_space<vmem_shared>> -> memref<128x128xf32, #tpu.memory_space<vmem_shared>>
        tpu.wait_dma2 semaphore(%run_scoped3A : memref<!tpu.dma_semaphore, #tpu.memory_space<semaphore_mem>>) src(%arg12 : memref<128x128xf32, #tpu.memory_space<vmem>>) dst(%dma_wait3A_90 : memref<128x128xf32, #tpu.memory_space<vmem_shared>>)
        tpu.yield
      }) : () -> ()
      %add3A_75 = arith.constant 128 : i32
      %add3A_76 = arith.addi %mul3A_34, %add3A_75 : i32
      "tpu.region"() ({
        %run_scoped3A = tpu.sem_alloc : memref<!tpu.dma_semaphore, #tpu.memory_space<semaphore_mem>>
        %dma_start3A_83 = arith.constant 0 : i32
        %dma_start3A_84 = tpu.memref_slice %arg7[%add3A_76, %dma_start3A_83] : memref<10128x128xf32, #tpu.memory_space<vmem_shared>> -> memref<128x128xf32, #tpu.memory_space<vmem_shared>>
        %dma_start3A_85 = arith.constant 0 : i32
        %dma_start3A_86 = tpu.memref_slice %arg7[%add3A_76, %dma_start3A_85] : memref<10128x128xf32, #tpu.memory_space<vmem_shared>> -> memref<128x128xf32, #tpu.memory_space<vmem_shared>>
        tpu.enqueue_dma source(%arg12 : memref<128x128xf32, #tpu.memory_space<vmem>>) target(%dma_start3A_86 : memref<128x128xf32, #tpu.memory_space<vmem_shared>>) target_semaphore(%run_scoped3A : memref<!tpu.dma_semaphore, #tpu.memory_space<semaphore_mem>>)
        %dma_wait3A_87 = arith.constant 0 : i32
        %dma_wait3A_88 = tpu.memref_slice %arg7[%add3A_76, %dma_wait3A_87] : memref<10128x128xf32, #tpu.memory_space<vmem_shared>> -> memref<128x128xf32, #tpu.memory_space<vmem_shared>>
        %dma_wait3A_89 = arith.constant 0 : i32
        %dma_wait3A_90 = tpu.memref_slice %arg7[%add3A_76, %dma_wait3A_89] : memref<10128x128xf32, #tpu.memory_space<vmem_shared>> -> memref<128x128xf32, #tpu.memory_space<vmem_shared>>
        tpu.wait_dma2 semaphore(%run_scoped3A : memref<!tpu.dma_semaphore, #tpu.memory_space<semaphore_mem>>) src(%arg12 : memref<128x128xf32, #tpu.memory_space<vmem>>) dst(%dma_wait3A_90 : memref<128x128xf32, #tpu.memory_space<vmem_shared>>)
        tpu.yield
      }) : () -> ()
      %add3A_77 = arith.constant 256 : i32
      %add3A_78 = arith.addi %mul3A_34, %add3A_77 : i32
      "tpu.region"() ({
        %run_scoped3A = tpu.sem_alloc : memref<!tpu.dma_semaphore, #tpu.memory_space<semaphore_mem>>
        %dma_start3A_83 = arith.constant 0 : i32
        %dma_start3A_84 = tpu.memref_slice %arg7[%add3A_78, %dma_start3A_83] : memref<10128x128xf32, #tpu.memory_space<vmem_shared>> -> memref<128x128xf32, #tpu.memory_space<vmem_shared>>
        %dma_start3A_85 = arith.constant 0 : i32
        %dma_start3A_86 = tpu.memref_slice %arg7[%add3A_78, %dma_start3A_85] : memref<10128x128xf32, #tpu.memory_space<vmem_shared>> -> memref<128x128xf32, #tpu.memory_space<vmem_shared>>
        tpu.enqueue_dma source(%arg12 : memref<128x128xf32, #tpu.memory_space<vmem>>) target(%dma_start3A_86 : memref<128x128xf32, #tpu.memory_space<vmem_shared>>) target_semaphore(%run_scoped3A : memref<!tpu.dma_semaphore, #tpu.memory_space<semaphore_mem>>)
        %dma_wait3A_87 = arith.constant 0 : i32
        %dma_wait3A_88 = tpu.memref_slice %arg7[%add3A_78, %dma_wait3A_87] : memref<10128x128xf32, #tpu.memory_space<vmem_shared>> -> memref<128x128xf32, #tpu.memory_space<vmem_shared>>
        %dma_wait3A_89 = arith.constant 0 : i32
        %dma_wait3A_90 = tpu.memref_slice %arg7[%add3A_78, %dma_wait3A_89] : memref<10128x128xf32, #tpu.memory_space<vmem_shared>> -> memref<128x128xf32, #tpu.memory_space<vmem_shared>>
        tpu.wait_dma2 semaphore(%run_scoped3A : memref<!tpu.dma_semaphore, #tpu.memory_space<semaphore_mem>>) src(%arg12 : memref<128x128xf32, #tpu.memory_space<vmem>>) dst(%dma_wait3A_90 : memref<128x128xf32, #tpu.memory_space<vmem_shared>>)
        tpu.yield
      }) : () -> ()
      %add3A_79 = arith.constant 384 : i32
      %add3A_80 = arith.addi %mul3A_34, %add3A_79 : i32
      "tpu.region"() ({
        %run_scoped3A = tpu.sem_alloc : memref<!tpu.dma_semaphore, #tpu.memory_space<semaphore_mem>>
        %dma_start3A_83 = arith.constant 0 : i32
        %dma_start3A_84 = tpu.memref_slice %arg7[%add3A_80, %dma_start3A_83] : memref<10128x128xf32, #tpu.memory_space<vmem_shared>> -> memref<128x128xf32, #tpu.memory_space<vmem_shared>>
        %dma_start3A_85 = arith.constant 0 : i32
        %dma_start3A_86 = tpu.memref_slice %arg7[%add3A_80, %dma_start3A_85] : memref<10128x128xf32, #tpu.memory_space<vmem_shared>> -> memref<128x128xf32, #tpu.memory_space<vmem_shared>>
        tpu.enqueue_dma source(%arg12 : memref<128x128xf32, #tpu.memory_space<vmem>>) target(%dma_start3A_86 : memref<128x128xf32, #tpu.memory_space<vmem_shared>>) target_semaphore(%run_scoped3A : memref<!tpu.dma_semaphore, #tpu.memory_space<semaphore_mem>>)
        %dma_wait3A_87 = arith.constant 0 : i32
        %dma_wait3A_88 = tpu.memref_slice %arg7[%add3A_80, %dma_wait3A_87] : memref<10128x128xf32, #tpu.memory_space<vmem_shared>> -> memref<128x128xf32, #tpu.memory_space<vmem_shared>>
        %dma_wait3A_89 = arith.constant 0 : i32
        %dma_wait3A_90 = tpu.memref_slice %arg7[%add3A_80, %dma_wait3A_89] : memref<10128x128xf32, #tpu.memory_space<vmem_shared>> -> memref<128x128xf32, #tpu.memory_space<vmem_shared>>
        tpu.wait_dma2 semaphore(%run_scoped3A : memref<!tpu.dma_semaphore, #tpu.memory_space<semaphore_mem>>) src(%arg12 : memref<128x128xf32, #tpu.memory_space<vmem>>) dst(%dma_wait3A_90 : memref<128x128xf32, #tpu.memory_space<vmem_shared>>)
        tpu.yield
      }) : () -> ()
      %add3A_81 = arith.constant 512 : i32
      %add3A_82 = arith.addi %mul3A_34, %add3A_81 : i32
      "tpu.region"() ({
        %run_scoped3A = tpu.sem_alloc : memref<!tpu.dma_semaphore, #tpu.memory_space<semaphore_mem>>
        %dma_start3A_83 = arith.constant 0 : i32
        %dma_start3A_84 = arith.constant 0 : i32
        %dma_start3A_85 = tpu.memref_slice %arg12[%dma_start3A_83, %dma_start3A_84] : memref<128x128xf32, #tpu.memory_space<vmem>> -> memref<112x128xf32, #tpu.memory_space<vmem>>
        %dma_start3A_86 = arith.constant 0 : i32
        %dma_start3A_87 = tpu.memref_slice %arg7[%add3A_82, %dma_start3A_86] : memref<10128x128xf32, #tpu.memory_space<vmem_shared>> -> memref<112x128xf32, #tpu.memory_space<vmem_shared>>
        %dma_start3A_88 = arith.constant 0 : i32
        %dma_start3A_89 = tpu.memref_slice %arg7[%add3A_82, %dma_start3A_88] : memref<10128x128xf32, #tpu.memory_space<vmem_shared>> -> memref<112x128xf32, #tpu.memory_space<vmem_shared>>
        %dma_start3A_90 = arith.constant 0 : i32
        %dma_start3A_91 = arith.constant 0 : i32
        %dma_start3A_92 = tpu.memref_slice %arg12[%dma_start3A_90, %dma_start3A_91] : memref<128x128xf32, #tpu.memory_space<vmem>> -> memref<112x128xf32, #tpu.memory_space<vmem>>
        tpu.enqueue_dma source(%dma_start3A_92 : memref<112x128xf32, #tpu.memory_space<vmem>>) target(%dma_start3A_89 : memref<112x128xf32, #tpu.memory_space<vmem_shared>>) target_semaphore(%run_scoped3A : memref<!tpu.dma_semaphore, #tpu.memory_space<semaphore_mem>>)
        %dma_wait3A_93 = arith.constant 0 : i32
        %dma_wait3A_94 = arith.constant 0 : i32
        %dma_wait3A_95 = tpu.memref_slice %arg12[%dma_wait3A_93, %dma_wait3A_94] : memref<128x128xf32, #tpu.memory_space<vmem>> -> memref<112x128xf32, #tpu.memory_space<vmem>>
        %dma_wait3A_96 = arith.constant 0 : i32
        %dma_wait3A_97 = tpu.memref_slice %arg7[%add3A_82, %dma_wait3A_96] : memref<10128x128xf32, #tpu.memory_space<vmem_shared>> -> memref<112x128xf32, #tpu.memory_space<vmem_shared>>
        %dma_wait3A_98 = arith.constant 0 : i32
        %dma_wait3A_99 = tpu.memref_slice %arg7[%add3A_82, %dma_wait3A_98] : memref<10128x128xf32, #tpu.memory_space<vmem_shared>> -> memref<112x128xf32, #tpu.memory_space<vmem_shared>>
        %dma_wait3A_100 = arith.constant 0 : i32
        %dma_wait3A_101 = arith.constant 0 : i32
        %dma_wait3A_102 = tpu.memref_slice %arg12[%dma_wait3A_100, %dma_wait3A_101] : memref<128x128xf32, #tpu.memory_space<vmem>> -> memref<112x128xf32, #tpu.memory_space<vmem>>
        tpu.wait_dma2 semaphore(%run_scoped3A : memref<!tpu.dma_semaphore, #tpu.memory_space<semaphore_mem>>) src(%dma_wait3A_102 : memref<112x128xf32, #tpu.memory_space<vmem>>) dst(%dma_wait3A_99 : memref<112x128xf32, #tpu.memory_space<vmem_shared>>)
        tpu.yield
      }) : () -> ()
    } else {
    }
    %eq3A = arith.constant 15 : i32
    %eq3A_37 = arith.cmpi eq, %arg1, %eq3A : i32
    %convert_element_type3A_38 = arith.extui %eq3A_37 : i1 to i32
    %cond3A_39 = arith.constant 0 : i32
    %cond3A_40 = arith.cmpi ne, %convert_element_type3A_38, %cond3A_39 : i32
    scf.if %cond3A_40 {
      %add3A_73 = arith.constant 0 : i32
      %add3A_74 = arith.addi %mul3A_34, %add3A_73 : i32
      "tpu.region"() ({
        %run_scoped3A = tpu.sem_alloc : memref<!tpu.dma_semaphore, #tpu.memory_space<semaphore_mem>>
        %dma_start3A_85 = arith.constant 0 : i32
        %dma_start3A_86 = tpu.memref_slice %arg7[%add3A_74, %dma_start3A_85] : memref<10128x128xf32, #tpu.memory_space<vmem_shared>> -> memref<128x128xf32, #tpu.memory_space<vmem_shared>>
        %dma_start3A_87 = arith.constant 0 : i32
        %dma_start3A_88 = tpu.memref_slice %arg7[%add3A_74, %dma_start3A_87] : memref<10128x128xf32, #tpu.memory_space<vmem_shared>> -> memref<128x128xf32, #tpu.memory_space<vmem_shared>>
        tpu.enqueue_dma source(%arg12 : memref<128x128xf32, #tpu.memory_space<vmem>>) target(%dma_start3A_88 : memref<128x128xf32, #tpu.memory_space<vmem_shared>>) target_semaphore(%run_scoped3A : memref<!tpu.dma_semaphore, #tpu.memory_space<semaphore_mem>>)
        %dma_wait3A_89 = arith.constant 0 : i32
        %dma_wait3A_90 = tpu.memref_slice %arg7[%add3A_74, %dma_wait3A_89] : memref<10128x128xf32, #tpu.memory_space<vmem_shared>> -> memref<128x128xf32, #tpu.memory_space<vmem_shared>>
        %dma_wait3A_91 = arith.constant 0 : i32
        %dma_wait3A_92 = tpu.memref_slice %arg7[%add3A_74, %dma_wait3A_91] : memref<10128x128xf32, #tpu.memory_space<vmem_shared>> -> memref<128x128xf32, #tpu.memory_space<vmem_shared>>
        tpu.wait_dma2 semaphore(%run_scoped3A : memref<!tpu.dma_semaphore, #tpu.memory_space<semaphore_mem>>) src(%arg12 : memref<128x128xf32, #tpu.memory_space<vmem>>) dst(%dma_wait3A_92 : memref<128x128xf32, #tpu.memory_space<vmem_shared>>)
        tpu.yield
      }) : () -> ()
      %add3A_75 = arith.constant 128 : i32
      %add3A_76 = arith.addi %mul3A_34, %add3A_75 : i32
      "tpu.region"() ({
        %run_scoped3A = tpu.sem_alloc : memref<!tpu.dma_semaphore, #tpu.memory_space<semaphore_mem>>
        %dma_start3A_85 = arith.constant 0 : i32
        %dma_start3A_86 = tpu.memref_slice %arg7[%add3A_76, %dma_start3A_85] : memref<10128x128xf32, #tpu.memory_space<vmem_shared>> -> memref<128x128xf32, #tpu.memory_space<vmem_shared>>
        %dma_start3A_87 = arith.constant 0 : i32
        %dma_start3A_88 = tpu.memref_slice %arg7[%add3A_76, %dma_start3A_87] : memref<10128x128xf32, #tpu.memory_space<vmem_shared>> -> memref<128x128xf32, #tpu.memory_space<vmem_shared>>
        tpu.enqueue_dma source(%arg12 : memref<128x128xf32, #tpu.memory_space<vmem>>) target(%dma_start3A_88 : memref<128x128xf32, #tpu.memory_space<vmem_shared>>) target_semaphore(%run_scoped3A : memref<!tpu.dma_semaphore, #tpu.memory_space<semaphore_mem>>)
        %dma_wait3A_89 = arith.constant 0 : i32
        %dma_wait3A_90 = tpu.memref_slice %arg7[%add3A_76, %dma_wait3A_89] : memref<10128x128xf32, #tpu.memory_space<vmem_shared>> -> memref<128x128xf32, #tpu.memory_space<vmem_shared>>
        %dma_wait3A_91 = arith.constant 0 : i32
        %dma_wait3A_92 = tpu.memref_slice %arg7[%add3A_76, %dma_wait3A_91] : memref<10128x128xf32, #tpu.memory_space<vmem_shared>> -> memref<128x128xf32, #tpu.memory_space<vmem_shared>>
        tpu.wait_dma2 semaphore(%run_scoped3A : memref<!tpu.dma_semaphore, #tpu.memory_space<semaphore_mem>>) src(%arg12 : memref<128x128xf32, #tpu.memory_space<vmem>>) dst(%dma_wait3A_92 : memref<128x128xf32, #tpu.memory_space<vmem_shared>>)
        tpu.yield
      }) : () -> ()
      %add3A_77 = arith.constant 256 : i32
      %add3A_78 = arith.addi %mul3A_34, %add3A_77 : i32
      "tpu.region"() ({
        %run_scoped3A = tpu.sem_alloc : memref<!tpu.dma_semaphore, #tpu.memory_space<semaphore_mem>>
        %dma_start3A_85 = arith.constant 0 : i32
        %dma_start3A_86 = tpu.memref_slice %arg7[%add3A_78, %dma_start3A_85] : memref<10128x128xf32, #tpu.memory_space<vmem_shared>> -> memref<128x128xf32, #tpu.memory_space<vmem_shared>>
        %dma_start3A_87 = arith.constant 0 : i32
        %dma_start3A_88 = tpu.memref_slice %arg7[%add3A_78, %dma_start3A_87] : memref<10128x128xf32, #tpu.memory_space<vmem_shared>> -> memref<128x128xf32, #tpu.memory_space<vmem_shared>>
        tpu.enqueue_dma source(%arg12 : memref<128x128xf32, #tpu.memory_space<vmem>>) target(%dma_start3A_88 : memref<128x128xf32, #tpu.memory_space<vmem_shared>>) target_semaphore(%run_scoped3A : memref<!tpu.dma_semaphore, #tpu.memory_space<semaphore_mem>>)
        %dma_wait3A_89 = arith.constant 0 : i32
        %dma_wait3A_90 = tpu.memref_slice %arg7[%add3A_78, %dma_wait3A_89] : memref<10128x128xf32, #tpu.memory_space<vmem_shared>> -> memref<128x128xf32, #tpu.memory_space<vmem_shared>>
        %dma_wait3A_91 = arith.constant 0 : i32
        %dma_wait3A_92 = tpu.memref_slice %arg7[%add3A_78, %dma_wait3A_91] : memref<10128x128xf32, #tpu.memory_space<vmem_shared>> -> memref<128x128xf32, #tpu.memory_space<vmem_shared>>
        tpu.wait_dma2 semaphore(%run_scoped3A : memref<!tpu.dma_semaphore, #tpu.memory_space<semaphore_mem>>) src(%arg12 : memref<128x128xf32, #tpu.memory_space<vmem>>) dst(%dma_wait3A_92 : memref<128x128xf32, #tpu.memory_space<vmem_shared>>)
        tpu.yield
      }) : () -> ()
      %add3A_79 = arith.constant 384 : i32
      %add3A_80 = arith.addi %mul3A_34, %add3A_79 : i32
      "tpu.region"() ({
        %run_scoped3A = tpu.sem_alloc : memref<!tpu.dma_semaphore, #tpu.memory_space<semaphore_mem>>
        %dma_start3A_85 = arith.constant 0 : i32
        %dma_start3A_86 = tpu.memref_slice %arg7[%add3A_80, %dma_start3A_85] : memref<10128x128xf32, #tpu.memory_space<vmem_shared>> -> memref<128x128xf32, #tpu.memory_space<vmem_shared>>
        %dma_start3A_87 = arith.constant 0 : i32
        %dma_start3A_88 = tpu.memref_slice %arg7[%add3A_80, %dma_start3A_87] : memref<10128x128xf32, #tpu.memory_space<vmem_shared>> -> memref<128x128xf32, #tpu.memory_space<vmem_shared>>
        tpu.enqueue_dma source(%arg12 : memref<128x128xf32, #tpu.memory_space<vmem>>) target(%dma_start3A_88 : memref<128x128xf32, #tpu.memory_space<vmem_shared>>) target_semaphore(%run_scoped3A : memref<!tpu.dma_semaphore, #tpu.memory_space<semaphore_mem>>)
        %dma_wait3A_89 = arith.constant 0 : i32
        %dma_wait3A_90 = tpu.memref_slice %arg7[%add3A_80, %dma_wait3A_89] : memref<10128x128xf32, #tpu.memory_space<vmem_shared>> -> memref<128x128xf32, #tpu.memory_space<vmem_shared>>
        %dma_wait3A_91 = arith.constant 0 : i32
        %dma_wait3A_92 = tpu.memref_slice %arg7[%add3A_80, %dma_wait3A_91] : memref<10128x128xf32, #tpu.memory_space<vmem_shared>> -> memref<128x128xf32, #tpu.memory_space<vmem_shared>>
        tpu.wait_dma2 semaphore(%run_scoped3A : memref<!tpu.dma_semaphore, #tpu.memory_space<semaphore_mem>>) src(%arg12 : memref<128x128xf32, #tpu.memory_space<vmem>>) dst(%dma_wait3A_92 : memref<128x128xf32, #tpu.memory_space<vmem_shared>>)
        tpu.yield
      }) : () -> ()
      %add3A_81 = arith.constant 512 : i32
      %add3A_82 = arith.addi %mul3A_34, %add3A_81 : i32
      "tpu.region"() ({
        %run_scoped3A = tpu.sem_alloc : memref<!tpu.dma_semaphore, #tpu.memory_space<semaphore_mem>>
        %dma_start3A_85 = arith.constant 0 : i32
        %dma_start3A_86 = tpu.memref_slice %arg7[%add3A_82, %dma_start3A_85] : memref<10128x128xf32, #tpu.memory_space<vmem_shared>> -> memref<128x128xf32, #tpu.memory_space<vmem_shared>>
        %dma_start3A_87 = arith.constant 0 : i32
        %dma_start3A_88 = tpu.memref_slice %arg7[%add3A_82, %dma_start3A_87] : memref<10128x128xf32, #tpu.memory_space<vmem_shared>> -> memref<128x128xf32, #tpu.memory_space<vmem_shared>>
        tpu.enqueue_dma source(%arg12 : memref<128x128xf32, #tpu.memory_space<vmem>>) target(%dma_start3A_88 : memref<128x128xf32, #tpu.memory_space<vmem_shared>>) target_semaphore(%run_scoped3A : memref<!tpu.dma_semaphore, #tpu.memory_space<semaphore_mem>>)
        %dma_wait3A_89 = arith.constant 0 : i32
        %dma_wait3A_90 = tpu.memref_slice %arg7[%add3A_82, %dma_wait3A_89] : memref<10128x128xf32, #tpu.memory_space<vmem_shared>> -> memref<128x128xf32, #tpu.memory_space<vmem_shared>>
        %dma_wait3A_91 = arith.constant 0 : i32
        %dma_wait3A_92 = tpu.memref_slice %arg7[%add3A_82, %dma_wait3A_91] : memref<10128x128xf32, #tpu.memory_space<vmem_shared>> -> memref<128x128xf32, #tpu.memory_space<vmem_shared>>
        tpu.wait_dma2 semaphore(%run_scoped3A : memref<!tpu.dma_semaphore, #tpu.memory_space<semaphore_mem>>) src(%arg12 : memref<128x128xf32, #tpu.memory_space<vmem>>) dst(%dma_wait3A_92 : memref<128x128xf32, #tpu.memory_space<vmem_shared>>)
        tpu.yield
      }) : () -> ()
      %add3A_83 = arith.constant 640 : i32
      %add3A_84 = arith.addi %mul3A_34, %add3A_83 : i32
      "tpu.region"() ({
        %run_scoped3A = tpu.sem_alloc : memref<!tpu.dma_semaphore, #tpu.memory_space<semaphore_mem>>
        %dma_start3A_85 = arith.constant 0 : i32
        %dma_start3A_86 = tpu.memref_slice %arg7[%add3A_84, %dma_start3A_85] : memref<10128x128xf32, #tpu.memory_space<vmem_shared>> -> memref<128x128xf32, #tpu.memory_space<vmem_shared>>
        %dma_start3A_87 = arith.constant 0 : i32
        %dma_start3A_88 = tpu.memref_slice %arg7[%add3A_84, %dma_start3A_87] : memref<10128x128xf32, #tpu.memory_space<vmem_shared>> -> memref<128x128xf32, #tpu.memory_space<vmem_shared>>
        tpu.enqueue_dma source(%arg12 : memref<128x128xf32, #tpu.memory_space<vmem>>) target(%dma_start3A_88 : memref<128x128xf32, #tpu.memory_space<vmem_shared>>) target_semaphore(%run_scoped3A : memref<!tpu.dma_semaphore, #tpu.memory_space<semaphore_mem>>)
        %dma_wait3A_89 = arith.constant 0 : i32
        %dma_wait3A_90 = tpu.memref_slice %arg7[%add3A_84, %dma_wait3A_89] : memref<10128x128xf32, #tpu.memory_space<vmem_shared>> -> memref<128x128xf32, #tpu.memory_space<vmem_shared>>
        %dma_wait3A_91 = arith.constant 0 : i32
        %dma_wait3A_92 = tpu.memref_slice %arg7[%add3A_84, %dma_wait3A_91] : memref<10128x128xf32, #tpu.memory_space<vmem_shared>> -> memref<128x128xf32, #tpu.memory_space<vmem_shared>>
        tpu.wait_dma2 semaphore(%run_scoped3A : memref<!tpu.dma_semaphore, #tpu.memory_space<semaphore_mem>>) src(%arg12 : memref<128x128xf32, #tpu.memory_space<vmem>>) dst(%dma_wait3A_92 : memref<128x128xf32, #tpu.memory_space<vmem_shared>>)
        tpu.yield
      }) : () -> ()
    } else {
    }
    %broadcast_in_dim3A = arith.constant 0 : i32
    %broadcast_in_dim3A_41 = vector.broadcast %broadcast_in_dim3A : i32 to vector<16xi32>
    %swap3A = arith.constant 0 : index
    %swap3A_42 = tpu.vector_load %arg14[%swap3A] {strides = array<i32>} : memref<16xi32, #tpu.memory_space<vmem>>, vector<16xi32>,
    %swap3A_43 = vector.shape_cast %swap3A_42 : vector<16xi32> to vector<16xi32>
    %swap3A_44 = vector.shape_cast %broadcast_in_dim3A_41 : vector<16xi32> to vector<16xi32>
    tpu.vector_store %arg14[%swap3A], %swap3A_44 {strides = array<i32>} : memref<16xi32, #tpu.memory_space<vmem>>, vector<16xi32>,
    %barrier3A = arith.constant 0 : index
    tpu.barrier barrier_id(%barrier3A)
    %while3A_45 = arith.constant 0 : i32
    %while3A_46 = arith.constant 0 : i32
    %while3A_47 = arith.constant 5 : i32
    %while3A_48 = arith.subi %while3A_47, %while3A_46 : i32
    %while3A_49 = arith.addi %while3A_46, %while3A_48 : i32
    %while3A_50 = arith.constant 1 : i32
    %while3A_51 = arith.divsi %while3A_48, %while3A_50 : i32
    %while3A_52 = arith.muli %while3A_51, %while3A_50 : i32
    %while3A_53 = arith.addi %while3A_46, %while3A_52 : i32
    %while3A_54 = arith.constant 1 : i32
    scf.for %while3A_73 = %while3A_46 to %while3A_53 step %while3A_54  : i32 {
      %mul3A_74 = arith.constant 64 : i32
      %mul3A_75 = arith.muli %while3A_73, %mul3A_74 : i32
      %add3A_76 = arith.addi %mul3A_75, %add3A : i32
      %mul3A_77 = arith.constant 8 : i32
      %mul3A_78 = arith.muli %add3A_76, %mul3A_77 : i32
      %multiple_of3A_79 = tpu.assume_multiple %mul3A_78, 8 : i32
      %add3A_80 = arith.constant 256 : i32
      %add3A_81 = arith.addi %multiple_of3A_79, %add3A_80 : i32
      %dma_wait3A_82 = arith.constant 0 : i32
      %dma_wait3A_83 = tpu.memref_slice %arg3[%multiple_of3A_79, %dma_wait3A_82] : memref<2560x128xi32, #tpu.memory_space<hbm>> -> memref<8x128xi32, #tpu.memory_space<hbm>>
      %dma_wait3A_84 = arith.constant 0 : i32
      %dma_wait3A_85 = tpu.memref_slice %arg3[%multiple_of3A_79, %dma_wait3A_84] : memref<2560x128xi32, #tpu.memory_space<hbm>> -> memref<8x128xi32, #tpu.memory_space<hbm>>
      tpu.wait_dma2 semaphore(%arg19 : memref<!tpu.dma_semaphore, #tpu.memory_space<semaphore_mem>>) src(%dma_wait3A_85 : memref<8x128xi32, #tpu.memory_space<hbm>>) dst(%arg8 : memref<8x128xi32, #tpu.memory_space<vmem>>)
      %dma_wait3A_86 = arith.constant 0 : i32
      %dma_wait3A_87 = tpu.memref_slice %arg4[%multiple_of3A_79, %dma_wait3A_86] : memref<2560x128xi32, #tpu.memory_space<hbm>> -> memref<8x128xi32, #tpu.memory_space<hbm>>
      %dma_wait3A_88 = arith.constant 0 : i32
      %dma_wait3A_89 = tpu.memref_slice %arg4[%multiple_of3A_79, %dma_wait3A_88] : memref<2560x128xi32, #tpu.memory_space<hbm>> -> memref<8x128xi32, #tpu.memory_space<hbm>>
      tpu.wait_dma2 semaphore(%arg19 : memref<!tpu.dma_semaphore, #tpu.memory_space<semaphore_mem>>) src(%dma_wait3A_89 : memref<8x128xi32, #tpu.memory_space<hbm>>) dst(%arg10 : memref<8x128xi32, #tpu.memory_space<vmem>>)
      %get3A = arith.constant 0 : index
      %get3A_90 = tpu.vector_load %arg14[%get3A] {strides = array<i32>} : memref<16xi32, #tpu.memory_space<vmem>>, vector<16xi32>,
      %get3A_91 = vector.shape_cast %get3A_90 : vector<16xi32> to vector<16xi32>
      %add3A_92 = arith.constant 0 : i32
      %add3A_93 = arith.addi %multiple_of3A_79, %add3A_92 : i32
      %lt3A_94 = arith.constant 2500 : i32
      %lt3A_95 = arith.cmpi slt, %add3A_93, %lt3A_94 : i32
      %get3A_96 = arith.constant 0 : i64
      %get3A_97 = arith.index_cast %get3A_96 : i64 to index
      %get3A_98 = arith.constant 0 : index
      %get3A_99 = tpu.vector_load %arg8[%get3A_97, %get3A_98] {strides = array<i32>} : memref<8x128xi32, #tpu.memory_space<vmem>>, vector<1x16xi32>,
      %get3A_100 = vector.shape_cast %get3A_99 : vector<1x16xi32> to vector<16xi32>
      %max3A = arith.maxsi %get3A_91, %get3A_100 : vector<16xi32>
      %get3A_101 = arith.constant 0 : i64
      %get3A_102 = arith.index_cast %get3A_101 : i64 to index
      %get3A_103 = arith.constant 0 : index
      %get3A_104 = tpu.vector_load %arg10[%get3A_102, %get3A_103] {strides = array<i32>} : memref<8x128xi32, #tpu.memory_space<vmem>>, vector<1x16xi32>,
      %get3A_105 = vector.shape_cast %get3A_104 : vector<1x16xi32> to vector<16xi32>
      %max3A_106 = arith.maxsi %max3A, %get3A_105 : vector<16xi32>
      %get3A_107 = arith.constant 0 : i64
      %get3A_108 = arith.index_cast %get3A_107 : i64 to index
      %get3A_109 = arith.constant 16 : index
      %get3A_110 = tpu.vector_load %arg8[%get3A_108, %get3A_109] {strides = array<i32>} : memref<8x128xi32, #tpu.memory_space<vmem>>, vector<1x16xi32>,
      %get3A_111 = vector.shape_cast %get3A_110 : vector<1x16xi32> to vector<16xi32>
      %max3A_112 = arith.maxsi %max3A_106, %get3A_111 : vector<16xi32>
      %get3A_113 = arith.constant 0 : i64
      %get3A_114 = arith.index_cast %get3A_113 : i64 to index
      %get3A_115 = arith.constant 16 : index
      %get3A_116 = tpu.vector_load %arg10[%get3A_114, %get3A_115] {strides = array<i32>} : memref<8x128xi32, #tpu.memory_space<vmem>>, vector<1x16xi32>,
      %get3A_117 = vector.shape_cast %get3A_116 : vector<1x16xi32> to vector<16xi32>
      %max3A_118 = arith.maxsi %max3A_112, %get3A_117 : vector<16xi32>
      %get3A_119 = arith.constant 0 : i64
      %get3A_120 = arith.index_cast %get3A_119 : i64 to index
      %get3A_121 = arith.constant 32 : index
      %get3A_122 = tpu.vector_load %arg8[%get3A_120, %get3A_121] {strides = array<i32>} : memref<8x128xi32, #tpu.memory_space<vmem>>, vector<1x16xi32>,
      %get3A_123 = vector.shape_cast %get3A_122 : vector<1x16xi32> to vector<16xi32>
      %max3A_124 = arith.maxsi %max3A_118, %get3A_123 : vector<16xi32>
      %get3A_125 = arith.constant 0 : i64
      %get3A_126 = arith.index_cast %get3A_125 : i64 to index
      %get3A_127 = arith.constant 32 : index
      %get3A_128 = tpu.vector_load %arg10[%get3A_126, %get3A_127] {strides = array<i32>} : memref<8x128xi32, #tpu.memory_space<vmem>>, vector<1x16xi32>,
      %get3A_129 = vector.shape_cast %get3A_128 : vector<1x16xi32> to vector<16xi32>
      %max3A_130 = arith.maxsi %max3A_124, %get3A_129 : vector<16xi32>
      %get3A_131 = arith.constant 0 : i64
      %get3A_132 = arith.index_cast %get3A_131 : i64 to index
      %get3A_133 = arith.constant 48 : index
      %get3A_134 = tpu.vector_load %arg8[%get3A_132, %get3A_133] {strides = array<i32>} : memref<8x128xi32, #tpu.memory_space<vmem>>, vector<1x16xi32>,
      %get3A_135 = vector.shape_cast %get3A_134 : vector<1x16xi32> to vector<16xi32>
      %max3A_136 = arith.maxsi %max3A_130, %get3A_135 : vector<16xi32>
      %get3A_137 = arith.constant 0 : i64
      %get3A_138 = arith.index_cast %get3A_137 : i64 to index
      %get3A_139 = arith.constant 48 : index
      %get3A_140 = tpu.vector_load %arg10[%get3A_138, %get3A_139] {strides = array<i32>} : memref<8x128xi32, #tpu.memory_space<vmem>>, vector<1x16xi32>,
      %get3A_141 = vector.shape_cast %get3A_140 : vector<1x16xi32> to vector<16xi32>
      %max3A_142 = arith.maxsi %max3A_136, %get3A_141 : vector<16xi32>
      %get3A_143 = arith.constant 0 : i64
      %get3A_144 = arith.index_cast %get3A_143 : i64 to index
      %get3A_145 = arith.constant 64 : index
      %get3A_146 = tpu.vector_load %arg8[%get3A_144, %get3A_145] {strides = array<i32>} : memref<8x128xi32, #tpu.memory_space<vmem>>, vector<1x16xi32>,
      %get3A_147 = vector.shape_cast %get3A_146 : vector<1x16xi32> to vector<16xi32>
      %max3A_148 = arith.maxsi %max3A_142, %get3A_147 : vector<16xi32>
      %get3A_149 = arith.constant 0 : i64
      %get3A_150 = arith.index_cast %get3A_149 : i64 to index
      %get3A_151 = arith.constant 64 : index
      %get3A_152 = tpu.vector_load %arg10[%get3A_150, %get3A_151] {strides = array<i32>} : memref<8x128xi32, #tpu.memory_space<vmem>>, vector<1x16xi32>,
      %get3A_153 = vector.shape_cast %get3A_152 : vector<1x16xi32> to vector<16xi32>
      %max3A_154 = arith.maxsi %max3A_148, %get3A_153 : vector<16xi32>
      %get3A_155 = arith.constant 0 : i64
      %get3A_156 = arith.index_cast %get3A_155 : i64 to index
      %get3A_157 = arith.constant 80 : index
      %get3A_158 = tpu.vector_load %arg8[%get3A_156, %get3A_157] {strides = array<i32>} : memref<8x128xi32, #tpu.memory_space<vmem>>, vector<1x16xi32>,
      %get3A_159 = vector.shape_cast %get3A_158 : vector<1x16xi32> to vector<16xi32>
      %max3A_160 = arith.maxsi %max3A_154, %get3A_159 : vector<16xi32>
      %get3A_161 = arith.constant 0 : i64
      %get3A_162 = arith.index_cast %get3A_161 : i64 to index
      %get3A_163 = arith.constant 80 : index
      %get3A_164 = tpu.vector_load %arg10[%get3A_162, %get3A_163] {strides = array<i32>} : memref<8x128xi32, #tpu.memory_space<vmem>>, vector<1x16xi32>,
      %get3A_165 = vector.shape_cast %get3A_164 : vector<1x16xi32> to vector<16xi32>
      %max3A_166 = arith.maxsi %max3A_160, %get3A_165 : vector<16xi32>
      %get3A_167 = arith.constant 0 : i64
      %get3A_168 = arith.index_cast %get3A_167 : i64 to index
      %get3A_169 = arith.constant 96 : index
      %get3A_170 = tpu.vector_load %arg8[%get3A_168, %get3A_169] {strides = array<i32>} : memref<8x128xi32, #tpu.memory_space<vmem>>, vector<1x16xi32>,
      %get3A_171 = vector.shape_cast %get3A_170 : vector<1x16xi32> to vector<16xi32>
      %max3A_172 = arith.maxsi %max3A_166, %get3A_171 : vector<16xi32>
      %get3A_173 = arith.constant 0 : i64
      %get3A_174 = arith.index_cast %get3A_173 : i64 to index
      %get3A_175 = arith.constant 96 : index
      %get3A_176 = tpu.vector_load %arg10[%get3A_174, %get3A_175] {strides = array<i32>} : memref<8x128xi32, #tpu.memory_space<vmem>>, vector<1x16xi32>,
      %get3A_177 = vector.shape_cast %get3A_176 : vector<1x16xi32> to vector<16xi32>
      %max3A_178 = arith.maxsi %max3A_172, %get3A_177 : vector<16xi32>
      %get3A_179 = arith.constant 0 : i64
      %get3A_180 = arith.index_cast %get3A_179 : i64 to index
      %get3A_181 = arith.constant 112 : index
      %get3A_182 = tpu.vector_load %arg8[%get3A_180, %get3A_181] {strides = array<i32>} : memref<8x128xi32, #tpu.memory_space<vmem>>, vector<1x16xi32>,
      %get3A_183 = vector.shape_cast %get3A_182 : vector<1x16xi32> to vector<16xi32>
      %max3A_184 = arith.maxsi %max3A_178, %get3A_183 : vector<16xi32>
      %get3A_185 = arith.constant 0 : i64
      %get3A_186 = arith.index_cast %get3A_185 : i64 to index
      %get3A_187 = arith.constant 112 : index
      %get3A_188 = tpu.vector_load %arg10[%get3A_186, %get3A_187] {strides = array<i32>} : memref<8x128xi32, #tpu.memory_space<vmem>>, vector<1x16xi32>,
      %get3A_189 = vector.shape_cast %get3A_188 : vector<1x16xi32> to vector<16xi32>
      %max3A_190 = arith.maxsi %max3A_184, %get3A_189 : vector<16xi32>
      %select_n3A = arith.select %lt3A_95, %max3A_190, %get3A_91 : vector<16xi32>
      %add3A_191 = arith.constant 1 : i32
      %add3A_192 = arith.addi %multiple_of3A_79, %add3A_191 : i32
      %lt3A_193 = arith.constant 2500 : i32
      %lt3A_194 = arith.cmpi slt, %add3A_192, %lt3A_193 : i32
      %get3A_195 = arith.constant 1 : i64
      %get3A_196 = arith.index_cast %get3A_195 : i64 to index
      %get3A_197 = arith.constant 0 : index
      %get3A_198 = tpu.vector_load %arg8[%get3A_196, %get3A_197] {strides = array<i32>} : memref<8x128xi32, #tpu.memory_space<vmem>>, vector<1x16xi32>,
      %get3A_199 = vector.shape_cast %get3A_198 : vector<1x16xi32> to vector<16xi32>
      %max3A_200 = arith.maxsi %select_n3A, %get3A_199 : vector<16xi32>
      %get3A_201 = arith.constant 1 : i64
      %get3A_202 = arith.index_cast %get3A_201 : i64 to index
      %get3A_203 = arith.constant 0 : index
      %get3A_204 = tpu.vector_load %arg10[%get3A_202, %get3A_203] {strides = array<i32>} : memref<8x128xi32, #tpu.memory_space<vmem>>, vector<1x16xi32>,
      %get3A_205 = vector.shape_cast %get3A_204 : vector<1x16xi32> to vector<16xi32>
      %max3A_206 = arith.maxsi %max3A_200, %get3A_205 : vector<16xi32>
      %get3A_207 = arith.constant 1 : i64
      %get3A_208 = arith.index_cast %get3A_207 : i64 to index
      %get3A_209 = arith.constant 16 : index
      %get3A_210 = tpu.vector_load %arg8[%get3A_208, %get3A_209] {strides = array<i32>} : memref<8x128xi32, #tpu.memory_space<vmem>>, vector<1x16xi32>,
      %get3A_211 = vector.shape_cast %get3A_210 : vector<1x16xi32> to vector<16xi32>
      %max3A_212 = arith.maxsi %max3A_206, %get3A_211 : vector<16xi32>
      %get3A_213 = arith.constant 1 : i64
      %get3A_214 = arith.index_cast %get3A_213 : i64 to index
      %get3A_215 = arith.constant 16 : index
      %get3A_216 = tpu.vector_load %arg10[%get3A_214, %get3A_215] {strides = array<i32>} : memref<8x128xi32, #tpu.memory_space<vmem>>, vector<1x16xi32>,
      %get3A_217 = vector.shape_cast %get3A_216 : vector<1x16xi32> to vector<16xi32>
      %max3A_218 = arith.maxsi %max3A_212, %get3A_217 : vector<16xi32>
      %get3A_219 = arith.constant 1 : i64
      %get3A_220 = arith.index_cast %get3A_219 : i64 to index
      %get3A_221 = arith.constant 32 : index
      %get3A_222 = tpu.vector_load %arg8[%get3A_220, %get3A_221] {strides = array<i32>} : memref<8x128xi32, #tpu.memory_space<vmem>>, vector<1x16xi32>,
      %get3A_223 = vector.shape_cast %get3A_222 : vector<1x16xi32> to vector<16xi32>
      %max3A_224 = arith.maxsi %max3A_218, %get3A_223 : vector<16xi32>
      %get3A_225 = arith.constant 1 : i64
      %get3A_226 = arith.index_cast %get3A_225 : i64 to index
      %get3A_227 = arith.constant 32 : index
      %get3A_228 = tpu.vector_load %arg10[%get3A_226, %get3A_227] {strides = array<i32>} : memref<8x128xi32, #tpu.memory_space<vmem>>, vector<1x16xi32>,
      %get3A_229 = vector.shape_cast %get3A_228 : vector<1x16xi32> to vector<16xi32>
      %max3A_230 = arith.maxsi %max3A_224, %get3A_229 : vector<16xi32>
      %get3A_231 = arith.constant 1 : i64
      %get3A_232 = arith.index_cast %get3A_231 : i64 to index
      %get3A_233 = arith.constant 48 : index
      %get3A_234 = tpu.vector_load %arg8[%get3A_232, %get3A_233] {strides = array<i32>} : memref<8x128xi32, #tpu.memory_space<vmem>>, vector<1x16xi32>,
      %get3A_235 = vector.shape_cast %get3A_234 : vector<1x16xi32> to vector<16xi32>
      %max3A_236 = arith.maxsi %max3A_230, %get3A_235 : vector<16xi32>
      %get3A_237 = arith.constant 1 : i64
      %get3A_238 = arith.index_cast %get3A_237 : i64 to index
      %get3A_239 = arith.constant 48 : index
      %get3A_240 = tpu.vector_load %arg10[%get3A_238, %get3A_239] {strides = array<i32>} : memref<8x128xi32, #tpu.memory_space<vmem>>, vector<1x16xi32>,
      %get3A_241 = vector.shape_cast %get3A_240 : vector<1x16xi32> to vector<16xi32>
      %max3A_242 = arith.maxsi %max3A_236, %get3A_241 : vector<16xi32>
      %get3A_243 = arith.constant 1 : i64
      %get3A_244 = arith.index_cast %get3A_243 : i64 to index
      %get3A_245 = arith.constant 64 : index
      %get3A_246 = tpu.vector_load %arg8[%get3A_244, %get3A_245] {strides = array<i32>} : memref<8x128xi32, #tpu.memory_space<vmem>>, vector<1x16xi32>,
      %get3A_247 = vector.shape_cast %get3A_246 : vector<1x16xi32> to vector<16xi32>
      %max3A_248 = arith.maxsi %max3A_242, %get3A_247 : vector<16xi32>
      %get3A_249 = arith.constant 1 : i64
      %get3A_250 = arith.index_cast %get3A_249 : i64 to index
      %get3A_251 = arith.constant 64 : index
      %get3A_252 = tpu.vector_load %arg10[%get3A_250, %get3A_251] {strides = array<i32>} : memref<8x128xi32, #tpu.memory_space<vmem>>, vector<1x16xi32>,
      %get3A_253 = vector.shape_cast %get3A_252 : vector<1x16xi32> to vector<16xi32>
      %max3A_254 = arith.maxsi %max3A_248, %get3A_253 : vector<16xi32>
      %get3A_255 = arith.constant 1 : i64
      %get3A_256 = arith.index_cast %get3A_255 : i64 to index
      %get3A_257 = arith.constant 80 : index
      %get3A_258 = tpu.vector_load %arg8[%get3A_256, %get3A_257] {strides = array<i32>} : memref<8x128xi32, #tpu.memory_space<vmem>>, vector<1x16xi32>,
      %get3A_259 = vector.shape_cast %get3A_258 : vector<1x16xi32> to vector<16xi32>
      %max3A_260 = arith.maxsi %max3A_254, %get3A_259 : vector<16xi32>
      %get3A_261 = arith.constant 1 : i64
      %get3A_262 = arith.index_cast %get3A_261 : i64 to index
      %get3A_263 = arith.constant 80 : index
      %get3A_264 = tpu.vector_load %arg10[%get3A_262, %get3A_263] {strides = array<i32>} : memref<8x128xi32, #tpu.memory_space<vmem>>, vector<1x16xi32>,
      %get3A_265 = vector.shape_cast %get3A_264 : vector<1x16xi32> to vector<16xi32>
      %max3A_266 = arith.maxsi %max3A_260, %get3A_265 : vector<16xi32>
      %get3A_267 = arith.constant 1 : i64
      %get3A_268 = arith.index_cast %get3A_267 : i64 to index
      %get3A_269 = arith.constant 96 : index
      %get3A_270 = tpu.vector_load %arg8[%get3A_268, %get3A_269] {strides = array<i32>} : memref<8x128xi32, #tpu.memory_space<vmem>>, vector<1x16xi32>,
      %get3A_271 = vector.shape_cast %get3A_270 : vector<1x16xi32> to vector<16xi32>
      %max3A_272 = arith.maxsi %max3A_266, %get3A_271 : vector<16xi32>
      %get3A_273 = arith.constant 1 : i64
      %get3A_274 = arith.index_cast %get3A_273 : i64 to index
      %get3A_275 = arith.constant 96 : index
      %get3A_276 = tpu.vector_load %arg10[%get3A_274, %get3A_275] {strides = array<i32>} : memref<8x128xi32, #tpu.memory_space<vmem>>, vector<1x16xi32>,
      %get3A_277 = vector.shape_cast %get3A_276 : vector<1x16xi32> to vector<16xi32>
      %max3A_278 = arith.maxsi %max3A_272, %get3A_277 : vector<16xi32>
      %get3A_279 = arith.constant 1 : i64
      %get3A_280 = arith.index_cast %get3A_279 : i64 to index
      %get3A_281 = arith.constant 112 : index
      %get3A_282 = tpu.vector_load %arg8[%get3A_280, %get3A_281] {strides = array<i32>} : memref<8x128xi32, #tpu.memory_space<vmem>>, vector<1x16xi32>,
      %get3A_283 = vector.shape_cast %get3A_282 : vector<1x16xi32> to vector<16xi32>
      %max3A_284 = arith.maxsi %max3A_278, %get3A_283 : vector<16xi32>
      %get3A_285 = arith.constant 1 : i64
      %get3A_286 = arith.index_cast %get3A_285 : i64 to index
      %get3A_287 = arith.constant 112 : index
      %get3A_288 = tpu.vector_load %arg10[%get3A_286, %get3A_287] {strides = array<i32>} : memref<8x128xi32, #tpu.memory_space<vmem>>, vector<1x16xi32>,
      %get3A_289 = vector.shape_cast %get3A_288 : vector<1x16xi32> to vector<16xi32>
      %max3A_290 = arith.maxsi %max3A_284, %get3A_289 : vector<16xi32>
      %select_n3A_291 = arith.select %lt3A_194, %max3A_290, %select_n3A : vector<16xi32>
      %add3A_292 = arith.constant 2 : i32
      %add3A_293 = arith.addi %multiple_of3A_79, %add3A_292 : i32
      %lt3A_294 = arith.constant 2500 : i32
      %lt3A_295 = arith.cmpi slt, %add3A_293, %lt3A_294 : i32
      %get3A_296 = arith.constant 2 : i64
      %get3A_297 = arith.index_cast %get3A_296 : i64 to index
      %get3A_298 = arith.constant 0 : index
      %get3A_299 = tpu.vector_load %arg8[%get3A_297, %get3A_298] {strides = array<i32>} : memref<8x128xi32, #tpu.memory_space<vmem>>, vector<1x16xi32>,
      %get3A_300 = vector.shape_cast %get3A_299 : vector<1x16xi32> to vector<16xi32>
      %max3A_301 = arith.maxsi %select_n3A_291, %get3A_300 : vector<16xi32>
      %get3A_302 = arith.constant 2 : i64
      %get3A_303 = arith.index_cast %get3A_302 : i64 to index
      %get3A_304 = arith.constant 0 : index
      %get3A_305 = tpu.vector_load %arg10[%get3A_303, %get3A_304] {strides = array<i32>} : memref<8x128xi32, #tpu.memory_space<vmem>>, vector<1x16xi32>,
      %get3A_306 = vector.shape_cast %get3A_305 : vector<1x16xi32> to vector<16xi32>
      %max3A_307 = arith.maxsi %max3A_301, %get3A_306 : vector<16xi32>
      %get3A_308 = arith.constant 2 : i64
      %get3A_309 = arith.index_cast %get3A_308 : i64 to index
      %get3A_310 = arith.constant 16 : index
      %get3A_311 = tpu.vector_load %arg8[%get3A_309, %get3A_310] {strides = array<i32>} : memref<8x128xi32, #tpu.memory_space<vmem>>, vector<1x16xi32>,
      %get3A_312 = vector.shape_cast %get3A_311 : vector<1x16xi32> to vector<16xi32>
      %max3A_313 = arith.maxsi %max3A_307, %get3A_312 : vector<16xi32>
      %get3A_314 = arith.constant 2 : i64
      %get3A_315 = arith.index_cast %get3A_314 : i64 to index
      %get3A_316 = arith.constant 16 : index
      %get3A_317 = tpu.vector_load %arg10[%get3A_315, %get3A_316] {strides = array<i32>} : memref<8x128xi32, #tpu.memory_space<vmem>>, vector<1x16xi32>,
      %get3A_318 = vector.shape_cast %get3A_317 : vector<1x16xi32> to vector<16xi32>
      %max3A_319 = arith.maxsi %max3A_313, %get3A_318 : vector<16xi32>
      %get3A_320 = arith.constant 2 : i64
      %get3A_321 = arith.index_cast %get3A_320 : i64 to index
      %get3A_322 = arith.constant 32 : index
      %get3A_323 = tpu.vector_load %arg8[%get3A_321, %get3A_322] {strides = array<i32>} : memref<8x128xi32, #tpu.memory_space<vmem>>, vector<1x16xi32>,
      %get3A_324 = vector.shape_cast %get3A_323 : vector<1x16xi32> to vector<16xi32>
      %max3A_325 = arith.maxsi %max3A_319, %get3A_324 : vector<16xi32>
      %get3A_326 = arith.constant 2 : i64
      %get3A_327 = arith.index_cast %get3A_326 : i64 to index
      %get3A_328 = arith.constant 32 : index
      %get3A_329 = tpu.vector_load %arg10[%get3A_327, %get3A_328] {strides = array<i32>} : memref<8x128xi32, #tpu.memory_space<vmem>>, vector<1x16xi32>,
      %get3A_330 = vector.shape_cast %get3A_329 : vector<1x16xi32> to vector<16xi32>
      %max3A_331 = arith.maxsi %max3A_325, %get3A_330 : vector<16xi32>
      %get3A_332 = arith.constant 2 : i64
      %get3A_333 = arith.index_cast %get3A_332 : i64 to index
      %get3A_334 = arith.constant 48 : index
      %get3A_335 = tpu.vector_load %arg8[%get3A_333, %get3A_334] {strides = array<i32>} : memref<8x128xi32, #tpu.memory_space<vmem>>, vector<1x16xi32>,
      %get3A_336 = vector.shape_cast %get3A_335 : vector<1x16xi32> to vector<16xi32>
      %max3A_337 = arith.maxsi %max3A_331, %get3A_336 : vector<16xi32>
      %get3A_338 = arith.constant 2 : i64
      %get3A_339 = arith.index_cast %get3A_338 : i64 to index
      %get3A_340 = arith.constant 48 : index
      %get3A_341 = tpu.vector_load %arg10[%get3A_339, %get3A_340] {strides = array<i32>} : memref<8x128xi32, #tpu.memory_space<vmem>>, vector<1x16xi32>,
      %get3A_342 = vector.shape_cast %get3A_341 : vector<1x16xi32> to vector<16xi32>
      %max3A_343 = arith.maxsi %max3A_337, %get3A_342 : vector<16xi32>
      %get3A_344 = arith.constant 2 : i64
      %get3A_345 = arith.index_cast %get3A_344 : i64 to index
      %get3A_346 = arith.constant 64 : index
      %get3A_347 = tpu.vector_load %arg8[%get3A_345, %get3A_346] {strides = array<i32>} : memref<8x128xi32, #tpu.memory_space<vmem>>, vector<1x16xi32>,
      %get3A_348 = vector.shape_cast %get3A_347 : vector<1x16xi32> to vector<16xi32>
      %max3A_349 = arith.maxsi %max3A_343, %get3A_348 : vector<16xi32>
      %get3A_350 = arith.constant 2 : i64
      %get3A_351 = arith.index_cast %get3A_350 : i64 to index
      %get3A_352 = arith.constant 64 : index
      %get3A_353 = tpu.vector_load %arg10[%get3A_351, %get3A_352] {strides = array<i32>} : memref<8x128xi32, #tpu.memory_space<vmem>>, vector<1x16xi32>,
      %get3A_354 = vector.shape_cast %get3A_353 : vector<1x16xi32> to vector<16xi32>
      %max3A_355 = arith.maxsi %max3A_349, %get3A_354 : vector<16xi32>
      %get3A_356 = arith.constant 2 : i64
      %get3A_357 = arith.index_cast %get3A_356 : i64 to index
      %get3A_358 = arith.constant 80 : index
      %get3A_359 = tpu.vector_load %arg8[%get3A_357, %get3A_358] {strides = array<i32>} : memref<8x128xi32, #tpu.memory_space<vmem>>, vector<1x16xi32>,
      %get3A_360 = vector.shape_cast %get3A_359 : vector<1x16xi32> to vector<16xi32>
      %max3A_361 = arith.maxsi %max3A_355, %get3A_360 : vector<16xi32>
      %get3A_362 = arith.constant 2 : i64
      %get3A_363 = arith.index_cast %get3A_362 : i64 to index
      %get3A_364 = arith.constant 80 : index
      %get3A_365 = tpu.vector_load %arg10[%get3A_363, %get3A_364] {strides = array<i32>} : memref<8x128xi32, #tpu.memory_space<vmem>>, vector<1x16xi32>,
      %get3A_366 = vector.shape_cast %get3A_365 : vector<1x16xi32> to vector<16xi32>
      %max3A_367 = arith.maxsi %max3A_361, %get3A_366 : vector<16xi32>
      %get3A_368 = arith.constant 2 : i64
      %get3A_369 = arith.index_cast %get3A_368 : i64 to index
      %get3A_370 = arith.constant 96 : index
      %get3A_371 = tpu.vector_load %arg8[%get3A_369, %get3A_370] {strides = array<i32>} : memref<8x128xi32, #tpu.memory_space<vmem>>, vector<1x16xi32>,
      %get3A_372 = vector.shape_cast %get3A_371 : vector<1x16xi32> to vector<16xi32>
      %max3A_373 = arith.maxsi %max3A_367, %get3A_372 : vector<16xi32>
      %get3A_374 = arith.constant 2 : i64
      %get3A_375 = arith.index_cast %get3A_374 : i64 to index
      %get3A_376 = arith.constant 96 : index
      %get3A_377 = tpu.vector_load %arg10[%get3A_375, %get3A_376] {strides = array<i32>} : memref<8x128xi32, #tpu.memory_space<vmem>>, vector<1x16xi32>,
      %get3A_378 = vector.shape_cast %get3A_377 : vector<1x16xi32> to vector<16xi32>
      %max3A_379 = arith.maxsi %max3A_373, %get3A_378 : vector<16xi32>
      %get3A_380 = arith.constant 2 : i64
      %get3A_381 = arith.index_cast %get3A_380 : i64 to index
      %get3A_382 = arith.constant 112 : index
      %get3A_383 = tpu.vector_load %arg8[%get3A_381, %get3A_382] {strides = array<i32>} : memref<8x128xi32, #tpu.memory_space<vmem>>, vector<1x16xi32>,
      %get3A_384 = vector.shape_cast %get3A_383 : vector<1x16xi32> to vector<16xi32>
      %max3A_385 = arith.maxsi %max3A_379, %get3A_384 : vector<16xi32>
      %get3A_386 = arith.constant 2 : i64
      %get3A_387 = arith.index_cast %get3A_386 : i64 to index
      %get3A_388 = arith.constant 112 : index
      %get3A_389 = tpu.vector_load %arg10[%get3A_387, %get3A_388] {strides = array<i32>} : memref<8x128xi32, #tpu.memory_space<vmem>>, vector<1x16xi32>,
      %get3A_390 = vector.shape_cast %get3A_389 : vector<1x16xi32> to vector<16xi32>
      %max3A_391 = arith.maxsi %max3A_385, %get3A_390 : vector<16xi32>
      %select_n3A_392 = arith.select %lt3A_295, %max3A_391, %select_n3A_291 : vector<16xi32>
      %add3A_393 = arith.constant 3 : i32
      %add3A_394 = arith.addi %multiple_of3A_79, %add3A_393 : i32
      %lt3A_395 = arith.constant 2500 : i32
      %lt3A_396 = arith.cmpi slt, %add3A_394, %lt3A_395 : i32
      %get3A_397 = arith.constant 3 : i64
      %get3A_398 = arith.index_cast %get3A_397 : i64 to index
      %get3A_399 = arith.constant 0 : index
      %get3A_400 = tpu.vector_load %arg8[%get3A_398, %get3A_399] {strides = array<i32>} : memref<8x128xi32, #tpu.memory_space<vmem>>, vector<1x16xi32>,
      %get3A_401 = vector.shape_cast %get3A_400 : vector<1x16xi32> to vector<16xi32>
      %max3A_402 = arith.maxsi %select_n3A_392, %get3A_401 : vector<16xi32>
      %get3A_403 = arith.constant 3 : i64
      %get3A_404 = arith.index_cast %get3A_403 : i64 to index
      %get3A_405 = arith.constant 0 : index
      %get3A_406 = tpu.vector_load %arg10[%get3A_404, %get3A_405] {strides = array<i32>} : memref<8x128xi32, #tpu.memory_space<vmem>>, vector<1x16xi32>,
      %get3A_407 = vector.shape_cast %get3A_406 : vector<1x16xi32> to vector<16xi32>
      %max3A_408 = arith.maxsi %max3A_402, %get3A_407 : vector<16xi32>
      %get3A_409 = arith.constant 3 : i64
      %get3A_410 = arith.index_cast %get3A_409 : i64 to index
      %get3A_411 = arith.constant 16 : index
      %get3A_412 = tpu.vector_load %arg8[%get3A_410, %get3A_411] {strides = array<i32>} : memref<8x128xi32, #tpu.memory_space<vmem>>, vector<1x16xi32>,
      %get3A_413 = vector.shape_cast %get3A_412 : vector<1x16xi32> to vector<16xi32>
      %max3A_414 = arith.maxsi %max3A_408, %get3A_413 : vector<16xi32>
      %get3A_415 = arith.constant 3 : i64
      %get3A_416 = arith.index_cast %get3A_415 : i64 to index
      %get3A_417 = arith.constant 16 : index
      %get3A_418 = tpu.vector_load %arg10[%get3A_416, %get3A_417] {strides = array<i32>} : memref<8x128xi32, #tpu.memory_space<vmem>>, vector<1x16xi32>,
      %get3A_419 = vector.shape_cast %get3A_418 : vector<1x16xi32> to vector<16xi32>
      %max3A_420 = arith.maxsi %max3A_414, %get3A_419 : vector<16xi32>
      %get3A_421 = arith.constant 3 : i64
      %get3A_422 = arith.index_cast %get3A_421 : i64 to index
      %get3A_423 = arith.constant 32 : index
      %get3A_424 = tpu.vector_load %arg8[%get3A_422, %get3A_423] {strides = array<i32>} : memref<8x128xi32, #tpu.memory_space<vmem>>, vector<1x16xi32>,
      %get3A_425 = vector.shape_cast %get3A_424 : vector<1x16xi32> to vector<16xi32>
      %max3A_426 = arith.maxsi %max3A_420, %get3A_425 : vector<16xi32>
      %get3A_427 = arith.constant 3 : i64
      %get3A_428 = arith.index_cast %get3A_427 : i64 to index
      %get3A_429 = arith.constant 32 : index
      %get3A_430 = tpu.vector_load %arg10[%get3A_428, %get3A_429] {strides = array<i32>} : memref<8x128xi32, #tpu.memory_space<vmem>>, vector<1x16xi32>,
      %get3A_431 = vector.shape_cast %get3A_430 : vector<1x16xi32> to vector<16xi32>
      %max3A_432 = arith.maxsi %max3A_426, %get3A_431 : vector<16xi32>
      %get3A_433 = arith.constant 3 : i64
      %get3A_434 = arith.index_cast %get3A_433 : i64 to index
      %get3A_435 = arith.constant 48 : index
      %get3A_436 = tpu.vector_load %arg8[%get3A_434, %get3A_435] {strides = array<i32>} : memref<8x128xi32, #tpu.memory_space<vmem>>, vector<1x16xi32>,
      %get3A_437 = vector.shape_cast %get3A_436 : vector<1x16xi32> to vector<16xi32>
      %max3A_438 = arith.maxsi %max3A_432, %get3A_437 : vector<16xi32>
      %get3A_439 = arith.constant 3 : i64
      %get3A_440 = arith.index_cast %get3A_439 : i64 to index
      %get3A_441 = arith.constant 48 : index
      %get3A_442 = tpu.vector_load %arg10[%get3A_440, %get3A_441] {strides = array<i32>} : memref<8x128xi32, #tpu.memory_space<vmem>>, vector<1x16xi32>,
      %get3A_443 = vector.shape_cast %get3A_442 : vector<1x16xi32> to vector<16xi32>
      %max3A_444 = arith.maxsi %max3A_438, %get3A_443 : vector<16xi32>
      %get3A_445 = arith.constant 3 : i64
      %get3A_446 = arith.index_cast %get3A_445 : i64 to index
      %get3A_447 = arith.constant 64 : index
      %get3A_448 = tpu.vector_load %arg8[%get3A_446, %get3A_447] {strides = array<i32>} : memref<8x128xi32, #tpu.memory_space<vmem>>, vector<1x16xi32>,
      %get3A_449 = vector.shape_cast %get3A_448 : vector<1x16xi32> to vector<16xi32>
      %max3A_450 = arith.maxsi %max3A_444, %get3A_449 : vector<16xi32>
      %get3A_451 = arith.constant 3 : i64
      %get3A_452 = arith.index_cast %get3A_451 : i64 to index
      %get3A_453 = arith.constant 64 : index
      %get3A_454 = tpu.vector_load %arg10[%get3A_452, %get3A_453] {strides = array<i32>} : memref<8x128xi32, #tpu.memory_space<vmem>>, vector<1x16xi32>,
      %get3A_455 = vector.shape_cast %get3A_454 : vector<1x16xi32> to vector<16xi32>
      %max3A_456 = arith.maxsi %max3A_450, %get3A_455 : vector<16xi32>
      %get3A_457 = arith.constant 3 : i64
      %get3A_458 = arith.index_cast %get3A_457 : i64 to index
      %get3A_459 = arith.constant 80 : index
      %get3A_460 = tpu.vector_load %arg8[%get3A_458, %get3A_459] {strides = array<i32>} : memref<8x128xi32, #tpu.memory_space<vmem>>, vector<1x16xi32>,
      %get3A_461 = vector.shape_cast %get3A_460 : vector<1x16xi32> to vector<16xi32>
      %max3A_462 = arith.maxsi %max3A_456, %get3A_461 : vector<16xi32>
      %get3A_463 = arith.constant 3 : i64
      %get3A_464 = arith.index_cast %get3A_463 : i64 to index
      %get3A_465 = arith.constant 80 : index
      %get3A_466 = tpu.vector_load %arg10[%get3A_464, %get3A_465] {strides = array<i32>} : memref<8x128xi32, #tpu.memory_space<vmem>>, vector<1x16xi32>,
      %get3A_467 = vector.shape_cast %get3A_466 : vector<1x16xi32> to vector<16xi32>
      %max3A_468 = arith.maxsi %max3A_462, %get3A_467 : vector<16xi32>
      %get3A_469 = arith.constant 3 : i64
      %get3A_470 = arith.index_cast %get3A_469 : i64 to index
      %get3A_471 = arith.constant 96 : index
      %get3A_472 = tpu.vector_load %arg8[%get3A_470, %get3A_471] {strides = array<i32>} : memref<8x128xi32, #tpu.memory_space<vmem>>, vector<1x16xi32>,
      %get3A_473 = vector.shape_cast %get3A_472 : vector<1x16xi32> to vector<16xi32>
      %max3A_474 = arith.maxsi %max3A_468, %get3A_473 : vector<16xi32>
      %get3A_475 = arith.constant 3 : i64
      %get3A_476 = arith.index_cast %get3A_475 : i64 to index
      %get3A_477 = arith.constant 96 : index
      %get3A_478 = tpu.vector_load %arg10[%get3A_476, %get3A_477] {strides = array<i32>} : memref<8x128xi32, #tpu.memory_space<vmem>>, vector<1x16xi32>,
      %get3A_479 = vector.shape_cast %get3A_478 : vector<1x16xi32> to vector<16xi32>
      %max3A_480 = arith.maxsi %max3A_474, %get3A_479 : vector<16xi32>
      %get3A_481 = arith.constant 3 : i64
      %get3A_482 = arith.index_cast %get3A_481 : i64 to index
      %get3A_483 = arith.constant 112 : index
      %get3A_484 = tpu.vector_load %arg8[%get3A_482, %get3A_483] {strides = array<i32>} : memref<8x128xi32, #tpu.memory_space<vmem>>, vector<1x16xi32>,
      %get3A_485 = vector.shape_cast %get3A_484 : vector<1x16xi32> to vector<16xi32>
      %max3A_486 = arith.maxsi %max3A_480, %get3A_485 : vector<16xi32>
      %get3A_487 = arith.constant 3 : i64
      %get3A_488 = arith.index_cast %get3A_487 : i64 to index
      %get3A_489 = arith.constant 112 : index
      %get3A_490 = tpu.vector_load %arg10[%get3A_488, %get3A_489] {strides = array<i32>} : memref<8x128xi32, #tpu.memory_space<vmem>>, vector<1x16xi32>,
      %get3A_491 = vector.shape_cast %get3A_490 : vector<1x16xi32> to vector<16xi32>
      %max3A_492 = arith.maxsi %max3A_486, %get3A_491 : vector<16xi32>
      %select_n3A_493 = arith.select %lt3A_396, %max3A_492, %select_n3A_392 : vector<16xi32>
      %add3A_494 = arith.constant 4 : i32
      %add3A_495 = arith.addi %multiple_of3A_79, %add3A_494 : i32
      %lt3A_496 = arith.constant 2500 : i32
      %lt3A_497 = arith.cmpi slt, %add3A_495, %lt3A_496 : i32
      %get3A_498 = arith.constant 4 : i64
      %get3A_499 = arith.index_cast %get3A_498 : i64 to index
      %get3A_500 = arith.constant 0 : index
      %get3A_501 = tpu.vector_load %arg8[%get3A_499, %get3A_500] {strides = array<i32>} : memref<8x128xi32, #tpu.memory_space<vmem>>, vector<1x16xi32>,
      %get3A_502 = vector.shape_cast %get3A_501 : vector<1x16xi32> to vector<16xi32>
      %max3A_503 = arith.maxsi %select_n3A_493, %get3A_502 : vector<16xi32>
      %get3A_504 = arith.constant 4 : i64
      %get3A_505 = arith.index_cast %get3A_504 : i64 to index
      %get3A_506 = arith.constant 0 : index
      %get3A_507 = tpu.vector_load %arg10[%get3A_505, %get3A_506] {strides = array<i32>} : memref<8x128xi32, #tpu.memory_space<vmem>>, vector<1x16xi32>,
      %get3A_508 = vector.shape_cast %get3A_507 : vector<1x16xi32> to vector<16xi32>
      %max3A_509 = arith.maxsi %max3A_503, %get3A_508 : vector<16xi32>
      %get3A_510 = arith.constant 4 : i64
      %get3A_511 = arith.index_cast %get3A_510 : i64 to index
      %get3A_512 = arith.constant 16 : index
      %get3A_513 = tpu.vector_load %arg8[%get3A_511, %get3A_512] {strides = array<i32>} : memref<8x128xi32, #tpu.memory_space<vmem>>, vector<1x16xi32>,
      %get3A_514 = vector.shape_cast %get3A_513 : vector<1x16xi32> to vector<16xi32>
      %max3A_515 = arith.maxsi %max3A_509, %get3A_514 : vector<16xi32>
      %get3A_516 = arith.constant 4 : i64
      %get3A_517 = arith.index_cast %get3A_516 : i64 to index
      %get3A_518 = arith.constant 16 : index
      %get3A_519 = tpu.vector_load %arg10[%get3A_517, %get3A_518] {strides = array<i32>} : memref<8x128xi32, #tpu.memory_space<vmem>>, vector<1x16xi32>,
      %get3A_520 = vector.shape_cast %get3A_519 : vector<1x16xi32> to vector<16xi32>
      %max3A_521 = arith.maxsi %max3A_515, %get3A_520 : vector<16xi32>
      %get3A_522 = arith.constant 4 : i64
      %get3A_523 = arith.index_cast %get3A_522 : i64 to index
      %get3A_524 = arith.constant 32 : index
      %get3A_525 = tpu.vector_load %arg8[%get3A_523, %get3A_524] {strides = array<i32>} : memref<8x128xi32, #tpu.memory_space<vmem>>, vector<1x16xi32>,
      %get3A_526 = vector.shape_cast %get3A_525 : vector<1x16xi32> to vector<16xi32>
      %max3A_527 = arith.maxsi %max3A_521, %get3A_526 : vector<16xi32>
      %get3A_528 = arith.constant 4 : i64
      %get3A_529 = arith.index_cast %get3A_528 : i64 to index
      %get3A_530 = arith.constant 32 : index
      %get3A_531 = tpu.vector_load %arg10[%get3A_529, %get3A_530] {strides = array<i32>} : memref<8x128xi32, #tpu.memory_space<vmem>>, vector<1x16xi32>,
      %get3A_532 = vector.shape_cast %get3A_531 : vector<1x16xi32> to vector<16xi32>
      %max3A_533 = arith.maxsi %max3A_527, %get3A_532 : vector<16xi32>
      %get3A_534 = arith.constant 4 : i64
      %get3A_535 = arith.index_cast %get3A_534 : i64 to index
      %get3A_536 = arith.constant 48 : index
      %get3A_537 = tpu.vector_load %arg8[%get3A_535, %get3A_536] {strides = array<i32>} : memref<8x128xi32, #tpu.memory_space<vmem>>, vector<1x16xi32>,
      %get3A_538 = vector.shape_cast %get3A_537 : vector<1x16xi32> to vector<16xi32>
      %max3A_539 = arith.maxsi %max3A_533, %get3A_538 : vector<16xi32>
      %get3A_540 = arith.constant 4 : i64
      %get3A_541 = arith.index_cast %get3A_540 : i64 to index
      %get3A_542 = arith.constant 48 : index
      %get3A_543 = tpu.vector_load %arg10[%get3A_541, %get3A_542] {strides = array<i32>} : memref<8x128xi32, #tpu.memory_space<vmem>>, vector<1x16xi32>,
      %get3A_544 = vector.shape_cast %get3A_543 : vector<1x16xi32> to vector<16xi32>
      %max3A_545 = arith.maxsi %max3A_539, %get3A_544 : vector<16xi32>
      %get3A_546 = arith.constant 4 : i64
      %get3A_547 = arith.index_cast %get3A_546 : i64 to index
      %get3A_548 = arith.constant 64 : index
      %get3A_549 = tpu.vector_load %arg8[%get3A_547, %get3A_548] {strides = array<i32>} : memref<8x128xi32, #tpu.memory_space<vmem>>, vector<1x16xi32>,
      %get3A_550 = vector.shape_cast %get3A_549 : vector<1x16xi32> to vector<16xi32>
      %max3A_551 = arith.maxsi %max3A_545, %get3A_550 : vector<16xi32>
      %get3A_552 = arith.constant 4 : i64
      %get3A_553 = arith.index_cast %get3A_552 : i64 to index
      %get3A_554 = arith.constant 64 : index
      %get3A_555 = tpu.vector_load %arg10[%get3A_553, %get3A_554] {strides = array<i32>} : memref<8x128xi32, #tpu.memory_space<vmem>>, vector<1x16xi32>,
      %get3A_556 = vector.shape_cast %get3A_555 : vector<1x16xi32> to vector<16xi32>
      %max3A_557 = arith.maxsi %max3A_551, %get3A_556 : vector<16xi32>
      %get3A_558 = arith.constant 4 : i64
      %get3A_559 = arith.index_cast %get3A_558 : i64 to index
      %get3A_560 = arith.constant 80 : index
      %get3A_561 = tpu.vector_load %arg8[%get3A_559, %get3A_560] {strides = array<i32>} : memref<8x128xi32, #tpu.memory_space<vmem>>, vector<1x16xi32>,
      %get3A_562 = vector.shape_cast %get3A_561 : vector<1x16xi32> to vector<16xi32>
      %max3A_563 = arith.maxsi %max3A_557, %get3A_562 : vector<16xi32>
      %get3A_564 = arith.constant 4 : i64
      %get3A_565 = arith.index_cast %get3A_564 : i64 to index
      %get3A_566 = arith.constant 80 : index
      %get3A_567 = tpu.vector_load %arg10[%get3A_565, %get3A_566] {strides = array<i32>} : memref<8x128xi32, #tpu.memory_space<vmem>>, vector<1x16xi32>,
      %get3A_568 = vector.shape_cast %get3A_567 : vector<1x16xi32> to vector<16xi32>
      %max3A_569 = arith.maxsi %max3A_563, %get3A_568 : vector<16xi32>
      %get3A_570 = arith.constant 4 : i64
      %get3A_571 = arith.index_cast %get3A_570 : i64 to index
      %get3A_572 = arith.constant 96 : index
      %get3A_573 = tpu.vector_load %arg8[%get3A_571, %get3A_572] {strides = array<i32>} : memref<8x128xi32, #tpu.memory_space<vmem>>, vector<1x16xi32>,
      %get3A_574 = vector.shape_cast %get3A_573 : vector<1x16xi32> to vector<16xi32>
      %max3A_575 = arith.maxsi %max3A_569, %get3A_574 : vector<16xi32>
      %get3A_576 = arith.constant 4 : i64
      %get3A_577 = arith.index_cast %get3A_576 : i64 to index
      %get3A_578 = arith.constant 96 : index
      %get3A_579 = tpu.vector_load %arg10[%get3A_577, %get3A_578] {strides = array<i32>} : memref<8x128xi32, #tpu.memory_space<vmem>>, vector<1x16xi32>,
      %get3A_580 = vector.shape_cast %get3A_579 : vector<1x16xi32> to vector<16xi32>
      %max3A_581 = arith.maxsi %max3A_575, %get3A_580 : vector<16xi32>
      %get3A_582 = arith.constant 4 : i64
      %get3A_583 = arith.index_cast %get3A_582 : i64 to index
      %get3A_584 = arith.constant 112 : index
      %get3A_585 = tpu.vector_load %arg8[%get3A_583, %get3A_584] {strides = array<i32>} : memref<8x128xi32, #tpu.memory_space<vmem>>, vector<1x16xi32>,
      %get3A_586 = vector.shape_cast %get3A_585 : vector<1x16xi32> to vector<16xi32>
      %max3A_587 = arith.maxsi %max3A_581, %get3A_586 : vector<16xi32>
      %get3A_588 = arith.constant 4 : i64
      %get3A_589 = arith.index_cast %get3A_588 : i64 to index
      %get3A_590 = arith.constant 112 : index
      %get3A_591 = tpu.vector_load %arg10[%get3A_589, %get3A_590] {strides = array<i32>} : memref<8x128xi32, #tpu.memory_space<vmem>>, vector<1x16xi32>,
      %get3A_592 = vector.shape_cast %get3A_591 : vector<1x16xi32> to vector<16xi32>
      %max3A_593 = arith.maxsi %max3A_587, %get3A_592 : vector<16xi32>
      %select_n3A_594 = arith.select %lt3A_497, %max3A_593, %select_n3A_493 : vector<16xi32>
      %add3A_595 = arith.constant 5 : i32
      %add3A_596 = arith.addi %multiple_of3A_79, %add3A_595 : i32
      %lt3A_597 = arith.constant 2500 : i32
      %lt3A_598 = arith.cmpi slt, %add3A_596, %lt3A_597 : i32
      %get3A_599 = arith.constant 5 : i64
      %get3A_600 = arith.index_cast %get3A_599 : i64 to index
      %get3A_601 = arith.constant 0 : index
      %get3A_602 = tpu.vector_load %arg8[%get3A_600, %get3A_601] {strides = array<i32>} : memref<8x128xi32, #tpu.memory_space<vmem>>, vector<1x16xi32>,
      %get3A_603 = vector.shape_cast %get3A_602 : vector<1x16xi32> to vector<16xi32>
      %max3A_604 = arith.maxsi %select_n3A_594, %get3A_603 : vector<16xi32>
      %get3A_605 = arith.constant 5 : i64
      %get3A_606 = arith.index_cast %get3A_605 : i64 to index
      %get3A_607 = arith.constant 0 : index
      %get3A_608 = tpu.vector_load %arg10[%get3A_606, %get3A_607] {strides = array<i32>} : memref<8x128xi32, #tpu.memory_space<vmem>>, vector<1x16xi32>,
      %get3A_609 = vector.shape_cast %get3A_608 : vector<1x16xi32> to vector<16xi32>
      %max3A_610 = arith.maxsi %max3A_604, %get3A_609 : vector<16xi32>
      %get3A_611 = arith.constant 5 : i64
      %get3A_612 = arith.index_cast %get3A_611 : i64 to index
      %get3A_613 = arith.constant 16 : index
      %get3A_614 = tpu.vector_load %arg8[%get3A_612, %get3A_613] {strides = array<i32>} : memref<8x128xi32, #tpu.memory_space<vmem>>, vector<1x16xi32>,
      %get3A_615 = vector.shape_cast %get3A_614 : vector<1x16xi32> to vector<16xi32>
      %max3A_616 = arith.maxsi %max3A_610, %get3A_615 : vector<16xi32>
      %get3A_617 = arith.constant 5 : i64
      %get3A_618 = arith.index_cast %get3A_617 : i64 to index
      %get3A_619 = arith.constant 16 : index
      %get3A_620 = tpu.vector_load %arg10[%get3A_618, %get3A_619] {strides = array<i32>} : memref<8x128xi32, #tpu.memory_space<vmem>>, vector<1x16xi32>,
      %get3A_621 = vector.shape_cast %get3A_620 : vector<1x16xi32> to vector<16xi32>
      %max3A_622 = arith.maxsi %max3A_616, %get3A_621 : vector<16xi32>
      %get3A_623 = arith.constant 5 : i64
      %get3A_624 = arith.index_cast %get3A_623 : i64 to index
      %get3A_625 = arith.constant 32 : index
      %get3A_626 = tpu.vector_load %arg8[%get3A_624, %get3A_625] {strides = array<i32>} : memref<8x128xi32, #tpu.memory_space<vmem>>, vector<1x16xi32>,
      %get3A_627 = vector.shape_cast %get3A_626 : vector<1x16xi32> to vector<16xi32>
      %max3A_628 = arith.maxsi %max3A_622, %get3A_627 : vector<16xi32>
      %get3A_629 = arith.constant 5 : i64
      %get3A_630 = arith.index_cast %get3A_629 : i64 to index
      %get3A_631 = arith.constant 32 : index
      %get3A_632 = tpu.vector_load %arg10[%get3A_630, %get3A_631] {strides = array<i32>} : memref<8x128xi32, #tpu.memory_space<vmem>>, vector<1x16xi32>,
      %get3A_633 = vector.shape_cast %get3A_632 : vector<1x16xi32> to vector<16xi32>
      %max3A_634 = arith.maxsi %max3A_628, %get3A_633 : vector<16xi32>
      %get3A_635 = arith.constant 5 : i64
      %get3A_636 = arith.index_cast %get3A_635 : i64 to index
      %get3A_637 = arith.constant 48 : index
      %get3A_638 = tpu.vector_load %arg8[%get3A_636, %get3A_637] {strides = array<i32>} : memref<8x128xi32, #tpu.memory_space<vmem>>, vector<1x16xi32>,
      %get3A_639 = vector.shape_cast %get3A_638 : vector<1x16xi32> to vector<16xi32>
      %max3A_640 = arith.maxsi %max3A_634, %get3A_639 : vector<16xi32>
      %get3A_641 = arith.constant 5 : i64
      %get3A_642 = arith.index_cast %get3A_641 : i64 to index
      %get3A_643 = arith.constant 48 : index
      %get3A_644 = tpu.vector_load %arg10[%get3A_642, %get3A_643] {strides = array<i32>} : memref<8x128xi32, #tpu.memory_space<vmem>>, vector<1x16xi32>,
      %get3A_645 = vector.shape_cast %get3A_644 : vector<1x16xi32> to vector<16xi32>
      %max3A_646 = arith.maxsi %max3A_640, %get3A_645 : vector<16xi32>
      %get3A_647 = arith.constant 5 : i64
      %get3A_648 = arith.index_cast %get3A_647 : i64 to index
      %get3A_649 = arith.constant 64 : index
      %get3A_650 = tpu.vector_load %arg8[%get3A_648, %get3A_649] {strides = array<i32>} : memref<8x128xi32, #tpu.memory_space<vmem>>, vector<1x16xi32>,
      %get3A_651 = vector.shape_cast %get3A_650 : vector<1x16xi32> to vector<16xi32>
      %max3A_652 = arith.maxsi %max3A_646, %get3A_651 : vector<16xi32>
      %get3A_653 = arith.constant 5 : i64
      %get3A_654 = arith.index_cast %get3A_653 : i64 to index
      %get3A_655 = arith.constant 64 : index
      %get3A_656 = tpu.vector_load %arg10[%get3A_654, %get3A_655] {strides = array<i32>} : memref<8x128xi32, #tpu.memory_space<vmem>>, vector<1x16xi32>,
      %get3A_657 = vector.shape_cast %get3A_656 : vector<1x16xi32> to vector<16xi32>
      %max3A_658 = arith.maxsi %max3A_652, %get3A_657 : vector<16xi32>
      %get3A_659 = arith.constant 5 : i64
      %get3A_660 = arith.index_cast %get3A_659 : i64 to index
      %get3A_661 = arith.constant 80 : index
      %get3A_662 = tpu.vector_load %arg8[%get3A_660, %get3A_661] {strides = array<i32>} : memref<8x128xi32, #tpu.memory_space<vmem>>, vector<1x16xi32>,
      %get3A_663 = vector.shape_cast %get3A_662 : vector<1x16xi32> to vector<16xi32>
      %max3A_664 = arith.maxsi %max3A_658, %get3A_663 : vector<16xi32>
      %get3A_665 = arith.constant 5 : i64
      %get3A_666 = arith.index_cast %get3A_665 : i64 to index
      %get3A_667 = arith.constant 80 : index
      %get3A_668 = tpu.vector_load %arg10[%get3A_666, %get3A_667] {strides = array<i32>} : memref<8x128xi32, #tpu.memory_space<vmem>>, vector<1x16xi32>,
      %get3A_669 = vector.shape_cast %get3A_668 : vector<1x16xi32> to vector<16xi32>
      %max3A_670 = arith.maxsi %max3A_664, %get3A_669 : vector<16xi32>
      %get3A_671 = arith.constant 5 : i64
      %get3A_672 = arith.index_cast %get3A_671 : i64 to index
      %get3A_673 = arith.constant 96 : index
      %get3A_674 = tpu.vector_load %arg8[%get3A_672, %get3A_673] {strides = array<i32>} : memref<8x128xi32, #tpu.memory_space<vmem>>, vector<1x16xi32>,
      %get3A_675 = vector.shape_cast %get3A_674 : vector<1x16xi32> to vector<16xi32>
      %max3A_676 = arith.maxsi %max3A_670, %get3A_675 : vector<16xi32>
      %get3A_677 = arith.constant 5 : i64
      %get3A_678 = arith.index_cast %get3A_677 : i64 to index
      %get3A_679 = arith.constant 96 : index
      %get3A_680 = tpu.vector_load %arg10[%get3A_678, %get3A_679] {strides = array<i32>} : memref<8x128xi32, #tpu.memory_space<vmem>>, vector<1x16xi32>,
      %get3A_681 = vector.shape_cast %get3A_680 : vector<1x16xi32> to vector<16xi32>
      %max3A_682 = arith.maxsi %max3A_676, %get3A_681 : vector<16xi32>
      %get3A_683 = arith.constant 5 : i64
      %get3A_684 = arith.index_cast %get3A_683 : i64 to index
      %get3A_685 = arith.constant 112 : index
      %get3A_686 = tpu.vector_load %arg8[%get3A_684, %get3A_685] {strides = array<i32>} : memref<8x128xi32, #tpu.memory_space<vmem>>, vector<1x16xi32>,
      %get3A_687 = vector.shape_cast %get3A_686 : vector<1x16xi32> to vector<16xi32>
      %max3A_688 = arith.maxsi %max3A_682, %get3A_687 : vector<16xi32>
      %get3A_689 = arith.constant 5 : i64
      %get3A_690 = arith.index_cast %get3A_689 : i64 to index
      %get3A_691 = arith.constant 112 : index
      %get3A_692 = tpu.vector_load %arg10[%get3A_690, %get3A_691] {strides = array<i32>} : memref<8x128xi32, #tpu.memory_space<vmem>>, vector<1x16xi32>,
      %get3A_693 = vector.shape_cast %get3A_692 : vector<1x16xi32> to vector<16xi32>
      %max3A_694 = arith.maxsi %max3A_688, %get3A_693 : vector<16xi32>
      %select_n3A_695 = arith.select %lt3A_598, %max3A_694, %select_n3A_594 : vector<16xi32>
      %add3A_696 = arith.constant 6 : i32
      %add3A_697 = arith.addi %multiple_of3A_79, %add3A_696 : i32
      %lt3A_698 = arith.constant 2500 : i32
      %lt3A_699 = arith.cmpi slt, %add3A_697, %lt3A_698 : i32
      %get3A_700 = arith.constant 6 : i64
      %get3A_701 = arith.index_cast %get3A_700 : i64 to index
      %get3A_702 = arith.constant 0 : index
      %get3A_703 = tpu.vector_load %arg8[%get3A_701, %get3A_702] {strides = array<i32>} : memref<8x128xi32, #tpu.memory_space<vmem>>, vector<1x16xi32>,
      %get3A_704 = vector.shape_cast %get3A_703 : vector<1x16xi32> to vector<16xi32>
      %max3A_705 = arith.maxsi %select_n3A_695, %get3A_704 : vector<16xi32>
      %get3A_706 = arith.constant 6 : i64
      %get3A_707 = arith.index_cast %get3A_706 : i64 to index
      %get3A_708 = arith.constant 0 : index
      %get3A_709 = tpu.vector_load %arg10[%get3A_707, %get3A_708] {strides = array<i32>} : memref<8x128xi32, #tpu.memory_space<vmem>>, vector<1x16xi32>,
      %get3A_710 = vector.shape_cast %get3A_709 : vector<1x16xi32> to vector<16xi32>
      %max3A_711 = arith.maxsi %max3A_705, %get3A_710 : vector<16xi32>
      %get3A_712 = arith.constant 6 : i64
      %get3A_713 = arith.index_cast %get3A_712 : i64 to index
      %get3A_714 = arith.constant 16 : index
      %get3A_715 = tpu.vector_load %arg8[%get3A_713, %get3A_714] {strides = array<i32>} : memref<8x128xi32, #tpu.memory_space<vmem>>, vector<1x16xi32>,
      %get3A_716 = vector.shape_cast %get3A_715 : vector<1x16xi32> to vector<16xi32>
      %max3A_717 = arith.maxsi %max3A_711, %get3A_716 : vector<16xi32>
      %get3A_718 = arith.constant 6 : i64
      %get3A_719 = arith.index_cast %get3A_718 : i64 to index
      %get3A_720 = arith.constant 16 : index
      %get3A_721 = tpu.vector_load %arg10[%get3A_719, %get3A_720] {strides = array<i32>} : memref<8x128xi32, #tpu.memory_space<vmem>>, vector<1x16xi32>,
      %get3A_722 = vector.shape_cast %get3A_721 : vector<1x16xi32> to vector<16xi32>
      %max3A_723 = arith.maxsi %max3A_717, %get3A_722 : vector<16xi32>
      %get3A_724 = arith.constant 6 : i64
      %get3A_725 = arith.index_cast %get3A_724 : i64 to index
      %get3A_726 = arith.constant 32 : index
      %get3A_727 = tpu.vector_load %arg8[%get3A_725, %get3A_726] {strides = array<i32>} : memref<8x128xi32, #tpu.memory_space<vmem>>, vector<1x16xi32>,
      %get3A_728 = vector.shape_cast %get3A_727 : vector<1x16xi32> to vector<16xi32>
      %max3A_729 = arith.maxsi %max3A_723, %get3A_728 : vector<16xi32>
      %get3A_730 = arith.constant 6 : i64
      %get3A_731 = arith.index_cast %get3A_730 : i64 to index
      %get3A_732 = arith.constant 32 : index
      %get3A_733 = tpu.vector_load %arg10[%get3A_731, %get3A_732] {strides = array<i32>} : memref<8x128xi32, #tpu.memory_space<vmem>>, vector<1x16xi32>,
      %get3A_734 = vector.shape_cast %get3A_733 : vector<1x16xi32> to vector<16xi32>
      %max3A_735 = arith.maxsi %max3A_729, %get3A_734 : vector<16xi32>
      %get3A_736 = arith.constant 6 : i64
      %get3A_737 = arith.index_cast %get3A_736 : i64 to index
      %get3A_738 = arith.constant 48 : index
      %get3A_739 = tpu.vector_load %arg8[%get3A_737, %get3A_738] {strides = array<i32>} : memref<8x128xi32, #tpu.memory_space<vmem>>, vector<1x16xi32>,
      %get3A_740 = vector.shape_cast %get3A_739 : vector<1x16xi32> to vector<16xi32>
      %max3A_741 = arith.maxsi %max3A_735, %get3A_740 : vector<16xi32>
      %get3A_742 = arith.constant 6 : i64
      %get3A_743 = arith.index_cast %get3A_742 : i64 to index
      %get3A_744 = arith.constant 48 : index
      %get3A_745 = tpu.vector_load %arg10[%get3A_743, %get3A_744] {strides = array<i32>} : memref<8x128xi32, #tpu.memory_space<vmem>>, vector<1x16xi32>,
      %get3A_746 = vector.shape_cast %get3A_745 : vector<1x16xi32> to vector<16xi32>
      %max3A_747 = arith.maxsi %max3A_741, %get3A_746 : vector<16xi32>
      %get3A_748 = arith.constant 6 : i64
      %get3A_749 = arith.index_cast %get3A_748 : i64 to index
      %get3A_750 = arith.constant 64 : index
      %get3A_751 = tpu.vector_load %arg8[%get3A_749, %get3A_750] {strides = array<i32>} : memref<8x128xi32, #tpu.memory_space<vmem>>, vector<1x16xi32>,
      %get3A_752 = vector.shape_cast %get3A_751 : vector<1x16xi32> to vector<16xi32>
      %max3A_753 = arith.maxsi %max3A_747, %get3A_752 : vector<16xi32>
      %get3A_754 = arith.constant 6 : i64
      %get3A_755 = arith.index_cast %get3A_754 : i64 to index
      %get3A_756 = arith.constant 64 : index
      %get3A_757 = tpu.vector_load %arg10[%get3A_755, %get3A_756] {strides = array<i32>} : memref<8x128xi32, #tpu.memory_space<vmem>>, vector<1x16xi32>,
      %get3A_758 = vector.shape_cast %get3A_757 : vector<1x16xi32> to vector<16xi32>
      %max3A_759 = arith.maxsi %max3A_753, %get3A_758 : vector<16xi32>
      %get3A_760 = arith.constant 6 : i64
      %get3A_761 = arith.index_cast %get3A_760 : i64 to index
      %get3A_762 = arith.constant 80 : index
      %get3A_763 = tpu.vector_load %arg8[%get3A_761, %get3A_762] {strides = array<i32>} : memref<8x128xi32, #tpu.memory_space<vmem>>, vector<1x16xi32>,
      %get3A_764 = vector.shape_cast %get3A_763 : vector<1x16xi32> to vector<16xi32>
      %max3A_765 = arith.maxsi %max3A_759, %get3A_764 : vector<16xi32>
      %get3A_766 = arith.constant 6 : i64
      %get3A_767 = arith.index_cast %get3A_766 : i64 to index
      %get3A_768 = arith.constant 80 : index
      %get3A_769 = tpu.vector_load %arg10[%get3A_767, %get3A_768] {strides = array<i32>} : memref<8x128xi32, #tpu.memory_space<vmem>>, vector<1x16xi32>,
      %get3A_770 = vector.shape_cast %get3A_769 : vector<1x16xi32> to vector<16xi32>
      %max3A_771 = arith.maxsi %max3A_765, %get3A_770 : vector<16xi32>
      %get3A_772 = arith.constant 6 : i64
      %get3A_773 = arith.index_cast %get3A_772 : i64 to index
      %get3A_774 = arith.constant 96 : index
      %get3A_775 = tpu.vector_load %arg8[%get3A_773, %get3A_774] {strides = array<i32>} : memref<8x128xi32, #tpu.memory_space<vmem>>, vector<1x16xi32>,
      %get3A_776 = vector.shape_cast %get3A_775 : vector<1x16xi32> to vector<16xi32>
      %max3A_777 = arith.maxsi %max3A_771, %get3A_776 : vector<16xi32>
      %get3A_778 = arith.constant 6 : i64
      %get3A_779 = arith.index_cast %get3A_778 : i64 to index
      %get3A_780 = arith.constant 96 : index
      %get3A_781 = tpu.vector_load %arg10[%get3A_779, %get3A_780] {strides = array<i32>} : memref<8x128xi32, #tpu.memory_space<vmem>>, vector<1x16xi32>,
      %get3A_782 = vector.shape_cast %get3A_781 : vector<1x16xi32> to vector<16xi32>
      %max3A_783 = arith.maxsi %max3A_777, %get3A_782 : vector<16xi32>
      %get3A_784 = arith.constant 6 : i64
      %get3A_785 = arith.index_cast %get3A_784 : i64 to index
      %get3A_786 = arith.constant 112 : index
      %get3A_787 = tpu.vector_load %arg8[%get3A_785, %get3A_786] {strides = array<i32>} : memref<8x128xi32, #tpu.memory_space<vmem>>, vector<1x16xi32>,
      %get3A_788 = vector.shape_cast %get3A_787 : vector<1x16xi32> to vector<16xi32>
      %max3A_789 = arith.maxsi %max3A_783, %get3A_788 : vector<16xi32>
      %get3A_790 = arith.constant 6 : i64
      %get3A_791 = arith.index_cast %get3A_790 : i64 to index
      %get3A_792 = arith.constant 112 : index
      %get3A_793 = tpu.vector_load %arg10[%get3A_791, %get3A_792] {strides = array<i32>} : memref<8x128xi32, #tpu.memory_space<vmem>>, vector<1x16xi32>,
      %get3A_794 = vector.shape_cast %get3A_793 : vector<1x16xi32> to vector<16xi32>
      %max3A_795 = arith.maxsi %max3A_789, %get3A_794 : vector<16xi32>
      %select_n3A_796 = arith.select %lt3A_699, %max3A_795, %select_n3A_695 : vector<16xi32>
      %add3A_797 = arith.constant 7 : i32
      %add3A_798 = arith.addi %multiple_of3A_79, %add3A_797 : i32
      %lt3A_799 = arith.constant 2500 : i32
      %lt3A_800 = arith.cmpi slt, %add3A_798, %lt3A_799 : i32
      %get3A_801 = arith.constant 7 : i64
      %get3A_802 = arith.index_cast %get3A_801 : i64 to index
      %get3A_803 = arith.constant 0 : index
      %get3A_804 = tpu.vector_load %arg8[%get3A_802, %get3A_803] {strides = array<i32>} : memref<8x128xi32, #tpu.memory_space<vmem>>, vector<1x16xi32>,
      %get3A_805 = vector.shape_cast %get3A_804 : vector<1x16xi32> to vector<16xi32>
      %max3A_806 = arith.maxsi %select_n3A_796, %get3A_805 : vector<16xi32>
      %get3A_807 = arith.constant 7 : i64
      %get3A_808 = arith.index_cast %get3A_807 : i64 to index
      %get3A_809 = arith.constant 0 : index
      %get3A_810 = tpu.vector_load %arg10[%get3A_808, %get3A_809] {strides = array<i32>} : memref<8x128xi32, #tpu.memory_space<vmem>>, vector<1x16xi32>,
      %get3A_811 = vector.shape_cast %get3A_810 : vector<1x16xi32> to vector<16xi32>
      %max3A_812 = arith.maxsi %max3A_806, %get3A_811 : vector<16xi32>
      %get3A_813 = arith.constant 7 : i64
      %get3A_814 = arith.index_cast %get3A_813 : i64 to index
      %get3A_815 = arith.constant 16 : index
      %get3A_816 = tpu.vector_load %arg8[%get3A_814, %get3A_815] {strides = array<i32>} : memref<8x128xi32, #tpu.memory_space<vmem>>, vector<1x16xi32>,
      %get3A_817 = vector.shape_cast %get3A_816 : vector<1x16xi32> to vector<16xi32>
      %max3A_818 = arith.maxsi %max3A_812, %get3A_817 : vector<16xi32>
      %get3A_819 = arith.constant 7 : i64
      %get3A_820 = arith.index_cast %get3A_819 : i64 to index
      %get3A_821 = arith.constant 16 : index
      %get3A_822 = tpu.vector_load %arg10[%get3A_820, %get3A_821] {strides = array<i32>} : memref<8x128xi32, #tpu.memory_space<vmem>>, vector<1x16xi32>,
      %get3A_823 = vector.shape_cast %get3A_822 : vector<1x16xi32> to vector<16xi32>
      %max3A_824 = arith.maxsi %max3A_818, %get3A_823 : vector<16xi32>
      %get3A_825 = arith.constant 7 : i64
      %get3A_826 = arith.index_cast %get3A_825 : i64 to index
      %get3A_827 = arith.constant 32 : index
      %get3A_828 = tpu.vector_load %arg8[%get3A_826, %get3A_827] {strides = array<i32>} : memref<8x128xi32, #tpu.memory_space<vmem>>, vector<1x16xi32>,
      %get3A_829 = vector.shape_cast %get3A_828 : vector<1x16xi32> to vector<16xi32>
      %max3A_830 = arith.maxsi %max3A_824, %get3A_829 : vector<16xi32>
      %get3A_831 = arith.constant 7 : i64
      %get3A_832 = arith.index_cast %get3A_831 : i64 to index
      %get3A_833 = arith.constant 32 : index
      %get3A_834 = tpu.vector_load %arg10[%get3A_832, %get3A_833] {strides = array<i32>} : memref<8x128xi32, #tpu.memory_space<vmem>>, vector<1x16xi32>,
      %get3A_835 = vector.shape_cast %get3A_834 : vector<1x16xi32> to vector<16xi32>
      %max3A_836 = arith.maxsi %max3A_830, %get3A_835 : vector<16xi32>
      %get3A_837 = arith.constant 7 : i64
      %get3A_838 = arith.index_cast %get3A_837 : i64 to index
      %get3A_839 = arith.constant 48 : index
      %get3A_840 = tpu.vector_load %arg8[%get3A_838, %get3A_839] {strides = array<i32>} : memref<8x128xi32, #tpu.memory_space<vmem>>, vector<1x16xi32>,
      %get3A_841 = vector.shape_cast %get3A_840 : vector<1x16xi32> to vector<16xi32>
      %max3A_842 = arith.maxsi %max3A_836, %get3A_841 : vector<16xi32>
      %get3A_843 = arith.constant 7 : i64
      %get3A_844 = arith.index_cast %get3A_843 : i64 to index
      %get3A_845 = arith.constant 48 : index
      %get3A_846 = tpu.vector_load %arg10[%get3A_844, %get3A_845] {strides = array<i32>} : memref<8x128xi32, #tpu.memory_space<vmem>>, vector<1x16xi32>,
      %get3A_847 = vector.shape_cast %get3A_846 : vector<1x16xi32> to vector<16xi32>
      %max3A_848 = arith.maxsi %max3A_842, %get3A_847 : vector<16xi32>
      %get3A_849 = arith.constant 7 : i64
      %get3A_850 = arith.index_cast %get3A_849 : i64 to index
      %get3A_851 = arith.constant 64 : index
      %get3A_852 = tpu.vector_load %arg8[%get3A_850, %get3A_851] {strides = array<i32>} : memref<8x128xi32, #tpu.memory_space<vmem>>, vector<1x16xi32>,
      %get3A_853 = vector.shape_cast %get3A_852 : vector<1x16xi32> to vector<16xi32>
      %max3A_854 = arith.maxsi %max3A_848, %get3A_853 : vector<16xi32>
      %get3A_855 = arith.constant 7 : i64
      %get3A_856 = arith.index_cast %get3A_855 : i64 to index
      %get3A_857 = arith.constant 64 : index
      %get3A_858 = tpu.vector_load %arg10[%get3A_856, %get3A_857] {strides = array<i32>} : memref<8x128xi32, #tpu.memory_space<vmem>>, vector<1x16xi32>,
      %get3A_859 = vector.shape_cast %get3A_858 : vector<1x16xi32> to vector<16xi32>
      %max3A_860 = arith.maxsi %max3A_854, %get3A_859 : vector<16xi32>
      %get3A_861 = arith.constant 7 : i64
      %get3A_862 = arith.index_cast %get3A_861 : i64 to index
      %get3A_863 = arith.constant 80 : index
      %get3A_864 = tpu.vector_load %arg8[%get3A_862, %get3A_863] {strides = array<i32>} : memref<8x128xi32, #tpu.memory_space<vmem>>, vector<1x16xi32>,
      %get3A_865 = vector.shape_cast %get3A_864 : vector<1x16xi32> to vector<16xi32>
      %max3A_866 = arith.maxsi %max3A_860, %get3A_865 : vector<16xi32>
      %get3A_867 = arith.constant 7 : i64
      %get3A_868 = arith.index_cast %get3A_867 : i64 to index
      %get3A_869 = arith.constant 80 : index
      %get3A_870 = tpu.vector_load %arg10[%get3A_868, %get3A_869] {strides = array<i32>} : memref<8x128xi32, #tpu.memory_space<vmem>>, vector<1x16xi32>,
      %get3A_871 = vector.shape_cast %get3A_870 : vector<1x16xi32> to vector<16xi32>
      %max3A_872 = arith.maxsi %max3A_866, %get3A_871 : vector<16xi32>
      %get3A_873 = arith.constant 7 : i64
      %get3A_874 = arith.index_cast %get3A_873 : i64 to index
      %get3A_875 = arith.constant 96 : index
      %get3A_876 = tpu.vector_load %arg8[%get3A_874, %get3A_875] {strides = array<i32>} : memref<8x128xi32, #tpu.memory_space<vmem>>, vector<1x16xi32>,
      %get3A_877 = vector.shape_cast %get3A_876 : vector<1x16xi32> to vector<16xi32>
      %max3A_878 = arith.maxsi %max3A_872, %get3A_877 : vector<16xi32>
      %get3A_879 = arith.constant 7 : i64
      %get3A_880 = arith.index_cast %get3A_879 : i64 to index
      %get3A_881 = arith.constant 96 : index
      %get3A_882 = tpu.vector_load %arg10[%get3A_880, %get3A_881] {strides = array<i32>} : memref<8x128xi32, #tpu.memory_space<vmem>>, vector<1x16xi32>,
      %get3A_883 = vector.shape_cast %get3A_882 : vector<1x16xi32> to vector<16xi32>
      %max3A_884 = arith.maxsi %max3A_878, %get3A_883 : vector<16xi32>
      %get3A_885 = arith.constant 7 : i64
      %get3A_886 = arith.index_cast %get3A_885 : i64 to index
      %get3A_887 = arith.constant 112 : index
      %get3A_888 = tpu.vector_load %arg8[%get3A_886, %get3A_887] {strides = array<i32>} : memref<8x128xi32, #tpu.memory_space<vmem>>, vector<1x16xi32>,
      %get3A_889 = vector.shape_cast %get3A_888 : vector<1x16xi32> to vector<16xi32>
      %max3A_890 = arith.maxsi %max3A_884, %get3A_889 : vector<16xi32>
      %get3A_891 = arith.constant 7 : i64
      %get3A_892 = arith.index_cast %get3A_891 : i64 to index
      %get3A_893 = arith.constant 112 : index
      %get3A_894 = tpu.vector_load %arg10[%get3A_892, %get3A_893] {strides = array<i32>} : memref<8x128xi32, #tpu.memory_space<vmem>>, vector<1x16xi32>,
      %get3A_895 = vector.shape_cast %get3A_894 : vector<1x16xi32> to vector<16xi32>
      %max3A_896 = arith.maxsi %max3A_890, %get3A_895 : vector<16xi32>
      %select_n3A_897 = arith.select %lt3A_800, %max3A_896, %select_n3A_796 : vector<16xi32>
      %swap3A_898 = arith.constant 0 : index
      %swap3A_899 = tpu.vector_load %arg14[%swap3A_898] {strides = array<i32>} : memref<16xi32, #tpu.memory_space<vmem>>, vector<16xi32>,
      %swap3A_900 = vector.shape_cast %swap3A_899 : vector<16xi32> to vector<16xi32>
      %swap3A_901 = vector.shape_cast %select_n3A_897 : vector<16xi32> to vector<16xi32>
      tpu.vector_store %arg14[%swap3A_898], %swap3A_901 {strides = array<i32>} : memref<16xi32, #tpu.memory_space<vmem>>, vector<16xi32>,
      %dma_start3A_902 = arith.constant 0 : i32
      %dma_start3A_903 = arith.constant 0 : i32
      %dma_start3A_904 = tpu.memref_slice %arg8[%dma_start3A_902, %dma_start3A_903] : memref<8x128xi32, #tpu.memory_space<vmem>> -> memref<1x128xi32, #tpu.memory_space<vmem>>
      %dma_start3A_905 = tpu.memref_squeeze %dma_start3A_904 : memref<1x128xi32, #tpu.memory_space<vmem>> -> memref<128xi32, #tpu.memory_space<vmem>>
      %dma_start3A_906 = arith.constant 0 : i32
      %dma_start3A_907 = arith.constant 0 : i32
      %dma_start3A_908 = tpu.memref_slice %arg2[%dma_start3A_906, %dma_start3A_907] : memref<10000x128xf32, #tpu.memory_space<hbm>> -> memref<10000x128xf32, #tpu.memory_space<hbm>>
      tpu.enqueue_indirect_dma source(%dma_start3A_908 : memref<10000x128xf32, #tpu.memory_space<hbm>>) target(%arg12 : memref<128x128xf32, #tpu.memory_space<vmem>>) offsets(%dma_start3A_905 : memref<128xi32, #tpu.memory_space<vmem>>) semaphore(%arg15 : memref<!tpu.dma_semaphore, #tpu.memory_space<semaphore_mem>>)
      %dma_start3A_909 = arith.constant 1 : i32
      %dma_start3A_910 = arith.constant 0 : i32
      %dma_start3A_911 = tpu.memref_slice %arg8[%dma_start3A_909, %dma_start3A_910] : memref<8x128xi32, #tpu.memory_space<vmem>> -> memref<1x128xi32, #tpu.memory_space<vmem>>
      %dma_start3A_912 = tpu.memref_squeeze %dma_start3A_911 : memref<1x128xi32, #tpu.memory_space<vmem>> -> memref<128xi32, #tpu.memory_space<vmem>>
      %dma_start3A_913 = arith.constant 0 : i32
      %dma_start3A_914 = arith.constant 0 : i32
      %dma_start3A_915 = tpu.memref_slice %arg2[%dma_start3A_913, %dma_start3A_914] : memref<10000x128xf32, #tpu.memory_space<hbm>> -> memref<10000x128xf32, #tpu.memory_space<hbm>>
      tpu.enqueue_indirect_dma source(%dma_start3A_915 : memref<10000x128xf32, #tpu.memory_space<hbm>>) target(%arg13 : memref<128x128xf32, #tpu.memory_space<vmem>>) offsets(%dma_start3A_912 : memref<128xi32, #tpu.memory_space<vmem>>) semaphore(%arg16 : memref<!tpu.dma_semaphore, #tpu.memory_space<semaphore_mem>>)
      %dma_wait3A_916 = arith.constant 0 : i32
      %dma_wait3A_917 = arith.constant 0 : i32
      %dma_wait3A_918 = tpu.memref_slice %arg8[%dma_wait3A_916, %dma_wait3A_917] : memref<8x128xi32, #tpu.memory_space<vmem>> -> memref<1x128xi32, #tpu.memory_space<vmem>>
      %dma_wait3A_919 = tpu.memref_squeeze %dma_wait3A_918 : memref<1x128xi32, #tpu.memory_space<vmem>> -> memref<128xi32, #tpu.memory_space<vmem>>
      %dma_wait3A_920 = arith.constant 0 : i32
      %dma_wait3A_921 = arith.constant 0 : i32
      %dma_wait3A_922 = tpu.memref_slice %arg2[%dma_wait3A_920, %dma_wait3A_921] : memref<10000x128xf32, #tpu.memory_space<hbm>> -> memref<10000x128xf32, #tpu.memory_space<hbm>>
      tpu.wait_indirect_dma semaphore(%arg15 : memref<!tpu.dma_semaphore, #tpu.memory_space<semaphore_mem>>) src(%dma_wait3A_922 : memref<10000x128xf32, #tpu.memory_space<hbm>>) dst(%arg12 : memref<128x128xf32, #tpu.memory_space<vmem>>)
      %dma_start3A_923 = arith.constant 0 : i32
      %dma_start3A_924 = arith.constant 0 : i32
      %dma_start3A_925 = tpu.memref_slice %arg10[%dma_start3A_923, %dma_start3A_924] : memref<8x128xi32, #tpu.memory_space<vmem>> -> memref<1x128xi32, #tpu.memory_space<vmem>>
      %dma_start3A_926 = tpu.memref_squeeze %dma_start3A_925 : memref<1x128xi32, #tpu.memory_space<vmem>> -> memref<128xi32, #tpu.memory_space<vmem>>
      %dma_start3A_927 = arith.constant 0 : i32
      %dma_start3A_928 = arith.constant 0 : i32
      %dma_start3A_929 = tpu.memref_slice %arg7[%dma_start3A_927, %dma_start3A_928] : memref<10128x128xf32, #tpu.memory_space<vmem_shared>> -> memref<10128x128xf32, #tpu.memory_space<vmem_shared>>
      tpu.enqueue_indirect_dma source(%arg12 : memref<128x128xf32, #tpu.memory_space<vmem>>) target(%dma_start3A_929 : memref<10128x128xf32, #tpu.memory_space<vmem_shared>>) offsets(%dma_start3A_926 : memref<128xi32, #tpu.memory_space<vmem>>) semaphore(%arg17 : memref<!tpu.dma_semaphore, #tpu.memory_space<semaphore_mem>>) {add = true}
      %dma_wait3A_930 = arith.constant 0 : i32
      %dma_wait3A_931 = arith.constant 0 : i32
      %dma_wait3A_932 = tpu.memref_slice %arg10[%dma_wait3A_930, %dma_wait3A_931] : memref<8x128xi32, #tpu.memory_space<vmem>> -> memref<1x128xi32, #tpu.memory_space<vmem>>
      %dma_wait3A_933 = tpu.memref_squeeze %dma_wait3A_932 : memref<1x128xi32, #tpu.memory_space<vmem>> -> memref<128xi32, #tpu.memory_space<vmem>>
      %dma_wait3A_934 = arith.constant 0 : i32
      %dma_wait3A_935 = arith.constant 0 : i32
      %dma_wait3A_936 = tpu.memref_slice %arg7[%dma_wait3A_934, %dma_wait3A_935] : memref<10128x128xf32, #tpu.memory_space<vmem_shared>> -> memref<10128x128xf32, #tpu.memory_space<vmem_shared>>
      tpu.wait_indirect_dma semaphore(%arg17 : memref<!tpu.dma_semaphore, #tpu.memory_space<semaphore_mem>>) src(%arg12 : memref<128x128xf32, #tpu.memory_space<vmem>>) dst(%dma_wait3A_936 : memref<10128x128xf32, #tpu.memory_space<vmem_shared>>)
      %dma_start3A_937 = arith.constant 2 : i32
      %dma_start3A_938 = arith.constant 0 : i32
      %dma_start3A_939 = tpu.memref_slice %arg8[%dma_start3A_937, %dma_start3A_938] : memref<8x128xi32, #tpu.memory_space<vmem>> -> memref<1x128xi32, #tpu.memory_space<vmem>>
      %dma_start3A_940 = tpu.memref_squeeze %dma_start3A_939 : memref<1x128xi32, #tpu.memory_space<vmem>> -> memref<128xi32, #tpu.memory_space<vmem>>
      %dma_start3A_941 = arith.constant 0 : i32
      %dma_start3A_942 = arith.constant 0 : i32
      %dma_start3A_943 = tpu.memref_slice %arg2[%dma_start3A_941, %dma_start3A_942] : memref<10000x128xf32, #tpu.memory_space<hbm>> -> memref<10000x128xf32, #tpu.memory_space<hbm>>
      tpu.enqueue_indirect_dma source(%dma_start3A_943 : memref<10000x128xf32, #tpu.memory_space<hbm>>) target(%arg12 : memref<128x128xf32, #tpu.memory_space<vmem>>) offsets(%dma_start3A_940 : memref<128xi32, #tpu.memory_space<vmem>>) semaphore(%arg15 : memref<!tpu.dma_semaphore, #tpu.memory_space<semaphore_mem>>)
      %dma_wait3A_944 = arith.constant 1 : i32
      %dma_wait3A_945 = arith.constant 0 : i32
      %dma_wait3A_946 = tpu.memref_slice %arg8[%dma_wait3A_944, %dma_wait3A_945] : memref<8x128xi32, #tpu.memory_space<vmem>> -> memref<1x128xi32, #tpu.memory_space<vmem>>
      %dma_wait3A_947 = tpu.memref_squeeze %dma_wait3A_946 : memref<1x128xi32, #tpu.memory_space<vmem>> -> memref<128xi32, #tpu.memory_space<vmem>>
      %dma_wait3A_948 = arith.constant 0 : i32
      %dma_wait3A_949 = arith.constant 0 : i32
      %dma_wait3A_950 = tpu.memref_slice %arg2[%dma_wait3A_948, %dma_wait3A_949] : memref<10000x128xf32, #tpu.memory_space<hbm>> -> memref<10000x128xf32, #tpu.memory_space<hbm>>
      tpu.wait_indirect_dma semaphore(%arg16 : memref<!tpu.dma_semaphore, #tpu.memory_space<semaphore_mem>>) src(%dma_wait3A_950 : memref<10000x128xf32, #tpu.memory_space<hbm>>) dst(%arg13 : memref<128x128xf32, #tpu.memory_space<vmem>>)
      %dma_start3A_951 = arith.constant 1 : i32
      %dma_start3A_952 = arith.constant 0 : i32
      %dma_start3A_953 = tpu.memref_slice %arg10[%dma_start3A_951, %dma_start3A_952] : memref<8x128xi32, #tpu.memory_space<vmem>> -> memref<1x128xi32, #tpu.memory_space<vmem>>
      %dma_start3A_954 = tpu.memref_squeeze %dma_start3A_953 : memref<1x128xi32, #tpu.memory_space<vmem>> -> memref<128xi32, #tpu.memory_space<vmem>>
      %dma_start3A_955 = arith.constant 0 : i32
      %dma_start3A_956 = arith.constant 0 : i32
      %dma_start3A_957 = tpu.memref_slice %arg7[%dma_start3A_955, %dma_start3A_956] : memref<10128x128xf32, #tpu.memory_space<vmem_shared>> -> memref<10128x128xf32, #tpu.memory_space<vmem_shared>>
      tpu.enqueue_indirect_dma source(%arg13 : memref<128x128xf32, #tpu.memory_space<vmem>>) target(%dma_start3A_957 : memref<10128x128xf32, #tpu.memory_space<vmem_shared>>) offsets(%dma_start3A_954 : memref<128xi32, #tpu.memory_space<vmem>>) semaphore(%arg18 : memref<!tpu.dma_semaphore, #tpu.memory_space<semaphore_mem>>) {add = true}
      %dma_wait3A_958 = arith.constant 1 : i32
      %dma_wait3A_959 = arith.constant 0 : i32
      %dma_wait3A_960 = tpu.memref_slice %arg10[%dma_wait3A_958, %dma_wait3A_959] : memref<8x128xi32, #tpu.memory_space<vmem>> -> memref<1x128xi32, #tpu.memory_space<vmem>>
      %dma_wait3A_961 = tpu.memref_squeeze %dma_wait3A_960 : memref<1x128xi32, #tpu.memory_space<vmem>> -> memref<128xi32, #tpu.memory_space<vmem>>
      %dma_wait3A_962 = arith.constant 0 : i32
      %dma_wait3A_963 = arith.constant 0 : i32
      %dma_wait3A_964 = tpu.memref_slice %arg7[%dma_wait3A_962, %dma_wait3A_963] : memref<10128x128xf32, #tpu.memory_space<vmem_shared>> -> memref<10128x128xf32, #tpu.memory_space<vmem_shared>>
      tpu.wait_indirect_dma semaphore(%arg18 : memref<!tpu.dma_semaphore, #tpu.memory_space<semaphore_mem>>) src(%arg13 : memref<128x128xf32, #tpu.memory_space<vmem>>) dst(%dma_wait3A_964 : memref<10128x128xf32, #tpu.memory_space<vmem_shared>>)
      %dma_start3A_965 = arith.constant 3 : i32
      %dma_start3A_966 = arith.constant 0 : i32
      %dma_start3A_967 = tpu.memref_slice %arg8[%dma_start3A_965, %dma_start3A_966] : memref<8x128xi32, #tpu.memory_space<vmem>> -> memref<1x128xi32, #tpu.memory_space<vmem>>
      %dma_start3A_968 = tpu.memref_squeeze %dma_start3A_967 : memref<1x128xi32, #tpu.memory_space<vmem>> -> memref<128xi32, #tpu.memory_space<vmem>>
      %dma_start3A_969 = arith.constant 0 : i32
      %dma_start3A_970 = arith.constant 0 : i32
      %dma_start3A_971 = tpu.memref_slice %arg2[%dma_start3A_969, %dma_start3A_970] : memref<10000x128xf32, #tpu.memory_space<hbm>> -> memref<10000x128xf32, #tpu.memory_space<hbm>>
      tpu.enqueue_indirect_dma source(%dma_start3A_971 : memref<10000x128xf32, #tpu.memory_space<hbm>>) target(%arg13 : memref<128x128xf32, #tpu.memory_space<vmem>>) offsets(%dma_start3A_968 : memref<128xi32, #tpu.memory_space<vmem>>) semaphore(%arg16 : memref<!tpu.dma_semaphore, #tpu.memory_space<semaphore_mem>>)
      %dma_wait3A_972 = arith.constant 2 : i32
      %dma_wait3A_973 = arith.constant 0 : i32
      %dma_wait3A_974 = tpu.memref_slice %arg8[%dma_wait3A_972, %dma_wait3A_973] : memref<8x128xi32, #tpu.memory_space<vmem>> -> memref<1x128xi32, #tpu.memory_space<vmem>>
      %dma_wait3A_975 = tpu.memref_squeeze %dma_wait3A_974 : memref<1x128xi32, #tpu.memory_space<vmem>> -> memref<128xi32, #tpu.memory_space<vmem>>
      %dma_wait3A_976 = arith.constant 0 : i32
      %dma_wait3A_977 = arith.constant 0 : i32
      %dma_wait3A_978 = tpu.memref_slice %arg2[%dma_wait3A_976, %dma_wait3A_977] : memref<10000x128xf32, #tpu.memory_space<hbm>> -> memref<10000x128xf32, #tpu.memory_space<hbm>>
      tpu.wait_indirect_dma semaphore(%arg15 : memref<!tpu.dma_semaphore, #tpu.memory_space<semaphore_mem>>) src(%dma_wait3A_978 : memref<10000x128xf32, #tpu.memory_space<hbm>>) dst(%arg12 : memref<128x128xf32, #tpu.memory_space<vmem>>)
      %dma_start3A_979 = arith.constant 2 : i32
      %dma_start3A_980 = arith.constant 0 : i32
      %dma_start3A_981 = tpu.memref_slice %arg10[%dma_start3A_979, %dma_start3A_980] : memref<8x128xi32, #tpu.memory_space<vmem>> -> memref<1x128xi32, #tpu.memory_space<vmem>>
      %dma_start3A_982 = tpu.memref_squeeze %dma_start3A_981 : memref<1x128xi32, #tpu.memory_space<vmem>> -> memref<128xi32, #tpu.memory_space<vmem>>
      %dma_start3A_983 = arith.constant 0 : i32
      %dma_start3A_984 = arith.constant 0 : i32
      %dma_start3A_985 = tpu.memref_slice %arg7[%dma_start3A_983, %dma_start3A_984] : memref<10128x128xf32, #tpu.memory_space<vmem_shared>> -> memref<10128x128xf32, #tpu.memory_space<vmem_shared>>
      tpu.enqueue_indirect_dma source(%arg12 : memref<128x128xf32, #tpu.memory_space<vmem>>) target(%dma_start3A_985 : memref<10128x128xf32, #tpu.memory_space<vmem_shared>>) offsets(%dma_start3A_982 : memref<128xi32, #tpu.memory_space<vmem>>) semaphore(%arg17 : memref<!tpu.dma_semaphore, #tpu.memory_space<semaphore_mem>>) {add = true}
      %dma_wait3A_986 = arith.constant 2 : i32
      %dma_wait3A_987 = arith.constant 0 : i32
      %dma_wait3A_988 = tpu.memref_slice %arg10[%dma_wait3A_986, %dma_wait3A_987] : memref<8x128xi32, #tpu.memory_space<vmem>> -> memref<1x128xi32, #tpu.memory_space<vmem>>
      %dma_wait3A_989 = tpu.memref_squeeze %dma_wait3A_988 : memref<1x128xi32, #tpu.memory_space<vmem>> -> memref<128xi32, #tpu.memory_space<vmem>>
      %dma_wait3A_990 = arith.constant 0 : i32
      %dma_wait3A_991 = arith.constant 0 : i32
      %dma_wait3A_992 = tpu.memref_slice %arg7[%dma_wait3A_990, %dma_wait3A_991] : memref<10128x128xf32, #tpu.memory_space<vmem_shared>> -> memref<10128x128xf32, #tpu.memory_space<vmem_shared>>
      tpu.wait_indirect_dma semaphore(%arg17 : memref<!tpu.dma_semaphore, #tpu.memory_space<semaphore_mem>>) src(%arg12 : memref<128x128xf32, #tpu.memory_space<vmem>>) dst(%dma_wait3A_992 : memref<10128x128xf32, #tpu.memory_space<vmem_shared>>)
      %dma_start3A_993 = arith.constant 4 : i32
      %dma_start3A_994 = arith.constant 0 : i32
      %dma_start3A_995 = tpu.memref_slice %arg8[%dma_start3A_993, %dma_start3A_994] : memref<8x128xi32, #tpu.memory_space<vmem>> -> memref<1x128xi32, #tpu.memory_space<vmem>>
      %dma_start3A_996 = tpu.memref_squeeze %dma_start3A_995 : memref<1x128xi32, #tpu.memory_space<vmem>> -> memref<128xi32, #tpu.memory_space<vmem>>
      %dma_start3A_997 = arith.constant 0 : i32
      %dma_start3A_998 = arith.constant 0 : i32
      %dma_start3A_999 = tpu.memref_slice %arg2[%dma_start3A_997, %dma_start3A_998] : memref<10000x128xf32, #tpu.memory_space<hbm>> -> memref<10000x128xf32, #tpu.memory_space<hbm>>
      tpu.enqueue_indirect_dma source(%dma_start3A_999 : memref<10000x128xf32, #tpu.memory_space<hbm>>) target(%arg12 : memref<128x128xf32, #tpu.memory_space<vmem>>) offsets(%dma_start3A_996 : memref<128xi32, #tpu.memory_space<vmem>>) semaphore(%arg15 : memref<!tpu.dma_semaphore, #tpu.memory_space<semaphore_mem>>)
      %dma_wait3A_1000 = arith.constant 3 : i32
      %dma_wait3A_1001 = arith.constant 0 : i32
      %dma_wait3A_1002 = tpu.memref_slice %arg8[%dma_wait3A_1000, %dma_wait3A_1001] : memref<8x128xi32, #tpu.memory_space<vmem>> -> memref<1x128xi32, #tpu.memory_space<vmem>>
      %dma_wait3A_1003 = tpu.memref_squeeze %dma_wait3A_1002 : memref<1x128xi32, #tpu.memory_space<vmem>> -> memref<128xi32, #tpu.memory_space<vmem>>
      %dma_wait3A_1004 = arith.constant 0 : i32
      %dma_wait3A_1005 = arith.constant 0 : i32
      %dma_wait3A_1006 = tpu.memref_slice %arg2[%dma_wait3A_1004, %dma_wait3A_1005] : memref<10000x128xf32, #tpu.memory_space<hbm>> -> memref<10000x128xf32, #tpu.memory_space<hbm>>
      tpu.wait_indirect_dma semaphore(%arg16 : memref<!tpu.dma_semaphore, #tpu.memory_space<semaphore_mem>>) src(%dma_wait3A_1006 : memref<10000x128xf32, #tpu.memory_space<hbm>>) dst(%arg13 : memref<128x128xf32, #tpu.memory_space<vmem>>)
      %dma_start3A_1007 = arith.constant 3 : i32
      %dma_start3A_1008 = arith.constant 0 : i32
      %dma_start3A_1009 = tpu.memref_slice %arg10[%dma_start3A_1007, %dma_start3A_1008] : memref<8x128xi32, #tpu.memory_space<vmem>> -> memref<1x128xi32, #tpu.memory_space<vmem>>
      %dma_start3A_1010 = tpu.memref_squeeze %dma_start3A_1009 : memref<1x128xi32, #tpu.memory_space<vmem>> -> memref<128xi32, #tpu.memory_space<vmem>>
      %dma_start3A_1011 = arith.constant 0 : i32
      %dma_start3A_1012 = arith.constant 0 : i32
      %dma_start3A_1013 = tpu.memref_slice %arg7[%dma_start3A_1011, %dma_start3A_1012] : memref<10128x128xf32, #tpu.memory_space<vmem_shared>> -> memref<10128x128xf32, #tpu.memory_space<vmem_shared>>
      tpu.enqueue_indirect_dma source(%arg13 : memref<128x128xf32, #tpu.memory_space<vmem>>) target(%dma_start3A_1013 : memref<10128x128xf32, #tpu.memory_space<vmem_shared>>) offsets(%dma_start3A_1010 : memref<128xi32, #tpu.memory_space<vmem>>) semaphore(%arg18 : memref<!tpu.dma_semaphore, #tpu.memory_space<semaphore_mem>>) {add = true}
      %dma_wait3A_1014 = arith.constant 3 : i32
      %dma_wait3A_1015 = arith.constant 0 : i32
      %dma_wait3A_1016 = tpu.memref_slice %arg10[%dma_wait3A_1014, %dma_wait3A_1015] : memref<8x128xi32, #tpu.memory_space<vmem>> -> memref<1x128xi32, #tpu.memory_space<vmem>>
      %dma_wait3A_1017 = tpu.memref_squeeze %dma_wait3A_1016 : memref<1x128xi32, #tpu.memory_space<vmem>> -> memref<128xi32, #tpu.memory_space<vmem>>
      %dma_wait3A_1018 = arith.constant 0 : i32
      %dma_wait3A_1019 = arith.constant 0 : i32
      %dma_wait3A_1020 = tpu.memref_slice %arg7[%dma_wait3A_1018, %dma_wait3A_1019] : memref<10128x128xf32, #tpu.memory_space<vmem_shared>> -> memref<10128x128xf32, #tpu.memory_space<vmem_shared>>
      tpu.wait_indirect_dma semaphore(%arg18 : memref<!tpu.dma_semaphore, #tpu.memory_space<semaphore_mem>>) src(%arg13 : memref<128x128xf32, #tpu.memory_space<vmem>>) dst(%dma_wait3A_1020 : memref<10128x128xf32, #tpu.memory_space<vmem_shared>>)
      %dma_start3A_1021 = arith.constant 5 : i32
      %dma_start3A_1022 = arith.constant 0 : i32
      %dma_start3A_1023 = tpu.memref_slice %arg8[%dma_start3A_1021, %dma_start3A_1022] : memref<8x128xi32, #tpu.memory_space<vmem>> -> memref<1x128xi32, #tpu.memory_space<vmem>>
      %dma_start3A_1024 = tpu.memref_squeeze %dma_start3A_1023 : memref<1x128xi32, #tpu.memory_space<vmem>> -> memref<128xi32, #tpu.memory_space<vmem>>
      %dma_start3A_1025 = arith.constant 0 : i32
      %dma_start3A_1026 = arith.constant 0 : i32
      %dma_start3A_1027 = tpu.memref_slice %arg2[%dma_start3A_1025, %dma_start3A_1026] : memref<10000x128xf32, #tpu.memory_space<hbm>> -> memref<10000x128xf32, #tpu.memory_space<hbm>>
      tpu.enqueue_indirect_dma source(%dma_start3A_1027 : memref<10000x128xf32, #tpu.memory_space<hbm>>) target(%arg13 : memref<128x128xf32, #tpu.memory_space<vmem>>) offsets(%dma_start3A_1024 : memref<128xi32, #tpu.memory_space<vmem>>) semaphore(%arg16 : memref<!tpu.dma_semaphore, #tpu.memory_space<semaphore_mem>>)
      %dma_wait3A_1028 = arith.constant 4 : i32
      %dma_wait3A_1029 = arith.constant 0 : i32
      %dma_wait3A_1030 = tpu.memref_slice %arg8[%dma_wait3A_1028, %dma_wait3A_1029] : memref<8x128xi32, #tpu.memory_space<vmem>> -> memref<1x128xi32, #tpu.memory_space<vmem>>
      %dma_wait3A_1031 = tpu.memref_squeeze %dma_wait3A_1030 : memref<1x128xi32, #tpu.memory_space<vmem>> -> memref<128xi32, #tpu.memory_space<vmem>>
      %dma_wait3A_1032 = arith.constant 0 : i32
      %dma_wait3A_1033 = arith.constant 0 : i32
      %dma_wait3A_1034 = tpu.memref_slice %arg2[%dma_wait3A_1032, %dma_wait3A_1033] : memref<10000x128xf32, #tpu.memory_space<hbm>> -> memref<10000x128xf32, #tpu.memory_space<hbm>>
      tpu.wait_indirect_dma semaphore(%arg15 : memref<!tpu.dma_semaphore, #tpu.memory_space<semaphore_mem>>) src(%dma_wait3A_1034 : memref<10000x128xf32, #tpu.memory_space<hbm>>) dst(%arg12 : memref<128x128xf32, #tpu.memory_space<vmem>>)
      %dma_start3A_1035 = arith.constant 4 : i32
      %dma_start3A_1036 = arith.constant 0 : i32
      %dma_start3A_1037 = tpu.memref_slice %arg10[%dma_start3A_1035, %dma_start3A_1036] : memref<8x128xi32, #tpu.memory_space<vmem>> -> memref<1x128xi32, #tpu.memory_space<vmem>>
      %dma_start3A_1038 = tpu.memref_squeeze %dma_start3A_1037 : memref<1x128xi32, #tpu.memory_space<vmem>> -> memref<128xi32, #tpu.memory_space<vmem>>
      %dma_start3A_1039 = arith.constant 0 : i32
      %dma_start3A_1040 = arith.constant 0 : i32
      %dma_start3A_1041 = tpu.memref_slice %arg7[%dma_start3A_1039, %dma_start3A_1040] : memref<10128x128xf32, #tpu.memory_space<vmem_shared>> -> memref<10128x128xf32, #tpu.memory_space<vmem_shared>>
      tpu.enqueue_indirect_dma source(%arg12 : memref<128x128xf32, #tpu.memory_space<vmem>>) target(%dma_start3A_1041 : memref<10128x128xf32, #tpu.memory_space<vmem_shared>>) offsets(%dma_start3A_1038 : memref<128xi32, #tpu.memory_space<vmem>>) semaphore(%arg17 : memref<!tpu.dma_semaphore, #tpu.memory_space<semaphore_mem>>) {add = true}
      %dma_wait3A_1042 = arith.constant 4 : i32
      %dma_wait3A_1043 = arith.constant 0 : i32
      %dma_wait3A_1044 = tpu.memref_slice %arg10[%dma_wait3A_1042, %dma_wait3A_1043] : memref<8x128xi32, #tpu.memory_space<vmem>> -> memref<1x128xi32, #tpu.memory_space<vmem>>
      %dma_wait3A_1045 = tpu.memref_squeeze %dma_wait3A_1044 : memref<1x128xi32, #tpu.memory_space<vmem>> -> memref<128xi32, #tpu.memory_space<vmem>>
      %dma_wait3A_1046 = arith.constant 0 : i32
      %dma_wait3A_1047 = arith.constant 0 : i32
      %dma_wait3A_1048 = tpu.memref_slice %arg7[%dma_wait3A_1046, %dma_wait3A_1047] : memref<10128x128xf32, #tpu.memory_space<vmem_shared>> -> memref<10128x128xf32, #tpu.memory_space<vmem_shared>>
      tpu.wait_indirect_dma semaphore(%arg17 : memref<!tpu.dma_semaphore, #tpu.memory_space<semaphore_mem>>) src(%arg12 : memref<128x128xf32, #tpu.memory_space<vmem>>) dst(%dma_wait3A_1048 : memref<10128x128xf32, #tpu.memory_space<vmem_shared>>)
      %dma_start3A_1049 = arith.constant 6 : i32
      %dma_start3A_1050 = arith.constant 0 : i32
      %dma_start3A_1051 = tpu.memref_slice %arg8[%dma_start3A_1049, %dma_start3A_1050] : memref<8x128xi32, #tpu.memory_space<vmem>> -> memref<1x128xi32, #tpu.memory_space<vmem>>
      %dma_start3A_1052 = tpu.memref_squeeze %dma_start3A_1051 : memref<1x128xi32, #tpu.memory_space<vmem>> -> memref<128xi32, #tpu.memory_space<vmem>>
      %dma_start3A_1053 = arith.constant 0 : i32
      %dma_start3A_1054 = arith.constant 0 : i32
      %dma_start3A_1055 = tpu.memref_slice %arg2[%dma_start3A_1053, %dma_start3A_1054] : memref<10000x128xf32, #tpu.memory_space<hbm>> -> memref<10000x128xf32, #tpu.memory_space<hbm>>
      tpu.enqueue_indirect_dma source(%dma_start3A_1055 : memref<10000x128xf32, #tpu.memory_space<hbm>>) target(%arg12 : memref<128x128xf32, #tpu.memory_space<vmem>>) offsets(%dma_start3A_1052 : memref<128xi32, #tpu.memory_space<vmem>>) semaphore(%arg15 : memref<!tpu.dma_semaphore, #tpu.memory_space<semaphore_mem>>)
      %dma_wait3A_1056 = arith.constant 5 : i32
      %dma_wait3A_1057 = arith.constant 0 : i32
      %dma_wait3A_1058 = tpu.memref_slice %arg8[%dma_wait3A_1056, %dma_wait3A_1057] : memref<8x128xi32, #tpu.memory_space<vmem>> -> memref<1x128xi32, #tpu.memory_space<vmem>>
      %dma_wait3A_1059 = tpu.memref_squeeze %dma_wait3A_1058 : memref<1x128xi32, #tpu.memory_space<vmem>> -> memref<128xi32, #tpu.memory_space<vmem>>
      %dma_wait3A_1060 = arith.constant 0 : i32
      %dma_wait3A_1061 = arith.constant 0 : i32
      %dma_wait3A_1062 = tpu.memref_slice %arg2[%dma_wait3A_1060, %dma_wait3A_1061] : memref<10000x128xf32, #tpu.memory_space<hbm>> -> memref<10000x128xf32, #tpu.memory_space<hbm>>
      tpu.wait_indirect_dma semaphore(%arg16 : memref<!tpu.dma_semaphore, #tpu.memory_space<semaphore_mem>>) src(%dma_wait3A_1062 : memref<10000x128xf32, #tpu.memory_space<hbm>>) dst(%arg13 : memref<128x128xf32, #tpu.memory_space<vmem>>)
      %dma_start3A_1063 = arith.constant 5 : i32
      %dma_start3A_1064 = arith.constant 0 : i32
      %dma_start3A_1065 = tpu.memref_slice %arg10[%dma_start3A_1063, %dma_start3A_1064] : memref<8x128xi32, #tpu.memory_space<vmem>> -> memref<1x128xi32, #tpu.memory_space<vmem>>
      %dma_start3A_1066 = tpu.memref_squeeze %dma_start3A_1065 : memref<1x128xi32, #tpu.memory_space<vmem>> -> memref<128xi32, #tpu.memory_space<vmem>>
      %dma_start3A_1067 = arith.constant 0 : i32
      %dma_start3A_1068 = arith.constant 0 : i32
      %dma_start3A_1069 = tpu.memref_slice %arg7[%dma_start3A_1067, %dma_start3A_1068] : memref<10128x128xf32, #tpu.memory_space<vmem_shared>> -> memref<10128x128xf32, #tpu.memory_space<vmem_shared>>
      tpu.enqueue_indirect_dma source(%arg13 : memref<128x128xf32, #tpu.memory_space<vmem>>) target(%dma_start3A_1069 : memref<10128x128xf32, #tpu.memory_space<vmem_shared>>) offsets(%dma_start3A_1066 : memref<128xi32, #tpu.memory_space<vmem>>) semaphore(%arg18 : memref<!tpu.dma_semaphore, #tpu.memory_space<semaphore_mem>>) {add = true}
      %dma_wait3A_1070 = arith.constant 5 : i32
      %dma_wait3A_1071 = arith.constant 0 : i32
      %dma_wait3A_1072 = tpu.memref_slice %arg10[%dma_wait3A_1070, %dma_wait3A_1071] : memref<8x128xi32, #tpu.memory_space<vmem>> -> memref<1x128xi32, #tpu.memory_space<vmem>>
      %dma_wait3A_1073 = tpu.memref_squeeze %dma_wait3A_1072 : memref<1x128xi32, #tpu.memory_space<vmem>> -> memref<128xi32, #tpu.memory_space<vmem>>
      %dma_wait3A_1074 = arith.constant 0 : i32
      %dma_wait3A_1075 = arith.constant 0 : i32
      %dma_wait3A_1076 = tpu.memref_slice %arg7[%dma_wait3A_1074, %dma_wait3A_1075] : memref<10128x128xf32, #tpu.memory_space<vmem_shared>> -> memref<10128x128xf32, #tpu.memory_space<vmem_shared>>
      tpu.wait_indirect_dma semaphore(%arg18 : memref<!tpu.dma_semaphore, #tpu.memory_space<semaphore_mem>>) src(%arg13 : memref<128x128xf32, #tpu.memory_space<vmem>>) dst(%dma_wait3A_1076 : memref<10128x128xf32, #tpu.memory_space<vmem_shared>>)
      %dma_start3A_1077 = arith.constant 7 : i32
      %dma_start3A_1078 = arith.constant 0 : i32
      %dma_start3A_1079 = tpu.memref_slice %arg8[%dma_start3A_1077, %dma_start3A_1078] : memref<8x128xi32, #tpu.memory_space<vmem>> -> memref<1x128xi32, #tpu.memory_space<vmem>>
      %dma_start3A_1080 = tpu.memref_squeeze %dma_start3A_1079 : memref<1x128xi32, #tpu.memory_space<vmem>> -> memref<128xi32, #tpu.memory_space<vmem>>
      %dma_start3A_1081 = arith.constant 0 : i32
      %dma_start3A_1082 = arith.constant 0 : i32
      %dma_start3A_1083 = tpu.memref_slice %arg2[%dma_start3A_1081, %dma_start3A_1082] : memref<10000x128xf32, #tpu.memory_space<hbm>> -> memref<10000x128xf32, #tpu.memory_space<hbm>>
      tpu.enqueue_indirect_dma source(%dma_start3A_1083 : memref<10000x128xf32, #tpu.memory_space<hbm>>) target(%arg13 : memref<128x128xf32, #tpu.memory_space<vmem>>) offsets(%dma_start3A_1080 : memref<128xi32, #tpu.memory_space<vmem>>) semaphore(%arg16 : memref<!tpu.dma_semaphore, #tpu.memory_space<semaphore_mem>>)
      %dma_wait3A_1084 = arith.constant 6 : i32
      %dma_wait3A_1085 = arith.constant 0 : i32
      %dma_wait3A_1086 = tpu.memref_slice %arg8[%dma_wait3A_1084, %dma_wait3A_1085] : memref<8x128xi32, #tpu.memory_space<vmem>> -> memref<1x128xi32, #tpu.memory_space<vmem>>
      %dma_wait3A_1087 = tpu.memref_squeeze %dma_wait3A_1086 : memref<1x128xi32, #tpu.memory_space<vmem>> -> memref<128xi32, #tpu.memory_space<vmem>>
      %dma_wait3A_1088 = arith.constant 0 : i32
      %dma_wait3A_1089 = arith.constant 0 : i32
      %dma_wait3A_1090 = tpu.memref_slice %arg2[%dma_wait3A_1088, %dma_wait3A_1089] : memref<10000x128xf32, #tpu.memory_space<hbm>> -> memref<10000x128xf32, #tpu.memory_space<hbm>>
      tpu.wait_indirect_dma semaphore(%arg15 : memref<!tpu.dma_semaphore, #tpu.memory_space<semaphore_mem>>) src(%dma_wait3A_1090 : memref<10000x128xf32, #tpu.memory_space<hbm>>) dst(%arg12 : memref<128x128xf32, #tpu.memory_space<vmem>>)
      %dma_start3A_1091 = arith.constant 6 : i32
      %dma_start3A_1092 = arith.constant 0 : i32
      %dma_start3A_1093 = tpu.memref_slice %arg10[%dma_start3A_1091, %dma_start3A_1092] : memref<8x128xi32, #tpu.memory_space<vmem>> -> memref<1x128xi32, #tpu.memory_space<vmem>>
      %dma_start3A_1094 = tpu.memref_squeeze %dma_start3A_1093 : memref<1x128xi32, #tpu.memory_space<vmem>> -> memref<128xi32, #tpu.memory_space<vmem>>
      %dma_start3A_1095 = arith.constant 0 : i32
      %dma_start3A_1096 = arith.constant 0 : i32
      %dma_start3A_1097 = tpu.memref_slice %arg7[%dma_start3A_1095, %dma_start3A_1096] : memref<10128x128xf32, #tpu.memory_space<vmem_shared>> -> memref<10128x128xf32, #tpu.memory_space<vmem_shared>>
      tpu.enqueue_indirect_dma source(%arg12 : memref<128x128xf32, #tpu.memory_space<vmem>>) target(%dma_start3A_1097 : memref<10128x128xf32, #tpu.memory_space<vmem_shared>>) offsets(%dma_start3A_1094 : memref<128xi32, #tpu.memory_space<vmem>>) semaphore(%arg17 : memref<!tpu.dma_semaphore, #tpu.memory_space<semaphore_mem>>) {add = true}
      %dma_wait3A_1098 = arith.constant 6 : i32
      %dma_wait3A_1099 = arith.constant 0 : i32
      %dma_wait3A_1100 = tpu.memref_slice %arg10[%dma_wait3A_1098, %dma_wait3A_1099] : memref<8x128xi32, #tpu.memory_space<vmem>> -> memref<1x128xi32, #tpu.memory_space<vmem>>
      %dma_wait3A_1101 = tpu.memref_squeeze %dma_wait3A_1100 : memref<1x128xi32, #tpu.memory_space<vmem>> -> memref<128xi32, #tpu.memory_space<vmem>>
      %dma_wait3A_1102 = arith.constant 0 : i32
      %dma_wait3A_1103 = arith.constant 0 : i32
      %dma_wait3A_1104 = tpu.memref_slice %arg7[%dma_wait3A_1102, %dma_wait3A_1103] : memref<10128x128xf32, #tpu.memory_space<vmem_shared>> -> memref<10128x128xf32, #tpu.memory_space<vmem_shared>>
      tpu.wait_indirect_dma semaphore(%arg17 : memref<!tpu.dma_semaphore, #tpu.memory_space<semaphore_mem>>) src(%arg12 : memref<128x128xf32, #tpu.memory_space<vmem>>) dst(%dma_wait3A_1104 : memref<10128x128xf32, #tpu.memory_space<vmem_shared>>)
      %dma_wait3A_1105 = arith.constant 0 : i32
      %dma_wait3A_1106 = tpu.memref_slice %arg3[%add3A_81, %dma_wait3A_1105] : memref<2560x128xi32, #tpu.memory_space<hbm>> -> memref<8x128xi32, #tpu.memory_space<hbm>>
      %dma_wait3A_1107 = arith.constant 0 : i32
      %dma_wait3A_1108 = tpu.memref_slice %arg3[%add3A_81, %dma_wait3A_1107] : memref<2560x128xi32, #tpu.memory_space<hbm>> -> memref<8x128xi32, #tpu.memory_space<hbm>>
      tpu.wait_dma2 semaphore(%arg20 : memref<!tpu.dma_semaphore, #tpu.memory_space<semaphore_mem>>) src(%dma_wait3A_1108 : memref<8x128xi32, #tpu.memory_space<hbm>>) dst(%arg9 : memref<8x128xi32, #tpu.memory_space<vmem>>)
      %dma_wait3A_1109 = arith.constant 0 : i32
      %dma_wait3A_1110 = tpu.memref_slice %arg4[%add3A_81, %dma_wait3A_1109] : memref<2560x128xi32, #tpu.memory_space<hbm>> -> memref<8x128xi32, #tpu.memory_space<hbm>>
      %dma_wait3A_1111 = arith.constant 0 : i32
      %dma_wait3A_1112 = tpu.memref_slice %arg4[%add3A_81, %dma_wait3A_1111] : memref<2560x128xi32, #tpu.memory_space<hbm>> -> memref<8x128xi32, #tpu.memory_space<hbm>>
      tpu.wait_dma2 semaphore(%arg20 : memref<!tpu.dma_semaphore, #tpu.memory_space<semaphore_mem>>) src(%dma_wait3A_1112 : memref<8x128xi32, #tpu.memory_space<hbm>>) dst(%arg11 : memref<8x128xi32, #tpu.memory_space<vmem>>)
      %dma_start3A_1113 = arith.constant 0 : i32
      %dma_start3A_1114 = arith.constant 0 : i32
      %dma_start3A_1115 = tpu.memref_slice %arg9[%dma_start3A_1113, %dma_start3A_1114] : memref<8x128xi32, #tpu.memory_space<vmem>> -> memref<1x128xi32, #tpu.memory_space<vmem>>
      %dma_start3A_1116 = tpu.memref_squeeze %dma_start3A_1115 : memref<1x128xi32, #tpu.memory_space<vmem>> -> memref<128xi32, #tpu.memory_space<vmem>>
      %dma_start3A_1117 = arith.constant 0 : i32
      %dma_start3A_1118 = arith.constant 0 : i32
      %dma_start3A_1119 = tpu.memref_slice %arg2[%dma_start3A_1117, %dma_start3A_1118] : memref<10000x128xf32, #tpu.memory_space<hbm>> -> memref<10000x128xf32, #tpu.memory_space<hbm>>
      tpu.enqueue_indirect_dma source(%dma_start3A_1119 : memref<10000x128xf32, #tpu.memory_space<hbm>>) target(%arg12 : memref<128x128xf32, #tpu.memory_space<vmem>>) offsets(%dma_start3A_1116 : memref<128xi32, #tpu.memory_space<vmem>>) semaphore(%arg15 : memref<!tpu.dma_semaphore, #tpu.memory_space<semaphore_mem>>)
      %dma_wait3A_1120 = arith.constant 7 : i32
      %dma_wait3A_1121 = arith.constant 0 : i32
      %dma_wait3A_1122 = tpu.memref_slice %arg8[%dma_wait3A_1120, %dma_wait3A_1121] : memref<8x128xi32, #tpu.memory_space<vmem>> -> memref<1x128xi32, #tpu.memory_space<vmem>>
      %dma_wait3A_1123 = tpu.memref_squeeze %dma_wait3A_1122 : memref<1x128xi32, #tpu.memory_space<vmem>> -> memref<128xi32, #tpu.memory_space<vmem>>
      %dma_wait3A_1124 = arith.constant 0 : i32
      %dma_wait3A_1125 = arith.constant 0 : i32
      %dma_wait3A_1126 = tpu.memref_slice %arg2[%dma_wait3A_1124, %dma_wait3A_1125] : memref<10000x128xf32, #tpu.memory_space<hbm>> -> memref<10000x128xf32, #tpu.memory_space<hbm>>
      tpu.wait_indirect_dma semaphore(%arg16 : memref<!tpu.dma_semaphore, #tpu.memory_space<semaphore_mem>>) src(%dma_wait3A_1126 : memref<10000x128xf32, #tpu.memory_space<hbm>>) dst(%arg13 : memref<128x128xf32, #tpu.memory_space<vmem>>)
      %dma_start3A_1127 = arith.constant 7 : i32
      %dma_start3A_1128 = arith.constant 0 : i32
      %dma_start3A_1129 = tpu.memref_slice %arg10[%dma_start3A_1127, %dma_start3A_1128] : memref<8x128xi32, #tpu.memory_space<vmem>> -> memref<1x128xi32, #tpu.memory_space<vmem>>
      %dma_start3A_1130 = tpu.memref_squeeze %dma_start3A_1129 : memref<1x128xi32, #tpu.memory_space<vmem>> -> memref<128xi32, #tpu.memory_space<vmem>>
      %dma_start3A_1131 = arith.constant 0 : i32
      %dma_start3A_1132 = arith.constant 0 : i32
      %dma_start3A_1133 = tpu.memref_slice %arg7[%dma_start3A_1131, %dma_start3A_1132] : memref<10128x128xf32, #tpu.memory_space<vmem_shared>> -> memref<10128x128xf32, #tpu.memory_space<vmem_shared>>
      tpu.enqueue_indirect_dma source(%arg13 : memref<128x128xf32, #tpu.memory_space<vmem>>) target(%dma_start3A_1133 : memref<10128x128xf32, #tpu.memory_space<vmem_shared>>) offsets(%dma_start3A_1130 : memref<128xi32, #tpu.memory_space<vmem>>) semaphore(%arg18 : memref<!tpu.dma_semaphore, #tpu.memory_space<semaphore_mem>>) {add = true}
      %dma_wait3A_1134 = arith.constant 7 : i32
      %dma_wait3A_1135 = arith.constant 0 : i32
      %dma_wait3A_1136 = tpu.memref_slice %arg10[%dma_wait3A_1134, %dma_wait3A_1135] : memref<8x128xi32, #tpu.memory_space<vmem>> -> memref<1x128xi32, #tpu.memory_space<vmem>>
      %dma_wait3A_1137 = tpu.memref_squeeze %dma_wait3A_1136 : memref<1x128xi32, #tpu.memory_space<vmem>> -> memref<128xi32, #tpu.memory_space<vmem>>
      %dma_wait3A_1138 = arith.constant 0 : i32
      %dma_wait3A_1139 = arith.constant 0 : i32
      %dma_wait3A_1140 = tpu.memref_slice %arg7[%dma_wait3A_1138, %dma_wait3A_1139] : memref<10128x128xf32, #tpu.memory_space<vmem_shared>> -> memref<10128x128xf32, #tpu.memory_space<vmem_shared>>
      tpu.wait_indirect_dma semaphore(%arg18 : memref<!tpu.dma_semaphore, #tpu.memory_space<semaphore_mem>>) src(%arg13 : memref<128x128xf32, #tpu.memory_space<vmem>>) dst(%dma_wait3A_1140 : memref<10128x128xf32, #tpu.memory_space<vmem_shared>>)
      %dma_start3A_1141 = arith.constant 1 : i32
      %dma_start3A_1142 = arith.constant 0 : i32
      %dma_start3A_1143 = tpu.memref_slice %arg9[%dma_start3A_1141, %dma_start3A_1142] : memref<8x128xi32, #tpu.memory_space<vmem>> -> memref<1x128xi32, #tpu.memory_space<vmem>>
      %dma_start3A_1144 = tpu.memref_squeeze %dma_start3A_1143 : memref<1x128xi32, #tpu.memory_space<vmem>> -> memref<128xi32, #tpu.memory_space<vmem>>
      %dma_start3A_1145 = arith.constant 0 : i32
      %dma_start3A_1146 = arith.constant 0 : i32
      %dma_start3A_1147 = tpu.memref_slice %arg2[%dma_start3A_1145, %dma_start3A_1146] : memref<10000x128xf32, #tpu.memory_space<hbm>> -> memref<10000x128xf32, #tpu.memory_space<hbm>>
      tpu.enqueue_indirect_dma source(%dma_start3A_1147 : memref<10000x128xf32, #tpu.memory_space<hbm>>) target(%arg13 : memref<128x128xf32, #tpu.memory_space<vmem>>) offsets(%dma_start3A_1144 : memref<128xi32, #tpu.memory_space<vmem>>) semaphore(%arg16 : memref<!tpu.dma_semaphore, #tpu.memory_space<semaphore_mem>>)
      %lt3A_1148 = arith.constant 4 : i32
      %lt3A_1149 = arith.cmpi slt, %while3A_73, %lt3A_1148 : i32
      %convert_element_type3A_1150 = arith.extui %lt3A_1149 : i1 to i32
      %cond3A_1151 = arith.constant 0 : i32
      %cond3A_1152 = arith.cmpi ne, %convert_element_type3A_1150, %cond3A_1151 : i32
      scf.if %cond3A_1152 {
        %add3A_2183 = arith.constant 512 : i32
        %add3A_2184 = arith.addi %multiple_of3A_79, %add3A_2183 : i32
        %dma_start3A_2185 = arith.constant 0 : i32
        %dma_start3A_2186 = tpu.memref_slice %arg3[%add3A_2184, %dma_start3A_2185] : memref<2560x128xi32, #tpu.memory_space<hbm>> -> memref<8x128xi32, #tpu.memory_space<hbm>>
        %dma_start3A_2187 = arith.constant 0 : i32
        %dma_start3A_2188 = tpu.memref_slice %arg3[%add3A_2184, %dma_start3A_2187] : memref<2560x128xi32, #tpu.memory_space<hbm>> -> memref<8x128xi32, #tpu.memory_space<hbm>>
        tpu.enqueue_dma source(%dma_start3A_2188 : memref<8x128xi32, #tpu.memory_space<hbm>>) target(%arg8 : memref<8x128xi32, #tpu.memory_space<vmem>>) target_semaphore(%arg19 : memref<!tpu.dma_semaphore, #tpu.memory_space<semaphore_mem>>)
        %dma_start3A_2189 = arith.constant 0 : i32
        %dma_start3A_2190 = tpu.memref_slice %arg4[%add3A_2184, %dma_start3A_2189] : memref<2560x128xi32, #tpu.memory_space<hbm>> -> memref<8x128xi32, #tpu.memory_space<hbm>>
        %dma_start3A_2191 = arith.constant 0 : i32
        %dma_start3A_2192 = tpu.memref_slice %arg4[%add3A_2184, %dma_start3A_2191] : memref<2560x128xi32, #tpu.memory_space<hbm>> -> memref<8x128xi32, #tpu.memory_space<hbm>>
        tpu.enqueue_dma source(%dma_start3A_2192 : memref<8x128xi32, #tpu.memory_space<hbm>>) target(%arg10 : memref<8x128xi32, #tpu.memory_space<vmem>>) target_semaphore(%arg19 : memref<!tpu.dma_semaphore, #tpu.memory_space<semaphore_mem>>)
      } else {
      }
      %get3A_1153 = arith.constant 0 : index
      %get3A_1154 = tpu.vector_load %arg14[%get3A_1153] {strides = array<i32>} : memref<16xi32, #tpu.memory_space<vmem>>, vector<16xi32>,
      %get3A_1155 = vector.shape_cast %get3A_1154 : vector<16xi32> to vector<16xi32>
      %add3A_1156 = arith.constant 0 : i32
      %add3A_1157 = arith.addi %add3A_81, %add3A_1156 : i32
      %lt3A_1158 = arith.constant 2500 : i32
      %lt3A_1159 = arith.cmpi slt, %add3A_1157, %lt3A_1158 : i32
      %get3A_1160 = arith.constant 0 : i64
      %get3A_1161 = arith.index_cast %get3A_1160 : i64 to index
      %get3A_1162 = arith.constant 0 : index
      %get3A_1163 = tpu.vector_load %arg9[%get3A_1161, %get3A_1162] {strides = array<i32>} : memref<8x128xi32, #tpu.memory_space<vmem>>, vector<1x16xi32>,
      %get3A_1164 = vector.shape_cast %get3A_1163 : vector<1x16xi32> to vector<16xi32>
      %max3A_1165 = arith.maxsi %get3A_1155, %get3A_1164 : vector<16xi32>
      %get3A_1166 = arith.constant 0 : i64
      %get3A_1167 = arith.index_cast %get3A_1166 : i64 to index
      %get3A_1168 = arith.constant 0 : index
      %get3A_1169 = tpu.vector_load %arg11[%get3A_1167, %get3A_1168] {strides = array<i32>} : memref<8x128xi32, #tpu.memory_space<vmem>>, vector<1x16xi32>,
      %get3A_1170 = vector.shape_cast %get3A_1169 : vector<1x16xi32> to vector<16xi32>
      %max3A_1171 = arith.maxsi %max3A_1165, %get3A_1170 : vector<16xi32>
      %get3A_1172 = arith.constant 0 : i64
      %get3A_1173 = arith.index_cast %get3A_1172 : i64 to index
      %get3A_1174 = arith.constant 16 : index
      %get3A_1175 = tpu.vector_load %arg9[%get3A_1173, %get3A_1174] {strides = array<i32>} : memref<8x128xi32, #tpu.memory_space<vmem>>, vector<1x16xi32>,
      %get3A_1176 = vector.shape_cast %get3A_1175 : vector<1x16xi32> to vector<16xi32>
      %max3A_1177 = arith.maxsi %max3A_1171, %get3A_1176 : vector<16xi32>
      %get3A_1178 = arith.constant 0 : i64
      %get3A_1179 = arith.index_cast %get3A_1178 : i64 to index
      %get3A_1180 = arith.constant 16 : index
      %get3A_1181 = tpu.vector_load %arg11[%get3A_1179, %get3A_1180] {strides = array<i32>} : memref<8x128xi32, #tpu.memory_space<vmem>>, vector<1x16xi32>,
      %get3A_1182 = vector.shape_cast %get3A_1181 : vector<1x16xi32> to vector<16xi32>
      %max3A_1183 = arith.maxsi %max3A_1177, %get3A_1182 : vector<16xi32>
      %get3A_1184 = arith.constant 0 : i64
      %get3A_1185 = arith.index_cast %get3A_1184 : i64 to index
      %get3A_1186 = arith.constant 32 : index
      %get3A_1187 = tpu.vector_load %arg9[%get3A_1185, %get3A_1186] {strides = array<i32>} : memref<8x128xi32, #tpu.memory_space<vmem>>, vector<1x16xi32>,
      %get3A_1188 = vector.shape_cast %get3A_1187 : vector<1x16xi32> to vector<16xi32>
      %max3A_1189 = arith.maxsi %max3A_1183, %get3A_1188 : vector<16xi32>
      %get3A_1190 = arith.constant 0 : i64
      %get3A_1191 = arith.index_cast %get3A_1190 : i64 to index
      %get3A_1192 = arith.constant 32 : index
      %get3A_1193 = tpu.vector_load %arg11[%get3A_1191, %get3A_1192] {strides = array<i32>} : memref<8x128xi32, #tpu.memory_space<vmem>>, vector<1x16xi32>,
      %get3A_1194 = vector.shape_cast %get3A_1193 : vector<1x16xi32> to vector<16xi32>
      %max3A_1195 = arith.maxsi %max3A_1189, %get3A_1194 : vector<16xi32>
      %get3A_1196 = arith.constant 0 : i64
      %get3A_1197 = arith.index_cast %get3A_1196 : i64 to index
      %get3A_1198 = arith.constant 48 : index
      %get3A_1199 = tpu.vector_load %arg9[%get3A_1197, %get3A_1198] {strides = array<i32>} : memref<8x128xi32, #tpu.memory_space<vmem>>, vector<1x16xi32>,
      %get3A_1200 = vector.shape_cast %get3A_1199 : vector<1x16xi32> to vector<16xi32>
      %max3A_1201 = arith.maxsi %max3A_1195, %get3A_1200 : vector<16xi32>
      %get3A_1202 = arith.constant 0 : i64
      %get3A_1203 = arith.index_cast %get3A_1202 : i64 to index
      %get3A_1204 = arith.constant 48 : index
      %get3A_1205 = tpu.vector_load %arg11[%get3A_1203, %get3A_1204] {strides = array<i32>} : memref<8x128xi32, #tpu.memory_space<vmem>>, vector<1x16xi32>,
      %get3A_1206 = vector.shape_cast %get3A_1205 : vector<1x16xi32> to vector<16xi32>
      %max3A_1207 = arith.maxsi %max3A_1201, %get3A_1206 : vector<16xi32>
      %get3A_1208 = arith.constant 0 : i64
      %get3A_1209 = arith.index_cast %get3A_1208 : i64 to index
      %get3A_1210 = arith.constant 64 : index
      %get3A_1211 = tpu.vector_load %arg9[%get3A_1209, %get3A_1210] {strides = array<i32>} : memref<8x128xi32, #tpu.memory_space<vmem>>, vector<1x16xi32>,
      %get3A_1212 = vector.shape_cast %get3A_1211 : vector<1x16xi32> to vector<16xi32>
      %max3A_1213 = arith.maxsi %max3A_1207, %get3A_1212 : vector<16xi32>
      %get3A_1214 = arith.constant 0 : i64
      %get3A_1215 = arith.index_cast %get3A_1214 : i64 to index
      %get3A_1216 = arith.constant 64 : index
      %get3A_1217 = tpu.vector_load %arg11[%get3A_1215, %get3A_1216] {strides = array<i32>} : memref<8x128xi32, #tpu.memory_space<vmem>>, vector<1x16xi32>,
      %get3A_1218 = vector.shape_cast %get3A_1217 : vector<1x16xi32> to vector<16xi32>
      %max3A_1219 = arith.maxsi %max3A_1213, %get3A_1218 : vector<16xi32>
      %get3A_1220 = arith.constant 0 : i64
      %get3A_1221 = arith.index_cast %get3A_1220 : i64 to index
      %get3A_1222 = arith.constant 80 : index
      %get3A_1223 = tpu.vector_load %arg9[%get3A_1221, %get3A_1222] {strides = array<i32>} : memref<8x128xi32, #tpu.memory_space<vmem>>, vector<1x16xi32>,
      %get3A_1224 = vector.shape_cast %get3A_1223 : vector<1x16xi32> to vector<16xi32>
      %max3A_1225 = arith.maxsi %max3A_1219, %get3A_1224 : vector<16xi32>
      %get3A_1226 = arith.constant 0 : i64
      %get3A_1227 = arith.index_cast %get3A_1226 : i64 to index
      %get3A_1228 = arith.constant 80 : index
      %get3A_1229 = tpu.vector_load %arg11[%get3A_1227, %get3A_1228] {strides = array<i32>} : memref<8x128xi32, #tpu.memory_space<vmem>>, vector<1x16xi32>,
      %get3A_1230 = vector.shape_cast %get3A_1229 : vector<1x16xi32> to vector<16xi32>
      %max3A_1231 = arith.maxsi %max3A_1225, %get3A_1230 : vector<16xi32>
      %get3A_1232 = arith.constant 0 : i64
      %get3A_1233 = arith.index_cast %get3A_1232 : i64 to index
      %get3A_1234 = arith.constant 96 : index
      %get3A_1235 = tpu.vector_load %arg9[%get3A_1233, %get3A_1234] {strides = array<i32>} : memref<8x128xi32, #tpu.memory_space<vmem>>, vector<1x16xi32>,
      %get3A_1236 = vector.shape_cast %get3A_1235 : vector<1x16xi32> to vector<16xi32>
      %max3A_1237 = arith.maxsi %max3A_1231, %get3A_1236 : vector<16xi32>
      %get3A_1238 = arith.constant 0 : i64
      %get3A_1239 = arith.index_cast %get3A_1238 : i64 to index
      %get3A_1240 = arith.constant 96 : index
      %get3A_1241 = tpu.vector_load %arg11[%get3A_1239, %get3A_1240] {strides = array<i32>} : memref<8x128xi32, #tpu.memory_space<vmem>>, vector<1x16xi32>,
      %get3A_1242 = vector.shape_cast %get3A_1241 : vector<1x16xi32> to vector<16xi32>
      %max3A_1243 = arith.maxsi %max3A_1237, %get3A_1242 : vector<16xi32>
      %get3A_1244 = arith.constant 0 : i64
      %get3A_1245 = arith.index_cast %get3A_1244 : i64 to index
      %get3A_1246 = arith.constant 112 : index
      %get3A_1247 = tpu.vector_load %arg9[%get3A_1245, %get3A_1246] {strides = array<i32>} : memref<8x128xi32, #tpu.memory_space<vmem>>, vector<1x16xi32>,
      %get3A_1248 = vector.shape_cast %get3A_1247 : vector<1x16xi32> to vector<16xi32>
      %max3A_1249 = arith.maxsi %max3A_1243, %get3A_1248 : vector<16xi32>
      %get3A_1250 = arith.constant 0 : i64
      %get3A_1251 = arith.index_cast %get3A_1250 : i64 to index
      %get3A_1252 = arith.constant 112 : index
      %get3A_1253 = tpu.vector_load %arg11[%get3A_1251, %get3A_1252] {strides = array<i32>} : memref<8x128xi32, #tpu.memory_space<vmem>>, vector<1x16xi32>,
      %get3A_1254 = vector.shape_cast %get3A_1253 : vector<1x16xi32> to vector<16xi32>
      %max3A_1255 = arith.maxsi %max3A_1249, %get3A_1254 : vector<16xi32>
      %select_n3A_1256 = arith.select %lt3A_1159, %max3A_1255, %get3A_1155 : vector<16xi32>
      %add3A_1257 = arith.constant 1 : i32
      %add3A_1258 = arith.addi %add3A_81, %add3A_1257 : i32
      %lt3A_1259 = arith.constant 2500 : i32
      %lt3A_1260 = arith.cmpi slt, %add3A_1258, %lt3A_1259 : i32
      %get3A_1261 = arith.constant 1 : i64
      %get3A_1262 = arith.index_cast %get3A_1261 : i64 to index
      %get3A_1263 = arith.constant 0 : index
      %get3A_1264 = tpu.vector_load %arg9[%get3A_1262, %get3A_1263] {strides = array<i32>} : memref<8x128xi32, #tpu.memory_space<vmem>>, vector<1x16xi32>,
      %get3A_1265 = vector.shape_cast %get3A_1264 : vector<1x16xi32> to vector<16xi32>
      %max3A_1266 = arith.maxsi %select_n3A_1256, %get3A_1265 : vector<16xi32>
      %get3A_1267 = arith.constant 1 : i64
      %get3A_1268 = arith.index_cast %get3A_1267 : i64 to index
      %get3A_1269 = arith.constant 0 : index
      %get3A_1270 = tpu.vector_load %arg11[%get3A_1268, %get3A_1269] {strides = array<i32>} : memref<8x128xi32, #tpu.memory_space<vmem>>, vector<1x16xi32>,
      %get3A_1271 = vector.shape_cast %get3A_1270 : vector<1x16xi32> to vector<16xi32>
      %max3A_1272 = arith.maxsi %max3A_1266, %get3A_1271 : vector<16xi32>
      %get3A_1273 = arith.constant 1 : i64
      %get3A_1274 = arith.index_cast %get3A_1273 : i64 to index
      %get3A_1275 = arith.constant 16 : index
      %get3A_1276 = tpu.vector_load %arg9[%get3A_1274, %get3A_1275] {strides = array<i32>} : memref<8x128xi32, #tpu.memory_space<vmem>>, vector<1x16xi32>,
      %get3A_1277 = vector.shape_cast %get3A_1276 : vector<1x16xi32> to vector<16xi32>
      %max3A_1278 = arith.maxsi %max3A_1272, %get3A_1277 : vector<16xi32>
      %get3A_1279 = arith.constant 1 : i64
      %get3A_1280 = arith.index_cast %get3A_1279 : i64 to index
      %get3A_1281 = arith.constant 16 : index
      %get3A_1282 = tpu.vector_load %arg11[%get3A_1280, %get3A_1281] {strides = array<i32>} : memref<8x128xi32, #tpu.memory_space<vmem>>, vector<1x16xi32>,
      %get3A_1283 = vector.shape_cast %get3A_1282 : vector<1x16xi32> to vector<16xi32>
      %max3A_1284 = arith.maxsi %max3A_1278, %get3A_1283 : vector<16xi32>
      %get3A_1285 = arith.constant 1 : i64
      %get3A_1286 = arith.index_cast %get3A_1285 : i64 to index
      %get3A_1287 = arith.constant 32 : index
      %get3A_1288 = tpu.vector_load %arg9[%get3A_1286, %get3A_1287] {strides = array<i32>} : memref<8x128xi32, #tpu.memory_space<vmem>>, vector<1x16xi32>,
      %get3A_1289 = vector.shape_cast %get3A_1288 : vector<1x16xi32> to vector<16xi32>
      %max3A_1290 = arith.maxsi %max3A_1284, %get3A_1289 : vector<16xi32>
      %get3A_1291 = arith.constant 1 : i64
      %get3A_1292 = arith.index_cast %get3A_1291 : i64 to index
      %get3A_1293 = arith.constant 32 : index
      %get3A_1294 = tpu.vector_load %arg11[%get3A_1292, %get3A_1293] {strides = array<i32>} : memref<8x128xi32, #tpu.memory_space<vmem>>, vector<1x16xi32>,
      %get3A_1295 = vector.shape_cast %get3A_1294 : vector<1x16xi32> to vector<16xi32>
      %max3A_1296 = arith.maxsi %max3A_1290, %get3A_1295 : vector<16xi32>
      %get3A_1297 = arith.constant 1 : i64
      %get3A_1298 = arith.index_cast %get3A_1297 : i64 to index
      %get3A_1299 = arith.constant 48 : index
      %get3A_1300 = tpu.vector_load %arg9[%get3A_1298, %get3A_1299] {strides = array<i32>} : memref<8x128xi32, #tpu.memory_space<vmem>>, vector<1x16xi32>,
      %get3A_1301 = vector.shape_cast %get3A_1300 : vector<1x16xi32> to vector<16xi32>
      %max3A_1302 = arith.maxsi %max3A_1296, %get3A_1301 : vector<16xi32>
      %get3A_1303 = arith.constant 1 : i64
      %get3A_1304 = arith.index_cast %get3A_1303 : i64 to index
      %get3A_1305 = arith.constant 48 : index
      %get3A_1306 = tpu.vector_load %arg11[%get3A_1304, %get3A_1305] {strides = array<i32>} : memref<8x128xi32, #tpu.memory_space<vmem>>, vector<1x16xi32>,
      %get3A_1307 = vector.shape_cast %get3A_1306 : vector<1x16xi32> to vector<16xi32>
      %max3A_1308 = arith.maxsi %max3A_1302, %get3A_1307 : vector<16xi32>
      %get3A_1309 = arith.constant 1 : i64
      %get3A_1310 = arith.index_cast %get3A_1309 : i64 to index
      %get3A_1311 = arith.constant 64 : index
      %get3A_1312 = tpu.vector_load %arg9[%get3A_1310, %get3A_1311] {strides = array<i32>} : memref<8x128xi32, #tpu.memory_space<vmem>>, vector<1x16xi32>,
      %get3A_1313 = vector.shape_cast %get3A_1312 : vector<1x16xi32> to vector<16xi32>
      %max3A_1314 = arith.maxsi %max3A_1308, %get3A_1313 : vector<16xi32>
      %get3A_1315 = arith.constant 1 : i64
      %get3A_1316 = arith.index_cast %get3A_1315 : i64 to index
      %get3A_1317 = arith.constant 64 : index
      %get3A_1318 = tpu.vector_load %arg11[%get3A_1316, %get3A_1317] {strides = array<i32>} : memref<8x128xi32, #tpu.memory_space<vmem>>, vector<1x16xi32>,
      %get3A_1319 = vector.shape_cast %get3A_1318 : vector<1x16xi32> to vector<16xi32>
      %max3A_1320 = arith.maxsi %max3A_1314, %get3A_1319 : vector<16xi32>
      %get3A_1321 = arith.constant 1 : i64
      %get3A_1322 = arith.index_cast %get3A_1321 : i64 to index
      %get3A_1323 = arith.constant 80 : index
      %get3A_1324 = tpu.vector_load %arg9[%get3A_1322, %get3A_1323] {strides = array<i32>} : memref<8x128xi32, #tpu.memory_space<vmem>>, vector<1x16xi32>,
      %get3A_1325 = vector.shape_cast %get3A_1324 : vector<1x16xi32> to vector<16xi32>
      %max3A_1326 = arith.maxsi %max3A_1320, %get3A_1325 : vector<16xi32>
      %get3A_1327 = arith.constant 1 : i64
      %get3A_1328 = arith.index_cast %get3A_1327 : i64 to index
      %get3A_1329 = arith.constant 80 : index
      %get3A_1330 = tpu.vector_load %arg11[%get3A_1328, %get3A_1329] {strides = array<i32>} : memref<8x128xi32, #tpu.memory_space<vmem>>, vector<1x16xi32>,
      %get3A_1331 = vector.shape_cast %get3A_1330 : vector<1x16xi32> to vector<16xi32>
      %max3A_1332 = arith.maxsi %max3A_1326, %get3A_1331 : vector<16xi32>
      %get3A_1333 = arith.constant 1 : i64
      %get3A_1334 = arith.index_cast %get3A_1333 : i64 to index
      %get3A_1335 = arith.constant 96 : index
      %get3A_1336 = tpu.vector_load %arg9[%get3A_1334, %get3A_1335] {strides = array<i32>} : memref<8x128xi32, #tpu.memory_space<vmem>>, vector<1x16xi32>,
      %get3A_1337 = vector.shape_cast %get3A_1336 : vector<1x16xi32> to vector<16xi32>
      %max3A_1338 = arith.maxsi %max3A_1332, %get3A_1337 : vector<16xi32>
      %get3A_1339 = arith.constant 1 : i64
      %get3A_1340 = arith.index_cast %get3A_1339 : i64 to index
      %get3A_1341 = arith.constant 96 : index
      %get3A_1342 = tpu.vector_load %arg11[%get3A_1340, %get3A_1341] {strides = array<i32>} : memref<8x128xi32, #tpu.memory_space<vmem>>, vector<1x16xi32>,
      %get3A_1343 = vector.shape_cast %get3A_1342 : vector<1x16xi32> to vector<16xi32>
      %max3A_1344 = arith.maxsi %max3A_1338, %get3A_1343 : vector<16xi32>
      %get3A_1345 = arith.constant 1 : i64
      %get3A_1346 = arith.index_cast %get3A_1345 : i64 to index
      %get3A_1347 = arith.constant 112 : index
      %get3A_1348 = tpu.vector_load %arg9[%get3A_1346, %get3A_1347] {strides = array<i32>} : memref<8x128xi32, #tpu.memory_space<vmem>>, vector<1x16xi32>,
      %get3A_1349 = vector.shape_cast %get3A_1348 : vector<1x16xi32> to vector<16xi32>
      %max3A_1350 = arith.maxsi %max3A_1344, %get3A_1349 : vector<16xi32>
      %get3A_1351 = arith.constant 1 : i64
      %get3A_1352 = arith.index_cast %get3A_1351 : i64 to index
      %get3A_1353 = arith.constant 112 : index
      %get3A_1354 = tpu.vector_load %arg11[%get3A_1352, %get3A_1353] {strides = array<i32>} : memref<8x128xi32, #tpu.memory_space<vmem>>, vector<1x16xi32>,
      %get3A_1355 = vector.shape_cast %get3A_1354 : vector<1x16xi32> to vector<16xi32>
      %max3A_1356 = arith.maxsi %max3A_1350, %get3A_1355 : vector<16xi32>
      %select_n3A_1357 = arith.select %lt3A_1260, %max3A_1356, %select_n3A_1256 : vector<16xi32>
      %add3A_1358 = arith.constant 2 : i32
      %add3A_1359 = arith.addi %add3A_81, %add3A_1358 : i32
      %lt3A_1360 = arith.constant 2500 : i32
      %lt3A_1361 = arith.cmpi slt, %add3A_1359, %lt3A_1360 : i32
      %get3A_1362 = arith.constant 2 : i64
      %get3A_1363 = arith.index_cast %get3A_1362 : i64 to index
      %get3A_1364 = arith.constant 0 : index
      %get3A_1365 = tpu.vector_load %arg9[%get3A_1363, %get3A_1364] {strides = array<i32>} : memref<8x128xi32, #tpu.memory_space<vmem>>, vector<1x16xi32>,
      %get3A_1366 = vector.shape_cast %get3A_1365 : vector<1x16xi32> to vector<16xi32>
      %max3A_1367 = arith.maxsi %select_n3A_1357, %get3A_1366 : vector<16xi32>
      %get3A_1368 = arith.constant 2 : i64
      %get3A_1369 = arith.index_cast %get3A_1368 : i64 to index
      %get3A_1370 = arith.constant 0 : index
      %get3A_1371 = tpu.vector_load %arg11[%get3A_1369, %get3A_1370] {strides = array<i32>} : memref<8x128xi32, #tpu.memory_space<vmem>>, vector<1x16xi32>,
      %get3A_1372 = vector.shape_cast %get3A_1371 : vector<1x16xi32> to vector<16xi32>
      %max3A_1373 = arith.maxsi %max3A_1367, %get3A_1372 : vector<16xi32>
      %get3A_1374 = arith.constant 2 : i64
      %get3A_1375 = arith.index_cast %get3A_1374 : i64 to index
      %get3A_1376 = arith.constant 16 : index
      %get3A_1377 = tpu.vector_load %arg9[%get3A_1375, %get3A_1376] {strides = array<i32>} : memref<8x128xi32, #tpu.memory_space<vmem>>, vector<1x16xi32>,
      %get3A_1378 = vector.shape_cast %get3A_1377 : vector<1x16xi32> to vector<16xi32>
      %max3A_1379 = arith.maxsi %max3A_1373, %get3A_1378 : vector<16xi32>
      %get3A_1380 = arith.constant 2 : i64
      %get3A_1381 = arith.index_cast %get3A_1380 : i64 to index
      %get3A_1382 = arith.constant 16 : index
      %get3A_1383 = tpu.vector_load %arg11[%get3A_1381, %get3A_1382] {strides = array<i32>} : memref<8x128xi32, #tpu.memory_space<vmem>>, vector<1x16xi32>,
      %get3A_1384 = vector.shape_cast %get3A_1383 : vector<1x16xi32> to vector<16xi32>
      %max3A_1385 = arith.maxsi %max3A_1379, %get3A_1384 : vector<16xi32>
      %get3A_1386 = arith.constant 2 : i64
      %get3A_1387 = arith.index_cast %get3A_1386 : i64 to index
      %get3A_1388 = arith.constant 32 : index
      %get3A_1389 = tpu.vector_load %arg9[%get3A_1387, %get3A_1388] {strides = array<i32>} : memref<8x128xi32, #tpu.memory_space<vmem>>, vector<1x16xi32>,
      %get3A_1390 = vector.shape_cast %get3A_1389 : vector<1x16xi32> to vector<16xi32>
      %max3A_1391 = arith.maxsi %max3A_1385, %get3A_1390 : vector<16xi32>
      %get3A_1392 = arith.constant 2 : i64
      %get3A_1393 = arith.index_cast %get3A_1392 : i64 to index
      %get3A_1394 = arith.constant 32 : index
      %get3A_1395 = tpu.vector_load %arg11[%get3A_1393, %get3A_1394] {strides = array<i32>} : memref<8x128xi32, #tpu.memory_space<vmem>>, vector<1x16xi32>,
      %get3A_1396 = vector.shape_cast %get3A_1395 : vector<1x16xi32> to vector<16xi32>
      %max3A_1397 = arith.maxsi %max3A_1391, %get3A_1396 : vector<16xi32>
      %get3A_1398 = arith.constant 2 : i64
      %get3A_1399 = arith.index_cast %get3A_1398 : i64 to index
      %get3A_1400 = arith.constant 48 : index
      %get3A_1401 = tpu.vector_load %arg9[%get3A_1399, %get3A_1400] {strides = array<i32>} : memref<8x128xi32, #tpu.memory_space<vmem>>, vector<1x16xi32>,
      %get3A_1402 = vector.shape_cast %get3A_1401 : vector<1x16xi32> to vector<16xi32>
      %max3A_1403 = arith.maxsi %max3A_1397, %get3A_1402 : vector<16xi32>
      %get3A_1404 = arith.constant 2 : i64
      %get3A_1405 = arith.index_cast %get3A_1404 : i64 to index
      %get3A_1406 = arith.constant 48 : index
      %get3A_1407 = tpu.vector_load %arg11[%get3A_1405, %get3A_1406] {strides = array<i32>} : memref<8x128xi32, #tpu.memory_space<vmem>>, vector<1x16xi32>,
      %get3A_1408 = vector.shape_cast %get3A_1407 : vector<1x16xi32> to vector<16xi32>
      %max3A_1409 = arith.maxsi %max3A_1403, %get3A_1408 : vector<16xi32>
      %get3A_1410 = arith.constant 2 : i64
      %get3A_1411 = arith.index_cast %get3A_1410 : i64 to index
      %get3A_1412 = arith.constant 64 : index
      %get3A_1413 = tpu.vector_load %arg9[%get3A_1411, %get3A_1412] {strides = array<i32>} : memref<8x128xi32, #tpu.memory_space<vmem>>, vector<1x16xi32>,
      %get3A_1414 = vector.shape_cast %get3A_1413 : vector<1x16xi32> to vector<16xi32>
      %max3A_1415 = arith.maxsi %max3A_1409, %get3A_1414 : vector<16xi32>
      %get3A_1416 = arith.constant 2 : i64
      %get3A_1417 = arith.index_cast %get3A_1416 : i64 to index
      %get3A_1418 = arith.constant 64 : index
      %get3A_1419 = tpu.vector_load %arg11[%get3A_1417, %get3A_1418] {strides = array<i32>} : memref<8x128xi32, #tpu.memory_space<vmem>>, vector<1x16xi32>,
      %get3A_1420 = vector.shape_cast %get3A_1419 : vector<1x16xi32> to vector<16xi32>
      %max3A_1421 = arith.maxsi %max3A_1415, %get3A_1420 : vector<16xi32>
      %get3A_1422 = arith.constant 2 : i64
      %get3A_1423 = arith.index_cast %get3A_1422 : i64 to index
      %get3A_1424 = arith.constant 80 : index
      %get3A_1425 = tpu.vector_load %arg9[%get3A_1423, %get3A_1424] {strides = array<i32>} : memref<8x128xi32, #tpu.memory_space<vmem>>, vector<1x16xi32>,
      %get3A_1426 = vector.shape_cast %get3A_1425 : vector<1x16xi32> to vector<16xi32>
      %max3A_1427 = arith.maxsi %max3A_1421, %get3A_1426 : vector<16xi32>
      %get3A_1428 = arith.constant 2 : i64
      %get3A_1429 = arith.index_cast %get3A_1428 : i64 to index
      %get3A_1430 = arith.constant 80 : index
      %get3A_1431 = tpu.vector_load %arg11[%get3A_1429, %get3A_1430] {strides = array<i32>} : memref<8x128xi32, #tpu.memory_space<vmem>>, vector<1x16xi32>,
      %get3A_1432 = vector.shape_cast %get3A_1431 : vector<1x16xi32> to vector<16xi32>
      %max3A_1433 = arith.maxsi %max3A_1427, %get3A_1432 : vector<16xi32>
      %get3A_1434 = arith.constant 2 : i64
      %get3A_1435 = arith.index_cast %get3A_1434 : i64 to index
      %get3A_1436 = arith.constant 96 : index
      %get3A_1437 = tpu.vector_load %arg9[%get3A_1435, %get3A_1436] {strides = array<i32>} : memref<8x128xi32, #tpu.memory_space<vmem>>, vector<1x16xi32>,
      %get3A_1438 = vector.shape_cast %get3A_1437 : vector<1x16xi32> to vector<16xi32>
      %max3A_1439 = arith.maxsi %max3A_1433, %get3A_1438 : vector<16xi32>
      %get3A_1440 = arith.constant 2 : i64
      %get3A_1441 = arith.index_cast %get3A_1440 : i64 to index
      %get3A_1442 = arith.constant 96 : index
      %get3A_1443 = tpu.vector_load %arg11[%get3A_1441, %get3A_1442] {strides = array<i32>} : memref<8x128xi32, #tpu.memory_space<vmem>>, vector<1x16xi32>,
      %get3A_1444 = vector.shape_cast %get3A_1443 : vector<1x16xi32> to vector<16xi32>
      %max3A_1445 = arith.maxsi %max3A_1439, %get3A_1444 : vector<16xi32>
      %get3A_1446 = arith.constant 2 : i64
      %get3A_1447 = arith.index_cast %get3A_1446 : i64 to index
      %get3A_1448 = arith.constant 112 : index
      %get3A_1449 = tpu.vector_load %arg9[%get3A_1447, %get3A_1448] {strides = array<i32>} : memref<8x128xi32, #tpu.memory_space<vmem>>, vector<1x16xi32>,
      %get3A_1450 = vector.shape_cast %get3A_1449 : vector<1x16xi32> to vector<16xi32>
      %max3A_1451 = arith.maxsi %max3A_1445, %get3A_1450 : vector<16xi32>
      %get3A_1452 = arith.constant 2 : i64
      %get3A_1453 = arith.index_cast %get3A_1452 : i64 to index
      %get3A_1454 = arith.constant 112 : index
      %get3A_1455 = tpu.vector_load %arg11[%get3A_1453, %get3A_1454] {strides = array<i32>} : memref<8x128xi32, #tpu.memory_space<vmem>>, vector<1x16xi32>,
      %get3A_1456 = vector.shape_cast %get3A_1455 : vector<1x16xi32> to vector<16xi32>
      %max3A_1457 = arith.maxsi %max3A_1451, %get3A_1456 : vector<16xi32>
      %select_n3A_1458 = arith.select %lt3A_1361, %max3A_1457, %select_n3A_1357 : vector<16xi32>
      %add3A_1459 = arith.constant 3 : i32
      %add3A_1460 = arith.addi %add3A_81, %add3A_1459 : i32
      %lt3A_1461 = arith.constant 2500 : i32
      %lt3A_1462 = arith.cmpi slt, %add3A_1460, %lt3A_1461 : i32
      %get3A_1463 = arith.constant 3 : i64
      %get3A_1464 = arith.index_cast %get3A_1463 : i64 to index
      %get3A_1465 = arith.constant 0 : index
      %get3A_1466 = tpu.vector_load %arg9[%get3A_1464, %get3A_1465] {strides = array<i32>} : memref<8x128xi32, #tpu.memory_space<vmem>>, vector<1x16xi32>,
      %get3A_1467 = vector.shape_cast %get3A_1466 : vector<1x16xi32> to vector<16xi32>
      %max3A_1468 = arith.maxsi %select_n3A_1458, %get3A_1467 : vector<16xi32>
      %get3A_1469 = arith.constant 3 : i64
      %get3A_1470 = arith.index_cast %get3A_1469 : i64 to index
      %get3A_1471 = arith.constant 0 : index
      %get3A_1472 = tpu.vector_load %arg11[%get3A_1470, %get3A_1471] {strides = array<i32>} : memref<8x128xi32, #tpu.memory_space<vmem>>, vector<1x16xi32>,
      %get3A_1473 = vector.shape_cast %get3A_1472 : vector<1x16xi32> to vector<16xi32>
      %max3A_1474 = arith.maxsi %max3A_1468, %get3A_1473 : vector<16xi32>
      %get3A_1475 = arith.constant 3 : i64
      %get3A_1476 = arith.index_cast %get3A_1475 : i64 to index
      %get3A_1477 = arith.constant 16 : index
      %get3A_1478 = tpu.vector_load %arg9[%get3A_1476, %get3A_1477] {strides = array<i32>} : memref<8x128xi32, #tpu.memory_space<vmem>>, vector<1x16xi32>,
      %get3A_1479 = vector.shape_cast %get3A_1478 : vector<1x16xi32> to vector<16xi32>
      %max3A_1480 = arith.maxsi %max3A_1474, %get3A_1479 : vector<16xi32>
      %get3A_1481 = arith.constant 3 : i64
      %get3A_1482 = arith.index_cast %get3A_1481 : i64 to index
      %get3A_1483 = arith.constant 16 : index
      %get3A_1484 = tpu.vector_load %arg11[%get3A_1482, %get3A_1483] {strides = array<i32>} : memref<8x128xi32, #tpu.memory_space<vmem>>, vector<1x16xi32>,
      %get3A_1485 = vector.shape_cast %get3A_1484 : vector<1x16xi32> to vector<16xi32>
      %max3A_1486 = arith.maxsi %max3A_1480, %get3A_1485 : vector<16xi32>
      %get3A_1487 = arith.constant 3 : i64
      %get3A_1488 = arith.index_cast %get3A_1487 : i64 to index
      %get3A_1489 = arith.constant 32 : index
      %get3A_1490 = tpu.vector_load %arg9[%get3A_1488, %get3A_1489] {strides = array<i32>} : memref<8x128xi32, #tpu.memory_space<vmem>>, vector<1x16xi32>,
      %get3A_1491 = vector.shape_cast %get3A_1490 : vector<1x16xi32> to vector<16xi32>
      %max3A_1492 = arith.maxsi %max3A_1486, %get3A_1491 : vector<16xi32>
      %get3A_1493 = arith.constant 3 : i64
      %get3A_1494 = arith.index_cast %get3A_1493 : i64 to index
      %get3A_1495 = arith.constant 32 : index
      %get3A_1496 = tpu.vector_load %arg11[%get3A_1494, %get3A_1495] {strides = array<i32>} : memref<8x128xi32, #tpu.memory_space<vmem>>, vector<1x16xi32>,
      %get3A_1497 = vector.shape_cast %get3A_1496 : vector<1x16xi32> to vector<16xi32>
      %max3A_1498 = arith.maxsi %max3A_1492, %get3A_1497 : vector<16xi32>
      %get3A_1499 = arith.constant 3 : i64
      %get3A_1500 = arith.index_cast %get3A_1499 : i64 to index
      %get3A_1501 = arith.constant 48 : index
      %get3A_1502 = tpu.vector_load %arg9[%get3A_1500, %get3A_1501] {strides = array<i32>} : memref<8x128xi32, #tpu.memory_space<vmem>>, vector<1x16xi32>,
      %get3A_1503 = vector.shape_cast %get3A_1502 : vector<1x16xi32> to vector<16xi32>
      %max3A_1504 = arith.maxsi %max3A_1498, %get3A_1503 : vector<16xi32>
      %get3A_1505 = arith.constant 3 : i64
      %get3A_1506 = arith.index_cast %get3A_1505 : i64 to index
      %get3A_1507 = arith.constant 48 : index
      %get3A_1508 = tpu.vector_load %arg11[%get3A_1506, %get3A_1507] {strides = array<i32>} : memref<8x128xi32, #tpu.memory_space<vmem>>, vector<1x16xi32>,
      %get3A_1509 = vector.shape_cast %get3A_1508 : vector<1x16xi32> to vector<16xi32>
      %max3A_1510 = arith.maxsi %max3A_1504, %get3A_1509 : vector<16xi32>
      %get3A_1511 = arith.constant 3 : i64
      %get3A_1512 = arith.index_cast %get3A_1511 : i64 to index
      %get3A_1513 = arith.constant 64 : index
      %get3A_1514 = tpu.vector_load %arg9[%get3A_1512, %get3A_1513] {strides = array<i32>} : memref<8x128xi32, #tpu.memory_space<vmem>>, vector<1x16xi32>,
      %get3A_1515 = vector.shape_cast %get3A_1514 : vector<1x16xi32> to vector<16xi32>
      %max3A_1516 = arith.maxsi %max3A_1510, %get3A_1515 : vector<16xi32>
      %get3A_1517 = arith.constant 3 : i64
      %get3A_1518 = arith.index_cast %get3A_1517 : i64 to index
      %get3A_1519 = arith.constant 64 : index
      %get3A_1520 = tpu.vector_load %arg11[%get3A_1518, %get3A_1519] {strides = array<i32>} : memref<8x128xi32, #tpu.memory_space<vmem>>, vector<1x16xi32>,
      %get3A_1521 = vector.shape_cast %get3A_1520 : vector<1x16xi32> to vector<16xi32>
      %max3A_1522 = arith.maxsi %max3A_1516, %get3A_1521 : vector<16xi32>
      %get3A_1523 = arith.constant 3 : i64
      %get3A_1524 = arith.index_cast %get3A_1523 : i64 to index
      %get3A_1525 = arith.constant 80 : index
      %get3A_1526 = tpu.vector_load %arg9[%get3A_1524, %get3A_1525] {strides = array<i32>} : memref<8x128xi32, #tpu.memory_space<vmem>>, vector<1x16xi32>,
      %get3A_1527 = vector.shape_cast %get3A_1526 : vector<1x16xi32> to vector<16xi32>
      %max3A_1528 = arith.maxsi %max3A_1522, %get3A_1527 : vector<16xi32>
      %get3A_1529 = arith.constant 3 : i64
      %get3A_1530 = arith.index_cast %get3A_1529 : i64 to index
      %get3A_1531 = arith.constant 80 : index
      %get3A_1532 = tpu.vector_load %arg11[%get3A_1530, %get3A_1531] {strides = array<i32>} : memref<8x128xi32, #tpu.memory_space<vmem>>, vector<1x16xi32>,
      %get3A_1533 = vector.shape_cast %get3A_1532 : vector<1x16xi32> to vector<16xi32>
      %max3A_1534 = arith.maxsi %max3A_1528, %get3A_1533 : vector<16xi32>
      %get3A_1535 = arith.constant 3 : i64
      %get3A_1536 = arith.index_cast %get3A_1535 : i64 to index
      %get3A_1537 = arith.constant 96 : index
      %get3A_1538 = tpu.vector_load %arg9[%get3A_1536, %get3A_1537] {strides = array<i32>} : memref<8x128xi32, #tpu.memory_space<vmem>>, vector<1x16xi32>,
      %get3A_1539 = vector.shape_cast %get3A_1538 : vector<1x16xi32> to vector<16xi32>
      %max3A_1540 = arith.maxsi %max3A_1534, %get3A_1539 : vector<16xi32>
      %get3A_1541 = arith.constant 3 : i64
      %get3A_1542 = arith.index_cast %get3A_1541 : i64 to index
      %get3A_1543 = arith.constant 96 : index
      %get3A_1544 = tpu.vector_load %arg11[%get3A_1542, %get3A_1543] {strides = array<i32>} : memref<8x128xi32, #tpu.memory_space<vmem>>, vector<1x16xi32>,
      %get3A_1545 = vector.shape_cast %get3A_1544 : vector<1x16xi32> to vector<16xi32>
      %max3A_1546 = arith.maxsi %max3A_1540, %get3A_1545 : vector<16xi32>
      %get3A_1547 = arith.constant 3 : i64
      %get3A_1548 = arith.index_cast %get3A_1547 : i64 to index
      %get3A_1549 = arith.constant 112 : index
      %get3A_1550 = tpu.vector_load %arg9[%get3A_1548, %get3A_1549] {strides = array<i32>} : memref<8x128xi32, #tpu.memory_space<vmem>>, vector<1x16xi32>,
      %get3A_1551 = vector.shape_cast %get3A_1550 : vector<1x16xi32> to vector<16xi32>
      %max3A_1552 = arith.maxsi %max3A_1546, %get3A_1551 : vector<16xi32>
      %get3A_1553 = arith.constant 3 : i64
      %get3A_1554 = arith.index_cast %get3A_1553 : i64 to index
      %get3A_1555 = arith.constant 112 : index
      %get3A_1556 = tpu.vector_load %arg11[%get3A_1554, %get3A_1555] {strides = array<i32>} : memref<8x128xi32, #tpu.memory_space<vmem>>, vector<1x16xi32>,
      %get3A_1557 = vector.shape_cast %get3A_1556 : vector<1x16xi32> to vector<16xi32>
      %max3A_1558 = arith.maxsi %max3A_1552, %get3A_1557 : vector<16xi32>
      %select_n3A_1559 = arith.select %lt3A_1462, %max3A_1558, %select_n3A_1458 : vector<16xi32>
      %add3A_1560 = arith.constant 4 : i32
      %add3A_1561 = arith.addi %add3A_81, %add3A_1560 : i32
      %lt3A_1562 = arith.constant 2500 : i32
      %lt3A_1563 = arith.cmpi slt, %add3A_1561, %lt3A_1562 : i32
      %get3A_1564 = arith.constant 4 : i64
      %get3A_1565 = arith.index_cast %get3A_1564 : i64 to index
      %get3A_1566 = arith.constant 0 : index
      %get3A_1567 = tpu.vector_load %arg9[%get3A_1565, %get3A_1566] {strides = array<i32>} : memref<8x128xi32, #tpu.memory_space<vmem>>, vector<1x16xi32>,
      %get3A_1568 = vector.shape_cast %get3A_1567 : vector<1x16xi32> to vector<16xi32>
      %max3A_1569 = arith.maxsi %select_n3A_1559, %get3A_1568 : vector<16xi32>
      %get3A_1570 = arith.constant 4 : i64
      %get3A_1571 = arith.index_cast %get3A_1570 : i64 to index
      %get3A_1572 = arith.constant 0 : index
      %get3A_1573 = tpu.vector_load %arg11[%get3A_1571, %get3A_1572] {strides = array<i32>} : memref<8x128xi32, #tpu.memory_space<vmem>>, vector<1x16xi32>,
      %get3A_1574 = vector.shape_cast %get3A_1573 : vector<1x16xi32> to vector<16xi32>
      %max3A_1575 = arith.maxsi %max3A_1569, %get3A_1574 : vector<16xi32>
      %get3A_1576 = arith.constant 4 : i64
      %get3A_1577 = arith.index_cast %get3A_1576 : i64 to index
      %get3A_1578 = arith.constant 16 : index
      %get3A_1579 = tpu.vector_load %arg9[%get3A_1577, %get3A_1578] {strides = array<i32>} : memref<8x128xi32, #tpu.memory_space<vmem>>, vector<1x16xi32>,
      %get3A_1580 = vector.shape_cast %get3A_1579 : vector<1x16xi32> to vector<16xi32>
      %max3A_1581 = arith.maxsi %max3A_1575, %get3A_1580 : vector<16xi32>
      %get3A_1582 = arith.constant 4 : i64
      %get3A_1583 = arith.index_cast %get3A_1582 : i64 to index
      %get3A_1584 = arith.constant 16 : index
      %get3A_1585 = tpu.vector_load %arg11[%get3A_1583, %get3A_1584] {strides = array<i32>} : memref<8x128xi32, #tpu.memory_space<vmem>>, vector<1x16xi32>,
      %get3A_1586 = vector.shape_cast %get3A_1585 : vector<1x16xi32> to vector<16xi32>
      %max3A_1587 = arith.maxsi %max3A_1581, %get3A_1586 : vector<16xi32>
      %get3A_1588 = arith.constant 4 : i64
      %get3A_1589 = arith.index_cast %get3A_1588 : i64 to index
      %get3A_1590 = arith.constant 32 : index
      %get3A_1591 = tpu.vector_load %arg9[%get3A_1589, %get3A_1590] {strides = array<i32>} : memref<8x128xi32, #tpu.memory_space<vmem>>, vector<1x16xi32>,
      %get3A_1592 = vector.shape_cast %get3A_1591 : vector<1x16xi32> to vector<16xi32>
      %max3A_1593 = arith.maxsi %max3A_1587, %get3A_1592 : vector<16xi32>
      %get3A_1594 = arith.constant 4 : i64
      %get3A_1595 = arith.index_cast %get3A_1594 : i64 to index
      %get3A_1596 = arith.constant 32 : index
      %get3A_1597 = tpu.vector_load %arg11[%get3A_1595, %get3A_1596] {strides = array<i32>} : memref<8x128xi32, #tpu.memory_space<vmem>>, vector<1x16xi32>,
      %get3A_1598 = vector.shape_cast %get3A_1597 : vector<1x16xi32> to vector<16xi32>
      %max3A_1599 = arith.maxsi %max3A_1593, %get3A_1598 : vector<16xi32>
      %get3A_1600 = arith.constant 4 : i64
      %get3A_1601 = arith.index_cast %get3A_1600 : i64 to index
      %get3A_1602 = arith.constant 48 : index
      %get3A_1603 = tpu.vector_load %arg9[%get3A_1601, %get3A_1602] {strides = array<i32>} : memref<8x128xi32, #tpu.memory_space<vmem>>, vector<1x16xi32>,
      %get3A_1604 = vector.shape_cast %get3A_1603 : vector<1x16xi32> to vector<16xi32>
      %max3A_1605 = arith.maxsi %max3A_1599, %get3A_1604 : vector<16xi32>
      %get3A_1606 = arith.constant 4 : i64
      %get3A_1607 = arith.index_cast %get3A_1606 : i64 to index
      %get3A_1608 = arith.constant 48 : index
      %get3A_1609 = tpu.vector_load %arg11[%get3A_1607, %get3A_1608] {strides = array<i32>} : memref<8x128xi32, #tpu.memory_space<vmem>>, vector<1x16xi32>,
      %get3A_1610 = vector.shape_cast %get3A_1609 : vector<1x16xi32> to vector<16xi32>
      %max3A_1611 = arith.maxsi %max3A_1605, %get3A_1610 : vector<16xi32>
      %get3A_1612 = arith.constant 4 : i64
      %get3A_1613 = arith.index_cast %get3A_1612 : i64 to index
      %get3A_1614 = arith.constant 64 : index
      %get3A_1615 = tpu.vector_load %arg9[%get3A_1613, %get3A_1614] {strides = array<i32>} : memref<8x128xi32, #tpu.memory_space<vmem>>, vector<1x16xi32>,
      %get3A_1616 = vector.shape_cast %get3A_1615 : vector<1x16xi32> to vector<16xi32>
      %max3A_1617 = arith.maxsi %max3A_1611, %get3A_1616 : vector<16xi32>
      %get3A_1618 = arith.constant 4 : i64
      %get3A_1619 = arith.index_cast %get3A_1618 : i64 to index
      %get3A_1620 = arith.constant 64 : index
      %get3A_1621 = tpu.vector_load %arg11[%get3A_1619, %get3A_1620] {strides = array<i32>} : memref<8x128xi32, #tpu.memory_space<vmem>>, vector<1x16xi32>,
      %get3A_1622 = vector.shape_cast %get3A_1621 : vector<1x16xi32> to vector<16xi32>
      %max3A_1623 = arith.maxsi %max3A_1617, %get3A_1622 : vector<16xi32>
      %get3A_1624 = arith.constant 4 : i64
      %get3A_1625 = arith.index_cast %get3A_1624 : i64 to index
      %get3A_1626 = arith.constant 80 : index
      %get3A_1627 = tpu.vector_load %arg9[%get3A_1625, %get3A_1626] {strides = array<i32>} : memref<8x128xi32, #tpu.memory_space<vmem>>, vector<1x16xi32>,
      %get3A_1628 = vector.shape_cast %get3A_1627 : vector<1x16xi32> to vector<16xi32>
      %max3A_1629 = arith.maxsi %max3A_1623, %get3A_1628 : vector<16xi32>
      %get3A_1630 = arith.constant 4 : i64
      %get3A_1631 = arith.index_cast %get3A_1630 : i64 to index
      %get3A_1632 = arith.constant 80 : index
      %get3A_1633 = tpu.vector_load %arg11[%get3A_1631, %get3A_1632] {strides = array<i32>} : memref<8x128xi32, #tpu.memory_space<vmem>>, vector<1x16xi32>,
      %get3A_1634 = vector.shape_cast %get3A_1633 : vector<1x16xi32> to vector<16xi32>
      %max3A_1635 = arith.maxsi %max3A_1629, %get3A_1634 : vector<16xi32>
      %get3A_1636 = arith.constant 4 : i64
      %get3A_1637 = arith.index_cast %get3A_1636 : i64 to index
      %get3A_1638 = arith.constant 96 : index
      %get3A_1639 = tpu.vector_load %arg9[%get3A_1637, %get3A_1638] {strides = array<i32>} : memref<8x128xi32, #tpu.memory_space<vmem>>, vector<1x16xi32>,
      %get3A_1640 = vector.shape_cast %get3A_1639 : vector<1x16xi32> to vector<16xi32>
      %max3A_1641 = arith.maxsi %max3A_1635, %get3A_1640 : vector<16xi32>
      %get3A_1642 = arith.constant 4 : i64
      %get3A_1643 = arith.index_cast %get3A_1642 : i64 to index
      %get3A_1644 = arith.constant 96 : index
      %get3A_1645 = tpu.vector_load %arg11[%get3A_1643, %get3A_1644] {strides = array<i32>} : memref<8x128xi32, #tpu.memory_space<vmem>>, vector<1x16xi32>,
      %get3A_1646 = vector.shape_cast %get3A_1645 : vector<1x16xi32> to vector<16xi32>
      %max3A_1647 = arith.maxsi %max3A_1641, %get3A_1646 : vector<16xi32>
      %get3A_1648 = arith.constant 4 : i64
      %get3A_1649 = arith.index_cast %get3A_1648 : i64 to index
      %get3A_1650 = arith.constant 112 : index
      %get3A_1651 = tpu.vector_load %arg9[%get3A_1649, %get3A_1650] {strides = array<i32>} : memref<8x128xi32, #tpu.memory_space<vmem>>, vector<1x16xi32>,
      %get3A_1652 = vector.shape_cast %get3A_1651 : vector<1x16xi32> to vector<16xi32>
      %max3A_1653 = arith.maxsi %max3A_1647, %get3A_1652 : vector<16xi32>
      %get3A_1654 = arith.constant 4 : i64
      %get3A_1655 = arith.index_cast %get3A_1654 : i64 to index
      %get3A_1656 = arith.constant 112 : index
      %get3A_1657 = tpu.vector_load %arg11[%get3A_1655, %get3A_1656] {strides = array<i32>} : memref<8x128xi32, #tpu.memory_space<vmem>>, vector<1x16xi32>,
      %get3A_1658 = vector.shape_cast %get3A_1657 : vector<1x16xi32> to vector<16xi32>
      %max3A_1659 = arith.maxsi %max3A_1653, %get3A_1658 : vector<16xi32>
      %select_n3A_1660 = arith.select %lt3A_1563, %max3A_1659, %select_n3A_1559 : vector<16xi32>
      %add3A_1661 = arith.constant 5 : i32
      %add3A_1662 = arith.addi %add3A_81, %add3A_1661 : i32
      %lt3A_1663 = arith.constant 2500 : i32
      %lt3A_1664 = arith.cmpi slt, %add3A_1662, %lt3A_1663 : i32
      %get3A_1665 = arith.constant 5 : i64
      %get3A_1666 = arith.index_cast %get3A_1665 : i64 to index
      %get3A_1667 = arith.constant 0 : index
      %get3A_1668 = tpu.vector_load %arg9[%get3A_1666, %get3A_1667] {strides = array<i32>} : memref<8x128xi32, #tpu.memory_space<vmem>>, vector<1x16xi32>,
      %get3A_1669 = vector.shape_cast %get3A_1668 : vector<1x16xi32> to vector<16xi32>
      %max3A_1670 = arith.maxsi %select_n3A_1660, %get3A_1669 : vector<16xi32>
      %get3A_1671 = arith.constant 5 : i64
      %get3A_1672 = arith.index_cast %get3A_1671 : i64 to index
      %get3A_1673 = arith.constant 0 : index
      %get3A_1674 = tpu.vector_load %arg11[%get3A_1672, %get3A_1673] {strides = array<i32>} : memref<8x128xi32, #tpu.memory_space<vmem>>, vector<1x16xi32>,
      %get3A_1675 = vector.shape_cast %get3A_1674 : vector<1x16xi32> to vector<16xi32>
      %max3A_1676 = arith.maxsi %max3A_1670, %get3A_1675 : vector<16xi32>
      %get3A_1677 = arith.constant 5 : i64
      %get3A_1678 = arith.index_cast %get3A_1677 : i64 to index
      %get3A_1679 = arith.constant 16 : index
      %get3A_1680 = tpu.vector_load %arg9[%get3A_1678, %get3A_1679] {strides = array<i32>} : memref<8x128xi32, #tpu.memory_space<vmem>>, vector<1x16xi32>,
      %get3A_1681 = vector.shape_cast %get3A_1680 : vector<1x16xi32> to vector<16xi32>
      %max3A_1682 = arith.maxsi %max3A_1676, %get3A_1681 : vector<16xi32>
      %get3A_1683 = arith.constant 5 : i64
      %get3A_1684 = arith.index_cast %get3A_1683 : i64 to index
      %get3A_1685 = arith.constant 16 : index
      %get3A_1686 = tpu.vector_load %arg11[%get3A_1684, %get3A_1685] {strides = array<i32>} : memref<8x128xi32, #tpu.memory_space<vmem>>, vector<1x16xi32>,
      %get3A_1687 = vector.shape_cast %get3A_1686 : vector<1x16xi32> to vector<16xi32>
      %max3A_1688 = arith.maxsi %max3A_1682, %get3A_1687 : vector<16xi32>
      %get3A_1689 = arith.constant 5 : i64
      %get3A_1690 = arith.index_cast %get3A_1689 : i64 to index
      %get3A_1691 = arith.constant 32 : index
      %get3A_1692 = tpu.vector_load %arg9[%get3A_1690, %get3A_1691] {strides = array<i32>} : memref<8x128xi32, #tpu.memory_space<vmem>>, vector<1x16xi32>,
      %get3A_1693 = vector.shape_cast %get3A_1692 : vector<1x16xi32> to vector<16xi32>
      %max3A_1694 = arith.maxsi %max3A_1688, %get3A_1693 : vector<16xi32>
      %get3A_1695 = arith.constant 5 : i64
      %get3A_1696 = arith.index_cast %get3A_1695 : i64 to index
      %get3A_1697 = arith.constant 32 : index
      %get3A_1698 = tpu.vector_load %arg11[%get3A_1696, %get3A_1697] {strides = array<i32>} : memref<8x128xi32, #tpu.memory_space<vmem>>, vector<1x16xi32>,
      %get3A_1699 = vector.shape_cast %get3A_1698 : vector<1x16xi32> to vector<16xi32>
      %max3A_1700 = arith.maxsi %max3A_1694, %get3A_1699 : vector<16xi32>
      %get3A_1701 = arith.constant 5 : i64
      %get3A_1702 = arith.index_cast %get3A_1701 : i64 to index
      %get3A_1703 = arith.constant 48 : index
      %get3A_1704 = tpu.vector_load %arg9[%get3A_1702, %get3A_1703] {strides = array<i32>} : memref<8x128xi32, #tpu.memory_space<vmem>>, vector<1x16xi32>,
      %get3A_1705 = vector.shape_cast %get3A_1704 : vector<1x16xi32> to vector<16xi32>
      %max3A_1706 = arith.maxsi %max3A_1700, %get3A_1705 : vector<16xi32>
      %get3A_1707 = arith.constant 5 : i64
      %get3A_1708 = arith.index_cast %get3A_1707 : i64 to index
      %get3A_1709 = arith.constant 48 : index
      %get3A_1710 = tpu.vector_load %arg11[%get3A_1708, %get3A_1709] {strides = array<i32>} : memref<8x128xi32, #tpu.memory_space<vmem>>, vector<1x16xi32>,
      %get3A_1711 = vector.shape_cast %get3A_1710 : vector<1x16xi32> to vector<16xi32>
      %max3A_1712 = arith.maxsi %max3A_1706, %get3A_1711 : vector<16xi32>
      %get3A_1713 = arith.constant 5 : i64
      %get3A_1714 = arith.index_cast %get3A_1713 : i64 to index
      %get3A_1715 = arith.constant 64 : index
      %get3A_1716 = tpu.vector_load %arg9[%get3A_1714, %get3A_1715] {strides = array<i32>} : memref<8x128xi32, #tpu.memory_space<vmem>>, vector<1x16xi32>,
      %get3A_1717 = vector.shape_cast %get3A_1716 : vector<1x16xi32> to vector<16xi32>
      %max3A_1718 = arith.maxsi %max3A_1712, %get3A_1717 : vector<16xi32>
      %get3A_1719 = arith.constant 5 : i64
      %get3A_1720 = arith.index_cast %get3A_1719 : i64 to index
      %get3A_1721 = arith.constant 64 : index
      %get3A_1722 = tpu.vector_load %arg11[%get3A_1720, %get3A_1721] {strides = array<i32>} : memref<8x128xi32, #tpu.memory_space<vmem>>, vector<1x16xi32>,
      %get3A_1723 = vector.shape_cast %get3A_1722 : vector<1x16xi32> to vector<16xi32>
      %max3A_1724 = arith.maxsi %max3A_1718, %get3A_1723 : vector<16xi32>
      %get3A_1725 = arith.constant 5 : i64
      %get3A_1726 = arith.index_cast %get3A_1725 : i64 to index
      %get3A_1727 = arith.constant 80 : index
      %get3A_1728 = tpu.vector_load %arg9[%get3A_1726, %get3A_1727] {strides = array<i32>} : memref<8x128xi32, #tpu.memory_space<vmem>>, vector<1x16xi32>,
      %get3A_1729 = vector.shape_cast %get3A_1728 : vector<1x16xi32> to vector<16xi32>
      %max3A_1730 = arith.maxsi %max3A_1724, %get3A_1729 : vector<16xi32>
      %get3A_1731 = arith.constant 5 : i64
      %get3A_1732 = arith.index_cast %get3A_1731 : i64 to index
      %get3A_1733 = arith.constant 80 : index
      %get3A_1734 = tpu.vector_load %arg11[%get3A_1732, %get3A_1733] {strides = array<i32>} : memref<8x128xi32, #tpu.memory_space<vmem>>, vector<1x16xi32>,
      %get3A_1735 = vector.shape_cast %get3A_1734 : vector<1x16xi32> to vector<16xi32>
      %max3A_1736 = arith.maxsi %max3A_1730, %get3A_1735 : vector<16xi32>
      %get3A_1737 = arith.constant 5 : i64
      %get3A_1738 = arith.index_cast %get3A_1737 : i64 to index
      %get3A_1739 = arith.constant 96 : index
      %get3A_1740 = tpu.vector_load %arg9[%get3A_1738, %get3A_1739] {strides = array<i32>} : memref<8x128xi32, #tpu.memory_space<vmem>>, vector<1x16xi32>,
      %get3A_1741 = vector.shape_cast %get3A_1740 : vector<1x16xi32> to vector<16xi32>
      %max3A_1742 = arith.maxsi %max3A_1736, %get3A_1741 : vector<16xi32>
      %get3A_1743 = arith.constant 5 : i64
      %get3A_1744 = arith.index_cast %get3A_1743 : i64 to index
      %get3A_1745 = arith.constant 96 : index
      %get3A_1746 = tpu.vector_load %arg11[%get3A_1744, %get3A_1745] {strides = array<i32>} : memref<8x128xi32, #tpu.memory_space<vmem>>, vector<1x16xi32>,
      %get3A_1747 = vector.shape_cast %get3A_1746 : vector<1x16xi32> to vector<16xi32>
      %max3A_1748 = arith.maxsi %max3A_1742, %get3A_1747 : vector<16xi32>
      %get3A_1749 = arith.constant 5 : i64
      %get3A_1750 = arith.index_cast %get3A_1749 : i64 to index
      %get3A_1751 = arith.constant 112 : index
      %get3A_1752 = tpu.vector_load %arg9[%get3A_1750, %get3A_1751] {strides = array<i32>} : memref<8x128xi32, #tpu.memory_space<vmem>>, vector<1x16xi32>,
      %get3A_1753 = vector.shape_cast %get3A_1752 : vector<1x16xi32> to vector<16xi32>
      %max3A_1754 = arith.maxsi %max3A_1748, %get3A_1753 : vector<16xi32>
      %get3A_1755 = arith.constant 5 : i64
      %get3A_1756 = arith.index_cast %get3A_1755 : i64 to index
      %get3A_1757 = arith.constant 112 : index
      %get3A_1758 = tpu.vector_load %arg11[%get3A_1756, %get3A_1757] {strides = array<i32>} : memref<8x128xi32, #tpu.memory_space<vmem>>, vector<1x16xi32>,
      %get3A_1759 = vector.shape_cast %get3A_1758 : vector<1x16xi32> to vector<16xi32>
      %max3A_1760 = arith.maxsi %max3A_1754, %get3A_1759 : vector<16xi32>
      %select_n3A_1761 = arith.select %lt3A_1664, %max3A_1760, %select_n3A_1660 : vector<16xi32>
      %add3A_1762 = arith.constant 6 : i32
      %add3A_1763 = arith.addi %add3A_81, %add3A_1762 : i32
      %lt3A_1764 = arith.constant 2500 : i32
      %lt3A_1765 = arith.cmpi slt, %add3A_1763, %lt3A_1764 : i32
      %get3A_1766 = arith.constant 6 : i64
      %get3A_1767 = arith.index_cast %get3A_1766 : i64 to index
      %get3A_1768 = arith.constant 0 : index
      %get3A_1769 = tpu.vector_load %arg9[%get3A_1767, %get3A_1768] {strides = array<i32>} : memref<8x128xi32, #tpu.memory_space<vmem>>, vector<1x16xi32>,
      %get3A_1770 = vector.shape_cast %get3A_1769 : vector<1x16xi32> to vector<16xi32>
      %max3A_1771 = arith.maxsi %select_n3A_1761, %get3A_1770 : vector<16xi32>
      %get3A_1772 = arith.constant 6 : i64
      %get3A_1773 = arith.index_cast %get3A_1772 : i64 to index
      %get3A_1774 = arith.constant 0 : index
      %get3A_1775 = tpu.vector_load %arg11[%get3A_1773, %get3A_1774] {strides = array<i32>} : memref<8x128xi32, #tpu.memory_space<vmem>>, vector<1x16xi32>,
      %get3A_1776 = vector.shape_cast %get3A_1775 : vector<1x16xi32> to vector<16xi32>
      %max3A_1777 = arith.maxsi %max3A_1771, %get3A_1776 : vector<16xi32>
      %get3A_1778 = arith.constant 6 : i64
      %get3A_1779 = arith.index_cast %get3A_1778 : i64 to index
      %get3A_1780 = arith.constant 16 : index
      %get3A_1781 = tpu.vector_load %arg9[%get3A_1779, %get3A_1780] {strides = array<i32>} : memref<8x128xi32, #tpu.memory_space<vmem>>, vector<1x16xi32>,
      %get3A_1782 = vector.shape_cast %get3A_1781 : vector<1x16xi32> to vector<16xi32>
      %max3A_1783 = arith.maxsi %max3A_1777, %get3A_1782 : vector<16xi32>
      %get3A_1784 = arith.constant 6 : i64
      %get3A_1785 = arith.index_cast %get3A_1784 : i64 to index
      %get3A_1786 = arith.constant 16 : index
      %get3A_1787 = tpu.vector_load %arg11[%get3A_1785, %get3A_1786] {strides = array<i32>} : memref<8x128xi32, #tpu.memory_space<vmem>>, vector<1x16xi32>,
      %get3A_1788 = vector.shape_cast %get3A_1787 : vector<1x16xi32> to vector<16xi32>
      %max3A_1789 = arith.maxsi %max3A_1783, %get3A_1788 : vector<16xi32>
      %get3A_1790 = arith.constant 6 : i64
      %get3A_1791 = arith.index_cast %get3A_1790 : i64 to index
      %get3A_1792 = arith.constant 32 : index
      %get3A_1793 = tpu.vector_load %arg9[%get3A_1791, %get3A_1792] {strides = array<i32>} : memref<8x128xi32, #tpu.memory_space<vmem>>, vector<1x16xi32>,
      %get3A_1794 = vector.shape_cast %get3A_1793 : vector<1x16xi32> to vector<16xi32>
      %max3A_1795 = arith.maxsi %max3A_1789, %get3A_1794 : vector<16xi32>
      %get3A_1796 = arith.constant 6 : i64
      %get3A_1797 = arith.index_cast %get3A_1796 : i64 to index
      %get3A_1798 = arith.constant 32 : index
      %get3A_1799 = tpu.vector_load %arg11[%get3A_1797, %get3A_1798] {strides = array<i32>} : memref<8x128xi32, #tpu.memory_space<vmem>>, vector<1x16xi32>,
      %get3A_1800 = vector.shape_cast %get3A_1799 : vector<1x16xi32> to vector<16xi32>
      %max3A_1801 = arith.maxsi %max3A_1795, %get3A_1800 : vector<16xi32>
      %get3A_1802 = arith.constant 6 : i64
      %get3A_1803 = arith.index_cast %get3A_1802 : i64 to index
      %get3A_1804 = arith.constant 48 : index
      %get3A_1805 = tpu.vector_load %arg9[%get3A_1803, %get3A_1804] {strides = array<i32>} : memref<8x128xi32, #tpu.memory_space<vmem>>, vector<1x16xi32>,
      %get3A_1806 = vector.shape_cast %get3A_1805 : vector<1x16xi32> to vector<16xi32>
      %max3A_1807 = arith.maxsi %max3A_1801, %get3A_1806 : vector<16xi32>
      %get3A_1808 = arith.constant 6 : i64
      %get3A_1809 = arith.index_cast %get3A_1808 : i64 to index
      %get3A_1810 = arith.constant 48 : index
      %get3A_1811 = tpu.vector_load %arg11[%get3A_1809, %get3A_1810] {strides = array<i32>} : memref<8x128xi32, #tpu.memory_space<vmem>>, vector<1x16xi32>,
      %get3A_1812 = vector.shape_cast %get3A_1811 : vector<1x16xi32> to vector<16xi32>
      %max3A_1813 = arith.maxsi %max3A_1807, %get3A_1812 : vector<16xi32>
      %get3A_1814 = arith.constant 6 : i64
      %get3A_1815 = arith.index_cast %get3A_1814 : i64 to index
      %get3A_1816 = arith.constant 64 : index
      %get3A_1817 = tpu.vector_load %arg9[%get3A_1815, %get3A_1816] {strides = array<i32>} : memref<8x128xi32, #tpu.memory_space<vmem>>, vector<1x16xi32>,
      %get3A_1818 = vector.shape_cast %get3A_1817 : vector<1x16xi32> to vector<16xi32>
      %max3A_1819 = arith.maxsi %max3A_1813, %get3A_1818 : vector<16xi32>
      %get3A_1820 = arith.constant 6 : i64
      %get3A_1821 = arith.index_cast %get3A_1820 : i64 to index
      %get3A_1822 = arith.constant 64 : index
      %get3A_1823 = tpu.vector_load %arg11[%get3A_1821, %get3A_1822] {strides = array<i32>} : memref<8x128xi32, #tpu.memory_space<vmem>>, vector<1x16xi32>,
      %get3A_1824 = vector.shape_cast %get3A_1823 : vector<1x16xi32> to vector<16xi32>
      %max3A_1825 = arith.maxsi %max3A_1819, %get3A_1824 : vector<16xi32>
      %get3A_1826 = arith.constant 6 : i64
      %get3A_1827 = arith.index_cast %get3A_1826 : i64 to index
      %get3A_1828 = arith.constant 80 : index
      %get3A_1829 = tpu.vector_load %arg9[%get3A_1827, %get3A_1828] {strides = array<i32>} : memref<8x128xi32, #tpu.memory_space<vmem>>, vector<1x16xi32>,
      %get3A_1830 = vector.shape_cast %get3A_1829 : vector<1x16xi32> to vector<16xi32>
      %max3A_1831 = arith.maxsi %max3A_1825, %get3A_1830 : vector<16xi32>
      %get3A_1832 = arith.constant 6 : i64
      %get3A_1833 = arith.index_cast %get3A_1832 : i64 to index
      %get3A_1834 = arith.constant 80 : index
      %get3A_1835 = tpu.vector_load %arg11[%get3A_1833, %get3A_1834] {strides = array<i32>} : memref<8x128xi32, #tpu.memory_space<vmem>>, vector<1x16xi32>,
      %get3A_1836 = vector.shape_cast %get3A_1835 : vector<1x16xi32> to vector<16xi32>
      %max3A_1837 = arith.maxsi %max3A_1831, %get3A_1836 : vector<16xi32>
      %get3A_1838 = arith.constant 6 : i64
      %get3A_1839 = arith.index_cast %get3A_1838 : i64 to index
      %get3A_1840 = arith.constant 96 : index
      %get3A_1841 = tpu.vector_load %arg9[%get3A_1839, %get3A_1840] {strides = array<i32>} : memref<8x128xi32, #tpu.memory_space<vmem>>, vector<1x16xi32>,
      %get3A_1842 = vector.shape_cast %get3A_1841 : vector<1x16xi32> to vector<16xi32>
      %max3A_1843 = arith.maxsi %max3A_1837, %get3A_1842 : vector<16xi32>
      %get3A_1844 = arith.constant 6 : i64
      %get3A_1845 = arith.index_cast %get3A_1844 : i64 to index
      %get3A_1846 = arith.constant 96 : index
      %get3A_1847 = tpu.vector_load %arg11[%get3A_1845, %get3A_1846] {strides = array<i32>} : memref<8x128xi32, #tpu.memory_space<vmem>>, vector<1x16xi32>,
      %get3A_1848 = vector.shape_cast %get3A_1847 : vector<1x16xi32> to vector<16xi32>
      %max3A_1849 = arith.maxsi %max3A_1843, %get3A_1848 : vector<16xi32>
      %get3A_1850 = arith.constant 6 : i64
      %get3A_1851 = arith.index_cast %get3A_1850 : i64 to index
      %get3A_1852 = arith.constant 112 : index
      %get3A_1853 = tpu.vector_load %arg9[%get3A_1851, %get3A_1852] {strides = array<i32>} : memref<8x128xi32, #tpu.memory_space<vmem>>, vector<1x16xi32>,
      %get3A_1854 = vector.shape_cast %get3A_1853 : vector<1x16xi32> to vector<16xi32>
      %max3A_1855 = arith.maxsi %max3A_1849, %get3A_1854 : vector<16xi32>
      %get3A_1856 = arith.constant 6 : i64
      %get3A_1857 = arith.index_cast %get3A_1856 : i64 to index
      %get3A_1858 = arith.constant 112 : index
      %get3A_1859 = tpu.vector_load %arg11[%get3A_1857, %get3A_1858] {strides = array<i32>} : memref<8x128xi32, #tpu.memory_space<vmem>>, vector<1x16xi32>,
      %get3A_1860 = vector.shape_cast %get3A_1859 : vector<1x16xi32> to vector<16xi32>
      %max3A_1861 = arith.maxsi %max3A_1855, %get3A_1860 : vector<16xi32>
      %select_n3A_1862 = arith.select %lt3A_1765, %max3A_1861, %select_n3A_1761 : vector<16xi32>
      %add3A_1863 = arith.constant 7 : i32
      %add3A_1864 = arith.addi %add3A_81, %add3A_1863 : i32
      %lt3A_1865 = arith.constant 2500 : i32
      %lt3A_1866 = arith.cmpi slt, %add3A_1864, %lt3A_1865 : i32
      %get3A_1867 = arith.constant 7 : i64
      %get3A_1868 = arith.index_cast %get3A_1867 : i64 to index
      %get3A_1869 = arith.constant 0 : index
      %get3A_1870 = tpu.vector_load %arg9[%get3A_1868, %get3A_1869] {strides = array<i32>} : memref<8x128xi32, #tpu.memory_space<vmem>>, vector<1x16xi32>,
      %get3A_1871 = vector.shape_cast %get3A_1870 : vector<1x16xi32> to vector<16xi32>
      %max3A_1872 = arith.maxsi %select_n3A_1862, %get3A_1871 : vector<16xi32>
      %get3A_1873 = arith.constant 7 : i64
      %get3A_1874 = arith.index_cast %get3A_1873 : i64 to index
      %get3A_1875 = arith.constant 0 : index
      %get3A_1876 = tpu.vector_load %arg11[%get3A_1874, %get3A_1875] {strides = array<i32>} : memref<8x128xi32, #tpu.memory_space<vmem>>, vector<1x16xi32>,
      %get3A_1877 = vector.shape_cast %get3A_1876 : vector<1x16xi32> to vector<16xi32>
      %max3A_1878 = arith.maxsi %max3A_1872, %get3A_1877 : vector<16xi32>
      %get3A_1879 = arith.constant 7 : i64
      %get3A_1880 = arith.index_cast %get3A_1879 : i64 to index
      %get3A_1881 = arith.constant 16 : index
      %get3A_1882 = tpu.vector_load %arg9[%get3A_1880, %get3A_1881] {strides = array<i32>} : memref<8x128xi32, #tpu.memory_space<vmem>>, vector<1x16xi32>,
      %get3A_1883 = vector.shape_cast %get3A_1882 : vector<1x16xi32> to vector<16xi32>
      %max3A_1884 = arith.maxsi %max3A_1878, %get3A_1883 : vector<16xi32>
      %get3A_1885 = arith.constant 7 : i64
      %get3A_1886 = arith.index_cast %get3A_1885 : i64 to index
      %get3A_1887 = arith.constant 16 : index
      %get3A_1888 = tpu.vector_load %arg11[%get3A_1886, %get3A_1887] {strides = array<i32>} : memref<8x128xi32, #tpu.memory_space<vmem>>, vector<1x16xi32>,
      %get3A_1889 = vector.shape_cast %get3A_1888 : vector<1x16xi32> to vector<16xi32>
      %max3A_1890 = arith.maxsi %max3A_1884, %get3A_1889 : vector<16xi32>
      %get3A_1891 = arith.constant 7 : i64
      %get3A_1892 = arith.index_cast %get3A_1891 : i64 to index
      %get3A_1893 = arith.constant 32 : index
      %get3A_1894 = tpu.vector_load %arg9[%get3A_1892, %get3A_1893] {strides = array<i32>} : memref<8x128xi32, #tpu.memory_space<vmem>>, vector<1x16xi32>,
      %get3A_1895 = vector.shape_cast %get3A_1894 : vector<1x16xi32> to vector<16xi32>
      %max3A_1896 = arith.maxsi %max3A_1890, %get3A_1895 : vector<16xi32>
      %get3A_1897 = arith.constant 7 : i64
      %get3A_1898 = arith.index_cast %get3A_1897 : i64 to index
      %get3A_1899 = arith.constant 32 : index
      %get3A_1900 = tpu.vector_load %arg11[%get3A_1898, %get3A_1899] {strides = array<i32>} : memref<8x128xi32, #tpu.memory_space<vmem>>, vector<1x16xi32>,
      %get3A_1901 = vector.shape_cast %get3A_1900 : vector<1x16xi32> to vector<16xi32>
      %max3A_1902 = arith.maxsi %max3A_1896, %get3A_1901 : vector<16xi32>
      %get3A_1903 = arith.constant 7 : i64
      %get3A_1904 = arith.index_cast %get3A_1903 : i64 to index
      %get3A_1905 = arith.constant 48 : index
      %get3A_1906 = tpu.vector_load %arg9[%get3A_1904, %get3A_1905] {strides = array<i32>} : memref<8x128xi32, #tpu.memory_space<vmem>>, vector<1x16xi32>,
      %get3A_1907 = vector.shape_cast %get3A_1906 : vector<1x16xi32> to vector<16xi32>
      %max3A_1908 = arith.maxsi %max3A_1902, %get3A_1907 : vector<16xi32>
      %get3A_1909 = arith.constant 7 : i64
      %get3A_1910 = arith.index_cast %get3A_1909 : i64 to index
      %get3A_1911 = arith.constant 48 : index
      %get3A_1912 = tpu.vector_load %arg11[%get3A_1910, %get3A_1911] {strides = array<i32>} : memref<8x128xi32, #tpu.memory_space<vmem>>, vector<1x16xi32>,
      %get3A_1913 = vector.shape_cast %get3A_1912 : vector<1x16xi32> to vector<16xi32>
      %max3A_1914 = arith.maxsi %max3A_1908, %get3A_1913 : vector<16xi32>
      %get3A_1915 = arith.constant 7 : i64
      %get3A_1916 = arith.index_cast %get3A_1915 : i64 to index
      %get3A_1917 = arith.constant 64 : index
      %get3A_1918 = tpu.vector_load %arg9[%get3A_1916, %get3A_1917] {strides = array<i32>} : memref<8x128xi32, #tpu.memory_space<vmem>>, vector<1x16xi32>,
      %get3A_1919 = vector.shape_cast %get3A_1918 : vector<1x16xi32> to vector<16xi32>
      %max3A_1920 = arith.maxsi %max3A_1914, %get3A_1919 : vector<16xi32>
      %get3A_1921 = arith.constant 7 : i64
      %get3A_1922 = arith.index_cast %get3A_1921 : i64 to index
      %get3A_1923 = arith.constant 64 : index
      %get3A_1924 = tpu.vector_load %arg11[%get3A_1922, %get3A_1923] {strides = array<i32>} : memref<8x128xi32, #tpu.memory_space<vmem>>, vector<1x16xi32>,
      %get3A_1925 = vector.shape_cast %get3A_1924 : vector<1x16xi32> to vector<16xi32>
      %max3A_1926 = arith.maxsi %max3A_1920, %get3A_1925 : vector<16xi32>
      %get3A_1927 = arith.constant 7 : i64
      %get3A_1928 = arith.index_cast %get3A_1927 : i64 to index
      %get3A_1929 = arith.constant 80 : index
      %get3A_1930 = tpu.vector_load %arg9[%get3A_1928, %get3A_1929] {strides = array<i32>} : memref<8x128xi32, #tpu.memory_space<vmem>>, vector<1x16xi32>,
      %get3A_1931 = vector.shape_cast %get3A_1930 : vector<1x16xi32> to vector<16xi32>
      %max3A_1932 = arith.maxsi %max3A_1926, %get3A_1931 : vector<16xi32>
      %get3A_1933 = arith.constant 7 : i64
      %get3A_1934 = arith.index_cast %get3A_1933 : i64 to index
      %get3A_1935 = arith.constant 80 : index
      %get3A_1936 = tpu.vector_load %arg11[%get3A_1934, %get3A_1935] {strides = array<i32>} : memref<8x128xi32, #tpu.memory_space<vmem>>, vector<1x16xi32>,
      %get3A_1937 = vector.shape_cast %get3A_1936 : vector<1x16xi32> to vector<16xi32>
      %max3A_1938 = arith.maxsi %max3A_1932, %get3A_1937 : vector<16xi32>
      %get3A_1939 = arith.constant 7 : i64
      %get3A_1940 = arith.index_cast %get3A_1939 : i64 to index
      %get3A_1941 = arith.constant 96 : index
      %get3A_1942 = tpu.vector_load %arg9[%get3A_1940, %get3A_1941] {strides = array<i32>} : memref<8x128xi32, #tpu.memory_space<vmem>>, vector<1x16xi32>,
      %get3A_1943 = vector.shape_cast %get3A_1942 : vector<1x16xi32> to vector<16xi32>
      %max3A_1944 = arith.maxsi %max3A_1938, %get3A_1943 : vector<16xi32>
      %get3A_1945 = arith.constant 7 : i64
      %get3A_1946 = arith.index_cast %get3A_1945 : i64 to index
      %get3A_1947 = arith.constant 96 : index
      %get3A_1948 = tpu.vector_load %arg11[%get3A_1946, %get3A_1947] {strides = array<i32>} : memref<8x128xi32, #tpu.memory_space<vmem>>, vector<1x16xi32>,
      %get3A_1949 = vector.shape_cast %get3A_1948 : vector<1x16xi32> to vector<16xi32>
      %max3A_1950 = arith.maxsi %max3A_1944, %get3A_1949 : vector<16xi32>
      %get3A_1951 = arith.constant 7 : i64
      %get3A_1952 = arith.index_cast %get3A_1951 : i64 to index
      %get3A_1953 = arith.constant 112 : index
      %get3A_1954 = tpu.vector_load %arg9[%get3A_1952, %get3A_1953] {strides = array<i32>} : memref<8x128xi32, #tpu.memory_space<vmem>>, vector<1x16xi32>,
      %get3A_1955 = vector.shape_cast %get3A_1954 : vector<1x16xi32> to vector<16xi32>
      %max3A_1956 = arith.maxsi %max3A_1950, %get3A_1955 : vector<16xi32>
      %get3A_1957 = arith.constant 7 : i64
      %get3A_1958 = arith.index_cast %get3A_1957 : i64 to index
      %get3A_1959 = arith.constant 112 : index
      %get3A_1960 = tpu.vector_load %arg11[%get3A_1958, %get3A_1959] {strides = array<i32>} : memref<8x128xi32, #tpu.memory_space<vmem>>, vector<1x16xi32>,
      %get3A_1961 = vector.shape_cast %get3A_1960 : vector<1x16xi32> to vector<16xi32>
      %max3A_1962 = arith.maxsi %max3A_1956, %get3A_1961 : vector<16xi32>
      %select_n3A_1963 = arith.select %lt3A_1866, %max3A_1962, %select_n3A_1862 : vector<16xi32>
      %swap3A_1964 = arith.constant 0 : index
      %swap3A_1965 = tpu.vector_load %arg14[%swap3A_1964] {strides = array<i32>} : memref<16xi32, #tpu.memory_space<vmem>>, vector<16xi32>,
      %swap3A_1966 = vector.shape_cast %swap3A_1965 : vector<16xi32> to vector<16xi32>
      %swap3A_1967 = vector.shape_cast %select_n3A_1963 : vector<16xi32> to vector<16xi32>
      tpu.vector_store %arg14[%swap3A_1964], %swap3A_1967 {strides = array<i32>} : memref<16xi32, #tpu.memory_space<vmem>>, vector<16xi32>,
      %dma_wait3A_1968 = arith.constant 0 : i32
      %dma_wait3A_1969 = arith.constant 0 : i32
      %dma_wait3A_1970 = tpu.memref_slice %arg9[%dma_wait3A_1968, %dma_wait3A_1969] : memref<8x128xi32, #tpu.memory_space<vmem>> -> memref<1x128xi32, #tpu.memory_space<vmem>>
      %dma_wait3A_1971 = tpu.memref_squeeze %dma_wait3A_1970 : memref<1x128xi32, #tpu.memory_space<vmem>> -> memref<128xi32, #tpu.memory_space<vmem>>
      %dma_wait3A_1972 = arith.constant 0 : i32
      %dma_wait3A_1973 = arith.constant 0 : i32
      %dma_wait3A_1974 = tpu.memref_slice %arg2[%dma_wait3A_1972, %dma_wait3A_1973] : memref<10000x128xf32, #tpu.memory_space<hbm>> -> memref<10000x128xf32, #tpu.memory_space<hbm>>
      tpu.wait_indirect_dma semaphore(%arg15 : memref<!tpu.dma_semaphore, #tpu.memory_space<semaphore_mem>>) src(%dma_wait3A_1974 : memref<10000x128xf32, #tpu.memory_space<hbm>>) dst(%arg12 : memref<128x128xf32, #tpu.memory_space<vmem>>)
      %dma_start3A_1975 = arith.constant 0 : i32
      %dma_start3A_1976 = arith.constant 0 : i32
      %dma_start3A_1977 = tpu.memref_slice %arg11[%dma_start3A_1975, %dma_start3A_1976] : memref<8x128xi32, #tpu.memory_space<vmem>> -> memref<1x128xi32, #tpu.memory_space<vmem>>
      %dma_start3A_1978 = tpu.memref_squeeze %dma_start3A_1977 : memref<1x128xi32, #tpu.memory_space<vmem>> -> memref<128xi32, #tpu.memory_space<vmem>>
      %dma_start3A_1979 = arith.constant 0 : i32
      %dma_start3A_1980 = arith.constant 0 : i32
      %dma_start3A_1981 = tpu.memref_slice %arg7[%dma_start3A_1979, %dma_start3A_1980] : memref<10128x128xf32, #tpu.memory_space<vmem_shared>> -> memref<10128x128xf32, #tpu.memory_space<vmem_shared>>
      tpu.enqueue_indirect_dma source(%arg12 : memref<128x128xf32, #tpu.memory_space<vmem>>) target(%dma_start3A_1981 : memref<10128x128xf32, #tpu.memory_space<vmem_shared>>) offsets(%dma_start3A_1978 : memref<128xi32, #tpu.memory_space<vmem>>) semaphore(%arg17 : memref<!tpu.dma_semaphore, #tpu.memory_space<semaphore_mem>>) {add = true}
      %dma_wait3A_1982 = arith.constant 0 : i32
      %dma_wait3A_1983 = arith.constant 0 : i32
      %dma_wait3A_1984 = tpu.memref_slice %arg11[%dma_wait3A_1982, %dma_wait3A_1983] : memref<8x128xi32, #tpu.memory_space<vmem>> -> memref<1x128xi32, #tpu.memory_space<vmem>>
      %dma_wait3A_1985 = tpu.memref_squeeze %dma_wait3A_1984 : memref<1x128xi32, #tpu.memory_space<vmem>> -> memref<128xi32, #tpu.memory_space<vmem>>
      %dma_wait3A_1986 = arith.constant 0 : i32
      %dma_wait3A_1987 = arith.constant 0 : i32
      %dma_wait3A_1988 = tpu.memref_slice %arg7[%dma_wait3A_1986, %dma_wait3A_1987] : memref<10128x128xf32, #tpu.memory_space<vmem_shared>> -> memref<10128x128xf32, #tpu.memory_space<vmem_shared>>
      tpu.wait_indirect_dma semaphore(%arg17 : memref<!tpu.dma_semaphore, #tpu.memory_space<semaphore_mem>>) src(%arg12 : memref<128x128xf32, #tpu.memory_space<vmem>>) dst(%dma_wait3A_1988 : memref<10128x128xf32, #tpu.memory_space<vmem_shared>>)
      %dma_start3A_1989 = arith.constant 2 : i32
      %dma_start3A_1990 = arith.constant 0 : i32
      %dma_start3A_1991 = tpu.memref_slice %arg9[%dma_start3A_1989, %dma_start3A_1990] : memref<8x128xi32, #tpu.memory_space<vmem>> -> memref<1x128xi32, #tpu.memory_space<vmem>>
      %dma_start3A_1992 = tpu.memref_squeeze %dma_start3A_1991 : memref<1x128xi32, #tpu.memory_space<vmem>> -> memref<128xi32, #tpu.memory_space<vmem>>
      %dma_start3A_1993 = arith.constant 0 : i32
      %dma_start3A_1994 = arith.constant 0 : i32
      %dma_start3A_1995 = tpu.memref_slice %arg2[%dma_start3A_1993, %dma_start3A_1994] : memref<10000x128xf32, #tpu.memory_space<hbm>> -> memref<10000x128xf32, #tpu.memory_space<hbm>>
      tpu.enqueue_indirect_dma source(%dma_start3A_1995 : memref<10000x128xf32, #tpu.memory_space<hbm>>) target(%arg12 : memref<128x128xf32, #tpu.memory_space<vmem>>) offsets(%dma_start3A_1992 : memref<128xi32, #tpu.memory_space<vmem>>) semaphore(%arg15 : memref<!tpu.dma_semaphore, #tpu.memory_space<semaphore_mem>>)
      %dma_wait3A_1996 = arith.constant 1 : i32
      %dma_wait3A_1997 = arith.constant 0 : i32
      %dma_wait3A_1998 = tpu.memref_slice %arg9[%dma_wait3A_1996, %dma_wait3A_1997] : memref<8x128xi32, #tpu.memory_space<vmem>> -> memref<1x128xi32, #tpu.memory_space<vmem>>
      %dma_wait3A_1999 = tpu.memref_squeeze %dma_wait3A_1998 : memref<1x128xi32, #tpu.memory_space<vmem>> -> memref<128xi32, #tpu.memory_space<vmem>>
      %dma_wait3A_2000 = arith.constant 0 : i32
      %dma_wait3A_2001 = arith.constant 0 : i32
      %dma_wait3A_2002 = tpu.memref_slice %arg2[%dma_wait3A_2000, %dma_wait3A_2001] : memref<10000x128xf32, #tpu.memory_space<hbm>> -> memref<10000x128xf32, #tpu.memory_space<hbm>>
      tpu.wait_indirect_dma semaphore(%arg16 : memref<!tpu.dma_semaphore, #tpu.memory_space<semaphore_mem>>) src(%dma_wait3A_2002 : memref<10000x128xf32, #tpu.memory_space<hbm>>) dst(%arg13 : memref<128x128xf32, #tpu.memory_space<vmem>>)
      %dma_start3A_2003 = arith.constant 1 : i32
      %dma_start3A_2004 = arith.constant 0 : i32
      %dma_start3A_2005 = tpu.memref_slice %arg11[%dma_start3A_2003, %dma_start3A_2004] : memref<8x128xi32, #tpu.memory_space<vmem>> -> memref<1x128xi32, #tpu.memory_space<vmem>>
      %dma_start3A_2006 = tpu.memref_squeeze %dma_start3A_2005 : memref<1x128xi32, #tpu.memory_space<vmem>> -> memref<128xi32, #tpu.memory_space<vmem>>
      %dma_start3A_2007 = arith.constant 0 : i32
      %dma_start3A_2008 = arith.constant 0 : i32
      %dma_start3A_2009 = tpu.memref_slice %arg7[%dma_start3A_2007, %dma_start3A_2008] : memref<10128x128xf32, #tpu.memory_space<vmem_shared>> -> memref<10128x128xf32, #tpu.memory_space<vmem_shared>>
      tpu.enqueue_indirect_dma source(%arg13 : memref<128x128xf32, #tpu.memory_space<vmem>>) target(%dma_start3A_2009 : memref<10128x128xf32, #tpu.memory_space<vmem_shared>>) offsets(%dma_start3A_2006 : memref<128xi32, #tpu.memory_space<vmem>>) semaphore(%arg18 : memref<!tpu.dma_semaphore, #tpu.memory_space<semaphore_mem>>) {add = true}
      %dma_wait3A_2010 = arith.constant 1 : i32
      %dma_wait3A_2011 = arith.constant 0 : i32
      %dma_wait3A_2012 = tpu.memref_slice %arg11[%dma_wait3A_2010, %dma_wait3A_2011] : memref<8x128xi32, #tpu.memory_space<vmem>> -> memref<1x128xi32, #tpu.memory_space<vmem>>
      %dma_wait3A_2013 = tpu.memref_squeeze %dma_wait3A_2012 : memref<1x128xi32, #tpu.memory_space<vmem>> -> memref<128xi32, #tpu.memory_space<vmem>>
      %dma_wait3A_2014 = arith.constant 0 : i32
      %dma_wait3A_2015 = arith.constant 0 : i32
      %dma_wait3A_2016 = tpu.memref_slice %arg7[%dma_wait3A_2014, %dma_wait3A_2015] : memref<10128x128xf32, #tpu.memory_space<vmem_shared>> -> memref<10128x128xf32, #tpu.memory_space<vmem_shared>>
      tpu.wait_indirect_dma semaphore(%arg18 : memref<!tpu.dma_semaphore, #tpu.memory_space<semaphore_mem>>) src(%arg13 : memref<128x128xf32, #tpu.memory_space<vmem>>) dst(%dma_wait3A_2016 : memref<10128x128xf32, #tpu.memory_space<vmem_shared>>)
      %dma_start3A_2017 = arith.constant 3 : i32
      %dma_start3A_2018 = arith.constant 0 : i32
      %dma_start3A_2019 = tpu.memref_slice %arg9[%dma_start3A_2017, %dma_start3A_2018] : memref<8x128xi32, #tpu.memory_space<vmem>> -> memref<1x128xi32, #tpu.memory_space<vmem>>
      %dma_start3A_2020 = tpu.memref_squeeze %dma_start3A_2019 : memref<1x128xi32, #tpu.memory_space<vmem>> -> memref<128xi32, #tpu.memory_space<vmem>>
      %dma_start3A_2021 = arith.constant 0 : i32
      %dma_start3A_2022 = arith.constant 0 : i32
      %dma_start3A_2023 = tpu.memref_slice %arg2[%dma_start3A_2021, %dma_start3A_2022] : memref<10000x128xf32, #tpu.memory_space<hbm>> -> memref<10000x128xf32, #tpu.memory_space<hbm>>
      tpu.enqueue_indirect_dma source(%dma_start3A_2023 : memref<10000x128xf32, #tpu.memory_space<hbm>>) target(%arg13 : memref<128x128xf32, #tpu.memory_space<vmem>>) offsets(%dma_start3A_2020 : memref<128xi32, #tpu.memory_space<vmem>>) semaphore(%arg16 : memref<!tpu.dma_semaphore, #tpu.memory_space<semaphore_mem>>)
      %dma_wait3A_2024 = arith.constant 2 : i32
      %dma_wait3A_2025 = arith.constant 0 : i32
      %dma_wait3A_2026 = tpu.memref_slice %arg9[%dma_wait3A_2024, %dma_wait3A_2025] : memref<8x128xi32, #tpu.memory_space<vmem>> -> memref<1x128xi32, #tpu.memory_space<vmem>>
      %dma_wait3A_2027 = tpu.memref_squeeze %dma_wait3A_2026 : memref<1x128xi32, #tpu.memory_space<vmem>> -> memref<128xi32, #tpu.memory_space<vmem>>
      %dma_wait3A_2028 = arith.constant 0 : i32
      %dma_wait3A_2029 = arith.constant 0 : i32
      %dma_wait3A_2030 = tpu.memref_slice %arg2[%dma_wait3A_2028, %dma_wait3A_2029] : memref<10000x128xf32, #tpu.memory_space<hbm>> -> memref<10000x128xf32, #tpu.memory_space<hbm>>
      tpu.wait_indirect_dma semaphore(%arg15 : memref<!tpu.dma_semaphore, #tpu.memory_space<semaphore_mem>>) src(%dma_wait3A_2030 : memref<10000x128xf32, #tpu.memory_space<hbm>>) dst(%arg12 : memref<128x128xf32, #tpu.memory_space<vmem>>)
      %dma_start3A_2031 = arith.constant 2 : i32
      %dma_start3A_2032 = arith.constant 0 : i32
      %dma_start3A_2033 = tpu.memref_slice %arg11[%dma_start3A_2031, %dma_start3A_2032] : memref<8x128xi32, #tpu.memory_space<vmem>> -> memref<1x128xi32, #tpu.memory_space<vmem>>
      %dma_start3A_2034 = tpu.memref_squeeze %dma_start3A_2033 : memref<1x128xi32, #tpu.memory_space<vmem>> -> memref<128xi32, #tpu.memory_space<vmem>>
      %dma_start3A_2035 = arith.constant 0 : i32
      %dma_start3A_2036 = arith.constant 0 : i32
      %dma_start3A_2037 = tpu.memref_slice %arg7[%dma_start3A_2035, %dma_start3A_2036] : memref<10128x128xf32, #tpu.memory_space<vmem_shared>> -> memref<10128x128xf32, #tpu.memory_space<vmem_shared>>
      tpu.enqueue_indirect_dma source(%arg12 : memref<128x128xf32, #tpu.memory_space<vmem>>) target(%dma_start3A_2037 : memref<10128x128xf32, #tpu.memory_space<vmem_shared>>) offsets(%dma_start3A_2034 : memref<128xi32, #tpu.memory_space<vmem>>) semaphore(%arg17 : memref<!tpu.dma_semaphore, #tpu.memory_space<semaphore_mem>>) {add = true}
      %dma_wait3A_2038 = arith.constant 2 : i32
      %dma_wait3A_2039 = arith.constant 0 : i32
      %dma_wait3A_2040 = tpu.memref_slice %arg11[%dma_wait3A_2038, %dma_wait3A_2039] : memref<8x128xi32, #tpu.memory_space<vmem>> -> memref<1x128xi32, #tpu.memory_space<vmem>>
      %dma_wait3A_2041 = tpu.memref_squeeze %dma_wait3A_2040 : memref<1x128xi32, #tpu.memory_space<vmem>> -> memref<128xi32, #tpu.memory_space<vmem>>
      %dma_wait3A_2042 = arith.constant 0 : i32
      %dma_wait3A_2043 = arith.constant 0 : i32
      %dma_wait3A_2044 = tpu.memref_slice %arg7[%dma_wait3A_2042, %dma_wait3A_2043] : memref<10128x128xf32, #tpu.memory_space<vmem_shared>> -> memref<10128x128xf32, #tpu.memory_space<vmem_shared>>
      tpu.wait_indirect_dma semaphore(%arg17 : memref<!tpu.dma_semaphore, #tpu.memory_space<semaphore_mem>>) src(%arg12 : memref<128x128xf32, #tpu.memory_space<vmem>>) dst(%dma_wait3A_2044 : memref<10128x128xf32, #tpu.memory_space<vmem_shared>>)
      %dma_start3A_2045 = arith.constant 4 : i32
      %dma_start3A_2046 = arith.constant 0 : i32
      %dma_start3A_2047 = tpu.memref_slice %arg9[%dma_start3A_2045, %dma_start3A_2046] : memref<8x128xi32, #tpu.memory_space<vmem>> -> memref<1x128xi32, #tpu.memory_space<vmem>>
      %dma_start3A_2048 = tpu.memref_squeeze %dma_start3A_2047 : memref<1x128xi32, #tpu.memory_space<vmem>> -> memref<128xi32, #tpu.memory_space<vmem>>
      %dma_start3A_2049 = arith.constant 0 : i32
      %dma_start3A_2050 = arith.constant 0 : i32
      %dma_start3A_2051 = tpu.memref_slice %arg2[%dma_start3A_2049, %dma_start3A_2050] : memref<10000x128xf32, #tpu.memory_space<hbm>> -> memref<10000x128xf32, #tpu.memory_space<hbm>>
      tpu.enqueue_indirect_dma source(%dma_start3A_2051 : memref<10000x128xf32, #tpu.memory_space<hbm>>) target(%arg12 : memref<128x128xf32, #tpu.memory_space<vmem>>) offsets(%dma_start3A_2048 : memref<128xi32, #tpu.memory_space<vmem>>) semaphore(%arg15 : memref<!tpu.dma_semaphore, #tpu.memory_space<semaphore_mem>>)
      %dma_wait3A_2052 = arith.constant 3 : i32
      %dma_wait3A_2053 = arith.constant 0 : i32
      %dma_wait3A_2054 = tpu.memref_slice %arg9[%dma_wait3A_2052, %dma_wait3A_2053] : memref<8x128xi32, #tpu.memory_space<vmem>> -> memref<1x128xi32, #tpu.memory_space<vmem>>
      %dma_wait3A_2055 = tpu.memref_squeeze %dma_wait3A_2054 : memref<1x128xi32, #tpu.memory_space<vmem>> -> memref<128xi32, #tpu.memory_space<vmem>>
      %dma_wait3A_2056 = arith.constant 0 : i32
      %dma_wait3A_2057 = arith.constant 0 : i32
      %dma_wait3A_2058 = tpu.memref_slice %arg2[%dma_wait3A_2056, %dma_wait3A_2057] : memref<10000x128xf32, #tpu.memory_space<hbm>> -> memref<10000x128xf32, #tpu.memory_space<hbm>>
      tpu.wait_indirect_dma semaphore(%arg16 : memref<!tpu.dma_semaphore, #tpu.memory_space<semaphore_mem>>) src(%dma_wait3A_2058 : memref<10000x128xf32, #tpu.memory_space<hbm>>) dst(%arg13 : memref<128x128xf32, #tpu.memory_space<vmem>>)
      %dma_start3A_2059 = arith.constant 3 : i32
      %dma_start3A_2060 = arith.constant 0 : i32
      %dma_start3A_2061 = tpu.memref_slice %arg11[%dma_start3A_2059, %dma_start3A_2060] : memref<8x128xi32, #tpu.memory_space<vmem>> -> memref<1x128xi32, #tpu.memory_space<vmem>>
      %dma_start3A_2062 = tpu.memref_squeeze %dma_start3A_2061 : memref<1x128xi32, #tpu.memory_space<vmem>> -> memref<128xi32, #tpu.memory_space<vmem>>
      %dma_start3A_2063 = arith.constant 0 : i32
      %dma_start3A_2064 = arith.constant 0 : i32
      %dma_start3A_2065 = tpu.memref_slice %arg7[%dma_start3A_2063, %dma_start3A_2064] : memref<10128x128xf32, #tpu.memory_space<vmem_shared>> -> memref<10128x128xf32, #tpu.memory_space<vmem_shared>>
      tpu.enqueue_indirect_dma source(%arg13 : memref<128x128xf32, #tpu.memory_space<vmem>>) target(%dma_start3A_2065 : memref<10128x128xf32, #tpu.memory_space<vmem_shared>>) offsets(%dma_start3A_2062 : memref<128xi32, #tpu.memory_space<vmem>>) semaphore(%arg18 : memref<!tpu.dma_semaphore, #tpu.memory_space<semaphore_mem>>) {add = true}
      %dma_wait3A_2066 = arith.constant 3 : i32
      %dma_wait3A_2067 = arith.constant 0 : i32
      %dma_wait3A_2068 = tpu.memref_slice %arg11[%dma_wait3A_2066, %dma_wait3A_2067] : memref<8x128xi32, #tpu.memory_space<vmem>> -> memref<1x128xi32, #tpu.memory_space<vmem>>
      %dma_wait3A_2069 = tpu.memref_squeeze %dma_wait3A_2068 : memref<1x128xi32, #tpu.memory_space<vmem>> -> memref<128xi32, #tpu.memory_space<vmem>>
      %dma_wait3A_2070 = arith.constant 0 : i32
      %dma_wait3A_2071 = arith.constant 0 : i32
      %dma_wait3A_2072 = tpu.memref_slice %arg7[%dma_wait3A_2070, %dma_wait3A_2071] : memref<10128x128xf32, #tpu.memory_space<vmem_shared>> -> memref<10128x128xf32, #tpu.memory_space<vmem_shared>>
      tpu.wait_indirect_dma semaphore(%arg18 : memref<!tpu.dma_semaphore, #tpu.memory_space<semaphore_mem>>) src(%arg13 : memref<128x128xf32, #tpu.memory_space<vmem>>) dst(%dma_wait3A_2072 : memref<10128x128xf32, #tpu.memory_space<vmem_shared>>)
      %dma_start3A_2073 = arith.constant 5 : i32
      %dma_start3A_2074 = arith.constant 0 : i32
      %dma_start3A_2075 = tpu.memref_slice %arg9[%dma_start3A_2073, %dma_start3A_2074] : memref<8x128xi32, #tpu.memory_space<vmem>> -> memref<1x128xi32, #tpu.memory_space<vmem>>
      %dma_start3A_2076 = tpu.memref_squeeze %dma_start3A_2075 : memref<1x128xi32, #tpu.memory_space<vmem>> -> memref<128xi32, #tpu.memory_space<vmem>>
      %dma_start3A_2077 = arith.constant 0 : i32
      %dma_start3A_2078 = arith.constant 0 : i32
      %dma_start3A_2079 = tpu.memref_slice %arg2[%dma_start3A_2077, %dma_start3A_2078] : memref<10000x128xf32, #tpu.memory_space<hbm>> -> memref<10000x128xf32, #tpu.memory_space<hbm>>
      tpu.enqueue_indirect_dma source(%dma_start3A_2079 : memref<10000x128xf32, #tpu.memory_space<hbm>>) target(%arg13 : memref<128x128xf32, #tpu.memory_space<vmem>>) offsets(%dma_start3A_2076 : memref<128xi32, #tpu.memory_space<vmem>>) semaphore(%arg16 : memref<!tpu.dma_semaphore, #tpu.memory_space<semaphore_mem>>)
      %dma_wait3A_2080 = arith.constant 4 : i32
      %dma_wait3A_2081 = arith.constant 0 : i32
      %dma_wait3A_2082 = tpu.memref_slice %arg9[%dma_wait3A_2080, %dma_wait3A_2081] : memref<8x128xi32, #tpu.memory_space<vmem>> -> memref<1x128xi32, #tpu.memory_space<vmem>>
      %dma_wait3A_2083 = tpu.memref_squeeze %dma_wait3A_2082 : memref<1x128xi32, #tpu.memory_space<vmem>> -> memref<128xi32, #tpu.memory_space<vmem>>
      %dma_wait3A_2084 = arith.constant 0 : i32
      %dma_wait3A_2085 = arith.constant 0 : i32
      %dma_wait3A_2086 = tpu.memref_slice %arg2[%dma_wait3A_2084, %dma_wait3A_2085] : memref<10000x128xf32, #tpu.memory_space<hbm>> -> memref<10000x128xf32, #tpu.memory_space<hbm>>
      tpu.wait_indirect_dma semaphore(%arg15 : memref<!tpu.dma_semaphore, #tpu.memory_space<semaphore_mem>>) src(%dma_wait3A_2086 : memref<10000x128xf32, #tpu.memory_space<hbm>>) dst(%arg12 : memref<128x128xf32, #tpu.memory_space<vmem>>)
      %dma_start3A_2087 = arith.constant 4 : i32
      %dma_start3A_2088 = arith.constant 0 : i32
      %dma_start3A_2089 = tpu.memref_slice %arg11[%dma_start3A_2087, %dma_start3A_2088] : memref<8x128xi32, #tpu.memory_space<vmem>> -> memref<1x128xi32, #tpu.memory_space<vmem>>
      %dma_start3A_2090 = tpu.memref_squeeze %dma_start3A_2089 : memref<1x128xi32, #tpu.memory_space<vmem>> -> memref<128xi32, #tpu.memory_space<vmem>>
      %dma_start3A_2091 = arith.constant 0 : i32
      %dma_start3A_2092 = arith.constant 0 : i32
      %dma_start3A_2093 = tpu.memref_slice %arg7[%dma_start3A_2091, %dma_start3A_2092] : memref<10128x128xf32, #tpu.memory_space<vmem_shared>> -> memref<10128x128xf32, #tpu.memory_space<vmem_shared>>
      tpu.enqueue_indirect_dma source(%arg12 : memref<128x128xf32, #tpu.memory_space<vmem>>) target(%dma_start3A_2093 : memref<10128x128xf32, #tpu.memory_space<vmem_shared>>) offsets(%dma_start3A_2090 : memref<128xi32, #tpu.memory_space<vmem>>) semaphore(%arg17 : memref<!tpu.dma_semaphore, #tpu.memory_space<semaphore_mem>>) {add = true}
      %dma_wait3A_2094 = arith.constant 4 : i32
      %dma_wait3A_2095 = arith.constant 0 : i32
      %dma_wait3A_2096 = tpu.memref_slice %arg11[%dma_wait3A_2094, %dma_wait3A_2095] : memref<8x128xi32, #tpu.memory_space<vmem>> -> memref<1x128xi32, #tpu.memory_space<vmem>>
      %dma_wait3A_2097 = tpu.memref_squeeze %dma_wait3A_2096 : memref<1x128xi32, #tpu.memory_space<vmem>> -> memref<128xi32, #tpu.memory_space<vmem>>
      %dma_wait3A_2098 = arith.constant 0 : i32
      %dma_wait3A_2099 = arith.constant 0 : i32
      %dma_wait3A_2100 = tpu.memref_slice %arg7[%dma_wait3A_2098, %dma_wait3A_2099] : memref<10128x128xf32, #tpu.memory_space<vmem_shared>> -> memref<10128x128xf32, #tpu.memory_space<vmem_shared>>
      tpu.wait_indirect_dma semaphore(%arg17 : memref<!tpu.dma_semaphore, #tpu.memory_space<semaphore_mem>>) src(%arg12 : memref<128x128xf32, #tpu.memory_space<vmem>>) dst(%dma_wait3A_2100 : memref<10128x128xf32, #tpu.memory_space<vmem_shared>>)
      %dma_start3A_2101 = arith.constant 6 : i32
      %dma_start3A_2102 = arith.constant 0 : i32
      %dma_start3A_2103 = tpu.memref_slice %arg9[%dma_start3A_2101, %dma_start3A_2102] : memref<8x128xi32, #tpu.memory_space<vmem>> -> memref<1x128xi32, #tpu.memory_space<vmem>>
      %dma_start3A_2104 = tpu.memref_squeeze %dma_start3A_2103 : memref<1x128xi32, #tpu.memory_space<vmem>> -> memref<128xi32, #tpu.memory_space<vmem>>
      %dma_start3A_2105 = arith.constant 0 : i32
      %dma_start3A_2106 = arith.constant 0 : i32
      %dma_start3A_2107 = tpu.memref_slice %arg2[%dma_start3A_2105, %dma_start3A_2106] : memref<10000x128xf32, #tpu.memory_space<hbm>> -> memref<10000x128xf32, #tpu.memory_space<hbm>>
      tpu.enqueue_indirect_dma source(%dma_start3A_2107 : memref<10000x128xf32, #tpu.memory_space<hbm>>) target(%arg12 : memref<128x128xf32, #tpu.memory_space<vmem>>) offsets(%dma_start3A_2104 : memref<128xi32, #tpu.memory_space<vmem>>) semaphore(%arg15 : memref<!tpu.dma_semaphore, #tpu.memory_space<semaphore_mem>>)
      %dma_wait3A_2108 = arith.constant 5 : i32
      %dma_wait3A_2109 = arith.constant 0 : i32
      %dma_wait3A_2110 = tpu.memref_slice %arg9[%dma_wait3A_2108, %dma_wait3A_2109] : memref<8x128xi32, #tpu.memory_space<vmem>> -> memref<1x128xi32, #tpu.memory_space<vmem>>
      %dma_wait3A_2111 = tpu.memref_squeeze %dma_wait3A_2110 : memref<1x128xi32, #tpu.memory_space<vmem>> -> memref<128xi32, #tpu.memory_space<vmem>>
      %dma_wait3A_2112 = arith.constant 0 : i32
      %dma_wait3A_2113 = arith.constant 0 : i32
      %dma_wait3A_2114 = tpu.memref_slice %arg2[%dma_wait3A_2112, %dma_wait3A_2113] : memref<10000x128xf32, #tpu.memory_space<hbm>> -> memref<10000x128xf32, #tpu.memory_space<hbm>>
      tpu.wait_indirect_dma semaphore(%arg16 : memref<!tpu.dma_semaphore, #tpu.memory_space<semaphore_mem>>) src(%dma_wait3A_2114 : memref<10000x128xf32, #tpu.memory_space<hbm>>) dst(%arg13 : memref<128x128xf32, #tpu.memory_space<vmem>>)
      %dma_start3A_2115 = arith.constant 5 : i32
      %dma_start3A_2116 = arith.constant 0 : i32
      %dma_start3A_2117 = tpu.memref_slice %arg11[%dma_start3A_2115, %dma_start3A_2116] : memref<8x128xi32, #tpu.memory_space<vmem>> -> memref<1x128xi32, #tpu.memory_space<vmem>>
      %dma_start3A_2118 = tpu.memref_squeeze %dma_start3A_2117 : memref<1x128xi32, #tpu.memory_space<vmem>> -> memref<128xi32, #tpu.memory_space<vmem>>
      %dma_start3A_2119 = arith.constant 0 : i32
      %dma_start3A_2120 = arith.constant 0 : i32
      %dma_start3A_2121 = tpu.memref_slice %arg7[%dma_start3A_2119, %dma_start3A_2120] : memref<10128x128xf32, #tpu.memory_space<vmem_shared>> -> memref<10128x128xf32, #tpu.memory_space<vmem_shared>>
      tpu.enqueue_indirect_dma source(%arg13 : memref<128x128xf32, #tpu.memory_space<vmem>>) target(%dma_start3A_2121 : memref<10128x128xf32, #tpu.memory_space<vmem_shared>>) offsets(%dma_start3A_2118 : memref<128xi32, #tpu.memory_space<vmem>>) semaphore(%arg18 : memref<!tpu.dma_semaphore, #tpu.memory_space<semaphore_mem>>) {add = true}
      %dma_wait3A_2122 = arith.constant 5 : i32
      %dma_wait3A_2123 = arith.constant 0 : i32
      %dma_wait3A_2124 = tpu.memref_slice %arg11[%dma_wait3A_2122, %dma_wait3A_2123] : memref<8x128xi32, #tpu.memory_space<vmem>> -> memref<1x128xi32, #tpu.memory_space<vmem>>
      %dma_wait3A_2125 = tpu.memref_squeeze %dma_wait3A_2124 : memref<1x128xi32, #tpu.memory_space<vmem>> -> memref<128xi32, #tpu.memory_space<vmem>>
      %dma_wait3A_2126 = arith.constant 0 : i32
      %dma_wait3A_2127 = arith.constant 0 : i32
      %dma_wait3A_2128 = tpu.memref_slice %arg7[%dma_wait3A_2126, %dma_wait3A_2127] : memref<10128x128xf32, #tpu.memory_space<vmem_shared>> -> memref<10128x128xf32, #tpu.memory_space<vmem_shared>>
      tpu.wait_indirect_dma semaphore(%arg18 : memref<!tpu.dma_semaphore, #tpu.memory_space<semaphore_mem>>) src(%arg13 : memref<128x128xf32, #tpu.memory_space<vmem>>) dst(%dma_wait3A_2128 : memref<10128x128xf32, #tpu.memory_space<vmem_shared>>)
      %dma_start3A_2129 = arith.constant 7 : i32
      %dma_start3A_2130 = arith.constant 0 : i32
      %dma_start3A_2131 = tpu.memref_slice %arg9[%dma_start3A_2129, %dma_start3A_2130] : memref<8x128xi32, #tpu.memory_space<vmem>> -> memref<1x128xi32, #tpu.memory_space<vmem>>
      %dma_start3A_2132 = tpu.memref_squeeze %dma_start3A_2131 : memref<1x128xi32, #tpu.memory_space<vmem>> -> memref<128xi32, #tpu.memory_space<vmem>>
      %dma_start3A_2133 = arith.constant 0 : i32
      %dma_start3A_2134 = arith.constant 0 : i32
      %dma_start3A_2135 = tpu.memref_slice %arg2[%dma_start3A_2133, %dma_start3A_2134] : memref<10000x128xf32, #tpu.memory_space<hbm>> -> memref<10000x128xf32, #tpu.memory_space<hbm>>
      tpu.enqueue_indirect_dma source(%dma_start3A_2135 : memref<10000x128xf32, #tpu.memory_space<hbm>>) target(%arg13 : memref<128x128xf32, #tpu.memory_space<vmem>>) offsets(%dma_start3A_2132 : memref<128xi32, #tpu.memory_space<vmem>>) semaphore(%arg16 : memref<!tpu.dma_semaphore, #tpu.memory_space<semaphore_mem>>)
      %dma_wait3A_2136 = arith.constant 6 : i32
      %dma_wait3A_2137 = arith.constant 0 : i32
      %dma_wait3A_2138 = tpu.memref_slice %arg9[%dma_wait3A_2136, %dma_wait3A_2137] : memref<8x128xi32, #tpu.memory_space<vmem>> -> memref<1x128xi32, #tpu.memory_space<vmem>>
      %dma_wait3A_2139 = tpu.memref_squeeze %dma_wait3A_2138 : memref<1x128xi32, #tpu.memory_space<vmem>> -> memref<128xi32, #tpu.memory_space<vmem>>
      %dma_wait3A_2140 = arith.constant 0 : i32
      %dma_wait3A_2141 = arith.constant 0 : i32
      %dma_wait3A_2142 = tpu.memref_slice %arg2[%dma_wait3A_2140, %dma_wait3A_2141] : memref<10000x128xf32, #tpu.memory_space<hbm>> -> memref<10000x128xf32, #tpu.memory_space<hbm>>
      tpu.wait_indirect_dma semaphore(%arg15 : memref<!tpu.dma_semaphore, #tpu.memory_space<semaphore_mem>>) src(%dma_wait3A_2142 : memref<10000x128xf32, #tpu.memory_space<hbm>>) dst(%arg12 : memref<128x128xf32, #tpu.memory_space<vmem>>)
      %dma_start3A_2143 = arith.constant 6 : i32
      %dma_start3A_2144 = arith.constant 0 : i32
      %dma_start3A_2145 = tpu.memref_slice %arg11[%dma_start3A_2143, %dma_start3A_2144] : memref<8x128xi32, #tpu.memory_space<vmem>> -> memref<1x128xi32, #tpu.memory_space<vmem>>
      %dma_start3A_2146 = tpu.memref_squeeze %dma_start3A_2145 : memref<1x128xi32, #tpu.memory_space<vmem>> -> memref<128xi32, #tpu.memory_space<vmem>>
      %dma_start3A_2147 = arith.constant 0 : i32
      %dma_start3A_2148 = arith.constant 0 : i32
      %dma_start3A_2149 = tpu.memref_slice %arg7[%dma_start3A_2147, %dma_start3A_2148] : memref<10128x128xf32, #tpu.memory_space<vmem_shared>> -> memref<10128x128xf32, #tpu.memory_space<vmem_shared>>
      tpu.enqueue_indirect_dma source(%arg12 : memref<128x128xf32, #tpu.memory_space<vmem>>) target(%dma_start3A_2149 : memref<10128x128xf32, #tpu.memory_space<vmem_shared>>) offsets(%dma_start3A_2146 : memref<128xi32, #tpu.memory_space<vmem>>) semaphore(%arg17 : memref<!tpu.dma_semaphore, #tpu.memory_space<semaphore_mem>>) {add = true}
      %dma_wait3A_2150 = arith.constant 7 : i32
      %dma_wait3A_2151 = arith.constant 0 : i32
      %dma_wait3A_2152 = tpu.memref_slice %arg9[%dma_wait3A_2150, %dma_wait3A_2151] : memref<8x128xi32, #tpu.memory_space<vmem>> -> memref<1x128xi32, #tpu.memory_space<vmem>>
      %dma_wait3A_2153 = tpu.memref_squeeze %dma_wait3A_2152 : memref<1x128xi32, #tpu.memory_space<vmem>> -> memref<128xi32, #tpu.memory_space<vmem>>
      %dma_wait3A_2154 = arith.constant 0 : i32
      %dma_wait3A_2155 = arith.constant 0 : i32
      %dma_wait3A_2156 = tpu.memref_slice %arg2[%dma_wait3A_2154, %dma_wait3A_2155] : memref<10000x128xf32, #tpu.memory_space<hbm>> -> memref<10000x128xf32, #tpu.memory_space<hbm>>
      tpu.wait_indirect_dma semaphore(%arg16 : memref<!tpu.dma_semaphore, #tpu.memory_space<semaphore_mem>>) src(%dma_wait3A_2156 : memref<10000x128xf32, #tpu.memory_space<hbm>>) dst(%arg13 : memref<128x128xf32, #tpu.memory_space<vmem>>)
      %dma_start3A_2157 = arith.constant 7 : i32
      %dma_start3A_2158 = arith.constant 0 : i32
      %dma_start3A_2159 = tpu.memref_slice %arg11[%dma_start3A_2157, %dma_start3A_2158] : memref<8x128xi32, #tpu.memory_space<vmem>> -> memref<1x128xi32, #tpu.memory_space<vmem>>
      %dma_start3A_2160 = tpu.memref_squeeze %dma_start3A_2159 : memref<1x128xi32, #tpu.memory_space<vmem>> -> memref<128xi32, #tpu.memory_space<vmem>>
      %dma_start3A_2161 = arith.constant 0 : i32
      %dma_start3A_2162 = arith.constant 0 : i32
      %dma_start3A_2163 = tpu.memref_slice %arg7[%dma_start3A_2161, %dma_start3A_2162] : memref<10128x128xf32, #tpu.memory_space<vmem_shared>> -> memref<10128x128xf32, #tpu.memory_space<vmem_shared>>
      tpu.enqueue_indirect_dma source(%arg13 : memref<128x128xf32, #tpu.memory_space<vmem>>) target(%dma_start3A_2163 : memref<10128x128xf32, #tpu.memory_space<vmem_shared>>) offsets(%dma_start3A_2160 : memref<128xi32, #tpu.memory_space<vmem>>) semaphore(%arg18 : memref<!tpu.dma_semaphore, #tpu.memory_space<semaphore_mem>>) {add = true}
      %dma_wait3A_2164 = arith.constant 6 : i32
      %dma_wait3A_2165 = arith.constant 0 : i32
      %dma_wait3A_2166 = tpu.memref_slice %arg11[%dma_wait3A_2164, %dma_wait3A_2165] : memref<8x128xi32, #tpu.memory_space<vmem>> -> memref<1x128xi32, #tpu.memory_space<vmem>>
      %dma_wait3A_2167 = tpu.memref_squeeze %dma_wait3A_2166 : memref<1x128xi32, #tpu.memory_space<vmem>> -> memref<128xi32, #tpu.memory_space<vmem>>
      %dma_wait3A_2168 = arith.constant 0 : i32
      %dma_wait3A_2169 = arith.constant 0 : i32
      %dma_wait3A_2170 = tpu.memref_slice %arg7[%dma_wait3A_2168, %dma_wait3A_2169] : memref<10128x128xf32, #tpu.memory_space<vmem_shared>> -> memref<10128x128xf32, #tpu.memory_space<vmem_shared>>
      tpu.wait_indirect_dma semaphore(%arg17 : memref<!tpu.dma_semaphore, #tpu.memory_space<semaphore_mem>>) src(%arg12 : memref<128x128xf32, #tpu.memory_space<vmem>>) dst(%dma_wait3A_2170 : memref<10128x128xf32, #tpu.memory_space<vmem_shared>>)
      %dma_wait3A_2171 = arith.constant 7 : i32
      %dma_wait3A_2172 = arith.constant 0 : i32
      %dma_wait3A_2173 = tpu.memref_slice %arg11[%dma_wait3A_2171, %dma_wait3A_2172] : memref<8x128xi32, #tpu.memory_space<vmem>> -> memref<1x128xi32, #tpu.memory_space<vmem>>
      %dma_wait3A_2174 = tpu.memref_squeeze %dma_wait3A_2173 : memref<1x128xi32, #tpu.memory_space<vmem>> -> memref<128xi32, #tpu.memory_space<vmem>>
      %dma_wait3A_2175 = arith.constant 0 : i32
      %dma_wait3A_2176 = arith.constant 0 : i32
      %dma_wait3A_2177 = tpu.memref_slice %arg7[%dma_wait3A_2175, %dma_wait3A_2176] : memref<10128x128xf32, #tpu.memory_space<vmem_shared>> -> memref<10128x128xf32, #tpu.memory_space<vmem_shared>>
      tpu.wait_indirect_dma semaphore(%arg18 : memref<!tpu.dma_semaphore, #tpu.memory_space<semaphore_mem>>) src(%arg13 : memref<128x128xf32, #tpu.memory_space<vmem>>) dst(%dma_wait3A_2177 : memref<10128x128xf32, #tpu.memory_space<vmem_shared>>)
      %lt3A_2178 = arith.constant 4 : i32
      %lt3A_2179 = arith.cmpi slt, %while3A_73, %lt3A_2178 : i32
      %convert_element_type3A_2180 = arith.extui %lt3A_2179 : i1 to i32
      %cond3A_2181 = arith.constant 0 : i32
      %cond3A_2182 = arith.cmpi ne, %convert_element_type3A_2180, %cond3A_2181 : i32
      scf.if %cond3A_2182 {
        %add3A_2183 = arith.constant 512 : i32
        %add3A_2184 = arith.addi %add3A_81, %add3A_2183 : i32
        %dma_start3A_2185 = arith.constant 0 : i32
        %dma_start3A_2186 = tpu.memref_slice %arg3[%add3A_2184, %dma_start3A_2185] : memref<2560x128xi32, #tpu.memory_space<hbm>> -> memref<8x128xi32, #tpu.memory_space<hbm>>
        %dma_start3A_2187 = arith.constant 0 : i32
        %dma_start3A_2188 = tpu.memref_slice %arg3[%add3A_2184, %dma_start3A_2187] : memref<2560x128xi32, #tpu.memory_space<hbm>> -> memref<8x128xi32, #tpu.memory_space<hbm>>
        tpu.enqueue_dma source(%dma_start3A_2188 : memref<8x128xi32, #tpu.memory_space<hbm>>) target(%arg9 : memref<8x128xi32, #tpu.memory_space<vmem>>) target_semaphore(%arg20 : memref<!tpu.dma_semaphore, #tpu.memory_space<semaphore_mem>>)
        %dma_start3A_2189 = arith.constant 0 : i32
        %dma_start3A_2190 = tpu.memref_slice %arg4[%add3A_2184, %dma_start3A_2189] : memref<2560x128xi32, #tpu.memory_space<hbm>> -> memref<8x128xi32, #tpu.memory_space<hbm>>
        %dma_start3A_2191 = arith.constant 0 : i32
        %dma_start3A_2192 = tpu.memref_slice %arg4[%add3A_2184, %dma_start3A_2191] : memref<2560x128xi32, #tpu.memory_space<hbm>> -> memref<8x128xi32, #tpu.memory_space<hbm>>
        tpu.enqueue_dma source(%dma_start3A_2192 : memref<8x128xi32, #tpu.memory_space<hbm>>) target(%arg11 : memref<8x128xi32, #tpu.memory_space<vmem>>) target_semaphore(%arg20 : memref<!tpu.dma_semaphore, #tpu.memory_space<semaphore_mem>>)
      } else {
      }
    }
    %while3A_55 = arith.constant 1 : i32
    scf.for %while3A_73 = %while3A_53 to %while3A_49 step %while3A_55  : i32 {
      %mul3A_74 = arith.constant 64 : i32
      %mul3A_75 = arith.muli %while3A_73, %mul3A_74 : i32
      %add3A_76 = arith.addi %mul3A_75, %add3A : i32
      %mul3A_77 = arith.constant 8 : i32
      %mul3A_78 = arith.muli %add3A_76, %mul3A_77 : i32
      %multiple_of3A_79 = tpu.assume_multiple %mul3A_78, 8 : i32
      %add3A_80 = arith.constant 256 : i32
      %add3A_81 = arith.addi %multiple_of3A_79, %add3A_80 : i32
      %dma_wait3A_82 = arith.constant 0 : i32
      %dma_wait3A_83 = tpu.memref_slice %arg3[%multiple_of3A_79, %dma_wait3A_82] : memref<2560x128xi32, #tpu.memory_space<hbm>> -> memref<8x128xi32, #tpu.memory_space<hbm>>
      %dma_wait3A_84 = arith.constant 0 : i32
      %dma_wait3A_85 = tpu.memref_slice %arg3[%multiple_of3A_79, %dma_wait3A_84] : memref<2560x128xi32, #tpu.memory_space<hbm>> -> memref<8x128xi32, #tpu.memory_space<hbm>>
      tpu.wait_dma2 semaphore(%arg19 : memref<!tpu.dma_semaphore, #tpu.memory_space<semaphore_mem>>) src(%dma_wait3A_85 : memref<8x128xi32, #tpu.memory_space<hbm>>) dst(%arg8 : memref<8x128xi32, #tpu.memory_space<vmem>>)
      %dma_wait3A_86 = arith.constant 0 : i32
      %dma_wait3A_87 = tpu.memref_slice %arg4[%multiple_of3A_79, %dma_wait3A_86] : memref<2560x128xi32, #tpu.memory_space<hbm>> -> memref<8x128xi32, #tpu.memory_space<hbm>>
      %dma_wait3A_88 = arith.constant 0 : i32
      %dma_wait3A_89 = tpu.memref_slice %arg4[%multiple_of3A_79, %dma_wait3A_88] : memref<2560x128xi32, #tpu.memory_space<hbm>> -> memref<8x128xi32, #tpu.memory_space<hbm>>
      tpu.wait_dma2 semaphore(%arg19 : memref<!tpu.dma_semaphore, #tpu.memory_space<semaphore_mem>>) src(%dma_wait3A_89 : memref<8x128xi32, #tpu.memory_space<hbm>>) dst(%arg10 : memref<8x128xi32, #tpu.memory_space<vmem>>)
      %get3A = arith.constant 0 : index
      %get3A_90 = tpu.vector_load %arg14[%get3A] {strides = array<i32>} : memref<16xi32, #tpu.memory_space<vmem>>, vector<16xi32>,
      %get3A_91 = vector.shape_cast %get3A_90 : vector<16xi32> to vector<16xi32>
      %add3A_92 = arith.constant 0 : i32
      %add3A_93 = arith.addi %multiple_of3A_79, %add3A_92 : i32
      %lt3A_94 = arith.constant 2500 : i32
      %lt3A_95 = arith.cmpi slt, %add3A_93, %lt3A_94 : i32
      %get3A_96 = arith.constant 0 : i64
      %get3A_97 = arith.index_cast %get3A_96 : i64 to index
      %get3A_98 = arith.constant 0 : index
      %get3A_99 = tpu.vector_load %arg8[%get3A_97, %get3A_98] {strides = array<i32>} : memref<8x128xi32, #tpu.memory_space<vmem>>, vector<1x16xi32>,
      %get3A_100 = vector.shape_cast %get3A_99 : vector<1x16xi32> to vector<16xi32>
      %max3A = arith.maxsi %get3A_91, %get3A_100 : vector<16xi32>
      %get3A_101 = arith.constant 0 : i64
      %get3A_102 = arith.index_cast %get3A_101 : i64 to index
      %get3A_103 = arith.constant 0 : index
      %get3A_104 = tpu.vector_load %arg10[%get3A_102, %get3A_103] {strides = array<i32>} : memref<8x128xi32, #tpu.memory_space<vmem>>, vector<1x16xi32>,
      %get3A_105 = vector.shape_cast %get3A_104 : vector<1x16xi32> to vector<16xi32>
      %max3A_106 = arith.maxsi %max3A, %get3A_105 : vector<16xi32>
      %get3A_107 = arith.constant 0 : i64
      %get3A_108 = arith.index_cast %get3A_107 : i64 to index
      %get3A_109 = arith.constant 16 : index
      %get3A_110 = tpu.vector_load %arg8[%get3A_108, %get3A_109] {strides = array<i32>} : memref<8x128xi32, #tpu.memory_space<vmem>>, vector<1x16xi32>,
      %get3A_111 = vector.shape_cast %get3A_110 : vector<1x16xi32> to vector<16xi32>
      %max3A_112 = arith.maxsi %max3A_106, %get3A_111 : vector<16xi32>
      %get3A_113 = arith.constant 0 : i64
      %get3A_114 = arith.index_cast %get3A_113 : i64 to index
      %get3A_115 = arith.constant 16 : index
      %get3A_116 = tpu.vector_load %arg10[%get3A_114, %get3A_115] {strides = array<i32>} : memref<8x128xi32, #tpu.memory_space<vmem>>, vector<1x16xi32>,
      %get3A_117 = vector.shape_cast %get3A_116 : vector<1x16xi32> to vector<16xi32>
      %max3A_118 = arith.maxsi %max3A_112, %get3A_117 : vector<16xi32>
      %get3A_119 = arith.constant 0 : i64
      %get3A_120 = arith.index_cast %get3A_119 : i64 to index
      %get3A_121 = arith.constant 32 : index
      %get3A_122 = tpu.vector_load %arg8[%get3A_120, %get3A_121] {strides = array<i32>} : memref<8x128xi32, #tpu.memory_space<vmem>>, vector<1x16xi32>,
      %get3A_123 = vector.shape_cast %get3A_122 : vector<1x16xi32> to vector<16xi32>
      %max3A_124 = arith.maxsi %max3A_118, %get3A_123 : vector<16xi32>
      %get3A_125 = arith.constant 0 : i64
      %get3A_126 = arith.index_cast %get3A_125 : i64 to index
      %get3A_127 = arith.constant 32 : index
      %get3A_128 = tpu.vector_load %arg10[%get3A_126, %get3A_127] {strides = array<i32>} : memref<8x128xi32, #tpu.memory_space<vmem>>, vector<1x16xi32>,
      %get3A_129 = vector.shape_cast %get3A_128 : vector<1x16xi32> to vector<16xi32>
      %max3A_130 = arith.maxsi %max3A_124, %get3A_129 : vector<16xi32>
      %get3A_131 = arith.constant 0 : i64
      %get3A_132 = arith.index_cast %get3A_131 : i64 to index
      %get3A_133 = arith.constant 48 : index
      %get3A_134 = tpu.vector_load %arg8[%get3A_132, %get3A_133] {strides = array<i32>} : memref<8x128xi32, #tpu.memory_space<vmem>>, vector<1x16xi32>,
      %get3A_135 = vector.shape_cast %get3A_134 : vector<1x16xi32> to vector<16xi32>
      %max3A_136 = arith.maxsi %max3A_130, %get3A_135 : vector<16xi32>
      %get3A_137 = arith.constant 0 : i64
      %get3A_138 = arith.index_cast %get3A_137 : i64 to index
      %get3A_139 = arith.constant 48 : index
      %get3A_140 = tpu.vector_load %arg10[%get3A_138, %get3A_139] {strides = array<i32>} : memref<8x128xi32, #tpu.memory_space<vmem>>, vector<1x16xi32>,
      %get3A_141 = vector.shape_cast %get3A_140 : vector<1x16xi32> to vector<16xi32>
      %max3A_142 = arith.maxsi %max3A_136, %get3A_141 : vector<16xi32>
      %get3A_143 = arith.constant 0 : i64
      %get3A_144 = arith.index_cast %get3A_143 : i64 to index
      %get3A_145 = arith.constant 64 : index
      %get3A_146 = tpu.vector_load %arg8[%get3A_144, %get3A_145] {strides = array<i32>} : memref<8x128xi32, #tpu.memory_space<vmem>>, vector<1x16xi32>,
      %get3A_147 = vector.shape_cast %get3A_146 : vector<1x16xi32> to vector<16xi32>
      %max3A_148 = arith.maxsi %max3A_142, %get3A_147 : vector<16xi32>
      %get3A_149 = arith.constant 0 : i64
      %get3A_150 = arith.index_cast %get3A_149 : i64 to index
      %get3A_151 = arith.constant 64 : index
      %get3A_152 = tpu.vector_load %arg10[%get3A_150, %get3A_151] {strides = array<i32>} : memref<8x128xi32, #tpu.memory_space<vmem>>, vector<1x16xi32>,
      %get3A_153 = vector.shape_cast %get3A_152 : vector<1x16xi32> to vector<16xi32>
      %max3A_154 = arith.maxsi %max3A_148, %get3A_153 : vector<16xi32>
      %get3A_155 = arith.constant 0 : i64
      %get3A_156 = arith.index_cast %get3A_155 : i64 to index
      %get3A_157 = arith.constant 80 : index
      %get3A_158 = tpu.vector_load %arg8[%get3A_156, %get3A_157] {strides = array<i32>} : memref<8x128xi32, #tpu.memory_space<vmem>>, vector<1x16xi32>,
      %get3A_159 = vector.shape_cast %get3A_158 : vector<1x16xi32> to vector<16xi32>
      %max3A_160 = arith.maxsi %max3A_154, %get3A_159 : vector<16xi32>
      %get3A_161 = arith.constant 0 : i64
      %get3A_162 = arith.index_cast %get3A_161 : i64 to index
      %get3A_163 = arith.constant 80 : index
      %get3A_164 = tpu.vector_load %arg10[%get3A_162, %get3A_163] {strides = array<i32>} : memref<8x128xi32, #tpu.memory_space<vmem>>, vector<1x16xi32>,
      %get3A_165 = vector.shape_cast %get3A_164 : vector<1x16xi32> to vector<16xi32>
      %max3A_166 = arith.maxsi %max3A_160, %get3A_165 : vector<16xi32>
      %get3A_167 = arith.constant 0 : i64
      %get3A_168 = arith.index_cast %get3A_167 : i64 to index
      %get3A_169 = arith.constant 96 : index
      %get3A_170 = tpu.vector_load %arg8[%get3A_168, %get3A_169] {strides = array<i32>} : memref<8x128xi32, #tpu.memory_space<vmem>>, vector<1x16xi32>,
      %get3A_171 = vector.shape_cast %get3A_170 : vector<1x16xi32> to vector<16xi32>
      %max3A_172 = arith.maxsi %max3A_166, %get3A_171 : vector<16xi32>
      %get3A_173 = arith.constant 0 : i64
      %get3A_174 = arith.index_cast %get3A_173 : i64 to index
      %get3A_175 = arith.constant 96 : index
      %get3A_176 = tpu.vector_load %arg10[%get3A_174, %get3A_175] {strides = array<i32>} : memref<8x128xi32, #tpu.memory_space<vmem>>, vector<1x16xi32>,
      %get3A_177 = vector.shape_cast %get3A_176 : vector<1x16xi32> to vector<16xi32>
      %max3A_178 = arith.maxsi %max3A_172, %get3A_177 : vector<16xi32>
      %get3A_179 = arith.constant 0 : i64
      %get3A_180 = arith.index_cast %get3A_179 : i64 to index
      %get3A_181 = arith.constant 112 : index
      %get3A_182 = tpu.vector_load %arg8[%get3A_180, %get3A_181] {strides = array<i32>} : memref<8x128xi32, #tpu.memory_space<vmem>>, vector<1x16xi32>,
      %get3A_183 = vector.shape_cast %get3A_182 : vector<1x16xi32> to vector<16xi32>
      %max3A_184 = arith.maxsi %max3A_178, %get3A_183 : vector<16xi32>
      %get3A_185 = arith.constant 0 : i64
      %get3A_186 = arith.index_cast %get3A_185 : i64 to index
      %get3A_187 = arith.constant 112 : index
      %get3A_188 = tpu.vector_load %arg10[%get3A_186, %get3A_187] {strides = array<i32>} : memref<8x128xi32, #tpu.memory_space<vmem>>, vector<1x16xi32>,
      %get3A_189 = vector.shape_cast %get3A_188 : vector<1x16xi32> to vector<16xi32>
      %max3A_190 = arith.maxsi %max3A_184, %get3A_189 : vector<16xi32>
      %select_n3A = arith.select %lt3A_95, %max3A_190, %get3A_91 : vector<16xi32>
      %add3A_191 = arith.constant 1 : i32
      %add3A_192 = arith.addi %multiple_of3A_79, %add3A_191 : i32
      %lt3A_193 = arith.constant 2500 : i32
      %lt3A_194 = arith.cmpi slt, %add3A_192, %lt3A_193 : i32
      %get3A_195 = arith.constant 1 : i64
      %get3A_196 = arith.index_cast %get3A_195 : i64 to index
      %get3A_197 = arith.constant 0 : index
      %get3A_198 = tpu.vector_load %arg8[%get3A_196, %get3A_197] {strides = array<i32>} : memref<8x128xi32, #tpu.memory_space<vmem>>, vector<1x16xi32>,
      %get3A_199 = vector.shape_cast %get3A_198 : vector<1x16xi32> to vector<16xi32>
      %max3A_200 = arith.maxsi %select_n3A, %get3A_199 : vector<16xi32>
      %get3A_201 = arith.constant 1 : i64
      %get3A_202 = arith.index_cast %get3A_201 : i64 to index
      %get3A_203 = arith.constant 0 : index
      %get3A_204 = tpu.vector_load %arg10[%get3A_202, %get3A_203] {strides = array<i32>} : memref<8x128xi32, #tpu.memory_space<vmem>>, vector<1x16xi32>,
      %get3A_205 = vector.shape_cast %get3A_204 : vector<1x16xi32> to vector<16xi32>
      %max3A_206 = arith.maxsi %max3A_200, %get3A_205 : vector<16xi32>
      %get3A_207 = arith.constant 1 : i64
      %get3A_208 = arith.index_cast %get3A_207 : i64 to index
      %get3A_209 = arith.constant 16 : index
      %get3A_210 = tpu.vector_load %arg8[%get3A_208, %get3A_209] {strides = array<i32>} : memref<8x128xi32, #tpu.memory_space<vmem>>, vector<1x16xi32>,
      %get3A_211 = vector.shape_cast %get3A_210 : vector<1x16xi32> to vector<16xi32>
      %max3A_212 = arith.maxsi %max3A_206, %get3A_211 : vector<16xi32>
      %get3A_213 = arith.constant 1 : i64
      %get3A_214 = arith.index_cast %get3A_213 : i64 to index
      %get3A_215 = arith.constant 16 : index
      %get3A_216 = tpu.vector_load %arg10[%get3A_214, %get3A_215] {strides = array<i32>} : memref<8x128xi32, #tpu.memory_space<vmem>>, vector<1x16xi32>,
      %get3A_217 = vector.shape_cast %get3A_216 : vector<1x16xi32> to vector<16xi32>
      %max3A_218 = arith.maxsi %max3A_212, %get3A_217 : vector<16xi32>
      %get3A_219 = arith.constant 1 : i64
      %get3A_220 = arith.index_cast %get3A_219 : i64 to index
      %get3A_221 = arith.constant 32 : index
      %get3A_222 = tpu.vector_load %arg8[%get3A_220, %get3A_221] {strides = array<i32>} : memref<8x128xi32, #tpu.memory_space<vmem>>, vector<1x16xi32>,
      %get3A_223 = vector.shape_cast %get3A_222 : vector<1x16xi32> to vector<16xi32>
      %max3A_224 = arith.maxsi %max3A_218, %get3A_223 : vector<16xi32>
      %get3A_225 = arith.constant 1 : i64
      %get3A_226 = arith.index_cast %get3A_225 : i64 to index
      %get3A_227 = arith.constant 32 : index
      %get3A_228 = tpu.vector_load %arg10[%get3A_226, %get3A_227] {strides = array<i32>} : memref<8x128xi32, #tpu.memory_space<vmem>>, vector<1x16xi32>,
      %get3A_229 = vector.shape_cast %get3A_228 : vector<1x16xi32> to vector<16xi32>
      %max3A_230 = arith.maxsi %max3A_224, %get3A_229 : vector<16xi32>
      %get3A_231 = arith.constant 1 : i64
      %get3A_232 = arith.index_cast %get3A_231 : i64 to index
      %get3A_233 = arith.constant 48 : index
      %get3A_234 = tpu.vector_load %arg8[%get3A_232, %get3A_233] {strides = array<i32>} : memref<8x128xi32, #tpu.memory_space<vmem>>, vector<1x16xi32>,
      %get3A_235 = vector.shape_cast %get3A_234 : vector<1x16xi32> to vector<16xi32>
      %max3A_236 = arith.maxsi %max3A_230, %get3A_235 : vector<16xi32>
      %get3A_237 = arith.constant 1 : i64
      %get3A_238 = arith.index_cast %get3A_237 : i64 to index
      %get3A_239 = arith.constant 48 : index
      %get3A_240 = tpu.vector_load %arg10[%get3A_238, %get3A_239] {strides = array<i32>} : memref<8x128xi32, #tpu.memory_space<vmem>>, vector<1x16xi32>,
      %get3A_241 = vector.shape_cast %get3A_240 : vector<1x16xi32> to vector<16xi32>
      %max3A_242 = arith.maxsi %max3A_236, %get3A_241 : vector<16xi32>
      %get3A_243 = arith.constant 1 : i64
      %get3A_244 = arith.index_cast %get3A_243 : i64 to index
      %get3A_245 = arith.constant 64 : index
      %get3A_246 = tpu.vector_load %arg8[%get3A_244, %get3A_245] {strides = array<i32>} : memref<8x128xi32, #tpu.memory_space<vmem>>, vector<1x16xi32>,
      %get3A_247 = vector.shape_cast %get3A_246 : vector<1x16xi32> to vector<16xi32>
      %max3A_248 = arith.maxsi %max3A_242, %get3A_247 : vector<16xi32>
      %get3A_249 = arith.constant 1 : i64
      %get3A_250 = arith.index_cast %get3A_249 : i64 to index
      %get3A_251 = arith.constant 64 : index
      %get3A_252 = tpu.vector_load %arg10[%get3A_250, %get3A_251] {strides = array<i32>} : memref<8x128xi32, #tpu.memory_space<vmem>>, vector<1x16xi32>,
      %get3A_253 = vector.shape_cast %get3A_252 : vector<1x16xi32> to vector<16xi32>
      %max3A_254 = arith.maxsi %max3A_248, %get3A_253 : vector<16xi32>
      %get3A_255 = arith.constant 1 : i64
      %get3A_256 = arith.index_cast %get3A_255 : i64 to index
      %get3A_257 = arith.constant 80 : index
      %get3A_258 = tpu.vector_load %arg8[%get3A_256, %get3A_257] {strides = array<i32>} : memref<8x128xi32, #tpu.memory_space<vmem>>, vector<1x16xi32>,
      %get3A_259 = vector.shape_cast %get3A_258 : vector<1x16xi32> to vector<16xi32>
      %max3A_260 = arith.maxsi %max3A_254, %get3A_259 : vector<16xi32>
      %get3A_261 = arith.constant 1 : i64
      %get3A_262 = arith.index_cast %get3A_261 : i64 to index
      %get3A_263 = arith.constant 80 : index
      %get3A_264 = tpu.vector_load %arg10[%get3A_262, %get3A_263] {strides = array<i32>} : memref<8x128xi32, #tpu.memory_space<vmem>>, vector<1x16xi32>,
      %get3A_265 = vector.shape_cast %get3A_264 : vector<1x16xi32> to vector<16xi32>
      %max3A_266 = arith.maxsi %max3A_260, %get3A_265 : vector<16xi32>
      %get3A_267 = arith.constant 1 : i64
      %get3A_268 = arith.index_cast %get3A_267 : i64 to index
      %get3A_269 = arith.constant 96 : index
      %get3A_270 = tpu.vector_load %arg8[%get3A_268, %get3A_269] {strides = array<i32>} : memref<8x128xi32, #tpu.memory_space<vmem>>, vector<1x16xi32>,
      %get3A_271 = vector.shape_cast %get3A_270 : vector<1x16xi32> to vector<16xi32>
      %max3A_272 = arith.maxsi %max3A_266, %get3A_271 : vector<16xi32>
      %get3A_273 = arith.constant 1 : i64
      %get3A_274 = arith.index_cast %get3A_273 : i64 to index
      %get3A_275 = arith.constant 96 : index
      %get3A_276 = tpu.vector_load %arg10[%get3A_274, %get3A_275] {strides = array<i32>} : memref<8x128xi32, #tpu.memory_space<vmem>>, vector<1x16xi32>,
      %get3A_277 = vector.shape_cast %get3A_276 : vector<1x16xi32> to vector<16xi32>
      %max3A_278 = arith.maxsi %max3A_272, %get3A_277 : vector<16xi32>
      %get3A_279 = arith.constant 1 : i64
      %get3A_280 = arith.index_cast %get3A_279 : i64 to index
      %get3A_281 = arith.constant 112 : index
      %get3A_282 = tpu.vector_load %arg8[%get3A_280, %get3A_281] {strides = array<i32>} : memref<8x128xi32, #tpu.memory_space<vmem>>, vector<1x16xi32>,
      %get3A_283 = vector.shape_cast %get3A_282 : vector<1x16xi32> to vector<16xi32>
      %max3A_284 = arith.maxsi %max3A_278, %get3A_283 : vector<16xi32>
      %get3A_285 = arith.constant 1 : i64
      %get3A_286 = arith.index_cast %get3A_285 : i64 to index
      %get3A_287 = arith.constant 112 : index
      %get3A_288 = tpu.vector_load %arg10[%get3A_286, %get3A_287] {strides = array<i32>} : memref<8x128xi32, #tpu.memory_space<vmem>>, vector<1x16xi32>,
      %get3A_289 = vector.shape_cast %get3A_288 : vector<1x16xi32> to vector<16xi32>
      %max3A_290 = arith.maxsi %max3A_284, %get3A_289 : vector<16xi32>
      %select_n3A_291 = arith.select %lt3A_194, %max3A_290, %select_n3A : vector<16xi32>
      %add3A_292 = arith.constant 2 : i32
      %add3A_293 = arith.addi %multiple_of3A_79, %add3A_292 : i32
      %lt3A_294 = arith.constant 2500 : i32
      %lt3A_295 = arith.cmpi slt, %add3A_293, %lt3A_294 : i32
      %get3A_296 = arith.constant 2 : i64
      %get3A_297 = arith.index_cast %get3A_296 : i64 to index
      %get3A_298 = arith.constant 0 : index
      %get3A_299 = tpu.vector_load %arg8[%get3A_297, %get3A_298] {strides = array<i32>} : memref<8x128xi32, #tpu.memory_space<vmem>>, vector<1x16xi32>,
      %get3A_300 = vector.shape_cast %get3A_299 : vector<1x16xi32> to vector<16xi32>
      %max3A_301 = arith.maxsi %select_n3A_291, %get3A_300 : vector<16xi32>
      %get3A_302 = arith.constant 2 : i64
      %get3A_303 = arith.index_cast %get3A_302 : i64 to index
      %get3A_304 = arith.constant 0 : index
      %get3A_305 = tpu.vector_load %arg10[%get3A_303, %get3A_304] {strides = array<i32>} : memref<8x128xi32, #tpu.memory_space<vmem>>, vector<1x16xi32>,
      %get3A_306 = vector.shape_cast %get3A_305 : vector<1x16xi32> to vector<16xi32>
      %max3A_307 = arith.maxsi %max3A_301, %get3A_306 : vector<16xi32>
      %get3A_308 = arith.constant 2 : i64
      %get3A_309 = arith.index_cast %get3A_308 : i64 to index
      %get3A_310 = arith.constant 16 : index
      %get3A_311 = tpu.vector_load %arg8[%get3A_309, %get3A_310] {strides = array<i32>} : memref<8x128xi32, #tpu.memory_space<vmem>>, vector<1x16xi32>,
      %get3A_312 = vector.shape_cast %get3A_311 : vector<1x16xi32> to vector<16xi32>
      %max3A_313 = arith.maxsi %max3A_307, %get3A_312 : vector<16xi32>
      %get3A_314 = arith.constant 2 : i64
      %get3A_315 = arith.index_cast %get3A_314 : i64 to index
      %get3A_316 = arith.constant 16 : index
      %get3A_317 = tpu.vector_load %arg10[%get3A_315, %get3A_316] {strides = array<i32>} : memref<8x128xi32, #tpu.memory_space<vmem>>, vector<1x16xi32>,
      %get3A_318 = vector.shape_cast %get3A_317 : vector<1x16xi32> to vector<16xi32>
      %max3A_319 = arith.maxsi %max3A_313, %get3A_318 : vector<16xi32>
      %get3A_320 = arith.constant 2 : i64
      %get3A_321 = arith.index_cast %get3A_320 : i64 to index
      %get3A_322 = arith.constant 32 : index
      %get3A_323 = tpu.vector_load %arg8[%get3A_321, %get3A_322] {strides = array<i32>} : memref<8x128xi32, #tpu.memory_space<vmem>>, vector<1x16xi32>,
      %get3A_324 = vector.shape_cast %get3A_323 : vector<1x16xi32> to vector<16xi32>
      %max3A_325 = arith.maxsi %max3A_319, %get3A_324 : vector<16xi32>
      %get3A_326 = arith.constant 2 : i64
      %get3A_327 = arith.index_cast %get3A_326 : i64 to index
      %get3A_328 = arith.constant 32 : index
      %get3A_329 = tpu.vector_load %arg10[%get3A_327, %get3A_328] {strides = array<i32>} : memref<8x128xi32, #tpu.memory_space<vmem>>, vector<1x16xi32>,
      %get3A_330 = vector.shape_cast %get3A_329 : vector<1x16xi32> to vector<16xi32>
      %max3A_331 = arith.maxsi %max3A_325, %get3A_330 : vector<16xi32>
      %get3A_332 = arith.constant 2 : i64
      %get3A_333 = arith.index_cast %get3A_332 : i64 to index
      %get3A_334 = arith.constant 48 : index
      %get3A_335 = tpu.vector_load %arg8[%get3A_333, %get3A_334] {strides = array<i32>} : memref<8x128xi32, #tpu.memory_space<vmem>>, vector<1x16xi32>,
      %get3A_336 = vector.shape_cast %get3A_335 : vector<1x16xi32> to vector<16xi32>
      %max3A_337 = arith.maxsi %max3A_331, %get3A_336 : vector<16xi32>
      %get3A_338 = arith.constant 2 : i64
      %get3A_339 = arith.index_cast %get3A_338 : i64 to index
      %get3A_340 = arith.constant 48 : index
      %get3A_341 = tpu.vector_load %arg10[%get3A_339, %get3A_340] {strides = array<i32>} : memref<8x128xi32, #tpu.memory_space<vmem>>, vector<1x16xi32>,
      %get3A_342 = vector.shape_cast %get3A_341 : vector<1x16xi32> to vector<16xi32>
      %max3A_343 = arith.maxsi %max3A_337, %get3A_342 : vector<16xi32>
      %get3A_344 = arith.constant 2 : i64
      %get3A_345 = arith.index_cast %get3A_344 : i64 to index
      %get3A_346 = arith.constant 64 : index
      %get3A_347 = tpu.vector_load %arg8[%get3A_345, %get3A_346] {strides = array<i32>} : memref<8x128xi32, #tpu.memory_space<vmem>>, vector<1x16xi32>,
      %get3A_348 = vector.shape_cast %get3A_347 : vector<1x16xi32> to vector<16xi32>
      %max3A_349 = arith.maxsi %max3A_343, %get3A_348 : vector<16xi32>
      %get3A_350 = arith.constant 2 : i64
      %get3A_351 = arith.index_cast %get3A_350 : i64 to index
      %get3A_352 = arith.constant 64 : index
      %get3A_353 = tpu.vector_load %arg10[%get3A_351, %get3A_352] {strides = array<i32>} : memref<8x128xi32, #tpu.memory_space<vmem>>, vector<1x16xi32>,
      %get3A_354 = vector.shape_cast %get3A_353 : vector<1x16xi32> to vector<16xi32>
      %max3A_355 = arith.maxsi %max3A_349, %get3A_354 : vector<16xi32>
      %get3A_356 = arith.constant 2 : i64
      %get3A_357 = arith.index_cast %get3A_356 : i64 to index
      %get3A_358 = arith.constant 80 : index
      %get3A_359 = tpu.vector_load %arg8[%get3A_357, %get3A_358] {strides = array<i32>} : memref<8x128xi32, #tpu.memory_space<vmem>>, vector<1x16xi32>,
      %get3A_360 = vector.shape_cast %get3A_359 : vector<1x16xi32> to vector<16xi32>
      %max3A_361 = arith.maxsi %max3A_355, %get3A_360 : vector<16xi32>
      %get3A_362 = arith.constant 2 : i64
      %get3A_363 = arith.index_cast %get3A_362 : i64 to index
      %get3A_364 = arith.constant 80 : index
      %get3A_365 = tpu.vector_load %arg10[%get3A_363, %get3A_364] {strides = array<i32>} : memref<8x128xi32, #tpu.memory_space<vmem>>, vector<1x16xi32>,
      %get3A_366 = vector.shape_cast %get3A_365 : vector<1x16xi32> to vector<16xi32>
      %max3A_367 = arith.maxsi %max3A_361, %get3A_366 : vector<16xi32>
      %get3A_368 = arith.constant 2 : i64
      %get3A_369 = arith.index_cast %get3A_368 : i64 to index
      %get3A_370 = arith.constant 96 : index
      %get3A_371 = tpu.vector_load %arg8[%get3A_369, %get3A_370] {strides = array<i32>} : memref<8x128xi32, #tpu.memory_space<vmem>>, vector<1x16xi32>,
      %get3A_372 = vector.shape_cast %get3A_371 : vector<1x16xi32> to vector<16xi32>
      %max3A_373 = arith.maxsi %max3A_367, %get3A_372 : vector<16xi32>
      %get3A_374 = arith.constant 2 : i64
      %get3A_375 = arith.index_cast %get3A_374 : i64 to index
      %get3A_376 = arith.constant 96 : index
      %get3A_377 = tpu.vector_load %arg10[%get3A_375, %get3A_376] {strides = array<i32>} : memref<8x128xi32, #tpu.memory_space<vmem>>, vector<1x16xi32>,
      %get3A_378 = vector.shape_cast %get3A_377 : vector<1x16xi32> to vector<16xi32>
      %max3A_379 = arith.maxsi %max3A_373, %get3A_378 : vector<16xi32>
      %get3A_380 = arith.constant 2 : i64
      %get3A_381 = arith.index_cast %get3A_380 : i64 to index
      %get3A_382 = arith.constant 112 : index
      %get3A_383 = tpu.vector_load %arg8[%get3A_381, %get3A_382] {strides = array<i32>} : memref<8x128xi32, #tpu.memory_space<vmem>>, vector<1x16xi32>,
      %get3A_384 = vector.shape_cast %get3A_383 : vector<1x16xi32> to vector<16xi32>
      %max3A_385 = arith.maxsi %max3A_379, %get3A_384 : vector<16xi32>
      %get3A_386 = arith.constant 2 : i64
      %get3A_387 = arith.index_cast %get3A_386 : i64 to index
      %get3A_388 = arith.constant 112 : index
      %get3A_389 = tpu.vector_load %arg10[%get3A_387, %get3A_388] {strides = array<i32>} : memref<8x128xi32, #tpu.memory_space<vmem>>, vector<1x16xi32>,
      %get3A_390 = vector.shape_cast %get3A_389 : vector<1x16xi32> to vector<16xi32>
      %max3A_391 = arith.maxsi %max3A_385, %get3A_390 : vector<16xi32>
      %select_n3A_392 = arith.select %lt3A_295, %max3A_391, %select_n3A_291 : vector<16xi32>
      %add3A_393 = arith.constant 3 : i32
      %add3A_394 = arith.addi %multiple_of3A_79, %add3A_393 : i32
      %lt3A_395 = arith.constant 2500 : i32
      %lt3A_396 = arith.cmpi slt, %add3A_394, %lt3A_395 : i32
      %get3A_397 = arith.constant 3 : i64
      %get3A_398 = arith.index_cast %get3A_397 : i64 to index
      %get3A_399 = arith.constant 0 : index
      %get3A_400 = tpu.vector_load %arg8[%get3A_398, %get3A_399] {strides = array<i32>} : memref<8x128xi32, #tpu.memory_space<vmem>>, vector<1x16xi32>,
      %get3A_401 = vector.shape_cast %get3A_400 : vector<1x16xi32> to vector<16xi32>
      %max3A_402 = arith.maxsi %select_n3A_392, %get3A_401 : vector<16xi32>
      %get3A_403 = arith.constant 3 : i64
      %get3A_404 = arith.index_cast %get3A_403 : i64 to index
      %get3A_405 = arith.constant 0 : index
      %get3A_406 = tpu.vector_load %arg10[%get3A_404, %get3A_405] {strides = array<i32>} : memref<8x128xi32, #tpu.memory_space<vmem>>, vector<1x16xi32>,
      %get3A_407 = vector.shape_cast %get3A_406 : vector<1x16xi32> to vector<16xi32>
      %max3A_408 = arith.maxsi %max3A_402, %get3A_407 : vector<16xi32>
      %get3A_409 = arith.constant 3 : i64
      %get3A_410 = arith.index_cast %get3A_409 : i64 to index
      %get3A_411 = arith.constant 16 : index
      %get3A_412 = tpu.vector_load %arg8[%get3A_410, %get3A_411] {strides = array<i32>} : memref<8x128xi32, #tpu.memory_space<vmem>>, vector<1x16xi32>,
      %get3A_413 = vector.shape_cast %get3A_412 : vector<1x16xi32> to vector<16xi32>
      %max3A_414 = arith.maxsi %max3A_408, %get3A_413 : vector<16xi32>
      %get3A_415 = arith.constant 3 : i64
      %get3A_416 = arith.index_cast %get3A_415 : i64 to index
      %get3A_417 = arith.constant 16 : index
      %get3A_418 = tpu.vector_load %arg10[%get3A_416, %get3A_417] {strides = array<i32>} : memref<8x128xi32, #tpu.memory_space<vmem>>, vector<1x16xi32>,
      %get3A_419 = vector.shape_cast %get3A_418 : vector<1x16xi32> to vector<16xi32>
      %max3A_420 = arith.maxsi %max3A_414, %get3A_419 : vector<16xi32>
      %get3A_421 = arith.constant 3 : i64
      %get3A_422 = arith.index_cast %get3A_421 : i64 to index
      %get3A_423 = arith.constant 32 : index
      %get3A_424 = tpu.vector_load %arg8[%get3A_422, %get3A_423] {strides = array<i32>} : memref<8x128xi32, #tpu.memory_space<vmem>>, vector<1x16xi32>,
      %get3A_425 = vector.shape_cast %get3A_424 : vector<1x16xi32> to vector<16xi32>
      %max3A_426 = arith.maxsi %max3A_420, %get3A_425 : vector<16xi32>
      %get3A_427 = arith.constant 3 : i64
      %get3A_428 = arith.index_cast %get3A_427 : i64 to index
      %get3A_429 = arith.constant 32 : index
      %get3A_430 = tpu.vector_load %arg10[%get3A_428, %get3A_429] {strides = array<i32>} : memref<8x128xi32, #tpu.memory_space<vmem>>, vector<1x16xi32>,
      %get3A_431 = vector.shape_cast %get3A_430 : vector<1x16xi32> to vector<16xi32>
      %max3A_432 = arith.maxsi %max3A_426, %get3A_431 : vector<16xi32>
      %get3A_433 = arith.constant 3 : i64
      %get3A_434 = arith.index_cast %get3A_433 : i64 to index
      %get3A_435 = arith.constant 48 : index
      %get3A_436 = tpu.vector_load %arg8[%get3A_434, %get3A_435] {strides = array<i32>} : memref<8x128xi32, #tpu.memory_space<vmem>>, vector<1x16xi32>,
      %get3A_437 = vector.shape_cast %get3A_436 : vector<1x16xi32> to vector<16xi32>
      %max3A_438 = arith.maxsi %max3A_432, %get3A_437 : vector<16xi32>
      %get3A_439 = arith.constant 3 : i64
      %get3A_440 = arith.index_cast %get3A_439 : i64 to index
      %get3A_441 = arith.constant 48 : index
      %get3A_442 = tpu.vector_load %arg10[%get3A_440, %get3A_441] {strides = array<i32>} : memref<8x128xi32, #tpu.memory_space<vmem>>, vector<1x16xi32>,
      %get3A_443 = vector.shape_cast %get3A_442 : vector<1x16xi32> to vector<16xi32>
      %max3A_444 = arith.maxsi %max3A_438, %get3A_443 : vector<16xi32>
      %get3A_445 = arith.constant 3 : i64
      %get3A_446 = arith.index_cast %get3A_445 : i64 to index
      %get3A_447 = arith.constant 64 : index
      %get3A_448 = tpu.vector_load %arg8[%get3A_446, %get3A_447] {strides = array<i32>} : memref<8x128xi32, #tpu.memory_space<vmem>>, vector<1x16xi32>,
      %get3A_449 = vector.shape_cast %get3A_448 : vector<1x16xi32> to vector<16xi32>
      %max3A_450 = arith.maxsi %max3A_444, %get3A_449 : vector<16xi32>
      %get3A_451 = arith.constant 3 : i64
      %get3A_452 = arith.index_cast %get3A_451 : i64 to index
      %get3A_453 = arith.constant 64 : index
      %get3A_454 = tpu.vector_load %arg10[%get3A_452, %get3A_453] {strides = array<i32>} : memref<8x128xi32, #tpu.memory_space<vmem>>, vector<1x16xi32>,
      %get3A_455 = vector.shape_cast %get3A_454 : vector<1x16xi32> to vector<16xi32>
      %max3A_456 = arith.maxsi %max3A_450, %get3A_455 : vector<16xi32>
      %get3A_457 = arith.constant 3 : i64
      %get3A_458 = arith.index_cast %get3A_457 : i64 to index
      %get3A_459 = arith.constant 80 : index
      %get3A_460 = tpu.vector_load %arg8[%get3A_458, %get3A_459] {strides = array<i32>} : memref<8x128xi32, #tpu.memory_space<vmem>>, vector<1x16xi32>,
      %get3A_461 = vector.shape_cast %get3A_460 : vector<1x16xi32> to vector<16xi32>
      %max3A_462 = arith.maxsi %max3A_456, %get3A_461 : vector<16xi32>
      %get3A_463 = arith.constant 3 : i64
      %get3A_464 = arith.index_cast %get3A_463 : i64 to index
      %get3A_465 = arith.constant 80 : index
      %get3A_466 = tpu.vector_load %arg10[%get3A_464, %get3A_465] {strides = array<i32>} : memref<8x128xi32, #tpu.memory_space<vmem>>, vector<1x16xi32>,
      %get3A_467 = vector.shape_cast %get3A_466 : vector<1x16xi32> to vector<16xi32>
      %max3A_468 = arith.maxsi %max3A_462, %get3A_467 : vector<16xi32>
      %get3A_469 = arith.constant 3 : i64
      %get3A_470 = arith.index_cast %get3A_469 : i64 to index
      %get3A_471 = arith.constant 96 : index
      %get3A_472 = tpu.vector_load %arg8[%get3A_470, %get3A_471] {strides = array<i32>} : memref<8x128xi32, #tpu.memory_space<vmem>>, vector<1x16xi32>,
      %get3A_473 = vector.shape_cast %get3A_472 : vector<1x16xi32> to vector<16xi32>
      %max3A_474 = arith.maxsi %max3A_468, %get3A_473 : vector<16xi32>
      %get3A_475 = arith.constant 3 : i64
      %get3A_476 = arith.index_cast %get3A_475 : i64 to index
      %get3A_477 = arith.constant 96 : index
      %get3A_478 = tpu.vector_load %arg10[%get3A_476, %get3A_477] {strides = array<i32>} : memref<8x128xi32, #tpu.memory_space<vmem>>, vector<1x16xi32>,
      %get3A_479 = vector.shape_cast %get3A_478 : vector<1x16xi32> to vector<16xi32>
      %max3A_480 = arith.maxsi %max3A_474, %get3A_479 : vector<16xi32>
      %get3A_481 = arith.constant 3 : i64
      %get3A_482 = arith.index_cast %get3A_481 : i64 to index
      %get3A_483 = arith.constant 112 : index
      %get3A_484 = tpu.vector_load %arg8[%get3A_482, %get3A_483] {strides = array<i32>} : memref<8x128xi32, #tpu.memory_space<vmem>>, vector<1x16xi32>,
      %get3A_485 = vector.shape_cast %get3A_484 : vector<1x16xi32> to vector<16xi32>
      %max3A_486 = arith.maxsi %max3A_480, %get3A_485 : vector<16xi32>
      %get3A_487 = arith.constant 3 : i64
      %get3A_488 = arith.index_cast %get3A_487 : i64 to index
      %get3A_489 = arith.constant 112 : index
      %get3A_490 = tpu.vector_load %arg10[%get3A_488, %get3A_489] {strides = array<i32>} : memref<8x128xi32, #tpu.memory_space<vmem>>, vector<1x16xi32>,
      %get3A_491 = vector.shape_cast %get3A_490 : vector<1x16xi32> to vector<16xi32>
      %max3A_492 = arith.maxsi %max3A_486, %get3A_491 : vector<16xi32>
      %select_n3A_493 = arith.select %lt3A_396, %max3A_492, %select_n3A_392 : vector<16xi32>
      %add3A_494 = arith.constant 4 : i32
      %add3A_495 = arith.addi %multiple_of3A_79, %add3A_494 : i32
      %lt3A_496 = arith.constant 2500 : i32
      %lt3A_497 = arith.cmpi slt, %add3A_495, %lt3A_496 : i32
      %get3A_498 = arith.constant 4 : i64
      %get3A_499 = arith.index_cast %get3A_498 : i64 to index
      %get3A_500 = arith.constant 0 : index
      %get3A_501 = tpu.vector_load %arg8[%get3A_499, %get3A_500] {strides = array<i32>} : memref<8x128xi32, #tpu.memory_space<vmem>>, vector<1x16xi32>,
      %get3A_502 = vector.shape_cast %get3A_501 : vector<1x16xi32> to vector<16xi32>
      %max3A_503 = arith.maxsi %select_n3A_493, %get3A_502 : vector<16xi32>
      %get3A_504 = arith.constant 4 : i64
      %get3A_505 = arith.index_cast %get3A_504 : i64 to index
      %get3A_506 = arith.constant 0 : index
      %get3A_507 = tpu.vector_load %arg10[%get3A_505, %get3A_506] {strides = array<i32>} : memref<8x128xi32, #tpu.memory_space<vmem>>, vector<1x16xi32>,
      %get3A_508 = vector.shape_cast %get3A_507 : vector<1x16xi32> to vector<16xi32>
      %max3A_509 = arith.maxsi %max3A_503, %get3A_508 : vector<16xi32>
      %get3A_510 = arith.constant 4 : i64
      %get3A_511 = arith.index_cast %get3A_510 : i64 to index
      %get3A_512 = arith.constant 16 : index
      %get3A_513 = tpu.vector_load %arg8[%get3A_511, %get3A_512] {strides = array<i32>} : memref<8x128xi32, #tpu.memory_space<vmem>>, vector<1x16xi32>,
      %get3A_514 = vector.shape_cast %get3A_513 : vector<1x16xi32> to vector<16xi32>
      %max3A_515 = arith.maxsi %max3A_509, %get3A_514 : vector<16xi32>
      %get3A_516 = arith.constant 4 : i64
      %get3A_517 = arith.index_cast %get3A_516 : i64 to index
      %get3A_518 = arith.constant 16 : index
      %get3A_519 = tpu.vector_load %arg10[%get3A_517, %get3A_518] {strides = array<i32>} : memref<8x128xi32, #tpu.memory_space<vmem>>, vector<1x16xi32>,
      %get3A_520 = vector.shape_cast %get3A_519 : vector<1x16xi32> to vector<16xi32>
      %max3A_521 = arith.maxsi %max3A_515, %get3A_520 : vector<16xi32>
      %get3A_522 = arith.constant 4 : i64
      %get3A_523 = arith.index_cast %get3A_522 : i64 to index
      %get3A_524 = arith.constant 32 : index
      %get3A_525 = tpu.vector_load %arg8[%get3A_523, %get3A_524] {strides = array<i32>} : memref<8x128xi32, #tpu.memory_space<vmem>>, vector<1x16xi32>,
      %get3A_526 = vector.shape_cast %get3A_525 : vector<1x16xi32> to vector<16xi32>
      %max3A_527 = arith.maxsi %max3A_521, %get3A_526 : vector<16xi32>
      %get3A_528 = arith.constant 4 : i64
      %get3A_529 = arith.index_cast %get3A_528 : i64 to index
      %get3A_530 = arith.constant 32 : index
      %get3A_531 = tpu.vector_load %arg10[%get3A_529, %get3A_530] {strides = array<i32>} : memref<8x128xi32, #tpu.memory_space<vmem>>, vector<1x16xi32>,
      %get3A_532 = vector.shape_cast %get3A_531 : vector<1x16xi32> to vector<16xi32>
      %max3A_533 = arith.maxsi %max3A_527, %get3A_532 : vector<16xi32>
      %get3A_534 = arith.constant 4 : i64
      %get3A_535 = arith.index_cast %get3A_534 : i64 to index
      %get3A_536 = arith.constant 48 : index
      %get3A_537 = tpu.vector_load %arg8[%get3A_535, %get3A_536] {strides = array<i32>} : memref<8x128xi32, #tpu.memory_space<vmem>>, vector<1x16xi32>,
      %get3A_538 = vector.shape_cast %get3A_537 : vector<1x16xi32> to vector<16xi32>
      %max3A_539 = arith.maxsi %max3A_533, %get3A_538 : vector<16xi32>
      %get3A_540 = arith.constant 4 : i64
      %get3A_541 = arith.index_cast %get3A_540 : i64 to index
      %get3A_542 = arith.constant 48 : index
      %get3A_543 = tpu.vector_load %arg10[%get3A_541, %get3A_542] {strides = array<i32>} : memref<8x128xi32, #tpu.memory_space<vmem>>, vector<1x16xi32>,
      %get3A_544 = vector.shape_cast %get3A_543 : vector<1x16xi32> to vector<16xi32>
      %max3A_545 = arith.maxsi %max3A_539, %get3A_544 : vector<16xi32>
      %get3A_546 = arith.constant 4 : i64
      %get3A_547 = arith.index_cast %get3A_546 : i64 to index
      %get3A_548 = arith.constant 64 : index
      %get3A_549 = tpu.vector_load %arg8[%get3A_547, %get3A_548] {strides = array<i32>} : memref<8x128xi32, #tpu.memory_space<vmem>>, vector<1x16xi32>,
      %get3A_550 = vector.shape_cast %get3A_549 : vector<1x16xi32> to vector<16xi32>
      %max3A_551 = arith.maxsi %max3A_545, %get3A_550 : vector<16xi32>
      %get3A_552 = arith.constant 4 : i64
      %get3A_553 = arith.index_cast %get3A_552 : i64 to index
      %get3A_554 = arith.constant 64 : index
      %get3A_555 = tpu.vector_load %arg10[%get3A_553, %get3A_554] {strides = array<i32>} : memref<8x128xi32, #tpu.memory_space<vmem>>, vector<1x16xi32>,
      %get3A_556 = vector.shape_cast %get3A_555 : vector<1x16xi32> to vector<16xi32>
      %max3A_557 = arith.maxsi %max3A_551, %get3A_556 : vector<16xi32>
      %get3A_558 = arith.constant 4 : i64
      %get3A_559 = arith.index_cast %get3A_558 : i64 to index
      %get3A_560 = arith.constant 80 : index
      %get3A_561 = tpu.vector_load %arg8[%get3A_559, %get3A_560] {strides = array<i32>} : memref<8x128xi32, #tpu.memory_space<vmem>>, vector<1x16xi32>,
      %get3A_562 = vector.shape_cast %get3A_561 : vector<1x16xi32> to vector<16xi32>
      %max3A_563 = arith.maxsi %max3A_557, %get3A_562 : vector<16xi32>
      %get3A_564 = arith.constant 4 : i64
      %get3A_565 = arith.index_cast %get3A_564 : i64 to index
      %get3A_566 = arith.constant 80 : index
      %get3A_567 = tpu.vector_load %arg10[%get3A_565, %get3A_566] {strides = array<i32>} : memref<8x128xi32, #tpu.memory_space<vmem>>, vector<1x16xi32>,
      %get3A_568 = vector.shape_cast %get3A_567 : vector<1x16xi32> to vector<16xi32>
      %max3A_569 = arith.maxsi %max3A_563, %get3A_568 : vector<16xi32>
      %get3A_570 = arith.constant 4 : i64
      %get3A_571 = arith.index_cast %get3A_570 : i64 to index
      %get3A_572 = arith.constant 96 : index
      %get3A_573 = tpu.vector_load %arg8[%get3A_571, %get3A_572] {strides = array<i32>} : memref<8x128xi32, #tpu.memory_space<vmem>>, vector<1x16xi32>,
      %get3A_574 = vector.shape_cast %get3A_573 : vector<1x16xi32> to vector<16xi32>
      %max3A_575 = arith.maxsi %max3A_569, %get3A_574 : vector<16xi32>
      %get3A_576 = arith.constant 4 : i64
      %get3A_577 = arith.index_cast %get3A_576 : i64 to index
      %get3A_578 = arith.constant 96 : index
      %get3A_579 = tpu.vector_load %arg10[%get3A_577, %get3A_578] {strides = array<i32>} : memref<8x128xi32, #tpu.memory_space<vmem>>, vector<1x16xi32>,
      %get3A_580 = vector.shape_cast %get3A_579 : vector<1x16xi32> to vector<16xi32>
      %max3A_581 = arith.maxsi %max3A_575, %get3A_580 : vector<16xi32>
      %get3A_582 = arith.constant 4 : i64
      %get3A_583 = arith.index_cast %get3A_582 : i64 to index
      %get3A_584 = arith.constant 112 : index
      %get3A_585 = tpu.vector_load %arg8[%get3A_583, %get3A_584] {strides = array<i32>} : memref<8x128xi32, #tpu.memory_space<vmem>>, vector<1x16xi32>,
      %get3A_586 = vector.shape_cast %get3A_585 : vector<1x16xi32> to vector<16xi32>
      %max3A_587 = arith.maxsi %max3A_581, %get3A_586 : vector<16xi32>
      %get3A_588 = arith.constant 4 : i64
      %get3A_589 = arith.index_cast %get3A_588 : i64 to index
      %get3A_590 = arith.constant 112 : index
      %get3A_591 = tpu.vector_load %arg10[%get3A_589, %get3A_590] {strides = array<i32>} : memref<8x128xi32, #tpu.memory_space<vmem>>, vector<1x16xi32>,
      %get3A_592 = vector.shape_cast %get3A_591 : vector<1x16xi32> to vector<16xi32>
      %max3A_593 = arith.maxsi %max3A_587, %get3A_592 : vector<16xi32>
      %select_n3A_594 = arith.select %lt3A_497, %max3A_593, %select_n3A_493 : vector<16xi32>
      %add3A_595 = arith.constant 5 : i32
      %add3A_596 = arith.addi %multiple_of3A_79, %add3A_595 : i32
      %lt3A_597 = arith.constant 2500 : i32
      %lt3A_598 = arith.cmpi slt, %add3A_596, %lt3A_597 : i32
      %get3A_599 = arith.constant 5 : i64
      %get3A_600 = arith.index_cast %get3A_599 : i64 to index
      %get3A_601 = arith.constant 0 : index
      %get3A_602 = tpu.vector_load %arg8[%get3A_600, %get3A_601] {strides = array<i32>} : memref<8x128xi32, #tpu.memory_space<vmem>>, vector<1x16xi32>,
      %get3A_603 = vector.shape_cast %get3A_602 : vector<1x16xi32> to vector<16xi32>
      %max3A_604 = arith.maxsi %select_n3A_594, %get3A_603 : vector<16xi32>
      %get3A_605 = arith.constant 5 : i64
      %get3A_606 = arith.index_cast %get3A_605 : i64 to index
      %get3A_607 = arith.constant 0 : index
      %get3A_608 = tpu.vector_load %arg10[%get3A_606, %get3A_607] {strides = array<i32>} : memref<8x128xi32, #tpu.memory_space<vmem>>, vector<1x16xi32>,
      %get3A_609 = vector.shape_cast %get3A_608 : vector<1x16xi32> to vector<16xi32>
      %max3A_610 = arith.maxsi %max3A_604, %get3A_609 : vector<16xi32>
      %get3A_611 = arith.constant 5 : i64
      %get3A_612 = arith.index_cast %get3A_611 : i64 to index
      %get3A_613 = arith.constant 16 : index
      %get3A_614 = tpu.vector_load %arg8[%get3A_612, %get3A_613] {strides = array<i32>} : memref<8x128xi32, #tpu.memory_space<vmem>>, vector<1x16xi32>,
      %get3A_615 = vector.shape_cast %get3A_614 : vector<1x16xi32> to vector<16xi32>
      %max3A_616 = arith.maxsi %max3A_610, %get3A_615 : vector<16xi32>
      %get3A_617 = arith.constant 5 : i64
      %get3A_618 = arith.index_cast %get3A_617 : i64 to index
      %get3A_619 = arith.constant 16 : index
      %get3A_620 = tpu.vector_load %arg10[%get3A_618, %get3A_619] {strides = array<i32>} : memref<8x128xi32, #tpu.memory_space<vmem>>, vector<1x16xi32>,
      %get3A_621 = vector.shape_cast %get3A_620 : vector<1x16xi32> to vector<16xi32>
      %max3A_622 = arith.maxsi %max3A_616, %get3A_621 : vector<16xi32>
      %get3A_623 = arith.constant 5 : i64
      %get3A_624 = arith.index_cast %get3A_623 : i64 to index
      %get3A_625 = arith.constant 32 : index
      %get3A_626 = tpu.vector_load %arg8[%get3A_624, %get3A_625] {strides = array<i32>} : memref<8x128xi32, #tpu.memory_space<vmem>>, vector<1x16xi32>,
      %get3A_627 = vector.shape_cast %get3A_626 : vector<1x16xi32> to vector<16xi32>
      %max3A_628 = arith.maxsi %max3A_622, %get3A_627 : vector<16xi32>
      %get3A_629 = arith.constant 5 : i64
      %get3A_630 = arith.index_cast %get3A_629 : i64 to index
      %get3A_631 = arith.constant 32 : index
      %get3A_632 = tpu.vector_load %arg10[%get3A_630, %get3A_631] {strides = array<i32>} : memref<8x128xi32, #tpu.memory_space<vmem>>, vector<1x16xi32>,
      %get3A_633 = vector.shape_cast %get3A_632 : vector<1x16xi32> to vector<16xi32>
      %max3A_634 = arith.maxsi %max3A_628, %get3A_633 : vector<16xi32>
      %get3A_635 = arith.constant 5 : i64
      %get3A_636 = arith.index_cast %get3A_635 : i64 to index
      %get3A_637 = arith.constant 48 : index
      %get3A_638 = tpu.vector_load %arg8[%get3A_636, %get3A_637] {strides = array<i32>} : memref<8x128xi32, #tpu.memory_space<vmem>>, vector<1x16xi32>,
      %get3A_639 = vector.shape_cast %get3A_638 : vector<1x16xi32> to vector<16xi32>
      %max3A_640 = arith.maxsi %max3A_634, %get3A_639 : vector<16xi32>
      %get3A_641 = arith.constant 5 : i64
      %get3A_642 = arith.index_cast %get3A_641 : i64 to index
      %get3A_643 = arith.constant 48 : index
      %get3A_644 = tpu.vector_load %arg10[%get3A_642, %get3A_643] {strides = array<i32>} : memref<8x128xi32, #tpu.memory_space<vmem>>, vector<1x16xi32>,
      %get3A_645 = vector.shape_cast %get3A_644 : vector<1x16xi32> to vector<16xi32>
      %max3A_646 = arith.maxsi %max3A_640, %get3A_645 : vector<16xi32>
      %get3A_647 = arith.constant 5 : i64
      %get3A_648 = arith.index_cast %get3A_647 : i64 to index
      %get3A_649 = arith.constant 64 : index
      %get3A_650 = tpu.vector_load %arg8[%get3A_648, %get3A_649] {strides = array<i32>} : memref<8x128xi32, #tpu.memory_space<vmem>>, vector<1x16xi32>,
      %get3A_651 = vector.shape_cast %get3A_650 : vector<1x16xi32> to vector<16xi32>
      %max3A_652 = arith.maxsi %max3A_646, %get3A_651 : vector<16xi32>
      %get3A_653 = arith.constant 5 : i64
      %get3A_654 = arith.index_cast %get3A_653 : i64 to index
      %get3A_655 = arith.constant 64 : index
      %get3A_656 = tpu.vector_load %arg10[%get3A_654, %get3A_655] {strides = array<i32>} : memref<8x128xi32, #tpu.memory_space<vmem>>, vector<1x16xi32>,
      %get3A_657 = vector.shape_cast %get3A_656 : vector<1x16xi32> to vector<16xi32>
      %max3A_658 = arith.maxsi %max3A_652, %get3A_657 : vector<16xi32>
      %get3A_659 = arith.constant 5 : i64
      %get3A_660 = arith.index_cast %get3A_659 : i64 to index
      %get3A_661 = arith.constant 80 : index
      %get3A_662 = tpu.vector_load %arg8[%get3A_660, %get3A_661] {strides = array<i32>} : memref<8x128xi32, #tpu.memory_space<vmem>>, vector<1x16xi32>,
      %get3A_663 = vector.shape_cast %get3A_662 : vector<1x16xi32> to vector<16xi32>
      %max3A_664 = arith.maxsi %max3A_658, %get3A_663 : vector<16xi32>
      %get3A_665 = arith.constant 5 : i64
      %get3A_666 = arith.index_cast %get3A_665 : i64 to index
      %get3A_667 = arith.constant 80 : index
      %get3A_668 = tpu.vector_load %arg10[%get3A_666, %get3A_667] {strides = array<i32>} : memref<8x128xi32, #tpu.memory_space<vmem>>, vector<1x16xi32>,
      %get3A_669 = vector.shape_cast %get3A_668 : vector<1x16xi32> to vector<16xi32>
      %max3A_670 = arith.maxsi %max3A_664, %get3A_669 : vector<16xi32>
      %get3A_671 = arith.constant 5 : i64
      %get3A_672 = arith.index_cast %get3A_671 : i64 to index
      %get3A_673 = arith.constant 96 : index
      %get3A_674 = tpu.vector_load %arg8[%get3A_672, %get3A_673] {strides = array<i32>} : memref<8x128xi32, #tpu.memory_space<vmem>>, vector<1x16xi32>,
      %get3A_675 = vector.shape_cast %get3A_674 : vector<1x16xi32> to vector<16xi32>
      %max3A_676 = arith.maxsi %max3A_670, %get3A_675 : vector<16xi32>
      %get3A_677 = arith.constant 5 : i64
      %get3A_678 = arith.index_cast %get3A_677 : i64 to index
      %get3A_679 = arith.constant 96 : index
      %get3A_680 = tpu.vector_load %arg10[%get3A_678, %get3A_679] {strides = array<i32>} : memref<8x128xi32, #tpu.memory_space<vmem>>, vector<1x16xi32>,
      %get3A_681 = vector.shape_cast %get3A_680 : vector<1x16xi32> to vector<16xi32>
      %max3A_682 = arith.maxsi %max3A_676, %get3A_681 : vector<16xi32>
      %get3A_683 = arith.constant 5 : i64
      %get3A_684 = arith.index_cast %get3A_683 : i64 to index
      %get3A_685 = arith.constant 112 : index
      %get3A_686 = tpu.vector_load %arg8[%get3A_684, %get3A_685] {strides = array<i32>} : memref<8x128xi32, #tpu.memory_space<vmem>>, vector<1x16xi32>,
      %get3A_687 = vector.shape_cast %get3A_686 : vector<1x16xi32> to vector<16xi32>
      %max3A_688 = arith.maxsi %max3A_682, %get3A_687 : vector<16xi32>
      %get3A_689 = arith.constant 5 : i64
      %get3A_690 = arith.index_cast %get3A_689 : i64 to index
      %get3A_691 = arith.constant 112 : index
      %get3A_692 = tpu.vector_load %arg10[%get3A_690, %get3A_691] {strides = array<i32>} : memref<8x128xi32, #tpu.memory_space<vmem>>, vector<1x16xi32>,
      %get3A_693 = vector.shape_cast %get3A_692 : vector<1x16xi32> to vector<16xi32>
      %max3A_694 = arith.maxsi %max3A_688, %get3A_693 : vector<16xi32>
      %select_n3A_695 = arith.select %lt3A_598, %max3A_694, %select_n3A_594 : vector<16xi32>
      %add3A_696 = arith.constant 6 : i32
      %add3A_697 = arith.addi %multiple_of3A_79, %add3A_696 : i32
      %lt3A_698 = arith.constant 2500 : i32
      %lt3A_699 = arith.cmpi slt, %add3A_697, %lt3A_698 : i32
      %get3A_700 = arith.constant 6 : i64
      %get3A_701 = arith.index_cast %get3A_700 : i64 to index
      %get3A_702 = arith.constant 0 : index
      %get3A_703 = tpu.vector_load %arg8[%get3A_701, %get3A_702] {strides = array<i32>} : memref<8x128xi32, #tpu.memory_space<vmem>>, vector<1x16xi32>,
      %get3A_704 = vector.shape_cast %get3A_703 : vector<1x16xi32> to vector<16xi32>
      %max3A_705 = arith.maxsi %select_n3A_695, %get3A_704 : vector<16xi32>
      %get3A_706 = arith.constant 6 : i64
      %get3A_707 = arith.index_cast %get3A_706 : i64 to index
      %get3A_708 = arith.constant 0 : index
      %get3A_709 = tpu.vector_load %arg10[%get3A_707, %get3A_708] {strides = array<i32>} : memref<8x128xi32, #tpu.memory_space<vmem>>, vector<1x16xi32>,
      %get3A_710 = vector.shape_cast %get3A_709 : vector<1x16xi32> to vector<16xi32>
      %max3A_711 = arith.maxsi %max3A_705, %get3A_710 : vector<16xi32>
      %get3A_712 = arith.constant 6 : i64
      %get3A_713 = arith.index_cast %get3A_712 : i64 to index
      %get3A_714 = arith.constant 16 : index
      %get3A_715 = tpu.vector_load %arg8[%get3A_713, %get3A_714] {strides = array<i32>} : memref<8x128xi32, #tpu.memory_space<vmem>>, vector<1x16xi32>,
      %get3A_716 = vector.shape_cast %get3A_715 : vector<1x16xi32> to vector<16xi32>
      %max3A_717 = arith.maxsi %max3A_711, %get3A_716 : vector<16xi32>
      %get3A_718 = arith.constant 6 : i64
      %get3A_719 = arith.index_cast %get3A_718 : i64 to index
      %get3A_720 = arith.constant 16 : index
      %get3A_721 = tpu.vector_load %arg10[%get3A_719, %get3A_720] {strides = array<i32>} : memref<8x128xi32, #tpu.memory_space<vmem>>, vector<1x16xi32>,
      %get3A_722 = vector.shape_cast %get3A_721 : vector<1x16xi32> to vector<16xi32>
      %max3A_723 = arith.maxsi %max3A_717, %get3A_722 : vector<16xi32>
      %get3A_724 = arith.constant 6 : i64
      %get3A_725 = arith.index_cast %get3A_724 : i64 to index
      %get3A_726 = arith.constant 32 : index
      %get3A_727 = tpu.vector_load %arg8[%get3A_725, %get3A_726] {strides = array<i32>} : memref<8x128xi32, #tpu.memory_space<vmem>>, vector<1x16xi32>,
      %get3A_728 = vector.shape_cast %get3A_727 : vector<1x16xi32> to vector<16xi32>
      %max3A_729 = arith.maxsi %max3A_723, %get3A_728 : vector<16xi32>
      %get3A_730 = arith.constant 6 : i64
      %get3A_731 = arith.index_cast %get3A_730 : i64 to index
      %get3A_732 = arith.constant 32 : index
      %get3A_733 = tpu.vector_load %arg10[%get3A_731, %get3A_732] {strides = array<i32>} : memref<8x128xi32, #tpu.memory_space<vmem>>, vector<1x16xi32>,
      %get3A_734 = vector.shape_cast %get3A_733 : vector<1x16xi32> to vector<16xi32>
      %max3A_735 = arith.maxsi %max3A_729, %get3A_734 : vector<16xi32>
      %get3A_736 = arith.constant 6 : i64
      %get3A_737 = arith.index_cast %get3A_736 : i64 to index
      %get3A_738 = arith.constant 48 : index
      %get3A_739 = tpu.vector_load %arg8[%get3A_737, %get3A_738] {strides = array<i32>} : memref<8x128xi32, #tpu.memory_space<vmem>>, vector<1x16xi32>,
      %get3A_740 = vector.shape_cast %get3A_739 : vector<1x16xi32> to vector<16xi32>
      %max3A_741 = arith.maxsi %max3A_735, %get3A_740 : vector<16xi32>
      %get3A_742 = arith.constant 6 : i64
      %get3A_743 = arith.index_cast %get3A_742 : i64 to index
      %get3A_744 = arith.constant 48 : index
      %get3A_745 = tpu.vector_load %arg10[%get3A_743, %get3A_744] {strides = array<i32>} : memref<8x128xi32, #tpu.memory_space<vmem>>, vector<1x16xi32>,
      %get3A_746 = vector.shape_cast %get3A_745 : vector<1x16xi32> to vector<16xi32>
      %max3A_747 = arith.maxsi %max3A_741, %get3A_746 : vector<16xi32>
      %get3A_748 = arith.constant 6 : i64
      %get3A_749 = arith.index_cast %get3A_748 : i64 to index
      %get3A_750 = arith.constant 64 : index
      %get3A_751 = tpu.vector_load %arg8[%get3A_749, %get3A_750] {strides = array<i32>} : memref<8x128xi32, #tpu.memory_space<vmem>>, vector<1x16xi32>,
      %get3A_752 = vector.shape_cast %get3A_751 : vector<1x16xi32> to vector<16xi32>
      %max3A_753 = arith.maxsi %max3A_747, %get3A_752 : vector<16xi32>
      %get3A_754 = arith.constant 6 : i64
      %get3A_755 = arith.index_cast %get3A_754 : i64 to index
      %get3A_756 = arith.constant 64 : index
      %get3A_757 = tpu.vector_load %arg10[%get3A_755, %get3A_756] {strides = array<i32>} : memref<8x128xi32, #tpu.memory_space<vmem>>, vector<1x16xi32>,
      %get3A_758 = vector.shape_cast %get3A_757 : vector<1x16xi32> to vector<16xi32>
      %max3A_759 = arith.maxsi %max3A_753, %get3A_758 : vector<16xi32>
      %get3A_760 = arith.constant 6 : i64
      %get3A_761 = arith.index_cast %get3A_760 : i64 to index
      %get3A_762 = arith.constant 80 : index
      %get3A_763 = tpu.vector_load %arg8[%get3A_761, %get3A_762] {strides = array<i32>} : memref<8x128xi32, #tpu.memory_space<vmem>>, vector<1x16xi32>,
      %get3A_764 = vector.shape_cast %get3A_763 : vector<1x16xi32> to vector<16xi32>
      %max3A_765 = arith.maxsi %max3A_759, %get3A_764 : vector<16xi32>
      %get3A_766 = arith.constant 6 : i64
      %get3A_767 = arith.index_cast %get3A_766 : i64 to index
      %get3A_768 = arith.constant 80 : index
      %get3A_769 = tpu.vector_load %arg10[%get3A_767, %get3A_768] {strides = array<i32>} : memref<8x128xi32, #tpu.memory_space<vmem>>, vector<1x16xi32>,
      %get3A_770 = vector.shape_cast %get3A_769 : vector<1x16xi32> to vector<16xi32>
      %max3A_771 = arith.maxsi %max3A_765, %get3A_770 : vector<16xi32>
      %get3A_772 = arith.constant 6 : i64
      %get3A_773 = arith.index_cast %get3A_772 : i64 to index
      %get3A_774 = arith.constant 96 : index
      %get3A_775 = tpu.vector_load %arg8[%get3A_773, %get3A_774] {strides = array<i32>} : memref<8x128xi32, #tpu.memory_space<vmem>>, vector<1x16xi32>,
      %get3A_776 = vector.shape_cast %get3A_775 : vector<1x16xi32> to vector<16xi32>
      %max3A_777 = arith.maxsi %max3A_771, %get3A_776 : vector<16xi32>
      %get3A_778 = arith.constant 6 : i64
      %get3A_779 = arith.index_cast %get3A_778 : i64 to index
      %get3A_780 = arith.constant 96 : index
      %get3A_781 = tpu.vector_load %arg10[%get3A_779, %get3A_780] {strides = array<i32>} : memref<8x128xi32, #tpu.memory_space<vmem>>, vector<1x16xi32>,
      %get3A_782 = vector.shape_cast %get3A_781 : vector<1x16xi32> to vector<16xi32>
      %max3A_783 = arith.maxsi %max3A_777, %get3A_782 : vector<16xi32>
      %get3A_784 = arith.constant 6 : i64
      %get3A_785 = arith.index_cast %get3A_784 : i64 to index
      %get3A_786 = arith.constant 112 : index
      %get3A_787 = tpu.vector_load %arg8[%get3A_785, %get3A_786] {strides = array<i32>} : memref<8x128xi32, #tpu.memory_space<vmem>>, vector<1x16xi32>,
      %get3A_788 = vector.shape_cast %get3A_787 : vector<1x16xi32> to vector<16xi32>
      %max3A_789 = arith.maxsi %max3A_783, %get3A_788 : vector<16xi32>
      %get3A_790 = arith.constant 6 : i64
      %get3A_791 = arith.index_cast %get3A_790 : i64 to index
      %get3A_792 = arith.constant 112 : index
      %get3A_793 = tpu.vector_load %arg10[%get3A_791, %get3A_792] {strides = array<i32>} : memref<8x128xi32, #tpu.memory_space<vmem>>, vector<1x16xi32>,
      %get3A_794 = vector.shape_cast %get3A_793 : vector<1x16xi32> to vector<16xi32>
      %max3A_795 = arith.maxsi %max3A_789, %get3A_794 : vector<16xi32>
      %select_n3A_796 = arith.select %lt3A_699, %max3A_795, %select_n3A_695 : vector<16xi32>
      %add3A_797 = arith.constant 7 : i32
      %add3A_798 = arith.addi %multiple_of3A_79, %add3A_797 : i32
      %lt3A_799 = arith.constant 2500 : i32
      %lt3A_800 = arith.cmpi slt, %add3A_798, %lt3A_799 : i32
      %get3A_801 = arith.constant 7 : i64
      %get3A_802 = arith.index_cast %get3A_801 : i64 to index
      %get3A_803 = arith.constant 0 : index
      %get3A_804 = tpu.vector_load %arg8[%get3A_802, %get3A_803] {strides = array<i32>} : memref<8x128xi32, #tpu.memory_space<vmem>>, vector<1x16xi32>,
      %get3A_805 = vector.shape_cast %get3A_804 : vector<1x16xi32> to vector<16xi32>
      %max3A_806 = arith.maxsi %select_n3A_796, %get3A_805 : vector<16xi32>
      %get3A_807 = arith.constant 7 : i64
      %get3A_808 = arith.index_cast %get3A_807 : i64 to index
      %get3A_809 = arith.constant 0 : index
      %get3A_810 = tpu.vector_load %arg10[%get3A_808, %get3A_809] {strides = array<i32>} : memref<8x128xi32, #tpu.memory_space<vmem>>, vector<1x16xi32>,
      %get3A_811 = vector.shape_cast %get3A_810 : vector<1x16xi32> to vector<16xi32>
      %max3A_812 = arith.maxsi %max3A_806, %get3A_811 : vector<16xi32>
      %get3A_813 = arith.constant 7 : i64
      %get3A_814 = arith.index_cast %get3A_813 : i64 to index
      %get3A_815 = arith.constant 16 : index
      %get3A_816 = tpu.vector_load %arg8[%get3A_814, %get3A_815] {strides = array<i32>} : memref<8x128xi32, #tpu.memory_space<vmem>>, vector<1x16xi32>,
      %get3A_817 = vector.shape_cast %get3A_816 : vector<1x16xi32> to vector<16xi32>
      %max3A_818 = arith.maxsi %max3A_812, %get3A_817 : vector<16xi32>
      %get3A_819 = arith.constant 7 : i64
      %get3A_820 = arith.index_cast %get3A_819 : i64 to index
      %get3A_821 = arith.constant 16 : index
      %get3A_822 = tpu.vector_load %arg10[%get3A_820, %get3A_821] {strides = array<i32>} : memref<8x128xi32, #tpu.memory_space<vmem>>, vector<1x16xi32>,
      %get3A_823 = vector.shape_cast %get3A_822 : vector<1x16xi32> to vector<16xi32>
      %max3A_824 = arith.maxsi %max3A_818, %get3A_823 : vector<16xi32>
      %get3A_825 = arith.constant 7 : i64
      %get3A_826 = arith.index_cast %get3A_825 : i64 to index
      %get3A_827 = arith.constant 32 : index
      %get3A_828 = tpu.vector_load %arg8[%get3A_826, %get3A_827] {strides = array<i32>} : memref<8x128xi32, #tpu.memory_space<vmem>>, vector<1x16xi32>,
      %get3A_829 = vector.shape_cast %get3A_828 : vector<1x16xi32> to vector<16xi32>
      %max3A_830 = arith.maxsi %max3A_824, %get3A_829 : vector<16xi32>
      %get3A_831 = arith.constant 7 : i64
      %get3A_832 = arith.index_cast %get3A_831 : i64 to index
      %get3A_833 = arith.constant 32 : index
      %get3A_834 = tpu.vector_load %arg10[%get3A_832, %get3A_833] {strides = array<i32>} : memref<8x128xi32, #tpu.memory_space<vmem>>, vector<1x16xi32>,
      %get3A_835 = vector.shape_cast %get3A_834 : vector<1x16xi32> to vector<16xi32>
      %max3A_836 = arith.maxsi %max3A_830, %get3A_835 : vector<16xi32>
      %get3A_837 = arith.constant 7 : i64
      %get3A_838 = arith.index_cast %get3A_837 : i64 to index
      %get3A_839 = arith.constant 48 : index
      %get3A_840 = tpu.vector_load %arg8[%get3A_838, %get3A_839] {strides = array<i32>} : memref<8x128xi32, #tpu.memory_space<vmem>>, vector<1x16xi32>,
      %get3A_841 = vector.shape_cast %get3A_840 : vector<1x16xi32> to vector<16xi32>
      %max3A_842 = arith.maxsi %max3A_836, %get3A_841 : vector<16xi32>
      %get3A_843 = arith.constant 7 : i64
      %get3A_844 = arith.index_cast %get3A_843 : i64 to index
      %get3A_845 = arith.constant 48 : index
      %get3A_846 = tpu.vector_load %arg10[%get3A_844, %get3A_845] {strides = array<i32>} : memref<8x128xi32, #tpu.memory_space<vmem>>, vector<1x16xi32>,
      %get3A_847 = vector.shape_cast %get3A_846 : vector<1x16xi32> to vector<16xi32>
      %max3A_848 = arith.maxsi %max3A_842, %get3A_847 : vector<16xi32>
      %get3A_849 = arith.constant 7 : i64
      %get3A_850 = arith.index_cast %get3A_849 : i64 to index
      %get3A_851 = arith.constant 64 : index
      %get3A_852 = tpu.vector_load %arg8[%get3A_850, %get3A_851] {strides = array<i32>} : memref<8x128xi32, #tpu.memory_space<vmem>>, vector<1x16xi32>,
      %get3A_853 = vector.shape_cast %get3A_852 : vector<1x16xi32> to vector<16xi32>
      %max3A_854 = arith.maxsi %max3A_848, %get3A_853 : vector<16xi32>
      %get3A_855 = arith.constant 7 : i64
      %get3A_856 = arith.index_cast %get3A_855 : i64 to index
      %get3A_857 = arith.constant 64 : index
      %get3A_858 = tpu.vector_load %arg10[%get3A_856, %get3A_857] {strides = array<i32>} : memref<8x128xi32, #tpu.memory_space<vmem>>, vector<1x16xi32>,
      %get3A_859 = vector.shape_cast %get3A_858 : vector<1x16xi32> to vector<16xi32>
      %max3A_860 = arith.maxsi %max3A_854, %get3A_859 : vector<16xi32>
      %get3A_861 = arith.constant 7 : i64
      %get3A_862 = arith.index_cast %get3A_861 : i64 to index
      %get3A_863 = arith.constant 80 : index
      %get3A_864 = tpu.vector_load %arg8[%get3A_862, %get3A_863] {strides = array<i32>} : memref<8x128xi32, #tpu.memory_space<vmem>>, vector<1x16xi32>,
      %get3A_865 = vector.shape_cast %get3A_864 : vector<1x16xi32> to vector<16xi32>
      %max3A_866 = arith.maxsi %max3A_860, %get3A_865 : vector<16xi32>
      %get3A_867 = arith.constant 7 : i64
      %get3A_868 = arith.index_cast %get3A_867 : i64 to index
      %get3A_869 = arith.constant 80 : index
      %get3A_870 = tpu.vector_load %arg10[%get3A_868, %get3A_869] {strides = array<i32>} : memref<8x128xi32, #tpu.memory_space<vmem>>, vector<1x16xi32>,
      %get3A_871 = vector.shape_cast %get3A_870 : vector<1x16xi32> to vector<16xi32>
      %max3A_872 = arith.maxsi %max3A_866, %get3A_871 : vector<16xi32>
      %get3A_873 = arith.constant 7 : i64
      %get3A_874 = arith.index_cast %get3A_873 : i64 to index
      %get3A_875 = arith.constant 96 : index
      %get3A_876 = tpu.vector_load %arg8[%get3A_874, %get3A_875] {strides = array<i32>} : memref<8x128xi32, #tpu.memory_space<vmem>>, vector<1x16xi32>,
      %get3A_877 = vector.shape_cast %get3A_876 : vector<1x16xi32> to vector<16xi32>
      %max3A_878 = arith.maxsi %max3A_872, %get3A_877 : vector<16xi32>
      %get3A_879 = arith.constant 7 : i64
      %get3A_880 = arith.index_cast %get3A_879 : i64 to index
      %get3A_881 = arith.constant 96 : index
      %get3A_882 = tpu.vector_load %arg10[%get3A_880, %get3A_881] {strides = array<i32>} : memref<8x128xi32, #tpu.memory_space<vmem>>, vector<1x16xi32>,
      %get3A_883 = vector.shape_cast %get3A_882 : vector<1x16xi32> to vector<16xi32>
      %max3A_884 = arith.maxsi %max3A_878, %get3A_883 : vector<16xi32>
      %get3A_885 = arith.constant 7 : i64
      %get3A_886 = arith.index_cast %get3A_885 : i64 to index
      %get3A_887 = arith.constant 112 : index
      %get3A_888 = tpu.vector_load %arg8[%get3A_886, %get3A_887] {strides = array<i32>} : memref<8x128xi32, #tpu.memory_space<vmem>>, vector<1x16xi32>,
      %get3A_889 = vector.shape_cast %get3A_888 : vector<1x16xi32> to vector<16xi32>
      %max3A_890 = arith.maxsi %max3A_884, %get3A_889 : vector<16xi32>
      %get3A_891 = arith.constant 7 : i64
      %get3A_892 = arith.index_cast %get3A_891 : i64 to index
      %get3A_893 = arith.constant 112 : index
      %get3A_894 = tpu.vector_load %arg10[%get3A_892, %get3A_893] {strides = array<i32>} : memref<8x128xi32, #tpu.memory_space<vmem>>, vector<1x16xi32>,
      %get3A_895 = vector.shape_cast %get3A_894 : vector<1x16xi32> to vector<16xi32>
      %max3A_896 = arith.maxsi %max3A_890, %get3A_895 : vector<16xi32>
      %select_n3A_897 = arith.select %lt3A_800, %max3A_896, %select_n3A_796 : vector<16xi32>
      %swap3A_898 = arith.constant 0 : index
      %swap3A_899 = tpu.vector_load %arg14[%swap3A_898] {strides = array<i32>} : memref<16xi32, #tpu.memory_space<vmem>>, vector<16xi32>,
      %swap3A_900 = vector.shape_cast %swap3A_899 : vector<16xi32> to vector<16xi32>
      %swap3A_901 = vector.shape_cast %select_n3A_897 : vector<16xi32> to vector<16xi32>
      tpu.vector_store %arg14[%swap3A_898], %swap3A_901 {strides = array<i32>} : memref<16xi32, #tpu.memory_space<vmem>>, vector<16xi32>,
      %dma_start3A_902 = arith.constant 0 : i32
      %dma_start3A_903 = arith.constant 0 : i32
      %dma_start3A_904 = tpu.memref_slice %arg8[%dma_start3A_902, %dma_start3A_903] : memref<8x128xi32, #tpu.memory_space<vmem>> -> memref<1x128xi32, #tpu.memory_space<vmem>>
      %dma_start3A_905 = tpu.memref_squeeze %dma_start3A_904 : memref<1x128xi32, #tpu.memory_space<vmem>> -> memref<128xi32, #tpu.memory_space<vmem>>
      %dma_start3A_906 = arith.constant 0 : i32
      %dma_start3A_907 = arith.constant 0 : i32
      %dma_start3A_908 = tpu.memref_slice %arg2[%dma_start3A_906, %dma_start3A_907] : memref<10000x128xf32, #tpu.memory_space<hbm>> -> memref<10000x128xf32, #tpu.memory_space<hbm>>
      tpu.enqueue_indirect_dma source(%dma_start3A_908 : memref<10000x128xf32, #tpu.memory_space<hbm>>) target(%arg12 : memref<128x128xf32, #tpu.memory_space<vmem>>) offsets(%dma_start3A_905 : memref<128xi32, #tpu.memory_space<vmem>>) semaphore(%arg15 : memref<!tpu.dma_semaphore, #tpu.memory_space<semaphore_mem>>)
      %dma_start3A_909 = arith.constant 1 : i32
      %dma_start3A_910 = arith.constant 0 : i32
      %dma_start3A_911 = tpu.memref_slice %arg8[%dma_start3A_909, %dma_start3A_910] : memref<8x128xi32, #tpu.memory_space<vmem>> -> memref<1x128xi32, #tpu.memory_space<vmem>>
      %dma_start3A_912 = tpu.memref_squeeze %dma_start3A_911 : memref<1x128xi32, #tpu.memory_space<vmem>> -> memref<128xi32, #tpu.memory_space<vmem>>
      %dma_start3A_913 = arith.constant 0 : i32
      %dma_start3A_914 = arith.constant 0 : i32
      %dma_start3A_915 = tpu.memref_slice %arg2[%dma_start3A_913, %dma_start3A_914] : memref<10000x128xf32, #tpu.memory_space<hbm>> -> memref<10000x128xf32, #tpu.memory_space<hbm>>
      tpu.enqueue_indirect_dma source(%dma_start3A_915 : memref<10000x128xf32, #tpu.memory_space<hbm>>) target(%arg13 : memref<128x128xf32, #tpu.memory_space<vmem>>) offsets(%dma_start3A_912 : memref<128xi32, #tpu.memory_space<vmem>>) semaphore(%arg16 : memref<!tpu.dma_semaphore, #tpu.memory_space<semaphore_mem>>)
      %dma_wait3A_916 = arith.constant 0 : i32
      %dma_wait3A_917 = arith.constant 0 : i32
      %dma_wait3A_918 = tpu.memref_slice %arg8[%dma_wait3A_916, %dma_wait3A_917] : memref<8x128xi32, #tpu.memory_space<vmem>> -> memref<1x128xi32, #tpu.memory_space<vmem>>
      %dma_wait3A_919 = tpu.memref_squeeze %dma_wait3A_918 : memref<1x128xi32, #tpu.memory_space<vmem>> -> memref<128xi32, #tpu.memory_space<vmem>>
      %dma_wait3A_920 = arith.constant 0 : i32
      %dma_wait3A_921 = arith.constant 0 : i32
      %dma_wait3A_922 = tpu.memref_slice %arg2[%dma_wait3A_920, %dma_wait3A_921] : memref<10000x128xf32, #tpu.memory_space<hbm>> -> memref<10000x128xf32, #tpu.memory_space<hbm>>
      tpu.wait_indirect_dma semaphore(%arg15 : memref<!tpu.dma_semaphore, #tpu.memory_space<semaphore_mem>>) src(%dma_wait3A_922 : memref<10000x128xf32, #tpu.memory_space<hbm>>) dst(%arg12 : memref<128x128xf32, #tpu.memory_space<vmem>>)
      %dma_start3A_923 = arith.constant 0 : i32
      %dma_start3A_924 = arith.constant 0 : i32
      %dma_start3A_925 = tpu.memref_slice %arg10[%dma_start3A_923, %dma_start3A_924] : memref<8x128xi32, #tpu.memory_space<vmem>> -> memref<1x128xi32, #tpu.memory_space<vmem>>
      %dma_start3A_926 = tpu.memref_squeeze %dma_start3A_925 : memref<1x128xi32, #tpu.memory_space<vmem>> -> memref<128xi32, #tpu.memory_space<vmem>>
      %dma_start3A_927 = arith.constant 0 : i32
      %dma_start3A_928 = arith.constant 0 : i32
      %dma_start3A_929 = tpu.memref_slice %arg7[%dma_start3A_927, %dma_start3A_928] : memref<10128x128xf32, #tpu.memory_space<vmem_shared>> -> memref<10128x128xf32, #tpu.memory_space<vmem_shared>>
      tpu.enqueue_indirect_dma source(%arg12 : memref<128x128xf32, #tpu.memory_space<vmem>>) target(%dma_start3A_929 : memref<10128x128xf32, #tpu.memory_space<vmem_shared>>) offsets(%dma_start3A_926 : memref<128xi32, #tpu.memory_space<vmem>>) semaphore(%arg17 : memref<!tpu.dma_semaphore, #tpu.memory_space<semaphore_mem>>) {add = true}
      %dma_wait3A_930 = arith.constant 0 : i32
      %dma_wait3A_931 = arith.constant 0 : i32
      %dma_wait3A_932 = tpu.memref_slice %arg10[%dma_wait3A_930, %dma_wait3A_931] : memref<8x128xi32, #tpu.memory_space<vmem>> -> memref<1x128xi32, #tpu.memory_space<vmem>>
      %dma_wait3A_933 = tpu.memref_squeeze %dma_wait3A_932 : memref<1x128xi32, #tpu.memory_space<vmem>> -> memref<128xi32, #tpu.memory_space<vmem>>
      %dma_wait3A_934 = arith.constant 0 : i32
      %dma_wait3A_935 = arith.constant 0 : i32
      %dma_wait3A_936 = tpu.memref_slice %arg7[%dma_wait3A_934, %dma_wait3A_935] : memref<10128x128xf32, #tpu.memory_space<vmem_shared>> -> memref<10128x128xf32, #tpu.memory_space<vmem_shared>>
      tpu.wait_indirect_dma semaphore(%arg17 : memref<!tpu.dma_semaphore, #tpu.memory_space<semaphore_mem>>) src(%arg12 : memref<128x128xf32, #tpu.memory_space<vmem>>) dst(%dma_wait3A_936 : memref<10128x128xf32, #tpu.memory_space<vmem_shared>>)
      %dma_start3A_937 = arith.constant 2 : i32
      %dma_start3A_938 = arith.constant 0 : i32
      %dma_start3A_939 = tpu.memref_slice %arg8[%dma_start3A_937, %dma_start3A_938] : memref<8x128xi32, #tpu.memory_space<vmem>> -> memref<1x128xi32, #tpu.memory_space<vmem>>
      %dma_start3A_940 = tpu.memref_squeeze %dma_start3A_939 : memref<1x128xi32, #tpu.memory_space<vmem>> -> memref<128xi32, #tpu.memory_space<vmem>>
      %dma_start3A_941 = arith.constant 0 : i32
      %dma_start3A_942 = arith.constant 0 : i32
      %dma_start3A_943 = tpu.memref_slice %arg2[%dma_start3A_941, %dma_start3A_942] : memref<10000x128xf32, #tpu.memory_space<hbm>> -> memref<10000x128xf32, #tpu.memory_space<hbm>>
      tpu.enqueue_indirect_dma source(%dma_start3A_943 : memref<10000x128xf32, #tpu.memory_space<hbm>>) target(%arg12 : memref<128x128xf32, #tpu.memory_space<vmem>>) offsets(%dma_start3A_940 : memref<128xi32, #tpu.memory_space<vmem>>) semaphore(%arg15 : memref<!tpu.dma_semaphore, #tpu.memory_space<semaphore_mem>>)
      %dma_wait3A_944 = arith.constant 1 : i32
      %dma_wait3A_945 = arith.constant 0 : i32
      %dma_wait3A_946 = tpu.memref_slice %arg8[%dma_wait3A_944, %dma_wait3A_945] : memref<8x128xi32, #tpu.memory_space<vmem>> -> memref<1x128xi32, #tpu.memory_space<vmem>>
      %dma_wait3A_947 = tpu.memref_squeeze %dma_wait3A_946 : memref<1x128xi32, #tpu.memory_space<vmem>> -> memref<128xi32, #tpu.memory_space<vmem>>
      %dma_wait3A_948 = arith.constant 0 : i32
      %dma_wait3A_949 = arith.constant 0 : i32
      %dma_wait3A_950 = tpu.memref_slice %arg2[%dma_wait3A_948, %dma_wait3A_949] : memref<10000x128xf32, #tpu.memory_space<hbm>> -> memref<10000x128xf32, #tpu.memory_space<hbm>>
      tpu.wait_indirect_dma semaphore(%arg16 : memref<!tpu.dma_semaphore, #tpu.memory_space<semaphore_mem>>) src(%dma_wait3A_950 : memref<10000x128xf32, #tpu.memory_space<hbm>>) dst(%arg13 : memref<128x128xf32, #tpu.memory_space<vmem>>)
      %dma_start3A_951 = arith.constant 1 : i32
      %dma_start3A_952 = arith.constant 0 : i32
      %dma_start3A_953 = tpu.memref_slice %arg10[%dma_start3A_951, %dma_start3A_952] : memref<8x128xi32, #tpu.memory_space<vmem>> -> memref<1x128xi32, #tpu.memory_space<vmem>>
      %dma_start3A_954 = tpu.memref_squeeze %dma_start3A_953 : memref<1x128xi32, #tpu.memory_space<vmem>> -> memref<128xi32, #tpu.memory_space<vmem>>
      %dma_start3A_955 = arith.constant 0 : i32
      %dma_start3A_956 = arith.constant 0 : i32
      %dma_start3A_957 = tpu.memref_slice %arg7[%dma_start3A_955, %dma_start3A_956] : memref<10128x128xf32, #tpu.memory_space<vmem_shared>> -> memref<10128x128xf32, #tpu.memory_space<vmem_shared>>
      tpu.enqueue_indirect_dma source(%arg13 : memref<128x128xf32, #tpu.memory_space<vmem>>) target(%dma_start3A_957 : memref<10128x128xf32, #tpu.memory_space<vmem_shared>>) offsets(%dma_start3A_954 : memref<128xi32, #tpu.memory_space<vmem>>) semaphore(%arg18 : memref<!tpu.dma_semaphore, #tpu.memory_space<semaphore_mem>>) {add = true}
      %dma_wait3A_958 = arith.constant 1 : i32
      %dma_wait3A_959 = arith.constant 0 : i32
      %dma_wait3A_960 = tpu.memref_slice %arg10[%dma_wait3A_958, %dma_wait3A_959] : memref<8x128xi32, #tpu.memory_space<vmem>> -> memref<1x128xi32, #tpu.memory_space<vmem>>
      %dma_wait3A_961 = tpu.memref_squeeze %dma_wait3A_960 : memref<1x128xi32, #tpu.memory_space<vmem>> -> memref<128xi32, #tpu.memory_space<vmem>>
      %dma_wait3A_962 = arith.constant 0 : i32
      %dma_wait3A_963 = arith.constant 0 : i32
      %dma_wait3A_964 = tpu.memref_slice %arg7[%dma_wait3A_962, %dma_wait3A_963] : memref<10128x128xf32, #tpu.memory_space<vmem_shared>> -> memref<10128x128xf32, #tpu.memory_space<vmem_shared>>
      tpu.wait_indirect_dma semaphore(%arg18 : memref<!tpu.dma_semaphore, #tpu.memory_space<semaphore_mem>>) src(%arg13 : memref<128x128xf32, #tpu.memory_space<vmem>>) dst(%dma_wait3A_964 : memref<10128x128xf32, #tpu.memory_space<vmem_shared>>)
      %dma_start3A_965 = arith.constant 3 : i32
      %dma_start3A_966 = arith.constant 0 : i32
      %dma_start3A_967 = tpu.memref_slice %arg8[%dma_start3A_965, %dma_start3A_966] : memref<8x128xi32, #tpu.memory_space<vmem>> -> memref<1x128xi32, #tpu.memory_space<vmem>>
      %dma_start3A_968 = tpu.memref_squeeze %dma_start3A_967 : memref<1x128xi32, #tpu.memory_space<vmem>> -> memref<128xi32, #tpu.memory_space<vmem>>
      %dma_start3A_969 = arith.constant 0 : i32
      %dma_start3A_970 = arith.constant 0 : i32
      %dma_start3A_971 = tpu.memref_slice %arg2[%dma_start3A_969, %dma_start3A_970] : memref<10000x128xf32, #tpu.memory_space<hbm>> -> memref<10000x128xf32, #tpu.memory_space<hbm>>
      tpu.enqueue_indirect_dma source(%dma_start3A_971 : memref<10000x128xf32, #tpu.memory_space<hbm>>) target(%arg13 : memref<128x128xf32, #tpu.memory_space<vmem>>) offsets(%dma_start3A_968 : memref<128xi32, #tpu.memory_space<vmem>>) semaphore(%arg16 : memref<!tpu.dma_semaphore, #tpu.memory_space<semaphore_mem>>)
      %dma_wait3A_972 = arith.constant 2 : i32
      %dma_wait3A_973 = arith.constant 0 : i32
      %dma_wait3A_974 = tpu.memref_slice %arg8[%dma_wait3A_972, %dma_wait3A_973] : memref<8x128xi32, #tpu.memory_space<vmem>> -> memref<1x128xi32, #tpu.memory_space<vmem>>
      %dma_wait3A_975 = tpu.memref_squeeze %dma_wait3A_974 : memref<1x128xi32, #tpu.memory_space<vmem>> -> memref<128xi32, #tpu.memory_space<vmem>>
      %dma_wait3A_976 = arith.constant 0 : i32
      %dma_wait3A_977 = arith.constant 0 : i32
      %dma_wait3A_978 = tpu.memref_slice %arg2[%dma_wait3A_976, %dma_wait3A_977] : memref<10000x128xf32, #tpu.memory_space<hbm>> -> memref<10000x128xf32, #tpu.memory_space<hbm>>
      tpu.wait_indirect_dma semaphore(%arg15 : memref<!tpu.dma_semaphore, #tpu.memory_space<semaphore_mem>>) src(%dma_wait3A_978 : memref<10000x128xf32, #tpu.memory_space<hbm>>) dst(%arg12 : memref<128x128xf32, #tpu.memory_space<vmem>>)
      %dma_start3A_979 = arith.constant 2 : i32
      %dma_start3A_980 = arith.constant 0 : i32
      %dma_start3A_981 = tpu.memref_slice %arg10[%dma_start3A_979, %dma_start3A_980] : memref<8x128xi32, #tpu.memory_space<vmem>> -> memref<1x128xi32, #tpu.memory_space<vmem>>
      %dma_start3A_982 = tpu.memref_squeeze %dma_start3A_981 : memref<1x128xi32, #tpu.memory_space<vmem>> -> memref<128xi32, #tpu.memory_space<vmem>>
      %dma_start3A_983 = arith.constant 0 : i32
      %dma_start3A_984 = arith.constant 0 : i32
      %dma_start3A_985 = tpu.memref_slice %arg7[%dma_start3A_983, %dma_start3A_984] : memref<10128x128xf32, #tpu.memory_space<vmem_shared>> -> memref<10128x128xf32, #tpu.memory_space<vmem_shared>>
      tpu.enqueue_indirect_dma source(%arg12 : memref<128x128xf32, #tpu.memory_space<vmem>>) target(%dma_start3A_985 : memref<10128x128xf32, #tpu.memory_space<vmem_shared>>) offsets(%dma_start3A_982 : memref<128xi32, #tpu.memory_space<vmem>>) semaphore(%arg17 : memref<!tpu.dma_semaphore, #tpu.memory_space<semaphore_mem>>) {add = true}
      %dma_wait3A_986 = arith.constant 2 : i32
      %dma_wait3A_987 = arith.constant 0 : i32
      %dma_wait3A_988 = tpu.memref_slice %arg10[%dma_wait3A_986, %dma_wait3A_987] : memref<8x128xi32, #tpu.memory_space<vmem>> -> memref<1x128xi32, #tpu.memory_space<vmem>>
      %dma_wait3A_989 = tpu.memref_squeeze %dma_wait3A_988 : memref<1x128xi32, #tpu.memory_space<vmem>> -> memref<128xi32, #tpu.memory_space<vmem>>
      %dma_wait3A_990 = arith.constant 0 : i32
      %dma_wait3A_991 = arith.constant 0 : i32
      %dma_wait3A_992 = tpu.memref_slice %arg7[%dma_wait3A_990, %dma_wait3A_991] : memref<10128x128xf32, #tpu.memory_space<vmem_shared>> -> memref<10128x128xf32, #tpu.memory_space<vmem_shared>>
      tpu.wait_indirect_dma semaphore(%arg17 : memref<!tpu.dma_semaphore, #tpu.memory_space<semaphore_mem>>) src(%arg12 : memref<128x128xf32, #tpu.memory_space<vmem>>) dst(%dma_wait3A_992 : memref<10128x128xf32, #tpu.memory_space<vmem_shared>>)
      %dma_start3A_993 = arith.constant 4 : i32
      %dma_start3A_994 = arith.constant 0 : i32
      %dma_start3A_995 = tpu.memref_slice %arg8[%dma_start3A_993, %dma_start3A_994] : memref<8x128xi32, #tpu.memory_space<vmem>> -> memref<1x128xi32, #tpu.memory_space<vmem>>
      %dma_start3A_996 = tpu.memref_squeeze %dma_start3A_995 : memref<1x128xi32, #tpu.memory_space<vmem>> -> memref<128xi32, #tpu.memory_space<vmem>>
      %dma_start3A_997 = arith.constant 0 : i32
      %dma_start3A_998 = arith.constant 0 : i32
      %dma_start3A_999 = tpu.memref_slice %arg2[%dma_start3A_997, %dma_start3A_998] : memref<10000x128xf32, #tpu.memory_space<hbm>> -> memref<10000x128xf32, #tpu.memory_space<hbm>>
      tpu.enqueue_indirect_dma source(%dma_start3A_999 : memref<10000x128xf32, #tpu.memory_space<hbm>>) target(%arg12 : memref<128x128xf32, #tpu.memory_space<vmem>>) offsets(%dma_start3A_996 : memref<128xi32, #tpu.memory_space<vmem>>) semaphore(%arg15 : memref<!tpu.dma_semaphore, #tpu.memory_space<semaphore_mem>>)
      %dma_wait3A_1000 = arith.constant 3 : i32
      %dma_wait3A_1001 = arith.constant 0 : i32
      %dma_wait3A_1002 = tpu.memref_slice %arg8[%dma_wait3A_1000, %dma_wait3A_1001] : memref<8x128xi32, #tpu.memory_space<vmem>> -> memref<1x128xi32, #tpu.memory_space<vmem>>
      %dma_wait3A_1003 = tpu.memref_squeeze %dma_wait3A_1002 : memref<1x128xi32, #tpu.memory_space<vmem>> -> memref<128xi32, #tpu.memory_space<vmem>>
      %dma_wait3A_1004 = arith.constant 0 : i32
      %dma_wait3A_1005 = arith.constant 0 : i32
      %dma_wait3A_1006 = tpu.memref_slice %arg2[%dma_wait3A_1004, %dma_wait3A_1005] : memref<10000x128xf32, #tpu.memory_space<hbm>> -> memref<10000x128xf32, #tpu.memory_space<hbm>>
      tpu.wait_indirect_dma semaphore(%arg16 : memref<!tpu.dma_semaphore, #tpu.memory_space<semaphore_mem>>) src(%dma_wait3A_1006 : memref<10000x128xf32, #tpu.memory_space<hbm>>) dst(%arg13 : memref<128x128xf32, #tpu.memory_space<vmem>>)
      %dma_start3A_1007 = arith.constant 3 : i32
      %dma_start3A_1008 = arith.constant 0 : i32
      %dma_start3A_1009 = tpu.memref_slice %arg10[%dma_start3A_1007, %dma_start3A_1008] : memref<8x128xi32, #tpu.memory_space<vmem>> -> memref<1x128xi32, #tpu.memory_space<vmem>>
      %dma_start3A_1010 = tpu.memref_squeeze %dma_start3A_1009 : memref<1x128xi32, #tpu.memory_space<vmem>> -> memref<128xi32, #tpu.memory_space<vmem>>
      %dma_start3A_1011 = arith.constant 0 : i32
      %dma_start3A_1012 = arith.constant 0 : i32
      %dma_start3A_1013 = tpu.memref_slice %arg7[%dma_start3A_1011, %dma_start3A_1012] : memref<10128x128xf32, #tpu.memory_space<vmem_shared>> -> memref<10128x128xf32, #tpu.memory_space<vmem_shared>>
      tpu.enqueue_indirect_dma source(%arg13 : memref<128x128xf32, #tpu.memory_space<vmem>>) target(%dma_start3A_1013 : memref<10128x128xf32, #tpu.memory_space<vmem_shared>>) offsets(%dma_start3A_1010 : memref<128xi32, #tpu.memory_space<vmem>>) semaphore(%arg18 : memref<!tpu.dma_semaphore, #tpu.memory_space<semaphore_mem>>) {add = true}
      %dma_wait3A_1014 = arith.constant 3 : i32
      %dma_wait3A_1015 = arith.constant 0 : i32
      %dma_wait3A_1016 = tpu.memref_slice %arg10[%dma_wait3A_1014, %dma_wait3A_1015] : memref<8x128xi32, #tpu.memory_space<vmem>> -> memref<1x128xi32, #tpu.memory_space<vmem>>
      %dma_wait3A_1017 = tpu.memref_squeeze %dma_wait3A_1016 : memref<1x128xi32, #tpu.memory_space<vmem>> -> memref<128xi32, #tpu.memory_space<vmem>>
      %dma_wait3A_1018 = arith.constant 0 : i32
      %dma_wait3A_1019 = arith.constant 0 : i32
      %dma_wait3A_1020 = tpu.memref_slice %arg7[%dma_wait3A_1018, %dma_wait3A_1019] : memref<10128x128xf32, #tpu.memory_space<vmem_shared>> -> memref<10128x128xf32, #tpu.memory_space<vmem_shared>>
      tpu.wait_indirect_dma semaphore(%arg18 : memref<!tpu.dma_semaphore, #tpu.memory_space<semaphore_mem>>) src(%arg13 : memref<128x128xf32, #tpu.memory_space<vmem>>) dst(%dma_wait3A_1020 : memref<10128x128xf32, #tpu.memory_space<vmem_shared>>)
      %dma_start3A_1021 = arith.constant 5 : i32
      %dma_start3A_1022 = arith.constant 0 : i32
      %dma_start3A_1023 = tpu.memref_slice %arg8[%dma_start3A_1021, %dma_start3A_1022] : memref<8x128xi32, #tpu.memory_space<vmem>> -> memref<1x128xi32, #tpu.memory_space<vmem>>
      %dma_start3A_1024 = tpu.memref_squeeze %dma_start3A_1023 : memref<1x128xi32, #tpu.memory_space<vmem>> -> memref<128xi32, #tpu.memory_space<vmem>>
      %dma_start3A_1025 = arith.constant 0 : i32
      %dma_start3A_1026 = arith.constant 0 : i32
      %dma_start3A_1027 = tpu.memref_slice %arg2[%dma_start3A_1025, %dma_start3A_1026] : memref<10000x128xf32, #tpu.memory_space<hbm>> -> memref<10000x128xf32, #tpu.memory_space<hbm>>
      tpu.enqueue_indirect_dma source(%dma_start3A_1027 : memref<10000x128xf32, #tpu.memory_space<hbm>>) target(%arg13 : memref<128x128xf32, #tpu.memory_space<vmem>>) offsets(%dma_start3A_1024 : memref<128xi32, #tpu.memory_space<vmem>>) semaphore(%arg16 : memref<!tpu.dma_semaphore, #tpu.memory_space<semaphore_mem>>)
      %dma_wait3A_1028 = arith.constant 4 : i32
      %dma_wait3A_1029 = arith.constant 0 : i32
      %dma_wait3A_1030 = tpu.memref_slice %arg8[%dma_wait3A_1028, %dma_wait3A_1029] : memref<8x128xi32, #tpu.memory_space<vmem>> -> memref<1x128xi32, #tpu.memory_space<vmem>>
      %dma_wait3A_1031 = tpu.memref_squeeze %dma_wait3A_1030 : memref<1x128xi32, #tpu.memory_space<vmem>> -> memref<128xi32, #tpu.memory_space<vmem>>
      %dma_wait3A_1032 = arith.constant 0 : i32
      %dma_wait3A_1033 = arith.constant 0 : i32
      %dma_wait3A_1034 = tpu.memref_slice %arg2[%dma_wait3A_1032, %dma_wait3A_1033] : memref<10000x128xf32, #tpu.memory_space<hbm>> -> memref<10000x128xf32, #tpu.memory_space<hbm>>
      tpu.wait_indirect_dma semaphore(%arg15 : memref<!tpu.dma_semaphore, #tpu.memory_space<semaphore_mem>>) src(%dma_wait3A_1034 : memref<10000x128xf32, #tpu.memory_space<hbm>>) dst(%arg12 : memref<128x128xf32, #tpu.memory_space<vmem>>)
      %dma_start3A_1035 = arith.constant 4 : i32
      %dma_start3A_1036 = arith.constant 0 : i32
      %dma_start3A_1037 = tpu.memref_slice %arg10[%dma_start3A_1035, %dma_start3A_1036] : memref<8x128xi32, #tpu.memory_space<vmem>> -> memref<1x128xi32, #tpu.memory_space<vmem>>
      %dma_start3A_1038 = tpu.memref_squeeze %dma_start3A_1037 : memref<1x128xi32, #tpu.memory_space<vmem>> -> memref<128xi32, #tpu.memory_space<vmem>>
      %dma_start3A_1039 = arith.constant 0 : i32
      %dma_start3A_1040 = arith.constant 0 : i32
      %dma_start3A_1041 = tpu.memref_slice %arg7[%dma_start3A_1039, %dma_start3A_1040] : memref<10128x128xf32, #tpu.memory_space<vmem_shared>> -> memref<10128x128xf32, #tpu.memory_space<vmem_shared>>
      tpu.enqueue_indirect_dma source(%arg12 : memref<128x128xf32, #tpu.memory_space<vmem>>) target(%dma_start3A_1041 : memref<10128x128xf32, #tpu.memory_space<vmem_shared>>) offsets(%dma_start3A_1038 : memref<128xi32, #tpu.memory_space<vmem>>) semaphore(%arg17 : memref<!tpu.dma_semaphore, #tpu.memory_space<semaphore_mem>>) {add = true}
      %dma_wait3A_1042 = arith.constant 4 : i32
      %dma_wait3A_1043 = arith.constant 0 : i32
      %dma_wait3A_1044 = tpu.memref_slice %arg10[%dma_wait3A_1042, %dma_wait3A_1043] : memref<8x128xi32, #tpu.memory_space<vmem>> -> memref<1x128xi32, #tpu.memory_space<vmem>>
      %dma_wait3A_1045 = tpu.memref_squeeze %dma_wait3A_1044 : memref<1x128xi32, #tpu.memory_space<vmem>> -> memref<128xi32, #tpu.memory_space<vmem>>
      %dma_wait3A_1046 = arith.constant 0 : i32
      %dma_wait3A_1047 = arith.constant 0 : i32
      %dma_wait3A_1048 = tpu.memref_slice %arg7[%dma_wait3A_1046, %dma_wait3A_1047] : memref<10128x128xf32, #tpu.memory_space<vmem_shared>> -> memref<10128x128xf32, #tpu.memory_space<vmem_shared>>
      tpu.wait_indirect_dma semaphore(%arg17 : memref<!tpu.dma_semaphore, #tpu.memory_space<semaphore_mem>>) src(%arg12 : memref<128x128xf32, #tpu.memory_space<vmem>>) dst(%dma_wait3A_1048 : memref<10128x128xf32, #tpu.memory_space<vmem_shared>>)
      %dma_start3A_1049 = arith.constant 6 : i32
      %dma_start3A_1050 = arith.constant 0 : i32
      %dma_start3A_1051 = tpu.memref_slice %arg8[%dma_start3A_1049, %dma_start3A_1050] : memref<8x128xi32, #tpu.memory_space<vmem>> -> memref<1x128xi32, #tpu.memory_space<vmem>>
      %dma_start3A_1052 = tpu.memref_squeeze %dma_start3A_1051 : memref<1x128xi32, #tpu.memory_space<vmem>> -> memref<128xi32, #tpu.memory_space<vmem>>
      %dma_start3A_1053 = arith.constant 0 : i32
      %dma_start3A_1054 = arith.constant 0 : i32
      %dma_start3A_1055 = tpu.memref_slice %arg2[%dma_start3A_1053, %dma_start3A_1054] : memref<10000x128xf32, #tpu.memory_space<hbm>> -> memref<10000x128xf32, #tpu.memory_space<hbm>>
      tpu.enqueue_indirect_dma source(%dma_start3A_1055 : memref<10000x128xf32, #tpu.memory_space<hbm>>) target(%arg12 : memref<128x128xf32, #tpu.memory_space<vmem>>) offsets(%dma_start3A_1052 : memref<128xi32, #tpu.memory_space<vmem>>) semaphore(%arg15 : memref<!tpu.dma_semaphore, #tpu.memory_space<semaphore_mem>>)
      %dma_wait3A_1056 = arith.constant 5 : i32
      %dma_wait3A_1057 = arith.constant 0 : i32
      %dma_wait3A_1058 = tpu.memref_slice %arg8[%dma_wait3A_1056, %dma_wait3A_1057] : memref<8x128xi32, #tpu.memory_space<vmem>> -> memref<1x128xi32, #tpu.memory_space<vmem>>
      %dma_wait3A_1059 = tpu.memref_squeeze %dma_wait3A_1058 : memref<1x128xi32, #tpu.memory_space<vmem>> -> memref<128xi32, #tpu.memory_space<vmem>>
      %dma_wait3A_1060 = arith.constant 0 : i32
      %dma_wait3A_1061 = arith.constant 0 : i32
      %dma_wait3A_1062 = tpu.memref_slice %arg2[%dma_wait3A_1060, %dma_wait3A_1061] : memref<10000x128xf32, #tpu.memory_space<hbm>> -> memref<10000x128xf32, #tpu.memory_space<hbm>>
      tpu.wait_indirect_dma semaphore(%arg16 : memref<!tpu.dma_semaphore, #tpu.memory_space<semaphore_mem>>) src(%dma_wait3A_1062 : memref<10000x128xf32, #tpu.memory_space<hbm>>) dst(%arg13 : memref<128x128xf32, #tpu.memory_space<vmem>>)
      %dma_start3A_1063 = arith.constant 5 : i32
      %dma_start3A_1064 = arith.constant 0 : i32
      %dma_start3A_1065 = tpu.memref_slice %arg10[%dma_start3A_1063, %dma_start3A_1064] : memref<8x128xi32, #tpu.memory_space<vmem>> -> memref<1x128xi32, #tpu.memory_space<vmem>>
      %dma_start3A_1066 = tpu.memref_squeeze %dma_start3A_1065 : memref<1x128xi32, #tpu.memory_space<vmem>> -> memref<128xi32, #tpu.memory_space<vmem>>
      %dma_start3A_1067 = arith.constant 0 : i32
      %dma_start3A_1068 = arith.constant 0 : i32
      %dma_start3A_1069 = tpu.memref_slice %arg7[%dma_start3A_1067, %dma_start3A_1068] : memref<10128x128xf32, #tpu.memory_space<vmem_shared>> -> memref<10128x128xf32, #tpu.memory_space<vmem_shared>>
      tpu.enqueue_indirect_dma source(%arg13 : memref<128x128xf32, #tpu.memory_space<vmem>>) target(%dma_start3A_1069 : memref<10128x128xf32, #tpu.memory_space<vmem_shared>>) offsets(%dma_start3A_1066 : memref<128xi32, #tpu.memory_space<vmem>>) semaphore(%arg18 : memref<!tpu.dma_semaphore, #tpu.memory_space<semaphore_mem>>) {add = true}
      %dma_wait3A_1070 = arith.constant 5 : i32
      %dma_wait3A_1071 = arith.constant 0 : i32
      %dma_wait3A_1072 = tpu.memref_slice %arg10[%dma_wait3A_1070, %dma_wait3A_1071] : memref<8x128xi32, #tpu.memory_space<vmem>> -> memref<1x128xi32, #tpu.memory_space<vmem>>
      %dma_wait3A_1073 = tpu.memref_squeeze %dma_wait3A_1072 : memref<1x128xi32, #tpu.memory_space<vmem>> -> memref<128xi32, #tpu.memory_space<vmem>>
      %dma_wait3A_1074 = arith.constant 0 : i32
      %dma_wait3A_1075 = arith.constant 0 : i32
      %dma_wait3A_1076 = tpu.memref_slice %arg7[%dma_wait3A_1074, %dma_wait3A_1075] : memref<10128x128xf32, #tpu.memory_space<vmem_shared>> -> memref<10128x128xf32, #tpu.memory_space<vmem_shared>>
      tpu.wait_indirect_dma semaphore(%arg18 : memref<!tpu.dma_semaphore, #tpu.memory_space<semaphore_mem>>) src(%arg13 : memref<128x128xf32, #tpu.memory_space<vmem>>) dst(%dma_wait3A_1076 : memref<10128x128xf32, #tpu.memory_space<vmem_shared>>)
      %dma_start3A_1077 = arith.constant 7 : i32
      %dma_start3A_1078 = arith.constant 0 : i32
      %dma_start3A_1079 = tpu.memref_slice %arg8[%dma_start3A_1077, %dma_start3A_1078] : memref<8x128xi32, #tpu.memory_space<vmem>> -> memref<1x128xi32, #tpu.memory_space<vmem>>
      %dma_start3A_1080 = tpu.memref_squeeze %dma_start3A_1079 : memref<1x128xi32, #tpu.memory_space<vmem>> -> memref<128xi32, #tpu.memory_space<vmem>>
      %dma_start3A_1081 = arith.constant 0 : i32
      %dma_start3A_1082 = arith.constant 0 : i32
      %dma_start3A_1083 = tpu.memref_slice %arg2[%dma_start3A_1081, %dma_start3A_1082] : memref<10000x128xf32, #tpu.memory_space<hbm>> -> memref<10000x128xf32, #tpu.memory_space<hbm>>
      tpu.enqueue_indirect_dma source(%dma_start3A_1083 : memref<10000x128xf32, #tpu.memory_space<hbm>>) target(%arg13 : memref<128x128xf32, #tpu.memory_space<vmem>>) offsets(%dma_start3A_1080 : memref<128xi32, #tpu.memory_space<vmem>>) semaphore(%arg16 : memref<!tpu.dma_semaphore, #tpu.memory_space<semaphore_mem>>)
      %dma_wait3A_1084 = arith.constant 6 : i32
      %dma_wait3A_1085 = arith.constant 0 : i32
      %dma_wait3A_1086 = tpu.memref_slice %arg8[%dma_wait3A_1084, %dma_wait3A_1085] : memref<8x128xi32, #tpu.memory_space<vmem>> -> memref<1x128xi32, #tpu.memory_space<vmem>>
      %dma_wait3A_1087 = tpu.memref_squeeze %dma_wait3A_1086 : memref<1x128xi32, #tpu.memory_space<vmem>> -> memref<128xi32, #tpu.memory_space<vmem>>
      %dma_wait3A_1088 = arith.constant 0 : i32
      %dma_wait3A_1089 = arith.constant 0 : i32
      %dma_wait3A_1090 = tpu.memref_slice %arg2[%dma_wait3A_1088, %dma_wait3A_1089] : memref<10000x128xf32, #tpu.memory_space<hbm>> -> memref<10000x128xf32, #tpu.memory_space<hbm>>
      tpu.wait_indirect_dma semaphore(%arg15 : memref<!tpu.dma_semaphore, #tpu.memory_space<semaphore_mem>>) src(%dma_wait3A_1090 : memref<10000x128xf32, #tpu.memory_space<hbm>>) dst(%arg12 : memref<128x128xf32, #tpu.memory_space<vmem>>)
      %dma_start3A_1091 = arith.constant 6 : i32
      %dma_start3A_1092 = arith.constant 0 : i32
      %dma_start3A_1093 = tpu.memref_slice %arg10[%dma_start3A_1091, %dma_start3A_1092] : memref<8x128xi32, #tpu.memory_space<vmem>> -> memref<1x128xi32, #tpu.memory_space<vmem>>
      %dma_start3A_1094 = tpu.memref_squeeze %dma_start3A_1093 : memref<1x128xi32, #tpu.memory_space<vmem>> -> memref<128xi32, #tpu.memory_space<vmem>>
      %dma_start3A_1095 = arith.constant 0 : i32
      %dma_start3A_1096 = arith.constant 0 : i32
      %dma_start3A_1097 = tpu.memref_slice %arg7[%dma_start3A_1095, %dma_start3A_1096] : memref<10128x128xf32, #tpu.memory_space<vmem_shared>> -> memref<10128x128xf32, #tpu.memory_space<vmem_shared>>
      tpu.enqueue_indirect_dma source(%arg12 : memref<128x128xf32, #tpu.memory_space<vmem>>) target(%dma_start3A_1097 : memref<10128x128xf32, #tpu.memory_space<vmem_shared>>) offsets(%dma_start3A_1094 : memref<128xi32, #tpu.memory_space<vmem>>) semaphore(%arg17 : memref<!tpu.dma_semaphore, #tpu.memory_space<semaphore_mem>>) {add = true}
      %dma_wait3A_1098 = arith.constant 6 : i32
      %dma_wait3A_1099 = arith.constant 0 : i32
      %dma_wait3A_1100 = tpu.memref_slice %arg10[%dma_wait3A_1098, %dma_wait3A_1099] : memref<8x128xi32, #tpu.memory_space<vmem>> -> memref<1x128xi32, #tpu.memory_space<vmem>>
      %dma_wait3A_1101 = tpu.memref_squeeze %dma_wait3A_1100 : memref<1x128xi32, #tpu.memory_space<vmem>> -> memref<128xi32, #tpu.memory_space<vmem>>
      %dma_wait3A_1102 = arith.constant 0 : i32
      %dma_wait3A_1103 = arith.constant 0 : i32
      %dma_wait3A_1104 = tpu.memref_slice %arg7[%dma_wait3A_1102, %dma_wait3A_1103] : memref<10128x128xf32, #tpu.memory_space<vmem_shared>> -> memref<10128x128xf32, #tpu.memory_space<vmem_shared>>
      tpu.wait_indirect_dma semaphore(%arg17 : memref<!tpu.dma_semaphore, #tpu.memory_space<semaphore_mem>>) src(%arg12 : memref<128x128xf32, #tpu.memory_space<vmem>>) dst(%dma_wait3A_1104 : memref<10128x128xf32, #tpu.memory_space<vmem_shared>>)
      %dma_wait3A_1105 = arith.constant 0 : i32
      %dma_wait3A_1106 = tpu.memref_slice %arg3[%add3A_81, %dma_wait3A_1105] : memref<2560x128xi32, #tpu.memory_space<hbm>> -> memref<8x128xi32, #tpu.memory_space<hbm>>
      %dma_wait3A_1107 = arith.constant 0 : i32
      %dma_wait3A_1108 = tpu.memref_slice %arg3[%add3A_81, %dma_wait3A_1107] : memref<2560x128xi32, #tpu.memory_space<hbm>> -> memref<8x128xi32, #tpu.memory_space<hbm>>
      tpu.wait_dma2 semaphore(%arg20 : memref<!tpu.dma_semaphore, #tpu.memory_space<semaphore_mem>>) src(%dma_wait3A_1108 : memref<8x128xi32, #tpu.memory_space<hbm>>) dst(%arg9 : memref<8x128xi32, #tpu.memory_space<vmem>>)
      %dma_wait3A_1109 = arith.constant 0 : i32
      %dma_wait3A_1110 = tpu.memref_slice %arg4[%add3A_81, %dma_wait3A_1109] : memref<2560x128xi32, #tpu.memory_space<hbm>> -> memref<8x128xi32, #tpu.memory_space<hbm>>
      %dma_wait3A_1111 = arith.constant 0 : i32
      %dma_wait3A_1112 = tpu.memref_slice %arg4[%add3A_81, %dma_wait3A_1111] : memref<2560x128xi32, #tpu.memory_space<hbm>> -> memref<8x128xi32, #tpu.memory_space<hbm>>
      tpu.wait_dma2 semaphore(%arg20 : memref<!tpu.dma_semaphore, #tpu.memory_space<semaphore_mem>>) src(%dma_wait3A_1112 : memref<8x128xi32, #tpu.memory_space<hbm>>) dst(%arg11 : memref<8x128xi32, #tpu.memory_space<vmem>>)
      %dma_start3A_1113 = arith.constant 0 : i32
      %dma_start3A_1114 = arith.constant 0 : i32
      %dma_start3A_1115 = tpu.memref_slice %arg9[%dma_start3A_1113, %dma_start3A_1114] : memref<8x128xi32, #tpu.memory_space<vmem>> -> memref<1x128xi32, #tpu.memory_space<vmem>>
      %dma_start3A_1116 = tpu.memref_squeeze %dma_start3A_1115 : memref<1x128xi32, #tpu.memory_space<vmem>> -> memref<128xi32, #tpu.memory_space<vmem>>
      %dma_start3A_1117 = arith.constant 0 : i32
      %dma_start3A_1118 = arith.constant 0 : i32
      %dma_start3A_1119 = tpu.memref_slice %arg2[%dma_start3A_1117, %dma_start3A_1118] : memref<10000x128xf32, #tpu.memory_space<hbm>> -> memref<10000x128xf32, #tpu.memory_space<hbm>>
      tpu.enqueue_indirect_dma source(%dma_start3A_1119 : memref<10000x128xf32, #tpu.memory_space<hbm>>) target(%arg12 : memref<128x128xf32, #tpu.memory_space<vmem>>) offsets(%dma_start3A_1116 : memref<128xi32, #tpu.memory_space<vmem>>) semaphore(%arg15 : memref<!tpu.dma_semaphore, #tpu.memory_space<semaphore_mem>>)
      %dma_wait3A_1120 = arith.constant 7 : i32
      %dma_wait3A_1121 = arith.constant 0 : i32
      %dma_wait3A_1122 = tpu.memref_slice %arg8[%dma_wait3A_1120, %dma_wait3A_1121] : memref<8x128xi32, #tpu.memory_space<vmem>> -> memref<1x128xi32, #tpu.memory_space<vmem>>
      %dma_wait3A_1123 = tpu.memref_squeeze %dma_wait3A_1122 : memref<1x128xi32, #tpu.memory_space<vmem>> -> memref<128xi32, #tpu.memory_space<vmem>>
      %dma_wait3A_1124 = arith.constant 0 : i32
      %dma_wait3A_1125 = arith.constant 0 : i32
      %dma_wait3A_1126 = tpu.memref_slice %arg2[%dma_wait3A_1124, %dma_wait3A_1125] : memref<10000x128xf32, #tpu.memory_space<hbm>> -> memref<10000x128xf32, #tpu.memory_space<hbm>>
      tpu.wait_indirect_dma semaphore(%arg16 : memref<!tpu.dma_semaphore, #tpu.memory_space<semaphore_mem>>) src(%dma_wait3A_1126 : memref<10000x128xf32, #tpu.memory_space<hbm>>) dst(%arg13 : memref<128x128xf32, #tpu.memory_space<vmem>>)
      %dma_start3A_1127 = arith.constant 7 : i32
      %dma_start3A_1128 = arith.constant 0 : i32
      %dma_start3A_1129 = tpu.memref_slice %arg10[%dma_start3A_1127, %dma_start3A_1128] : memref<8x128xi32, #tpu.memory_space<vmem>> -> memref<1x128xi32, #tpu.memory_space<vmem>>
      %dma_start3A_1130 = tpu.memref_squeeze %dma_start3A_1129 : memref<1x128xi32, #tpu.memory_space<vmem>> -> memref<128xi32, #tpu.memory_space<vmem>>
      %dma_start3A_1131 = arith.constant 0 : i32
      %dma_start3A_1132 = arith.constant 0 : i32
      %dma_start3A_1133 = tpu.memref_slice %arg7[%dma_start3A_1131, %dma_start3A_1132] : memref<10128x128xf32, #tpu.memory_space<vmem_shared>> -> memref<10128x128xf32, #tpu.memory_space<vmem_shared>>
      tpu.enqueue_indirect_dma source(%arg13 : memref<128x128xf32, #tpu.memory_space<vmem>>) target(%dma_start3A_1133 : memref<10128x128xf32, #tpu.memory_space<vmem_shared>>) offsets(%dma_start3A_1130 : memref<128xi32, #tpu.memory_space<vmem>>) semaphore(%arg18 : memref<!tpu.dma_semaphore, #tpu.memory_space<semaphore_mem>>) {add = true}
      %dma_wait3A_1134 = arith.constant 7 : i32
      %dma_wait3A_1135 = arith.constant 0 : i32
      %dma_wait3A_1136 = tpu.memref_slice %arg10[%dma_wait3A_1134, %dma_wait3A_1135] : memref<8x128xi32, #tpu.memory_space<vmem>> -> memref<1x128xi32, #tpu.memory_space<vmem>>
      %dma_wait3A_1137 = tpu.memref_squeeze %dma_wait3A_1136 : memref<1x128xi32, #tpu.memory_space<vmem>> -> memref<128xi32, #tpu.memory_space<vmem>>
      %dma_wait3A_1138 = arith.constant 0 : i32
      %dma_wait3A_1139 = arith.constant 0 : i32
      %dma_wait3A_1140 = tpu.memref_slice %arg7[%dma_wait3A_1138, %dma_wait3A_1139] : memref<10128x128xf32, #tpu.memory_space<vmem_shared>> -> memref<10128x128xf32, #tpu.memory_space<vmem_shared>>
      tpu.wait_indirect_dma semaphore(%arg18 : memref<!tpu.dma_semaphore, #tpu.memory_space<semaphore_mem>>) src(%arg13 : memref<128x128xf32, #tpu.memory_space<vmem>>) dst(%dma_wait3A_1140 : memref<10128x128xf32, #tpu.memory_space<vmem_shared>>)
      %dma_start3A_1141 = arith.constant 1 : i32
      %dma_start3A_1142 = arith.constant 0 : i32
      %dma_start3A_1143 = tpu.memref_slice %arg9[%dma_start3A_1141, %dma_start3A_1142] : memref<8x128xi32, #tpu.memory_space<vmem>> -> memref<1x128xi32, #tpu.memory_space<vmem>>
      %dma_start3A_1144 = tpu.memref_squeeze %dma_start3A_1143 : memref<1x128xi32, #tpu.memory_space<vmem>> -> memref<128xi32, #tpu.memory_space<vmem>>
      %dma_start3A_1145 = arith.constant 0 : i32
      %dma_start3A_1146 = arith.constant 0 : i32
      %dma_start3A_1147 = tpu.memref_slice %arg2[%dma_start3A_1145, %dma_start3A_1146] : memref<10000x128xf32, #tpu.memory_space<hbm>> -> memref<10000x128xf32, #tpu.memory_space<hbm>>
      tpu.enqueue_indirect_dma source(%dma_start3A_1147 : memref<10000x128xf32, #tpu.memory_space<hbm>>) target(%arg13 : memref<128x128xf32, #tpu.memory_space<vmem>>) offsets(%dma_start3A_1144 : memref<128xi32, #tpu.memory_space<vmem>>) semaphore(%arg16 : memref<!tpu.dma_semaphore, #tpu.memory_space<semaphore_mem>>)
      %lt3A_1148 = arith.constant 4 : i32
      %lt3A_1149 = arith.cmpi slt, %while3A_73, %lt3A_1148 : i32
      %convert_element_type3A_1150 = arith.extui %lt3A_1149 : i1 to i32
      %cond3A_1151 = arith.constant 0 : i32
      %cond3A_1152 = arith.cmpi ne, %convert_element_type3A_1150, %cond3A_1151 : i32
      scf.if %cond3A_1152 {
        %add3A_2183 = arith.constant 512 : i32
        %add3A_2184 = arith.addi %multiple_of3A_79, %add3A_2183 : i32
        %dma_start3A_2185 = arith.constant 0 : i32
        %dma_start3A_2186 = tpu.memref_slice %arg3[%add3A_2184, %dma_start3A_2185] : memref<2560x128xi32, #tpu.memory_space<hbm>> -> memref<8x128xi32, #tpu.memory_space<hbm>>
        %dma_start3A_2187 = arith.constant 0 : i32
        %dma_start3A_2188 = tpu.memref_slice %arg3[%add3A_2184, %dma_start3A_2187] : memref<2560x128xi32, #tpu.memory_space<hbm>> -> memref<8x128xi32, #tpu.memory_space<hbm>>
        tpu.enqueue_dma source(%dma_start3A_2188 : memref<8x128xi32, #tpu.memory_space<hbm>>) target(%arg8 : memref<8x128xi32, #tpu.memory_space<vmem>>) target_semaphore(%arg19 : memref<!tpu.dma_semaphore, #tpu.memory_space<semaphore_mem>>)
        %dma_start3A_2189 = arith.constant 0 : i32
        %dma_start3A_2190 = tpu.memref_slice %arg4[%add3A_2184, %dma_start3A_2189] : memref<2560x128xi32, #tpu.memory_space<hbm>> -> memref<8x128xi32, #tpu.memory_space<hbm>>
        %dma_start3A_2191 = arith.constant 0 : i32
        %dma_start3A_2192 = tpu.memref_slice %arg4[%add3A_2184, %dma_start3A_2191] : memref<2560x128xi32, #tpu.memory_space<hbm>> -> memref<8x128xi32, #tpu.memory_space<hbm>>
        tpu.enqueue_dma source(%dma_start3A_2192 : memref<8x128xi32, #tpu.memory_space<hbm>>) target(%arg10 : memref<8x128xi32, #tpu.memory_space<vmem>>) target_semaphore(%arg19 : memref<!tpu.dma_semaphore, #tpu.memory_space<semaphore_mem>>)
      } else {
      }
      %get3A_1153 = arith.constant 0 : index
      %get3A_1154 = tpu.vector_load %arg14[%get3A_1153] {strides = array<i32>} : memref<16xi32, #tpu.memory_space<vmem>>, vector<16xi32>,
      %get3A_1155 = vector.shape_cast %get3A_1154 : vector<16xi32> to vector<16xi32>
      %add3A_1156 = arith.constant 0 : i32
      %add3A_1157 = arith.addi %add3A_81, %add3A_1156 : i32
      %lt3A_1158 = arith.constant 2500 : i32
      %lt3A_1159 = arith.cmpi slt, %add3A_1157, %lt3A_1158 : i32
      %get3A_1160 = arith.constant 0 : i64
      %get3A_1161 = arith.index_cast %get3A_1160 : i64 to index
      %get3A_1162 = arith.constant 0 : index
      %get3A_1163 = tpu.vector_load %arg9[%get3A_1161, %get3A_1162] {strides = array<i32>} : memref<8x128xi32, #tpu.memory_space<vmem>>, vector<1x16xi32>,
      %get3A_1164 = vector.shape_cast %get3A_1163 : vector<1x16xi32> to vector<16xi32>
      %max3A_1165 = arith.maxsi %get3A_1155, %get3A_1164 : vector<16xi32>
      %get3A_1166 = arith.constant 0 : i64
      %get3A_1167 = arith.index_cast %get3A_1166 : i64 to index
      %get3A_1168 = arith.constant 0 : index
      %get3A_1169 = tpu.vector_load %arg11[%get3A_1167, %get3A_1168] {strides = array<i32>} : memref<8x128xi32, #tpu.memory_space<vmem>>, vector<1x16xi32>,
      %get3A_1170 = vector.shape_cast %get3A_1169 : vector<1x16xi32> to vector<16xi32>
      %max3A_1171 = arith.maxsi %max3A_1165, %get3A_1170 : vector<16xi32>
      %get3A_1172 = arith.constant 0 : i64
      %get3A_1173 = arith.index_cast %get3A_1172 : i64 to index
      %get3A_1174 = arith.constant 16 : index
      %get3A_1175 = tpu.vector_load %arg9[%get3A_1173, %get3A_1174] {strides = array<i32>} : memref<8x128xi32, #tpu.memory_space<vmem>>, vector<1x16xi32>,
      %get3A_1176 = vector.shape_cast %get3A_1175 : vector<1x16xi32> to vector<16xi32>
      %max3A_1177 = arith.maxsi %max3A_1171, %get3A_1176 : vector<16xi32>
      %get3A_1178 = arith.constant 0 : i64
      %get3A_1179 = arith.index_cast %get3A_1178 : i64 to index
      %get3A_1180 = arith.constant 16 : index
      %get3A_1181 = tpu.vector_load %arg11[%get3A_1179, %get3A_1180] {strides = array<i32>} : memref<8x128xi32, #tpu.memory_space<vmem>>, vector<1x16xi32>,
      %get3A_1182 = vector.shape_cast %get3A_1181 : vector<1x16xi32> to vector<16xi32>
      %max3A_1183 = arith.maxsi %max3A_1177, %get3A_1182 : vector<16xi32>
      %get3A_1184 = arith.constant 0 : i64
      %get3A_1185 = arith.index_cast %get3A_1184 : i64 to index
      %get3A_1186 = arith.constant 32 : index
      %get3A_1187 = tpu.vector_load %arg9[%get3A_1185, %get3A_1186] {strides = array<i32>} : memref<8x128xi32, #tpu.memory_space<vmem>>, vector<1x16xi32>,
      %get3A_1188 = vector.shape_cast %get3A_1187 : vector<1x16xi32> to vector<16xi32>
      %max3A_1189 = arith.maxsi %max3A_1183, %get3A_1188 : vector<16xi32>
      %get3A_1190 = arith.constant 0 : i64
      %get3A_1191 = arith.index_cast %get3A_1190 : i64 to index
      %get3A_1192 = arith.constant 32 : index
      %get3A_1193 = tpu.vector_load %arg11[%get3A_1191, %get3A_1192] {strides = array<i32>} : memref<8x128xi32, #tpu.memory_space<vmem>>, vector<1x16xi32>,
      %get3A_1194 = vector.shape_cast %get3A_1193 : vector<1x16xi32> to vector<16xi32>
      %max3A_1195 = arith.maxsi %max3A_1189, %get3A_1194 : vector<16xi32>
      %get3A_1196 = arith.constant 0 : i64
      %get3A_1197 = arith.index_cast %get3A_1196 : i64 to index
      %get3A_1198 = arith.constant 48 : index
      %get3A_1199 = tpu.vector_load %arg9[%get3A_1197, %get3A_1198] {strides = array<i32>} : memref<8x128xi32, #tpu.memory_space<vmem>>, vector<1x16xi32>,
      %get3A_1200 = vector.shape_cast %get3A_1199 : vector<1x16xi32> to vector<16xi32>
      %max3A_1201 = arith.maxsi %max3A_1195, %get3A_1200 : vector<16xi32>
      %get3A_1202 = arith.constant 0 : i64
      %get3A_1203 = arith.index_cast %get3A_1202 : i64 to index
      %get3A_1204 = arith.constant 48 : index
      %get3A_1205 = tpu.vector_load %arg11[%get3A_1203, %get3A_1204] {strides = array<i32>} : memref<8x128xi32, #tpu.memory_space<vmem>>, vector<1x16xi32>,
      %get3A_1206 = vector.shape_cast %get3A_1205 : vector<1x16xi32> to vector<16xi32>
      %max3A_1207 = arith.maxsi %max3A_1201, %get3A_1206 : vector<16xi32>
      %get3A_1208 = arith.constant 0 : i64
      %get3A_1209 = arith.index_cast %get3A_1208 : i64 to index
      %get3A_1210 = arith.constant 64 : index
      %get3A_1211 = tpu.vector_load %arg9[%get3A_1209, %get3A_1210] {strides = array<i32>} : memref<8x128xi32, #tpu.memory_space<vmem>>, vector<1x16xi32>,
      %get3A_1212 = vector.shape_cast %get3A_1211 : vector<1x16xi32> to vector<16xi32>
      %max3A_1213 = arith.maxsi %max3A_1207, %get3A_1212 : vector<16xi32>
      %get3A_1214 = arith.constant 0 : i64
      %get3A_1215 = arith.index_cast %get3A_1214 : i64 to index
      %get3A_1216 = arith.constant 64 : index
      %get3A_1217 = tpu.vector_load %arg11[%get3A_1215, %get3A_1216] {strides = array<i32>} : memref<8x128xi32, #tpu.memory_space<vmem>>, vector<1x16xi32>,
      %get3A_1218 = vector.shape_cast %get3A_1217 : vector<1x16xi32> to vector<16xi32>
      %max3A_1219 = arith.maxsi %max3A_1213, %get3A_1218 : vector<16xi32>
      %get3A_1220 = arith.constant 0 : i64
      %get3A_1221 = arith.index_cast %get3A_1220 : i64 to index
      %get3A_1222 = arith.constant 80 : index
      %get3A_1223 = tpu.vector_load %arg9[%get3A_1221, %get3A_1222] {strides = array<i32>} : memref<8x128xi32, #tpu.memory_space<vmem>>, vector<1x16xi32>,
      %get3A_1224 = vector.shape_cast %get3A_1223 : vector<1x16xi32> to vector<16xi32>
      %max3A_1225 = arith.maxsi %max3A_1219, %get3A_1224 : vector<16xi32>
      %get3A_1226 = arith.constant 0 : i64
      %get3A_1227 = arith.index_cast %get3A_1226 : i64 to index
      %get3A_1228 = arith.constant 80 : index
      %get3A_1229 = tpu.vector_load %arg11[%get3A_1227, %get3A_1228] {strides = array<i32>} : memref<8x128xi32, #tpu.memory_space<vmem>>, vector<1x16xi32>,
      %get3A_1230 = vector.shape_cast %get3A_1229 : vector<1x16xi32> to vector<16xi32>
      %max3A_1231 = arith.maxsi %max3A_1225, %get3A_1230 : vector<16xi32>
      %get3A_1232 = arith.constant 0 : i64
      %get3A_1233 = arith.index_cast %get3A_1232 : i64 to index
      %get3A_1234 = arith.constant 96 : index
      %get3A_1235 = tpu.vector_load %arg9[%get3A_1233, %get3A_1234] {strides = array<i32>} : memref<8x128xi32, #tpu.memory_space<vmem>>, vector<1x16xi32>,
      %get3A_1236 = vector.shape_cast %get3A_1235 : vector<1x16xi32> to vector<16xi32>
      %max3A_1237 = arith.maxsi %max3A_1231, %get3A_1236 : vector<16xi32>
      %get3A_1238 = arith.constant 0 : i64
      %get3A_1239 = arith.index_cast %get3A_1238 : i64 to index
      %get3A_1240 = arith.constant 96 : index
      %get3A_1241 = tpu.vector_load %arg11[%get3A_1239, %get3A_1240] {strides = array<i32>} : memref<8x128xi32, #tpu.memory_space<vmem>>, vector<1x16xi32>,
      %get3A_1242 = vector.shape_cast %get3A_1241 : vector<1x16xi32> to vector<16xi32>
      %max3A_1243 = arith.maxsi %max3A_1237, %get3A_1242 : vector<16xi32>
      %get3A_1244 = arith.constant 0 : i64
      %get3A_1245 = arith.index_cast %get3A_1244 : i64 to index
      %get3A_1246 = arith.constant 112 : index
      %get3A_1247 = tpu.vector_load %arg9[%get3A_1245, %get3A_1246] {strides = array<i32>} : memref<8x128xi32, #tpu.memory_space<vmem>>, vector<1x16xi32>,
      %get3A_1248 = vector.shape_cast %get3A_1247 : vector<1x16xi32> to vector<16xi32>
      %max3A_1249 = arith.maxsi %max3A_1243, %get3A_1248 : vector<16xi32>
      %get3A_1250 = arith.constant 0 : i64
      %get3A_1251 = arith.index_cast %get3A_1250 : i64 to index
      %get3A_1252 = arith.constant 112 : index
      %get3A_1253 = tpu.vector_load %arg11[%get3A_1251, %get3A_1252] {strides = array<i32>} : memref<8x128xi32, #tpu.memory_space<vmem>>, vector<1x16xi32>,
      %get3A_1254 = vector.shape_cast %get3A_1253 : vector<1x16xi32> to vector<16xi32>
      %max3A_1255 = arith.maxsi %max3A_1249, %get3A_1254 : vector<16xi32>
      %select_n3A_1256 = arith.select %lt3A_1159, %max3A_1255, %get3A_1155 : vector<16xi32>
      %add3A_1257 = arith.constant 1 : i32
      %add3A_1258 = arith.addi %add3A_81, %add3A_1257 : i32
      %lt3A_1259 = arith.constant 2500 : i32
      %lt3A_1260 = arith.cmpi slt, %add3A_1258, %lt3A_1259 : i32
      %get3A_1261 = arith.constant 1 : i64
      %get3A_1262 = arith.index_cast %get3A_1261 : i64 to index
      %get3A_1263 = arith.constant 0 : index
      %get3A_1264 = tpu.vector_load %arg9[%get3A_1262, %get3A_1263] {strides = array<i32>} : memref<8x128xi32, #tpu.memory_space<vmem>>, vector<1x16xi32>,
      %get3A_1265 = vector.shape_cast %get3A_1264 : vector<1x16xi32> to vector<16xi32>
      %max3A_1266 = arith.maxsi %select_n3A_1256, %get3A_1265 : vector<16xi32>
      %get3A_1267 = arith.constant 1 : i64
      %get3A_1268 = arith.index_cast %get3A_1267 : i64 to index
      %get3A_1269 = arith.constant 0 : index
      %get3A_1270 = tpu.vector_load %arg11[%get3A_1268, %get3A_1269] {strides = array<i32>} : memref<8x128xi32, #tpu.memory_space<vmem>>, vector<1x16xi32>,
      %get3A_1271 = vector.shape_cast %get3A_1270 : vector<1x16xi32> to vector<16xi32>
      %max3A_1272 = arith.maxsi %max3A_1266, %get3A_1271 : vector<16xi32>
      %get3A_1273 = arith.constant 1 : i64
      %get3A_1274 = arith.index_cast %get3A_1273 : i64 to index
      %get3A_1275 = arith.constant 16 : index
      %get3A_1276 = tpu.vector_load %arg9[%get3A_1274, %get3A_1275] {strides = array<i32>} : memref<8x128xi32, #tpu.memory_space<vmem>>, vector<1x16xi32>,
      %get3A_1277 = vector.shape_cast %get3A_1276 : vector<1x16xi32> to vector<16xi32>
      %max3A_1278 = arith.maxsi %max3A_1272, %get3A_1277 : vector<16xi32>
      %get3A_1279 = arith.constant 1 : i64
      %get3A_1280 = arith.index_cast %get3A_1279 : i64 to index
      %get3A_1281 = arith.constant 16 : index
      %get3A_1282 = tpu.vector_load %arg11[%get3A_1280, %get3A_1281] {strides = array<i32>} : memref<8x128xi32, #tpu.memory_space<vmem>>, vector<1x16xi32>,
      %get3A_1283 = vector.shape_cast %get3A_1282 : vector<1x16xi32> to vector<16xi32>
      %max3A_1284 = arith.maxsi %max3A_1278, %get3A_1283 : vector<16xi32>
      %get3A_1285 = arith.constant 1 : i64
      %get3A_1286 = arith.index_cast %get3A_1285 : i64 to index
      %get3A_1287 = arith.constant 32 : index
      %get3A_1288 = tpu.vector_load %arg9[%get3A_1286, %get3A_1287] {strides = array<i32>} : memref<8x128xi32, #tpu.memory_space<vmem>>, vector<1x16xi32>,
      %get3A_1289 = vector.shape_cast %get3A_1288 : vector<1x16xi32> to vector<16xi32>
      %max3A_1290 = arith.maxsi %max3A_1284, %get3A_1289 : vector<16xi32>
      %get3A_1291 = arith.constant 1 : i64
      %get3A_1292 = arith.index_cast %get3A_1291 : i64 to index
      %get3A_1293 = arith.constant 32 : index
      %get3A_1294 = tpu.vector_load %arg11[%get3A_1292, %get3A_1293] {strides = array<i32>} : memref<8x128xi32, #tpu.memory_space<vmem>>, vector<1x16xi32>,
      %get3A_1295 = vector.shape_cast %get3A_1294 : vector<1x16xi32> to vector<16xi32>
      %max3A_1296 = arith.maxsi %max3A_1290, %get3A_1295 : vector<16xi32>
      %get3A_1297 = arith.constant 1 : i64
      %get3A_1298 = arith.index_cast %get3A_1297 : i64 to index
      %get3A_1299 = arith.constant 48 : index
      %get3A_1300 = tpu.vector_load %arg9[%get3A_1298, %get3A_1299] {strides = array<i32>} : memref<8x128xi32, #tpu.memory_space<vmem>>, vector<1x16xi32>,
      %get3A_1301 = vector.shape_cast %get3A_1300 : vector<1x16xi32> to vector<16xi32>
      %max3A_1302 = arith.maxsi %max3A_1296, %get3A_1301 : vector<16xi32>
      %get3A_1303 = arith.constant 1 : i64
      %get3A_1304 = arith.index_cast %get3A_1303 : i64 to index
      %get3A_1305 = arith.constant 48 : index
      %get3A_1306 = tpu.vector_load %arg11[%get3A_1304, %get3A_1305] {strides = array<i32>} : memref<8x128xi32, #tpu.memory_space<vmem>>, vector<1x16xi32>,
      %get3A_1307 = vector.shape_cast %get3A_1306 : vector<1x16xi32> to vector<16xi32>
      %max3A_1308 = arith.maxsi %max3A_1302, %get3A_1307 : vector<16xi32>
      %get3A_1309 = arith.constant 1 : i64
      %get3A_1310 = arith.index_cast %get3A_1309 : i64 to index
      %get3A_1311 = arith.constant 64 : index
      %get3A_1312 = tpu.vector_load %arg9[%get3A_1310, %get3A_1311] {strides = array<i32>} : memref<8x128xi32, #tpu.memory_space<vmem>>, vector<1x16xi32>,
      %get3A_1313 = vector.shape_cast %get3A_1312 : vector<1x16xi32> to vector<16xi32>
      %max3A_1314 = arith.maxsi %max3A_1308, %get3A_1313 : vector<16xi32>
      %get3A_1315 = arith.constant 1 : i64
      %get3A_1316 = arith.index_cast %get3A_1315 : i64 to index
      %get3A_1317 = arith.constant 64 : index
      %get3A_1318 = tpu.vector_load %arg11[%get3A_1316, %get3A_1317] {strides = array<i32>} : memref<8x128xi32, #tpu.memory_space<vmem>>, vector<1x16xi32>,
      %get3A_1319 = vector.shape_cast %get3A_1318 : vector<1x16xi32> to vector<16xi32>
      %max3A_1320 = arith.maxsi %max3A_1314, %get3A_1319 : vector<16xi32>
      %get3A_1321 = arith.constant 1 : i64
      %get3A_1322 = arith.index_cast %get3A_1321 : i64 to index
      %get3A_1323 = arith.constant 80 : index
      %get3A_1324 = tpu.vector_load %arg9[%get3A_1322, %get3A_1323] {strides = array<i32>} : memref<8x128xi32, #tpu.memory_space<vmem>>, vector<1x16xi32>,
      %get3A_1325 = vector.shape_cast %get3A_1324 : vector<1x16xi32> to vector<16xi32>
      %max3A_1326 = arith.maxsi %max3A_1320, %get3A_1325 : vector<16xi32>
      %get3A_1327 = arith.constant 1 : i64
      %get3A_1328 = arith.index_cast %get3A_1327 : i64 to index
      %get3A_1329 = arith.constant 80 : index
      %get3A_1330 = tpu.vector_load %arg11[%get3A_1328, %get3A_1329] {strides = array<i32>} : memref<8x128xi32, #tpu.memory_space<vmem>>, vector<1x16xi32>,
      %get3A_1331 = vector.shape_cast %get3A_1330 : vector<1x16xi32> to vector<16xi32>
      %max3A_1332 = arith.maxsi %max3A_1326, %get3A_1331 : vector<16xi32>
      %get3A_1333 = arith.constant 1 : i64
      %get3A_1334 = arith.index_cast %get3A_1333 : i64 to index
      %get3A_1335 = arith.constant 96 : index
      %get3A_1336 = tpu.vector_load %arg9[%get3A_1334, %get3A_1335] {strides = array<i32>} : memref<8x128xi32, #tpu.memory_space<vmem>>, vector<1x16xi32>,
      %get3A_1337 = vector.shape_cast %get3A_1336 : vector<1x16xi32> to vector<16xi32>
      %max3A_1338 = arith.maxsi %max3A_1332, %get3A_1337 : vector<16xi32>
      %get3A_1339 = arith.constant 1 : i64
      %get3A_1340 = arith.index_cast %get3A_1339 : i64 to index
      %get3A_1341 = arith.constant 96 : index
      %get3A_1342 = tpu.vector_load %arg11[%get3A_1340, %get3A_1341] {strides = array<i32>} : memref<8x128xi32, #tpu.memory_space<vmem>>, vector<1x16xi32>,
      %get3A_1343 = vector.shape_cast %get3A_1342 : vector<1x16xi32> to vector<16xi32>
      %max3A_1344 = arith.maxsi %max3A_1338, %get3A_1343 : vector<16xi32>
      %get3A_1345 = arith.constant 1 : i64
      %get3A_1346 = arith.index_cast %get3A_1345 : i64 to index
      %get3A_1347 = arith.constant 112 : index
      %get3A_1348 = tpu.vector_load %arg9[%get3A_1346, %get3A_1347] {strides = array<i32>} : memref<8x128xi32, #tpu.memory_space<vmem>>, vector<1x16xi32>,
      %get3A_1349 = vector.shape_cast %get3A_1348 : vector<1x16xi32> to vector<16xi32>
      %max3A_1350 = arith.maxsi %max3A_1344, %get3A_1349 : vector<16xi32>
      %get3A_1351 = arith.constant 1 : i64
      %get3A_1352 = arith.index_cast %get3A_1351 : i64 to index
      %get3A_1353 = arith.constant 112 : index
      %get3A_1354 = tpu.vector_load %arg11[%get3A_1352, %get3A_1353] {strides = array<i32>} : memref<8x128xi32, #tpu.memory_space<vmem>>, vector<1x16xi32>,
      %get3A_1355 = vector.shape_cast %get3A_1354 : vector<1x16xi32> to vector<16xi32>
      %max3A_1356 = arith.maxsi %max3A_1350, %get3A_1355 : vector<16xi32>
      %select_n3A_1357 = arith.select %lt3A_1260, %max3A_1356, %select_n3A_1256 : vector<16xi32>
      %add3A_1358 = arith.constant 2 : i32
      %add3A_1359 = arith.addi %add3A_81, %add3A_1358 : i32
      %lt3A_1360 = arith.constant 2500 : i32
      %lt3A_1361 = arith.cmpi slt, %add3A_1359, %lt3A_1360 : i32
      %get3A_1362 = arith.constant 2 : i64
      %get3A_1363 = arith.index_cast %get3A_1362 : i64 to index
      %get3A_1364 = arith.constant 0 : index
      %get3A_1365 = tpu.vector_load %arg9[%get3A_1363, %get3A_1364] {strides = array<i32>} : memref<8x128xi32, #tpu.memory_space<vmem>>, vector<1x16xi32>,
      %get3A_1366 = vector.shape_cast %get3A_1365 : vector<1x16xi32> to vector<16xi32>
      %max3A_1367 = arith.maxsi %select_n3A_1357, %get3A_1366 : vector<16xi32>
      %get3A_1368 = arith.constant 2 : i64
      %get3A_1369 = arith.index_cast %get3A_1368 : i64 to index
      %get3A_1370 = arith.constant 0 : index
      %get3A_1371 = tpu.vector_load %arg11[%get3A_1369, %get3A_1370] {strides = array<i32>} : memref<8x128xi32, #tpu.memory_space<vmem>>, vector<1x16xi32>,
      %get3A_1372 = vector.shape_cast %get3A_1371 : vector<1x16xi32> to vector<16xi32>
      %max3A_1373 = arith.maxsi %max3A_1367, %get3A_1372 : vector<16xi32>
      %get3A_1374 = arith.constant 2 : i64
      %get3A_1375 = arith.index_cast %get3A_1374 : i64 to index
      %get3A_1376 = arith.constant 16 : index
      %get3A_1377 = tpu.vector_load %arg9[%get3A_1375, %get3A_1376] {strides = array<i32>} : memref<8x128xi32, #tpu.memory_space<vmem>>, vector<1x16xi32>,
      %get3A_1378 = vector.shape_cast %get3A_1377 : vector<1x16xi32> to vector<16xi32>
      %max3A_1379 = arith.maxsi %max3A_1373, %get3A_1378 : vector<16xi32>
      %get3A_1380 = arith.constant 2 : i64
      %get3A_1381 = arith.index_cast %get3A_1380 : i64 to index
      %get3A_1382 = arith.constant 16 : index
      %get3A_1383 = tpu.vector_load %arg11[%get3A_1381, %get3A_1382] {strides = array<i32>} : memref<8x128xi32, #tpu.memory_space<vmem>>, vector<1x16xi32>,
      %get3A_1384 = vector.shape_cast %get3A_1383 : vector<1x16xi32> to vector<16xi32>
      %max3A_1385 = arith.maxsi %max3A_1379, %get3A_1384 : vector<16xi32>
      %get3A_1386 = arith.constant 2 : i64
      %get3A_1387 = arith.index_cast %get3A_1386 : i64 to index
      %get3A_1388 = arith.constant 32 : index
      %get3A_1389 = tpu.vector_load %arg9[%get3A_1387, %get3A_1388] {strides = array<i32>} : memref<8x128xi32, #tpu.memory_space<vmem>>, vector<1x16xi32>,
      %get3A_1390 = vector.shape_cast %get3A_1389 : vector<1x16xi32> to vector<16xi32>
      %max3A_1391 = arith.maxsi %max3A_1385, %get3A_1390 : vector<16xi32>
      %get3A_1392 = arith.constant 2 : i64
      %get3A_1393 = arith.index_cast %get3A_1392 : i64 to index
      %get3A_1394 = arith.constant 32 : index
      %get3A_1395 = tpu.vector_load %arg11[%get3A_1393, %get3A_1394] {strides = array<i32>} : memref<8x128xi32, #tpu.memory_space<vmem>>, vector<1x16xi32>,
      %get3A_1396 = vector.shape_cast %get3A_1395 : vector<1x16xi32> to vector<16xi32>
      %max3A_1397 = arith.maxsi %max3A_1391, %get3A_1396 : vector<16xi32>
      %get3A_1398 = arith.constant 2 : i64
      %get3A_1399 = arith.index_cast %get3A_1398 : i64 to index
      %get3A_1400 = arith.constant 48 : index
      %get3A_1401 = tpu.vector_load %arg9[%get3A_1399, %get3A_1400] {strides = array<i32>} : memref<8x128xi32, #tpu.memory_space<vmem>>, vector<1x16xi32>,
      %get3A_1402 = vector.shape_cast %get3A_1401 : vector<1x16xi32> to vector<16xi32>
      %max3A_1403 = arith.maxsi %max3A_1397, %get3A_1402 : vector<16xi32>
      %get3A_1404 = arith.constant 2 : i64
      %get3A_1405 = arith.index_cast %get3A_1404 : i64 to index
      %get3A_1406 = arith.constant 48 : index
      %get3A_1407 = tpu.vector_load %arg11[%get3A_1405, %get3A_1406] {strides = array<i32>} : memref<8x128xi32, #tpu.memory_space<vmem>>, vector<1x16xi32>,
      %get3A_1408 = vector.shape_cast %get3A_1407 : vector<1x16xi32> to vector<16xi32>
      %max3A_1409 = arith.maxsi %max3A_1403, %get3A_1408 : vector<16xi32>
      %get3A_1410 = arith.constant 2 : i64
      %get3A_1411 = arith.index_cast %get3A_1410 : i64 to index
      %get3A_1412 = arith.constant 64 : index
      %get3A_1413 = tpu.vector_load %arg9[%get3A_1411, %get3A_1412] {strides = array<i32>} : memref<8x128xi32, #tpu.memory_space<vmem>>, vector<1x16xi32>,
      %get3A_1414 = vector.shape_cast %get3A_1413 : vector<1x16xi32> to vector<16xi32>
      %max3A_1415 = arith.maxsi %max3A_1409, %get3A_1414 : vector<16xi32>
      %get3A_1416 = arith.constant 2 : i64
      %get3A_1417 = arith.index_cast %get3A_1416 : i64 to index
      %get3A_1418 = arith.constant 64 : index
      %get3A_1419 = tpu.vector_load %arg11[%get3A_1417, %get3A_1418] {strides = array<i32>} : memref<8x128xi32, #tpu.memory_space<vmem>>, vector<1x16xi32>,
      %get3A_1420 = vector.shape_cast %get3A_1419 : vector<1x16xi32> to vector<16xi32>
      %max3A_1421 = arith.maxsi %max3A_1415, %get3A_1420 : vector<16xi32>
      %get3A_1422 = arith.constant 2 : i64
      %get3A_1423 = arith.index_cast %get3A_1422 : i64 to index
      %get3A_1424 = arith.constant 80 : index
      %get3A_1425 = tpu.vector_load %arg9[%get3A_1423, %get3A_1424] {strides = array<i32>} : memref<8x128xi32, #tpu.memory_space<vmem>>, vector<1x16xi32>,
      %get3A_1426 = vector.shape_cast %get3A_1425 : vector<1x16xi32> to vector<16xi32>
      %max3A_1427 = arith.maxsi %max3A_1421, %get3A_1426 : vector<16xi32>
      %get3A_1428 = arith.constant 2 : i64
      %get3A_1429 = arith.index_cast %get3A_1428 : i64 to index
      %get3A_1430 = arith.constant 80 : index
      %get3A_1431 = tpu.vector_load %arg11[%get3A_1429, %get3A_1430] {strides = array<i32>} : memref<8x128xi32, #tpu.memory_space<vmem>>, vector<1x16xi32>,
      %get3A_1432 = vector.shape_cast %get3A_1431 : vector<1x16xi32> to vector<16xi32>
      %max3A_1433 = arith.maxsi %max3A_1427, %get3A_1432 : vector<16xi32>
      %get3A_1434 = arith.constant 2 : i64
      %get3A_1435 = arith.index_cast %get3A_1434 : i64 to index
      %get3A_1436 = arith.constant 96 : index
      %get3A_1437 = tpu.vector_load %arg9[%get3A_1435, %get3A_1436] {strides = array<i32>} : memref<8x128xi32, #tpu.memory_space<vmem>>, vector<1x16xi32>,
      %get3A_1438 = vector.shape_cast %get3A_1437 : vector<1x16xi32> to vector<16xi32>
      %max3A_1439 = arith.maxsi %max3A_1433, %get3A_1438 : vector<16xi32>
      %get3A_1440 = arith.constant 2 : i64
      %get3A_1441 = arith.index_cast %get3A_1440 : i64 to index
      %get3A_1442 = arith.constant 96 : index
      %get3A_1443 = tpu.vector_load %arg11[%get3A_1441, %get3A_1442] {strides = array<i32>} : memref<8x128xi32, #tpu.memory_space<vmem>>, vector<1x16xi32>,
      %get3A_1444 = vector.shape_cast %get3A_1443 : vector<1x16xi32> to vector<16xi32>
      %max3A_1445 = arith.maxsi %max3A_1439, %get3A_1444 : vector<16xi32>
      %get3A_1446 = arith.constant 2 : i64
      %get3A_1447 = arith.index_cast %get3A_1446 : i64 to index
      %get3A_1448 = arith.constant 112 : index
      %get3A_1449 = tpu.vector_load %arg9[%get3A_1447, %get3A_1448] {strides = array<i32>} : memref<8x128xi32, #tpu.memory_space<vmem>>, vector<1x16xi32>,
      %get3A_1450 = vector.shape_cast %get3A_1449 : vector<1x16xi32> to vector<16xi32>
      %max3A_1451 = arith.maxsi %max3A_1445, %get3A_1450 : vector<16xi32>
      %get3A_1452 = arith.constant 2 : i64
      %get3A_1453 = arith.index_cast %get3A_1452 : i64 to index
      %get3A_1454 = arith.constant 112 : index
      %get3A_1455 = tpu.vector_load %arg11[%get3A_1453, %get3A_1454] {strides = array<i32>} : memref<8x128xi32, #tpu.memory_space<vmem>>, vector<1x16xi32>,
      %get3A_1456 = vector.shape_cast %get3A_1455 : vector<1x16xi32> to vector<16xi32>
      %max3A_1457 = arith.maxsi %max3A_1451, %get3A_1456 : vector<16xi32>
      %select_n3A_1458 = arith.select %lt3A_1361, %max3A_1457, %select_n3A_1357 : vector<16xi32>
      %add3A_1459 = arith.constant 3 : i32
      %add3A_1460 = arith.addi %add3A_81, %add3A_1459 : i32
      %lt3A_1461 = arith.constant 2500 : i32
      %lt3A_1462 = arith.cmpi slt, %add3A_1460, %lt3A_1461 : i32
      %get3A_1463 = arith.constant 3 : i64
      %get3A_1464 = arith.index_cast %get3A_1463 : i64 to index
      %get3A_1465 = arith.constant 0 : index
      %get3A_1466 = tpu.vector_load %arg9[%get3A_1464, %get3A_1465] {strides = array<i32>} : memref<8x128xi32, #tpu.memory_space<vmem>>, vector<1x16xi32>,
      %get3A_1467 = vector.shape_cast %get3A_1466 : vector<1x16xi32> to vector<16xi32>
      %max3A_1468 = arith.maxsi %select_n3A_1458, %get3A_1467 : vector<16xi32>
      %get3A_1469 = arith.constant 3 : i64
      %get3A_1470 = arith.index_cast %get3A_1469 : i64 to index
      %get3A_1471 = arith.constant 0 : index
      %get3A_1472 = tpu.vector_load %arg11[%get3A_1470, %get3A_1471] {strides = array<i32>} : memref<8x128xi32, #tpu.memory_space<vmem>>, vector<1x16xi32>,
      %get3A_1473 = vector.shape_cast %get3A_1472 : vector<1x16xi32> to vector<16xi32>
      %max3A_1474 = arith.maxsi %max3A_1468, %get3A_1473 : vector<16xi32>
      %get3A_1475 = arith.constant 3 : i64
      %get3A_1476 = arith.index_cast %get3A_1475 : i64 to index
      %get3A_1477 = arith.constant 16 : index
      %get3A_1478 = tpu.vector_load %arg9[%get3A_1476, %get3A_1477] {strides = array<i32>} : memref<8x128xi32, #tpu.memory_space<vmem>>, vector<1x16xi32>,
      %get3A_1479 = vector.shape_cast %get3A_1478 : vector<1x16xi32> to vector<16xi32>
      %max3A_1480 = arith.maxsi %max3A_1474, %get3A_1479 : vector<16xi32>
      %get3A_1481 = arith.constant 3 : i64
      %get3A_1482 = arith.index_cast %get3A_1481 : i64 to index
      %get3A_1483 = arith.constant 16 : index
      %get3A_1484 = tpu.vector_load %arg11[%get3A_1482, %get3A_1483] {strides = array<i32>} : memref<8x128xi32, #tpu.memory_space<vmem>>, vector<1x16xi32>,
      %get3A_1485 = vector.shape_cast %get3A_1484 : vector<1x16xi32> to vector<16xi32>
      %max3A_1486 = arith.maxsi %max3A_1480, %get3A_1485 : vector<16xi32>
      %get3A_1487 = arith.constant 3 : i64
      %get3A_1488 = arith.index_cast %get3A_1487 : i64 to index
      %get3A_1489 = arith.constant 32 : index
      %get3A_1490 = tpu.vector_load %arg9[%get3A_1488, %get3A_1489] {strides = array<i32>} : memref<8x128xi32, #tpu.memory_space<vmem>>, vector<1x16xi32>,
      %get3A_1491 = vector.shape_cast %get3A_1490 : vector<1x16xi32> to vector<16xi32>
      %max3A_1492 = arith.maxsi %max3A_1486, %get3A_1491 : vector<16xi32>
      %get3A_1493 = arith.constant 3 : i64
      %get3A_1494 = arith.index_cast %get3A_1493 : i64 to index
      %get3A_1495 = arith.constant 32 : index
      %get3A_1496 = tpu.vector_load %arg11[%get3A_1494, %get3A_1495] {strides = array<i32>} : memref<8x128xi32, #tpu.memory_space<vmem>>, vector<1x16xi32>,
      %get3A_1497 = vector.shape_cast %get3A_1496 : vector<1x16xi32> to vector<16xi32>
      %max3A_1498 = arith.maxsi %max3A_1492, %get3A_1497 : vector<16xi32>
      %get3A_1499 = arith.constant 3 : i64
      %get3A_1500 = arith.index_cast %get3A_1499 : i64 to index
      %get3A_1501 = arith.constant 48 : index
      %get3A_1502 = tpu.vector_load %arg9[%get3A_1500, %get3A_1501] {strides = array<i32>} : memref<8x128xi32, #tpu.memory_space<vmem>>, vector<1x16xi32>,
      %get3A_1503 = vector.shape_cast %get3A_1502 : vector<1x16xi32> to vector<16xi32>
      %max3A_1504 = arith.maxsi %max3A_1498, %get3A_1503 : vector<16xi32>
      %get3A_1505 = arith.constant 3 : i64
      %get3A_1506 = arith.index_cast %get3A_1505 : i64 to index
      %get3A_1507 = arith.constant 48 : index
      %get3A_1508 = tpu.vector_load %arg11[%get3A_1506, %get3A_1507] {strides = array<i32>} : memref<8x128xi32, #tpu.memory_space<vmem>>, vector<1x16xi32>,
      %get3A_1509 = vector.shape_cast %get3A_1508 : vector<1x16xi32> to vector<16xi32>
      %max3A_1510 = arith.maxsi %max3A_1504, %get3A_1509 : vector<16xi32>
      %get3A_1511 = arith.constant 3 : i64
      %get3A_1512 = arith.index_cast %get3A_1511 : i64 to index
      %get3A_1513 = arith.constant 64 : index
      %get3A_1514 = tpu.vector_load %arg9[%get3A_1512, %get3A_1513] {strides = array<i32>} : memref<8x128xi32, #tpu.memory_space<vmem>>, vector<1x16xi32>,
      %get3A_1515 = vector.shape_cast %get3A_1514 : vector<1x16xi32> to vector<16xi32>
      %max3A_1516 = arith.maxsi %max3A_1510, %get3A_1515 : vector<16xi32>
      %get3A_1517 = arith.constant 3 : i64
      %get3A_1518 = arith.index_cast %get3A_1517 : i64 to index
      %get3A_1519 = arith.constant 64 : index
      %get3A_1520 = tpu.vector_load %arg11[%get3A_1518, %get3A_1519] {strides = array<i32>} : memref<8x128xi32, #tpu.memory_space<vmem>>, vector<1x16xi32>,
      %get3A_1521 = vector.shape_cast %get3A_1520 : vector<1x16xi32> to vector<16xi32>
      %max3A_1522 = arith.maxsi %max3A_1516, %get3A_1521 : vector<16xi32>
      %get3A_1523 = arith.constant 3 : i64
      %get3A_1524 = arith.index_cast %get3A_1523 : i64 to index
      %get3A_1525 = arith.constant 80 : index
      %get3A_1526 = tpu.vector_load %arg9[%get3A_1524, %get3A_1525] {strides = array<i32>} : memref<8x128xi32, #tpu.memory_space<vmem>>, vector<1x16xi32>,
      %get3A_1527 = vector.shape_cast %get3A_1526 : vector<1x16xi32> to vector<16xi32>
      %max3A_1528 = arith.maxsi %max3A_1522, %get3A_1527 : vector<16xi32>
      %get3A_1529 = arith.constant 3 : i64
      %get3A_1530 = arith.index_cast %get3A_1529 : i64 to index
      %get3A_1531 = arith.constant 80 : index
      %get3A_1532 = tpu.vector_load %arg11[%get3A_1530, %get3A_1531] {strides = array<i32>} : memref<8x128xi32, #tpu.memory_space<vmem>>, vector<1x16xi32>,
      %get3A_1533 = vector.shape_cast %get3A_1532 : vector<1x16xi32> to vector<16xi32>
      %max3A_1534 = arith.maxsi %max3A_1528, %get3A_1533 : vector<16xi32>
      %get3A_1535 = arith.constant 3 : i64
      %get3A_1536 = arith.index_cast %get3A_1535 : i64 to index
      %get3A_1537 = arith.constant 96 : index
      %get3A_1538 = tpu.vector_load %arg9[%get3A_1536, %get3A_1537] {strides = array<i32>} : memref<8x128xi32, #tpu.memory_space<vmem>>, vector<1x16xi32>,
      %get3A_1539 = vector.shape_cast %get3A_1538 : vector<1x16xi32> to vector<16xi32>
      %max3A_1540 = arith.maxsi %max3A_1534, %get3A_1539 : vector<16xi32>
      %get3A_1541 = arith.constant 3 : i64
      %get3A_1542 = arith.index_cast %get3A_1541 : i64 to index
      %get3A_1543 = arith.constant 96 : index
      %get3A_1544 = tpu.vector_load %arg11[%get3A_1542, %get3A_1543] {strides = array<i32>} : memref<8x128xi32, #tpu.memory_space<vmem>>, vector<1x16xi32>,
      %get3A_1545 = vector.shape_cast %get3A_1544 : vector<1x16xi32> to vector<16xi32>
      %max3A_1546 = arith.maxsi %max3A_1540, %get3A_1545 : vector<16xi32>
      %get3A_1547 = arith.constant 3 : i64
      %get3A_1548 = arith.index_cast %get3A_1547 : i64 to index
      %get3A_1549 = arith.constant 112 : index
      %get3A_1550 = tpu.vector_load %arg9[%get3A_1548, %get3A_1549] {strides = array<i32>} : memref<8x128xi32, #tpu.memory_space<vmem>>, vector<1x16xi32>,
      %get3A_1551 = vector.shape_cast %get3A_1550 : vector<1x16xi32> to vector<16xi32>
      %max3A_1552 = arith.maxsi %max3A_1546, %get3A_1551 : vector<16xi32>
      %get3A_1553 = arith.constant 3 : i64
      %get3A_1554 = arith.index_cast %get3A_1553 : i64 to index
      %get3A_1555 = arith.constant 112 : index
      %get3A_1556 = tpu.vector_load %arg11[%get3A_1554, %get3A_1555] {strides = array<i32>} : memref<8x128xi32, #tpu.memory_space<vmem>>, vector<1x16xi32>,
      %get3A_1557 = vector.shape_cast %get3A_1556 : vector<1x16xi32> to vector<16xi32>
      %max3A_1558 = arith.maxsi %max3A_1552, %get3A_1557 : vector<16xi32>
      %select_n3A_1559 = arith.select %lt3A_1462, %max3A_1558, %select_n3A_1458 : vector<16xi32>
      %add3A_1560 = arith.constant 4 : i32
      %add3A_1561 = arith.addi %add3A_81, %add3A_1560 : i32
      %lt3A_1562 = arith.constant 2500 : i32
      %lt3A_1563 = arith.cmpi slt, %add3A_1561, %lt3A_1562 : i32
      %get3A_1564 = arith.constant 4 : i64
      %get3A_1565 = arith.index_cast %get3A_1564 : i64 to index
      %get3A_1566 = arith.constant 0 : index
      %get3A_1567 = tpu.vector_load %arg9[%get3A_1565, %get3A_1566] {strides = array<i32>} : memref<8x128xi32, #tpu.memory_space<vmem>>, vector<1x16xi32>,
      %get3A_1568 = vector.shape_cast %get3A_1567 : vector<1x16xi32> to vector<16xi32>
      %max3A_1569 = arith.maxsi %select_n3A_1559, %get3A_1568 : vector<16xi32>
      %get3A_1570 = arith.constant 4 : i64
      %get3A_1571 = arith.index_cast %get3A_1570 : i64 to index
      %get3A_1572 = arith.constant 0 : index
      %get3A_1573 = tpu.vector_load %arg11[%get3A_1571, %get3A_1572] {strides = array<i32>} : memref<8x128xi32, #tpu.memory_space<vmem>>, vector<1x16xi32>,
      %get3A_1574 = vector.shape_cast %get3A_1573 : vector<1x16xi32> to vector<16xi32>
      %max3A_1575 = arith.maxsi %max3A_1569, %get3A_1574 : vector<16xi32>
      %get3A_1576 = arith.constant 4 : i64
      %get3A_1577 = arith.index_cast %get3A_1576 : i64 to index
      %get3A_1578 = arith.constant 16 : index
      %get3A_1579 = tpu.vector_load %arg9[%get3A_1577, %get3A_1578] {strides = array<i32>} : memref<8x128xi32, #tpu.memory_space<vmem>>, vector<1x16xi32>,
      %get3A_1580 = vector.shape_cast %get3A_1579 : vector<1x16xi32> to vector<16xi32>
      %max3A_1581 = arith.maxsi %max3A_1575, %get3A_1580 : vector<16xi32>
      %get3A_1582 = arith.constant 4 : i64
      %get3A_1583 = arith.index_cast %get3A_1582 : i64 to index
      %get3A_1584 = arith.constant 16 : index
      %get3A_1585 = tpu.vector_load %arg11[%get3A_1583, %get3A_1584] {strides = array<i32>} : memref<8x128xi32, #tpu.memory_space<vmem>>, vector<1x16xi32>,
      %get3A_1586 = vector.shape_cast %get3A_1585 : vector<1x16xi32> to vector<16xi32>
      %max3A_1587 = arith.maxsi %max3A_1581, %get3A_1586 : vector<16xi32>
      %get3A_1588 = arith.constant 4 : i64
      %get3A_1589 = arith.index_cast %get3A_1588 : i64 to index
      %get3A_1590 = arith.constant 32 : index
      %get3A_1591 = tpu.vector_load %arg9[%get3A_1589, %get3A_1590] {strides = array<i32>} : memref<8x128xi32, #tpu.memory_space<vmem>>, vector<1x16xi32>,
      %get3A_1592 = vector.shape_cast %get3A_1591 : vector<1x16xi32> to vector<16xi32>
      %max3A_1593 = arith.maxsi %max3A_1587, %get3A_1592 : vector<16xi32>
      %get3A_1594 = arith.constant 4 : i64
      %get3A_1595 = arith.index_cast %get3A_1594 : i64 to index
      %get3A_1596 = arith.constant 32 : index
      %get3A_1597 = tpu.vector_load %arg11[%get3A_1595, %get3A_1596] {strides = array<i32>} : memref<8x128xi32, #tpu.memory_space<vmem>>, vector<1x16xi32>,
      %get3A_1598 = vector.shape_cast %get3A_1597 : vector<1x16xi32> to vector<16xi32>
      %max3A_1599 = arith.maxsi %max3A_1593, %get3A_1598 : vector<16xi32>
      %get3A_1600 = arith.constant 4 : i64
      %get3A_1601 = arith.index_cast %get3A_1600 : i64 to index
      %get3A_1602 = arith.constant 48 : index
      %get3A_1603 = tpu.vector_load %arg9[%get3A_1601, %get3A_1602] {strides = array<i32>} : memref<8x128xi32, #tpu.memory_space<vmem>>, vector<1x16xi32>,
      %get3A_1604 = vector.shape_cast %get3A_1603 : vector<1x16xi32> to vector<16xi32>
      %max3A_1605 = arith.maxsi %max3A_1599, %get3A_1604 : vector<16xi32>
      %get3A_1606 = arith.constant 4 : i64
      %get3A_1607 = arith.index_cast %get3A_1606 : i64 to index
      %get3A_1608 = arith.constant 48 : index
      %get3A_1609 = tpu.vector_load %arg11[%get3A_1607, %get3A_1608] {strides = array<i32>} : memref<8x128xi32, #tpu.memory_space<vmem>>, vector<1x16xi32>,
      %get3A_1610 = vector.shape_cast %get3A_1609 : vector<1x16xi32> to vector<16xi32>
      %max3A_1611 = arith.maxsi %max3A_1605, %get3A_1610 : vector<16xi32>
      %get3A_1612 = arith.constant 4 : i64
      %get3A_1613 = arith.index_cast %get3A_1612 : i64 to index
      %get3A_1614 = arith.constant 64 : index
      %get3A_1615 = tpu.vector_load %arg9[%get3A_1613, %get3A_1614] {strides = array<i32>} : memref<8x128xi32, #tpu.memory_space<vmem>>, vector<1x16xi32>,
      %get3A_1616 = vector.shape_cast %get3A_1615 : vector<1x16xi32> to vector<16xi32>
      %max3A_1617 = arith.maxsi %max3A_1611, %get3A_1616 : vector<16xi32>
      %get3A_1618 = arith.constant 4 : i64
      %get3A_1619 = arith.index_cast %get3A_1618 : i64 to index
      %get3A_1620 = arith.constant 64 : index
      %get3A_1621 = tpu.vector_load %arg11[%get3A_1619, %get3A_1620] {strides = array<i32>} : memref<8x128xi32, #tpu.memory_space<vmem>>, vector<1x16xi32>,
      %get3A_1622 = vector.shape_cast %get3A_1621 : vector<1x16xi32> to vector<16xi32>
      %max3A_1623 = arith.maxsi %max3A_1617, %get3A_1622 : vector<16xi32>
      %get3A_1624 = arith.constant 4 : i64
      %get3A_1625 = arith.index_cast %get3A_1624 : i64 to index
      %get3A_1626 = arith.constant 80 : index
      %get3A_1627 = tpu.vector_load %arg9[%get3A_1625, %get3A_1626] {strides = array<i32>} : memref<8x128xi32, #tpu.memory_space<vmem>>, vector<1x16xi32>,
      %get3A_1628 = vector.shape_cast %get3A_1627 : vector<1x16xi32> to vector<16xi32>
      %max3A_1629 = arith.maxsi %max3A_1623, %get3A_1628 : vector<16xi32>
      %get3A_1630 = arith.constant 4 : i64
      %get3A_1631 = arith.index_cast %get3A_1630 : i64 to index
      %get3A_1632 = arith.constant 80 : index
      %get3A_1633 = tpu.vector_load %arg11[%get3A_1631, %get3A_1632] {strides = array<i32>} : memref<8x128xi32, #tpu.memory_space<vmem>>, vector<1x16xi32>,
      %get3A_1634 = vector.shape_cast %get3A_1633 : vector<1x16xi32> to vector<16xi32>
      %max3A_1635 = arith.maxsi %max3A_1629, %get3A_1634 : vector<16xi32>
      %get3A_1636 = arith.constant 4 : i64
      %get3A_1637 = arith.index_cast %get3A_1636 : i64 to index
      %get3A_1638 = arith.constant 96 : index
      %get3A_1639 = tpu.vector_load %arg9[%get3A_1637, %get3A_1638] {strides = array<i32>} : memref<8x128xi32, #tpu.memory_space<vmem>>, vector<1x16xi32>,
      %get3A_1640 = vector.shape_cast %get3A_1639 : vector<1x16xi32> to vector<16xi32>
      %max3A_1641 = arith.maxsi %max3A_1635, %get3A_1640 : vector<16xi32>
      %get3A_1642 = arith.constant 4 : i64
      %get3A_1643 = arith.index_cast %get3A_1642 : i64 to index
      %get3A_1644 = arith.constant 96 : index
      %get3A_1645 = tpu.vector_load %arg11[%get3A_1643, %get3A_1644] {strides = array<i32>} : memref<8x128xi32, #tpu.memory_space<vmem>>, vector<1x16xi32>,
      %get3A_1646 = vector.shape_cast %get3A_1645 : vector<1x16xi32> to vector<16xi32>
      %max3A_1647 = arith.maxsi %max3A_1641, %get3A_1646 : vector<16xi32>
      %get3A_1648 = arith.constant 4 : i64
      %get3A_1649 = arith.index_cast %get3A_1648 : i64 to index
      %get3A_1650 = arith.constant 112 : index
      %get3A_1651 = tpu.vector_load %arg9[%get3A_1649, %get3A_1650] {strides = array<i32>} : memref<8x128xi32, #tpu.memory_space<vmem>>, vector<1x16xi32>,
      %get3A_1652 = vector.shape_cast %get3A_1651 : vector<1x16xi32> to vector<16xi32>
      %max3A_1653 = arith.maxsi %max3A_1647, %get3A_1652 : vector<16xi32>
      %get3A_1654 = arith.constant 4 : i64
      %get3A_1655 = arith.index_cast %get3A_1654 : i64 to index
      %get3A_1656 = arith.constant 112 : index
      %get3A_1657 = tpu.vector_load %arg11[%get3A_1655, %get3A_1656] {strides = array<i32>} : memref<8x128xi32, #tpu.memory_space<vmem>>, vector<1x16xi32>,
      %get3A_1658 = vector.shape_cast %get3A_1657 : vector<1x16xi32> to vector<16xi32>
      %max3A_1659 = arith.maxsi %max3A_1653, %get3A_1658 : vector<16xi32>
      %select_n3A_1660 = arith.select %lt3A_1563, %max3A_1659, %select_n3A_1559 : vector<16xi32>
      %add3A_1661 = arith.constant 5 : i32
      %add3A_1662 = arith.addi %add3A_81, %add3A_1661 : i32
      %lt3A_1663 = arith.constant 2500 : i32
      %lt3A_1664 = arith.cmpi slt, %add3A_1662, %lt3A_1663 : i32
      %get3A_1665 = arith.constant 5 : i64
      %get3A_1666 = arith.index_cast %get3A_1665 : i64 to index
      %get3A_1667 = arith.constant 0 : index
      %get3A_1668 = tpu.vector_load %arg9[%get3A_1666, %get3A_1667] {strides = array<i32>} : memref<8x128xi32, #tpu.memory_space<vmem>>, vector<1x16xi32>,
      %get3A_1669 = vector.shape_cast %get3A_1668 : vector<1x16xi32> to vector<16xi32>
      %max3A_1670 = arith.maxsi %select_n3A_1660, %get3A_1669 : vector<16xi32>
      %get3A_1671 = arith.constant 5 : i64
      %get3A_1672 = arith.index_cast %get3A_1671 : i64 to index
      %get3A_1673 = arith.constant 0 : index
      %get3A_1674 = tpu.vector_load %arg11[%get3A_1672, %get3A_1673] {strides = array<i32>} : memref<8x128xi32, #tpu.memory_space<vmem>>, vector<1x16xi32>,
      %get3A_1675 = vector.shape_cast %get3A_1674 : vector<1x16xi32> to vector<16xi32>
      %max3A_1676 = arith.maxsi %max3A_1670, %get3A_1675 : vector<16xi32>
      %get3A_1677 = arith.constant 5 : i64
      %get3A_1678 = arith.index_cast %get3A_1677 : i64 to index
      %get3A_1679 = arith.constant 16 : index
      %get3A_1680 = tpu.vector_load %arg9[%get3A_1678, %get3A_1679] {strides = array<i32>} : memref<8x128xi32, #tpu.memory_space<vmem>>, vector<1x16xi32>,
      %get3A_1681 = vector.shape_cast %get3A_1680 : vector<1x16xi32> to vector<16xi32>
      %max3A_1682 = arith.maxsi %max3A_1676, %get3A_1681 : vector<16xi32>
      %get3A_1683 = arith.constant 5 : i64
      %get3A_1684 = arith.index_cast %get3A_1683 : i64 to index
      %get3A_1685 = arith.constant 16 : index
      %get3A_1686 = tpu.vector_load %arg11[%get3A_1684, %get3A_1685] {strides = array<i32>} : memref<8x128xi32, #tpu.memory_space<vmem>>, vector<1x16xi32>,
      %get3A_1687 = vector.shape_cast %get3A_1686 : vector<1x16xi32> to vector<16xi32>
      %max3A_1688 = arith.maxsi %max3A_1682, %get3A_1687 : vector<16xi32>
      %get3A_1689 = arith.constant 5 : i64
      %get3A_1690 = arith.index_cast %get3A_1689 : i64 to index
      %get3A_1691 = arith.constant 32 : index
      %get3A_1692 = tpu.vector_load %arg9[%get3A_1690, %get3A_1691] {strides = array<i32>} : memref<8x128xi32, #tpu.memory_space<vmem>>, vector<1x16xi32>,
      %get3A_1693 = vector.shape_cast %get3A_1692 : vector<1x16xi32> to vector<16xi32>
      %max3A_1694 = arith.maxsi %max3A_1688, %get3A_1693 : vector<16xi32>
      %get3A_1695 = arith.constant 5 : i64
      %get3A_1696 = arith.index_cast %get3A_1695 : i64 to index
      %get3A_1697 = arith.constant 32 : index
      %get3A_1698 = tpu.vector_load %arg11[%get3A_1696, %get3A_1697] {strides = array<i32>} : memref<8x128xi32, #tpu.memory_space<vmem>>, vector<1x16xi32>,
      %get3A_1699 = vector.shape_cast %get3A_1698 : vector<1x16xi32> to vector<16xi32>
      %max3A_1700 = arith.maxsi %max3A_1694, %get3A_1699 : vector<16xi32>
      %get3A_1701 = arith.constant 5 : i64
      %get3A_1702 = arith.index_cast %get3A_1701 : i64 to index
      %get3A_1703 = arith.constant 48 : index
      %get3A_1704 = tpu.vector_load %arg9[%get3A_1702, %get3A_1703] {strides = array<i32>} : memref<8x128xi32, #tpu.memory_space<vmem>>, vector<1x16xi32>,
      %get3A_1705 = vector.shape_cast %get3A_1704 : vector<1x16xi32> to vector<16xi32>
      %max3A_1706 = arith.maxsi %max3A_1700, %get3A_1705 : vector<16xi32>
      %get3A_1707 = arith.constant 5 : i64
      %get3A_1708 = arith.index_cast %get3A_1707 : i64 to index
      %get3A_1709 = arith.constant 48 : index
      %get3A_1710 = tpu.vector_load %arg11[%get3A_1708, %get3A_1709] {strides = array<i32>} : memref<8x128xi32, #tpu.memory_space<vmem>>, vector<1x16xi32>,
      %get3A_1711 = vector.shape_cast %get3A_1710 : vector<1x16xi32> to vector<16xi32>
      %max3A_1712 = arith.maxsi %max3A_1706, %get3A_1711 : vector<16xi32>
      %get3A_1713 = arith.constant 5 : i64
      %get3A_1714 = arith.index_cast %get3A_1713 : i64 to index
      %get3A_1715 = arith.constant 64 : index
      %get3A_1716 = tpu.vector_load %arg9[%get3A_1714, %get3A_1715] {strides = array<i32>} : memref<8x128xi32, #tpu.memory_space<vmem>>, vector<1x16xi32>,
      %get3A_1717 = vector.shape_cast %get3A_1716 : vector<1x16xi32> to vector<16xi32>
      %max3A_1718 = arith.maxsi %max3A_1712, %get3A_1717 : vector<16xi32>
      %get3A_1719 = arith.constant 5 : i64
      %get3A_1720 = arith.index_cast %get3A_1719 : i64 to index
      %get3A_1721 = arith.constant 64 : index
      %get3A_1722 = tpu.vector_load %arg11[%get3A_1720, %get3A_1721] {strides = array<i32>} : memref<8x128xi32, #tpu.memory_space<vmem>>, vector<1x16xi32>,
      %get3A_1723 = vector.shape_cast %get3A_1722 : vector<1x16xi32> to vector<16xi32>
      %max3A_1724 = arith.maxsi %max3A_1718, %get3A_1723 : vector<16xi32>
      %get3A_1725 = arith.constant 5 : i64
      %get3A_1726 = arith.index_cast %get3A_1725 : i64 to index
      %get3A_1727 = arith.constant 80 : index
      %get3A_1728 = tpu.vector_load %arg9[%get3A_1726, %get3A_1727] {strides = array<i32>} : memref<8x128xi32, #tpu.memory_space<vmem>>, vector<1x16xi32>,
      %get3A_1729 = vector.shape_cast %get3A_1728 : vector<1x16xi32> to vector<16xi32>
      %max3A_1730 = arith.maxsi %max3A_1724, %get3A_1729 : vector<16xi32>
      %get3A_1731 = arith.constant 5 : i64
      %get3A_1732 = arith.index_cast %get3A_1731 : i64 to index
      %get3A_1733 = arith.constant 80 : index
      %get3A_1734 = tpu.vector_load %arg11[%get3A_1732, %get3A_1733] {strides = array<i32>} : memref<8x128xi32, #tpu.memory_space<vmem>>, vector<1x16xi32>,
      %get3A_1735 = vector.shape_cast %get3A_1734 : vector<1x16xi32> to vector<16xi32>
      %max3A_1736 = arith.maxsi %max3A_1730, %get3A_1735 : vector<16xi32>
      %get3A_1737 = arith.constant 5 : i64
      %get3A_1738 = arith.index_cast %get3A_1737 : i64 to index
      %get3A_1739 = arith.constant 96 : index
      %get3A_1740 = tpu.vector_load %arg9[%get3A_1738, %get3A_1739] {strides = array<i32>} : memref<8x128xi32, #tpu.memory_space<vmem>>, vector<1x16xi32>,
      %get3A_1741 = vector.shape_cast %get3A_1740 : vector<1x16xi32> to vector<16xi32>
      %max3A_1742 = arith.maxsi %max3A_1736, %get3A_1741 : vector<16xi32>
      %get3A_1743 = arith.constant 5 : i64
      %get3A_1744 = arith.index_cast %get3A_1743 : i64 to index
      %get3A_1745 = arith.constant 96 : index
      %get3A_1746 = tpu.vector_load %arg11[%get3A_1744, %get3A_1745] {strides = array<i32>} : memref<8x128xi32, #tpu.memory_space<vmem>>, vector<1x16xi32>,
      %get3A_1747 = vector.shape_cast %get3A_1746 : vector<1x16xi32> to vector<16xi32>
      %max3A_1748 = arith.maxsi %max3A_1742, %get3A_1747 : vector<16xi32>
      %get3A_1749 = arith.constant 5 : i64
      %get3A_1750 = arith.index_cast %get3A_1749 : i64 to index
      %get3A_1751 = arith.constant 112 : index
      %get3A_1752 = tpu.vector_load %arg9[%get3A_1750, %get3A_1751] {strides = array<i32>} : memref<8x128xi32, #tpu.memory_space<vmem>>, vector<1x16xi32>,
      %get3A_1753 = vector.shape_cast %get3A_1752 : vector<1x16xi32> to vector<16xi32>
      %max3A_1754 = arith.maxsi %max3A_1748, %get3A_1753 : vector<16xi32>
      %get3A_1755 = arith.constant 5 : i64
      %get3A_1756 = arith.index_cast %get3A_1755 : i64 to index
      %get3A_1757 = arith.constant 112 : index
      %get3A_1758 = tpu.vector_load %arg11[%get3A_1756, %get3A_1757] {strides = array<i32>} : memref<8x128xi32, #tpu.memory_space<vmem>>, vector<1x16xi32>,
      %get3A_1759 = vector.shape_cast %get3A_1758 : vector<1x16xi32> to vector<16xi32>
      %max3A_1760 = arith.maxsi %max3A_1754, %get3A_1759 : vector<16xi32>
      %select_n3A_1761 = arith.select %lt3A_1664, %max3A_1760, %select_n3A_1660 : vector<16xi32>
      %add3A_1762 = arith.constant 6 : i32
      %add3A_1763 = arith.addi %add3A_81, %add3A_1762 : i32
      %lt3A_1764 = arith.constant 2500 : i32
      %lt3A_1765 = arith.cmpi slt, %add3A_1763, %lt3A_1764 : i32
      %get3A_1766 = arith.constant 6 : i64
      %get3A_1767 = arith.index_cast %get3A_1766 : i64 to index
      %get3A_1768 = arith.constant 0 : index
      %get3A_1769 = tpu.vector_load %arg9[%get3A_1767, %get3A_1768] {strides = array<i32>} : memref<8x128xi32, #tpu.memory_space<vmem>>, vector<1x16xi32>,
      %get3A_1770 = vector.shape_cast %get3A_1769 : vector<1x16xi32> to vector<16xi32>
      %max3A_1771 = arith.maxsi %select_n3A_1761, %get3A_1770 : vector<16xi32>
      %get3A_1772 = arith.constant 6 : i64
      %get3A_1773 = arith.index_cast %get3A_1772 : i64 to index
      %get3A_1774 = arith.constant 0 : index
      %get3A_1775 = tpu.vector_load %arg11[%get3A_1773, %get3A_1774] {strides = array<i32>} : memref<8x128xi32, #tpu.memory_space<vmem>>, vector<1x16xi32>,
      %get3A_1776 = vector.shape_cast %get3A_1775 : vector<1x16xi32> to vector<16xi32>
      %max3A_1777 = arith.maxsi %max3A_1771, %get3A_1776 : vector<16xi32>
      %get3A_1778 = arith.constant 6 : i64
      %get3A_1779 = arith.index_cast %get3A_1778 : i64 to index
      %get3A_1780 = arith.constant 16 : index
      %get3A_1781 = tpu.vector_load %arg9[%get3A_1779, %get3A_1780] {strides = array<i32>} : memref<8x128xi32, #tpu.memory_space<vmem>>, vector<1x16xi32>,
      %get3A_1782 = vector.shape_cast %get3A_1781 : vector<1x16xi32> to vector<16xi32>
      %max3A_1783 = arith.maxsi %max3A_1777, %get3A_1782 : vector<16xi32>
      %get3A_1784 = arith.constant 6 : i64
      %get3A_1785 = arith.index_cast %get3A_1784 : i64 to index
      %get3A_1786 = arith.constant 16 : index
      %get3A_1787 = tpu.vector_load %arg11[%get3A_1785, %get3A_1786] {strides = array<i32>} : memref<8x128xi32, #tpu.memory_space<vmem>>, vector<1x16xi32>,
      %get3A_1788 = vector.shape_cast %get3A_1787 : vector<1x16xi32> to vector<16xi32>
      %max3A_1789 = arith.maxsi %max3A_1783, %get3A_1788 : vector<16xi32>
      %get3A_1790 = arith.constant 6 : i64
      %get3A_1791 = arith.index_cast %get3A_1790 : i64 to index
      %get3A_1792 = arith.constant 32 : index
      %get3A_1793 = tpu.vector_load %arg9[%get3A_1791, %get3A_1792] {strides = array<i32>} : memref<8x128xi32, #tpu.memory_space<vmem>>, vector<1x16xi32>,
      %get3A_1794 = vector.shape_cast %get3A_1793 : vector<1x16xi32> to vector<16xi32>
      %max3A_1795 = arith.maxsi %max3A_1789, %get3A_1794 : vector<16xi32>
      %get3A_1796 = arith.constant 6 : i64
      %get3A_1797 = arith.index_cast %get3A_1796 : i64 to index
      %get3A_1798 = arith.constant 32 : index
      %get3A_1799 = tpu.vector_load %arg11[%get3A_1797, %get3A_1798] {strides = array<i32>} : memref<8x128xi32, #tpu.memory_space<vmem>>, vector<1x16xi32>,
      %get3A_1800 = vector.shape_cast %get3A_1799 : vector<1x16xi32> to vector<16xi32>
      %max3A_1801 = arith.maxsi %max3A_1795, %get3A_1800 : vector<16xi32>
      %get3A_1802 = arith.constant 6 : i64
      %get3A_1803 = arith.index_cast %get3A_1802 : i64 to index
      %get3A_1804 = arith.constant 48 : index
      %get3A_1805 = tpu.vector_load %arg9[%get3A_1803, %get3A_1804] {strides = array<i32>} : memref<8x128xi32, #tpu.memory_space<vmem>>, vector<1x16xi32>,
      %get3A_1806 = vector.shape_cast %get3A_1805 : vector<1x16xi32> to vector<16xi32>
      %max3A_1807 = arith.maxsi %max3A_1801, %get3A_1806 : vector<16xi32>
      %get3A_1808 = arith.constant 6 : i64
      %get3A_1809 = arith.index_cast %get3A_1808 : i64 to index
      %get3A_1810 = arith.constant 48 : index
      %get3A_1811 = tpu.vector_load %arg11[%get3A_1809, %get3A_1810] {strides = array<i32>} : memref<8x128xi32, #tpu.memory_space<vmem>>, vector<1x16xi32>,
      %get3A_1812 = vector.shape_cast %get3A_1811 : vector<1x16xi32> to vector<16xi32>
      %max3A_1813 = arith.maxsi %max3A_1807, %get3A_1812 : vector<16xi32>
      %get3A_1814 = arith.constant 6 : i64
      %get3A_1815 = arith.index_cast %get3A_1814 : i64 to index
      %get3A_1816 = arith.constant 64 : index
      %get3A_1817 = tpu.vector_load %arg9[%get3A_1815, %get3A_1816] {strides = array<i32>} : memref<8x128xi32, #tpu.memory_space<vmem>>, vector<1x16xi32>,
      %get3A_1818 = vector.shape_cast %get3A_1817 : vector<1x16xi32> to vector<16xi32>
      %max3A_1819 = arith.maxsi %max3A_1813, %get3A_1818 : vector<16xi32>
      %get3A_1820 = arith.constant 6 : i64
      %get3A_1821 = arith.index_cast %get3A_1820 : i64 to index
      %get3A_1822 = arith.constant 64 : index
      %get3A_1823 = tpu.vector_load %arg11[%get3A_1821, %get3A_1822] {strides = array<i32>} : memref<8x128xi32, #tpu.memory_space<vmem>>, vector<1x16xi32>,
      %get3A_1824 = vector.shape_cast %get3A_1823 : vector<1x16xi32> to vector<16xi32>
      %max3A_1825 = arith.maxsi %max3A_1819, %get3A_1824 : vector<16xi32>
      %get3A_1826 = arith.constant 6 : i64
      %get3A_1827 = arith.index_cast %get3A_1826 : i64 to index
      %get3A_1828 = arith.constant 80 : index
      %get3A_1829 = tpu.vector_load %arg9[%get3A_1827, %get3A_1828] {strides = array<i32>} : memref<8x128xi32, #tpu.memory_space<vmem>>, vector<1x16xi32>,
      %get3A_1830 = vector.shape_cast %get3A_1829 : vector<1x16xi32> to vector<16xi32>
      %max3A_1831 = arith.maxsi %max3A_1825, %get3A_1830 : vector<16xi32>
      %get3A_1832 = arith.constant 6 : i64
      %get3A_1833 = arith.index_cast %get3A_1832 : i64 to index
      %get3A_1834 = arith.constant 80 : index
      %get3A_1835 = tpu.vector_load %arg11[%get3A_1833, %get3A_1834] {strides = array<i32>} : memref<8x128xi32, #tpu.memory_space<vmem>>, vector<1x16xi32>,
      %get3A_1836 = vector.shape_cast %get3A_1835 : vector<1x16xi32> to vector<16xi32>
      %max3A_1837 = arith.maxsi %max3A_1831, %get3A_1836 : vector<16xi32>
      %get3A_1838 = arith.constant 6 : i64
      %get3A_1839 = arith.index_cast %get3A_1838 : i64 to index
      %get3A_1840 = arith.constant 96 : index
      %get3A_1841 = tpu.vector_load %arg9[%get3A_1839, %get3A_1840] {strides = array<i32>} : memref<8x128xi32, #tpu.memory_space<vmem>>, vector<1x16xi32>,
      %get3A_1842 = vector.shape_cast %get3A_1841 : vector<1x16xi32> to vector<16xi32>
      %max3A_1843 = arith.maxsi %max3A_1837, %get3A_1842 : vector<16xi32>
      %get3A_1844 = arith.constant 6 : i64
      %get3A_1845 = arith.index_cast %get3A_1844 : i64 to index
      %get3A_1846 = arith.constant 96 : index
      %get3A_1847 = tpu.vector_load %arg11[%get3A_1845, %get3A_1846] {strides = array<i32>} : memref<8x128xi32, #tpu.memory_space<vmem>>, vector<1x16xi32>,
      %get3A_1848 = vector.shape_cast %get3A_1847 : vector<1x16xi32> to vector<16xi32>
      %max3A_1849 = arith.maxsi %max3A_1843, %get3A_1848 : vector<16xi32>
      %get3A_1850 = arith.constant 6 : i64
      %get3A_1851 = arith.index_cast %get3A_1850 : i64 to index
      %get3A_1852 = arith.constant 112 : index
      %get3A_1853 = tpu.vector_load %arg9[%get3A_1851, %get3A_1852] {strides = array<i32>} : memref<8x128xi32, #tpu.memory_space<vmem>>, vector<1x16xi32>,
      %get3A_1854 = vector.shape_cast %get3A_1853 : vector<1x16xi32> to vector<16xi32>
      %max3A_1855 = arith.maxsi %max3A_1849, %get3A_1854 : vector<16xi32>
      %get3A_1856 = arith.constant 6 : i64
      %get3A_1857 = arith.index_cast %get3A_1856 : i64 to index
      %get3A_1858 = arith.constant 112 : index
      %get3A_1859 = tpu.vector_load %arg11[%get3A_1857, %get3A_1858] {strides = array<i32>} : memref<8x128xi32, #tpu.memory_space<vmem>>, vector<1x16xi32>,
      %get3A_1860 = vector.shape_cast %get3A_1859 : vector<1x16xi32> to vector<16xi32>
      %max3A_1861 = arith.maxsi %max3A_1855, %get3A_1860 : vector<16xi32>
      %select_n3A_1862 = arith.select %lt3A_1765, %max3A_1861, %select_n3A_1761 : vector<16xi32>
      %add3A_1863 = arith.constant 7 : i32
      %add3A_1864 = arith.addi %add3A_81, %add3A_1863 : i32
      %lt3A_1865 = arith.constant 2500 : i32
      %lt3A_1866 = arith.cmpi slt, %add3A_1864, %lt3A_1865 : i32
      %get3A_1867 = arith.constant 7 : i64
      %get3A_1868 = arith.index_cast %get3A_1867 : i64 to index
      %get3A_1869 = arith.constant 0 : index
      %get3A_1870 = tpu.vector_load %arg9[%get3A_1868, %get3A_1869] {strides = array<i32>} : memref<8x128xi32, #tpu.memory_space<vmem>>, vector<1x16xi32>,
      %get3A_1871 = vector.shape_cast %get3A_1870 : vector<1x16xi32> to vector<16xi32>
      %max3A_1872 = arith.maxsi %select_n3A_1862, %get3A_1871 : vector<16xi32>
      %get3A_1873 = arith.constant 7 : i64
      %get3A_1874 = arith.index_cast %get3A_1873 : i64 to index
      %get3A_1875 = arith.constant 0 : index
      %get3A_1876 = tpu.vector_load %arg11[%get3A_1874, %get3A_1875] {strides = array<i32>} : memref<8x128xi32, #tpu.memory_space<vmem>>, vector<1x16xi32>,
      %get3A_1877 = vector.shape_cast %get3A_1876 : vector<1x16xi32> to vector<16xi32>
      %max3A_1878 = arith.maxsi %max3A_1872, %get3A_1877 : vector<16xi32>
      %get3A_1879 = arith.constant 7 : i64
      %get3A_1880 = arith.index_cast %get3A_1879 : i64 to index
      %get3A_1881 = arith.constant 16 : index
      %get3A_1882 = tpu.vector_load %arg9[%get3A_1880, %get3A_1881] {strides = array<i32>} : memref<8x128xi32, #tpu.memory_space<vmem>>, vector<1x16xi32>,
      %get3A_1883 = vector.shape_cast %get3A_1882 : vector<1x16xi32> to vector<16xi32>
      %max3A_1884 = arith.maxsi %max3A_1878, %get3A_1883 : vector<16xi32>
      %get3A_1885 = arith.constant 7 : i64
      %get3A_1886 = arith.index_cast %get3A_1885 : i64 to index
      %get3A_1887 = arith.constant 16 : index
      %get3A_1888 = tpu.vector_load %arg11[%get3A_1886, %get3A_1887] {strides = array<i32>} : memref<8x128xi32, #tpu.memory_space<vmem>>, vector<1x16xi32>,
      %get3A_1889 = vector.shape_cast %get3A_1888 : vector<1x16xi32> to vector<16xi32>
      %max3A_1890 = arith.maxsi %max3A_1884, %get3A_1889 : vector<16xi32>
      %get3A_1891 = arith.constant 7 : i64
      %get3A_1892 = arith.index_cast %get3A_1891 : i64 to index
      %get3A_1893 = arith.constant 32 : index
      %get3A_1894 = tpu.vector_load %arg9[%get3A_1892, %get3A_1893] {strides = array<i32>} : memref<8x128xi32, #tpu.memory_space<vmem>>, vector<1x16xi32>,
      %get3A_1895 = vector.shape_cast %get3A_1894 : vector<1x16xi32> to vector<16xi32>
      %max3A_1896 = arith.maxsi %max3A_1890, %get3A_1895 : vector<16xi32>
      %get3A_1897 = arith.constant 7 : i64
      %get3A_1898 = arith.index_cast %get3A_1897 : i64 to index
      %get3A_1899 = arith.constant 32 : index
      %get3A_1900 = tpu.vector_load %arg11[%get3A_1898, %get3A_1899] {strides = array<i32>} : memref<8x128xi32, #tpu.memory_space<vmem>>, vector<1x16xi32>,
      %get3A_1901 = vector.shape_cast %get3A_1900 : vector<1x16xi32> to vector<16xi32>
      %max3A_1902 = arith.maxsi %max3A_1896, %get3A_1901 : vector<16xi32>
      %get3A_1903 = arith.constant 7 : i64
      %get3A_1904 = arith.index_cast %get3A_1903 : i64 to index
      %get3A_1905 = arith.constant 48 : index
      %get3A_1906 = tpu.vector_load %arg9[%get3A_1904, %get3A_1905] {strides = array<i32>} : memref<8x128xi32, #tpu.memory_space<vmem>>, vector<1x16xi32>,
      %get3A_1907 = vector.shape_cast %get3A_1906 : vector<1x16xi32> to vector<16xi32>
      %max3A_1908 = arith.maxsi %max3A_1902, %get3A_1907 : vector<16xi32>
      %get3A_1909 = arith.constant 7 : i64
      %get3A_1910 = arith.index_cast %get3A_1909 : i64 to index
      %get3A_1911 = arith.constant 48 : index
      %get3A_1912 = tpu.vector_load %arg11[%get3A_1910, %get3A_1911] {strides = array<i32>} : memref<8x128xi32, #tpu.memory_space<vmem>>, vector<1x16xi32>,
      %get3A_1913 = vector.shape_cast %get3A_1912 : vector<1x16xi32> to vector<16xi32>
      %max3A_1914 = arith.maxsi %max3A_1908, %get3A_1913 : vector<16xi32>
      %get3A_1915 = arith.constant 7 : i64
      %get3A_1916 = arith.index_cast %get3A_1915 : i64 to index
      %get3A_1917 = arith.constant 64 : index
      %get3A_1918 = tpu.vector_load %arg9[%get3A_1916, %get3A_1917] {strides = array<i32>} : memref<8x128xi32, #tpu.memory_space<vmem>>, vector<1x16xi32>,
      %get3A_1919 = vector.shape_cast %get3A_1918 : vector<1x16xi32> to vector<16xi32>
      %max3A_1920 = arith.maxsi %max3A_1914, %get3A_1919 : vector<16xi32>
      %get3A_1921 = arith.constant 7 : i64
      %get3A_1922 = arith.index_cast %get3A_1921 : i64 to index
      %get3A_1923 = arith.constant 64 : index
      %get3A_1924 = tpu.vector_load %arg11[%get3A_1922, %get3A_1923] {strides = array<i32>} : memref<8x128xi32, #tpu.memory_space<vmem>>, vector<1x16xi32>,
      %get3A_1925 = vector.shape_cast %get3A_1924 : vector<1x16xi32> to vector<16xi32>
      %max3A_1926 = arith.maxsi %max3A_1920, %get3A_1925 : vector<16xi32>
      %get3A_1927 = arith.constant 7 : i64
      %get3A_1928 = arith.index_cast %get3A_1927 : i64 to index
      %get3A_1929 = arith.constant 80 : index
      %get3A_1930 = tpu.vector_load %arg9[%get3A_1928, %get3A_1929] {strides = array<i32>} : memref<8x128xi32, #tpu.memory_space<vmem>>, vector<1x16xi32>,
      %get3A_1931 = vector.shape_cast %get3A_1930 : vector<1x16xi32> to vector<16xi32>
      %max3A_1932 = arith.maxsi %max3A_1926, %get3A_1931 : vector<16xi32>
      %get3A_1933 = arith.constant 7 : i64
      %get3A_1934 = arith.index_cast %get3A_1933 : i64 to index
      %get3A_1935 = arith.constant 80 : index
      %get3A_1936 = tpu.vector_load %arg11[%get3A_1934, %get3A_1935] {strides = array<i32>} : memref<8x128xi32, #tpu.memory_space<vmem>>, vector<1x16xi32>,
      %get3A_1937 = vector.shape_cast %get3A_1936 : vector<1x16xi32> to vector<16xi32>
      %max3A_1938 = arith.maxsi %max3A_1932, %get3A_1937 : vector<16xi32>
      %get3A_1939 = arith.constant 7 : i64
      %get3A_1940 = arith.index_cast %get3A_1939 : i64 to index
      %get3A_1941 = arith.constant 96 : index
      %get3A_1942 = tpu.vector_load %arg9[%get3A_1940, %get3A_1941] {strides = array<i32>} : memref<8x128xi32, #tpu.memory_space<vmem>>, vector<1x16xi32>,
      %get3A_1943 = vector.shape_cast %get3A_1942 : vector<1x16xi32> to vector<16xi32>
      %max3A_1944 = arith.maxsi %max3A_1938, %get3A_1943 : vector<16xi32>
      %get3A_1945 = arith.constant 7 : i64
      %get3A_1946 = arith.index_cast %get3A_1945 : i64 to index
      %get3A_1947 = arith.constant 96 : index
      %get3A_1948 = tpu.vector_load %arg11[%get3A_1946, %get3A_1947] {strides = array<i32>} : memref<8x128xi32, #tpu.memory_space<vmem>>, vector<1x16xi32>,
      %get3A_1949 = vector.shape_cast %get3A_1948 : vector<1x16xi32> to vector<16xi32>
      %max3A_1950 = arith.maxsi %max3A_1944, %get3A_1949 : vector<16xi32>
      %get3A_1951 = arith.constant 7 : i64
      %get3A_1952 = arith.index_cast %get3A_1951 : i64 to index
      %get3A_1953 = arith.constant 112 : index
      %get3A_1954 = tpu.vector_load %arg9[%get3A_1952, %get3A_1953] {strides = array<i32>} : memref<8x128xi32, #tpu.memory_space<vmem>>, vector<1x16xi32>,
      %get3A_1955 = vector.shape_cast %get3A_1954 : vector<1x16xi32> to vector<16xi32>
      %max3A_1956 = arith.maxsi %max3A_1950, %get3A_1955 : vector<16xi32>
      %get3A_1957 = arith.constant 7 : i64
      %get3A_1958 = arith.index_cast %get3A_1957 : i64 to index
      %get3A_1959 = arith.constant 112 : index
      %get3A_1960 = tpu.vector_load %arg11[%get3A_1958, %get3A_1959] {strides = array<i32>} : memref<8x128xi32, #tpu.memory_space<vmem>>, vector<1x16xi32>,
      %get3A_1961 = vector.shape_cast %get3A_1960 : vector<1x16xi32> to vector<16xi32>
      %max3A_1962 = arith.maxsi %max3A_1956, %get3A_1961 : vector<16xi32>
      %select_n3A_1963 = arith.select %lt3A_1866, %max3A_1962, %select_n3A_1862 : vector<16xi32>
      %swap3A_1964 = arith.constant 0 : index
      %swap3A_1965 = tpu.vector_load %arg14[%swap3A_1964] {strides = array<i32>} : memref<16xi32, #tpu.memory_space<vmem>>, vector<16xi32>,
      %swap3A_1966 = vector.shape_cast %swap3A_1965 : vector<16xi32> to vector<16xi32>
      %swap3A_1967 = vector.shape_cast %select_n3A_1963 : vector<16xi32> to vector<16xi32>
      tpu.vector_store %arg14[%swap3A_1964], %swap3A_1967 {strides = array<i32>} : memref<16xi32, #tpu.memory_space<vmem>>, vector<16xi32>,
      %dma_wait3A_1968 = arith.constant 0 : i32
      %dma_wait3A_1969 = arith.constant 0 : i32
      %dma_wait3A_1970 = tpu.memref_slice %arg9[%dma_wait3A_1968, %dma_wait3A_1969] : memref<8x128xi32, #tpu.memory_space<vmem>> -> memref<1x128xi32, #tpu.memory_space<vmem>>
      %dma_wait3A_1971 = tpu.memref_squeeze %dma_wait3A_1970 : memref<1x128xi32, #tpu.memory_space<vmem>> -> memref<128xi32, #tpu.memory_space<vmem>>
      %dma_wait3A_1972 = arith.constant 0 : i32
      %dma_wait3A_1973 = arith.constant 0 : i32
      %dma_wait3A_1974 = tpu.memref_slice %arg2[%dma_wait3A_1972, %dma_wait3A_1973] : memref<10000x128xf32, #tpu.memory_space<hbm>> -> memref<10000x128xf32, #tpu.memory_space<hbm>>
      tpu.wait_indirect_dma semaphore(%arg15 : memref<!tpu.dma_semaphore, #tpu.memory_space<semaphore_mem>>) src(%dma_wait3A_1974 : memref<10000x128xf32, #tpu.memory_space<hbm>>) dst(%arg12 : memref<128x128xf32, #tpu.memory_space<vmem>>)
      %dma_start3A_1975 = arith.constant 0 : i32
      %dma_start3A_1976 = arith.constant 0 : i32
      %dma_start3A_1977 = tpu.memref_slice %arg11[%dma_start3A_1975, %dma_start3A_1976] : memref<8x128xi32, #tpu.memory_space<vmem>> -> memref<1x128xi32, #tpu.memory_space<vmem>>
      %dma_start3A_1978 = tpu.memref_squeeze %dma_start3A_1977 : memref<1x128xi32, #tpu.memory_space<vmem>> -> memref<128xi32, #tpu.memory_space<vmem>>
      %dma_start3A_1979 = arith.constant 0 : i32
      %dma_start3A_1980 = arith.constant 0 : i32
      %dma_start3A_1981 = tpu.memref_slice %arg7[%dma_start3A_1979, %dma_start3A_1980] : memref<10128x128xf32, #tpu.memory_space<vmem_shared>> -> memref<10128x128xf32, #tpu.memory_space<vmem_shared>>
      tpu.enqueue_indirect_dma source(%arg12 : memref<128x128xf32, #tpu.memory_space<vmem>>) target(%dma_start3A_1981 : memref<10128x128xf32, #tpu.memory_space<vmem_shared>>) offsets(%dma_start3A_1978 : memref<128xi32, #tpu.memory_space<vmem>>) semaphore(%arg17 : memref<!tpu.dma_semaphore, #tpu.memory_space<semaphore_mem>>) {add = true}
      %dma_wait3A_1982 = arith.constant 0 : i32
      %dma_wait3A_1983 = arith.constant 0 : i32
      %dma_wait3A_1984 = tpu.memref_slice %arg11[%dma_wait3A_1982, %dma_wait3A_1983] : memref<8x128xi32, #tpu.memory_space<vmem>> -> memref<1x128xi32, #tpu.memory_space<vmem>>
      %dma_wait3A_1985 = tpu.memref_squeeze %dma_wait3A_1984 : memref<1x128xi32, #tpu.memory_space<vmem>> -> memref<128xi32, #tpu.memory_space<vmem>>
      %dma_wait3A_1986 = arith.constant 0 : i32
      %dma_wait3A_1987 = arith.constant 0 : i32
      %dma_wait3A_1988 = tpu.memref_slice %arg7[%dma_wait3A_1986, %dma_wait3A_1987] : memref<10128x128xf32, #tpu.memory_space<vmem_shared>> -> memref<10128x128xf32, #tpu.memory_space<vmem_shared>>
      tpu.wait_indirect_dma semaphore(%arg17 : memref<!tpu.dma_semaphore, #tpu.memory_space<semaphore_mem>>) src(%arg12 : memref<128x128xf32, #tpu.memory_space<vmem>>) dst(%dma_wait3A_1988 : memref<10128x128xf32, #tpu.memory_space<vmem_shared>>)
      %dma_start3A_1989 = arith.constant 2 : i32
      %dma_start3A_1990 = arith.constant 0 : i32
      %dma_start3A_1991 = tpu.memref_slice %arg9[%dma_start3A_1989, %dma_start3A_1990] : memref<8x128xi32, #tpu.memory_space<vmem>> -> memref<1x128xi32, #tpu.memory_space<vmem>>
      %dma_start3A_1992 = tpu.memref_squeeze %dma_start3A_1991 : memref<1x128xi32, #tpu.memory_space<vmem>> -> memref<128xi32, #tpu.memory_space<vmem>>
      %dma_start3A_1993 = arith.constant 0 : i32
      %dma_start3A_1994 = arith.constant 0 : i32
      %dma_start3A_1995 = tpu.memref_slice %arg2[%dma_start3A_1993, %dma_start3A_1994] : memref<10000x128xf32, #tpu.memory_space<hbm>> -> memref<10000x128xf32, #tpu.memory_space<hbm>>
      tpu.enqueue_indirect_dma source(%dma_start3A_1995 : memref<10000x128xf32, #tpu.memory_space<hbm>>) target(%arg12 : memref<128x128xf32, #tpu.memory_space<vmem>>) offsets(%dma_start3A_1992 : memref<128xi32, #tpu.memory_space<vmem>>) semaphore(%arg15 : memref<!tpu.dma_semaphore, #tpu.memory_space<semaphore_mem>>)
      %dma_wait3A_1996 = arith.constant 1 : i32
      %dma_wait3A_1997 = arith.constant 0 : i32
      %dma_wait3A_1998 = tpu.memref_slice %arg9[%dma_wait3A_1996, %dma_wait3A_1997] : memref<8x128xi32, #tpu.memory_space<vmem>> -> memref<1x128xi32, #tpu.memory_space<vmem>>
      %dma_wait3A_1999 = tpu.memref_squeeze %dma_wait3A_1998 : memref<1x128xi32, #tpu.memory_space<vmem>> -> memref<128xi32, #tpu.memory_space<vmem>>
      %dma_wait3A_2000 = arith.constant 0 : i32
      %dma_wait3A_2001 = arith.constant 0 : i32
      %dma_wait3A_2002 = tpu.memref_slice %arg2[%dma_wait3A_2000, %dma_wait3A_2001] : memref<10000x128xf32, #tpu.memory_space<hbm>> -> memref<10000x128xf32, #tpu.memory_space<hbm>>
      tpu.wait_indirect_dma semaphore(%arg16 : memref<!tpu.dma_semaphore, #tpu.memory_space<semaphore_mem>>) src(%dma_wait3A_2002 : memref<10000x128xf32, #tpu.memory_space<hbm>>) dst(%arg13 : memref<128x128xf32, #tpu.memory_space<vmem>>)
      %dma_start3A_2003 = arith.constant 1 : i32
      %dma_start3A_2004 = arith.constant 0 : i32
      %dma_start3A_2005 = tpu.memref_slice %arg11[%dma_start3A_2003, %dma_start3A_2004] : memref<8x128xi32, #tpu.memory_space<vmem>> -> memref<1x128xi32, #tpu.memory_space<vmem>>
      %dma_start3A_2006 = tpu.memref_squeeze %dma_start3A_2005 : memref<1x128xi32, #tpu.memory_space<vmem>> -> memref<128xi32, #tpu.memory_space<vmem>>
      %dma_start3A_2007 = arith.constant 0 : i32
      %dma_start3A_2008 = arith.constant 0 : i32
      %dma_start3A_2009 = tpu.memref_slice %arg7[%dma_start3A_2007, %dma_start3A_2008] : memref<10128x128xf32, #tpu.memory_space<vmem_shared>> -> memref<10128x128xf32, #tpu.memory_space<vmem_shared>>
      tpu.enqueue_indirect_dma source(%arg13 : memref<128x128xf32, #tpu.memory_space<vmem>>) target(%dma_start3A_2009 : memref<10128x128xf32, #tpu.memory_space<vmem_shared>>) offsets(%dma_start3A_2006 : memref<128xi32, #tpu.memory_space<vmem>>) semaphore(%arg18 : memref<!tpu.dma_semaphore, #tpu.memory_space<semaphore_mem>>) {add = true}
      %dma_wait3A_2010 = arith.constant 1 : i32
      %dma_wait3A_2011 = arith.constant 0 : i32
      %dma_wait3A_2012 = tpu.memref_slice %arg11[%dma_wait3A_2010, %dma_wait3A_2011] : memref<8x128xi32, #tpu.memory_space<vmem>> -> memref<1x128xi32, #tpu.memory_space<vmem>>
      %dma_wait3A_2013 = tpu.memref_squeeze %dma_wait3A_2012 : memref<1x128xi32, #tpu.memory_space<vmem>> -> memref<128xi32, #tpu.memory_space<vmem>>
      %dma_wait3A_2014 = arith.constant 0 : i32
      %dma_wait3A_2015 = arith.constant 0 : i32
      %dma_wait3A_2016 = tpu.memref_slice %arg7[%dma_wait3A_2014, %dma_wait3A_2015] : memref<10128x128xf32, #tpu.memory_space<vmem_shared>> -> memref<10128x128xf32, #tpu.memory_space<vmem_shared>>
      tpu.wait_indirect_dma semaphore(%arg18 : memref<!tpu.dma_semaphore, #tpu.memory_space<semaphore_mem>>) src(%arg13 : memref<128x128xf32, #tpu.memory_space<vmem>>) dst(%dma_wait3A_2016 : memref<10128x128xf32, #tpu.memory_space<vmem_shared>>)
      %dma_start3A_2017 = arith.constant 3 : i32
      %dma_start3A_2018 = arith.constant 0 : i32
      %dma_start3A_2019 = tpu.memref_slice %arg9[%dma_start3A_2017, %dma_start3A_2018] : memref<8x128xi32, #tpu.memory_space<vmem>> -> memref<1x128xi32, #tpu.memory_space<vmem>>
      %dma_start3A_2020 = tpu.memref_squeeze %dma_start3A_2019 : memref<1x128xi32, #tpu.memory_space<vmem>> -> memref<128xi32, #tpu.memory_space<vmem>>
      %dma_start3A_2021 = arith.constant 0 : i32
      %dma_start3A_2022 = arith.constant 0 : i32
      %dma_start3A_2023 = tpu.memref_slice %arg2[%dma_start3A_2021, %dma_start3A_2022] : memref<10000x128xf32, #tpu.memory_space<hbm>> -> memref<10000x128xf32, #tpu.memory_space<hbm>>
      tpu.enqueue_indirect_dma source(%dma_start3A_2023 : memref<10000x128xf32, #tpu.memory_space<hbm>>) target(%arg13 : memref<128x128xf32, #tpu.memory_space<vmem>>) offsets(%dma_start3A_2020 : memref<128xi32, #tpu.memory_space<vmem>>) semaphore(%arg16 : memref<!tpu.dma_semaphore, #tpu.memory_space<semaphore_mem>>)
      %dma_wait3A_2024 = arith.constant 2 : i32
      %dma_wait3A_2025 = arith.constant 0 : i32
      %dma_wait3A_2026 = tpu.memref_slice %arg9[%dma_wait3A_2024, %dma_wait3A_2025] : memref<8x128xi32, #tpu.memory_space<vmem>> -> memref<1x128xi32, #tpu.memory_space<vmem>>
      %dma_wait3A_2027 = tpu.memref_squeeze %dma_wait3A_2026 : memref<1x128xi32, #tpu.memory_space<vmem>> -> memref<128xi32, #tpu.memory_space<vmem>>
      %dma_wait3A_2028 = arith.constant 0 : i32
      %dma_wait3A_2029 = arith.constant 0 : i32
      %dma_wait3A_2030 = tpu.memref_slice %arg2[%dma_wait3A_2028, %dma_wait3A_2029] : memref<10000x128xf32, #tpu.memory_space<hbm>> -> memref<10000x128xf32, #tpu.memory_space<hbm>>
      tpu.wait_indirect_dma semaphore(%arg15 : memref<!tpu.dma_semaphore, #tpu.memory_space<semaphore_mem>>) src(%dma_wait3A_2030 : memref<10000x128xf32, #tpu.memory_space<hbm>>) dst(%arg12 : memref<128x128xf32, #tpu.memory_space<vmem>>)
      %dma_start3A_2031 = arith.constant 2 : i32
      %dma_start3A_2032 = arith.constant 0 : i32
      %dma_start3A_2033 = tpu.memref_slice %arg11[%dma_start3A_2031, %dma_start3A_2032] : memref<8x128xi32, #tpu.memory_space<vmem>> -> memref<1x128xi32, #tpu.memory_space<vmem>>
      %dma_start3A_2034 = tpu.memref_squeeze %dma_start3A_2033 : memref<1x128xi32, #tpu.memory_space<vmem>> -> memref<128xi32, #tpu.memory_space<vmem>>
      %dma_start3A_2035 = arith.constant 0 : i32
      %dma_start3A_2036 = arith.constant 0 : i32
      %dma_start3A_2037 = tpu.memref_slice %arg7[%dma_start3A_2035, %dma_start3A_2036] : memref<10128x128xf32, #tpu.memory_space<vmem_shared>> -> memref<10128x128xf32, #tpu.memory_space<vmem_shared>>
      tpu.enqueue_indirect_dma source(%arg12 : memref<128x128xf32, #tpu.memory_space<vmem>>) target(%dma_start3A_2037 : memref<10128x128xf32, #tpu.memory_space<vmem_shared>>) offsets(%dma_start3A_2034 : memref<128xi32, #tpu.memory_space<vmem>>) semaphore(%arg17 : memref<!tpu.dma_semaphore, #tpu.memory_space<semaphore_mem>>) {add = true}
      %dma_wait3A_2038 = arith.constant 2 : i32
      %dma_wait3A_2039 = arith.constant 0 : i32
      %dma_wait3A_2040 = tpu.memref_slice %arg11[%dma_wait3A_2038, %dma_wait3A_2039] : memref<8x128xi32, #tpu.memory_space<vmem>> -> memref<1x128xi32, #tpu.memory_space<vmem>>
      %dma_wait3A_2041 = tpu.memref_squeeze %dma_wait3A_2040 : memref<1x128xi32, #tpu.memory_space<vmem>> -> memref<128xi32, #tpu.memory_space<vmem>>
      %dma_wait3A_2042 = arith.constant 0 : i32
      %dma_wait3A_2043 = arith.constant 0 : i32
      %dma_wait3A_2044 = tpu.memref_slice %arg7[%dma_wait3A_2042, %dma_wait3A_2043] : memref<10128x128xf32, #tpu.memory_space<vmem_shared>> -> memref<10128x128xf32, #tpu.memory_space<vmem_shared>>
      tpu.wait_indirect_dma semaphore(%arg17 : memref<!tpu.dma_semaphore, #tpu.memory_space<semaphore_mem>>) src(%arg12 : memref<128x128xf32, #tpu.memory_space<vmem>>) dst(%dma_wait3A_2044 : memref<10128x128xf32, #tpu.memory_space<vmem_shared>>)
      %dma_start3A_2045 = arith.constant 4 : i32
      %dma_start3A_2046 = arith.constant 0 : i32
      %dma_start3A_2047 = tpu.memref_slice %arg9[%dma_start3A_2045, %dma_start3A_2046] : memref<8x128xi32, #tpu.memory_space<vmem>> -> memref<1x128xi32, #tpu.memory_space<vmem>>
      %dma_start3A_2048 = tpu.memref_squeeze %dma_start3A_2047 : memref<1x128xi32, #tpu.memory_space<vmem>> -> memref<128xi32, #tpu.memory_space<vmem>>
      %dma_start3A_2049 = arith.constant 0 : i32
      %dma_start3A_2050 = arith.constant 0 : i32
      %dma_start3A_2051 = tpu.memref_slice %arg2[%dma_start3A_2049, %dma_start3A_2050] : memref<10000x128xf32, #tpu.memory_space<hbm>> -> memref<10000x128xf32, #tpu.memory_space<hbm>>
      tpu.enqueue_indirect_dma source(%dma_start3A_2051 : memref<10000x128xf32, #tpu.memory_space<hbm>>) target(%arg12 : memref<128x128xf32, #tpu.memory_space<vmem>>) offsets(%dma_start3A_2048 : memref<128xi32, #tpu.memory_space<vmem>>) semaphore(%arg15 : memref<!tpu.dma_semaphore, #tpu.memory_space<semaphore_mem>>)
      %dma_wait3A_2052 = arith.constant 3 : i32
      %dma_wait3A_2053 = arith.constant 0 : i32
      %dma_wait3A_2054 = tpu.memref_slice %arg9[%dma_wait3A_2052, %dma_wait3A_2053] : memref<8x128xi32, #tpu.memory_space<vmem>> -> memref<1x128xi32, #tpu.memory_space<vmem>>
      %dma_wait3A_2055 = tpu.memref_squeeze %dma_wait3A_2054 : memref<1x128xi32, #tpu.memory_space<vmem>> -> memref<128xi32, #tpu.memory_space<vmem>>
      %dma_wait3A_2056 = arith.constant 0 : i32
      %dma_wait3A_2057 = arith.constant 0 : i32
      %dma_wait3A_2058 = tpu.memref_slice %arg2[%dma_wait3A_2056, %dma_wait3A_2057] : memref<10000x128xf32, #tpu.memory_space<hbm>> -> memref<10000x128xf32, #tpu.memory_space<hbm>>
      tpu.wait_indirect_dma semaphore(%arg16 : memref<!tpu.dma_semaphore, #tpu.memory_space<semaphore_mem>>) src(%dma_wait3A_2058 : memref<10000x128xf32, #tpu.memory_space<hbm>>) dst(%arg13 : memref<128x128xf32, #tpu.memory_space<vmem>>)
      %dma_start3A_2059 = arith.constant 3 : i32
      %dma_start3A_2060 = arith.constant 0 : i32
      %dma_start3A_2061 = tpu.memref_slice %arg11[%dma_start3A_2059, %dma_start3A_2060] : memref<8x128xi32, #tpu.memory_space<vmem>> -> memref<1x128xi32, #tpu.memory_space<vmem>>
      %dma_start3A_2062 = tpu.memref_squeeze %dma_start3A_2061 : memref<1x128xi32, #tpu.memory_space<vmem>> -> memref<128xi32, #tpu.memory_space<vmem>>
      %dma_start3A_2063 = arith.constant 0 : i32
      %dma_start3A_2064 = arith.constant 0 : i32
      %dma_start3A_2065 = tpu.memref_slice %arg7[%dma_start3A_2063, %dma_start3A_2064] : memref<10128x128xf32, #tpu.memory_space<vmem_shared>> -> memref<10128x128xf32, #tpu.memory_space<vmem_shared>>
      tpu.enqueue_indirect_dma source(%arg13 : memref<128x128xf32, #tpu.memory_space<vmem>>) target(%dma_start3A_2065 : memref<10128x128xf32, #tpu.memory_space<vmem_shared>>) offsets(%dma_start3A_2062 : memref<128xi32, #tpu.memory_space<vmem>>) semaphore(%arg18 : memref<!tpu.dma_semaphore, #tpu.memory_space<semaphore_mem>>) {add = true}
      %dma_wait3A_2066 = arith.constant 3 : i32
      %dma_wait3A_2067 = arith.constant 0 : i32
      %dma_wait3A_2068 = tpu.memref_slice %arg11[%dma_wait3A_2066, %dma_wait3A_2067] : memref<8x128xi32, #tpu.memory_space<vmem>> -> memref<1x128xi32, #tpu.memory_space<vmem>>
      %dma_wait3A_2069 = tpu.memref_squeeze %dma_wait3A_2068 : memref<1x128xi32, #tpu.memory_space<vmem>> -> memref<128xi32, #tpu.memory_space<vmem>>
      %dma_wait3A_2070 = arith.constant 0 : i32
      %dma_wait3A_2071 = arith.constant 0 : i32
      %dma_wait3A_2072 = tpu.memref_slice %arg7[%dma_wait3A_2070, %dma_wait3A_2071] : memref<10128x128xf32, #tpu.memory_space<vmem_shared>> -> memref<10128x128xf32, #tpu.memory_space<vmem_shared>>
      tpu.wait_indirect_dma semaphore(%arg18 : memref<!tpu.dma_semaphore, #tpu.memory_space<semaphore_mem>>) src(%arg13 : memref<128x128xf32, #tpu.memory_space<vmem>>) dst(%dma_wait3A_2072 : memref<10128x128xf32, #tpu.memory_space<vmem_shared>>)
      %dma_start3A_2073 = arith.constant 5 : i32
      %dma_start3A_2074 = arith.constant 0 : i32
      %dma_start3A_2075 = tpu.memref_slice %arg9[%dma_start3A_2073, %dma_start3A_2074] : memref<8x128xi32, #tpu.memory_space<vmem>> -> memref<1x128xi32, #tpu.memory_space<vmem>>
      %dma_start3A_2076 = tpu.memref_squeeze %dma_start3A_2075 : memref<1x128xi32, #tpu.memory_space<vmem>> -> memref<128xi32, #tpu.memory_space<vmem>>
      %dma_start3A_2077 = arith.constant 0 : i32
      %dma_start3A_2078 = arith.constant 0 : i32
      %dma_start3A_2079 = tpu.memref_slice %arg2[%dma_start3A_2077, %dma_start3A_2078] : memref<10000x128xf32, #tpu.memory_space<hbm>> -> memref<10000x128xf32, #tpu.memory_space<hbm>>
      tpu.enqueue_indirect_dma source(%dma_start3A_2079 : memref<10000x128xf32, #tpu.memory_space<hbm>>) target(%arg13 : memref<128x128xf32, #tpu.memory_space<vmem>>) offsets(%dma_start3A_2076 : memref<128xi32, #tpu.memory_space<vmem>>) semaphore(%arg16 : memref<!tpu.dma_semaphore, #tpu.memory_space<semaphore_mem>>)
      %dma_wait3A_2080 = arith.constant 4 : i32
      %dma_wait3A_2081 = arith.constant 0 : i32
      %dma_wait3A_2082 = tpu.memref_slice %arg9[%dma_wait3A_2080, %dma_wait3A_2081] : memref<8x128xi32, #tpu.memory_space<vmem>> -> memref<1x128xi32, #tpu.memory_space<vmem>>
      %dma_wait3A_2083 = tpu.memref_squeeze %dma_wait3A_2082 : memref<1x128xi32, #tpu.memory_space<vmem>> -> memref<128xi32, #tpu.memory_space<vmem>>
      %dma_wait3A_2084 = arith.constant 0 : i32
      %dma_wait3A_2085 = arith.constant 0 : i32
      %dma_wait3A_2086 = tpu.memref_slice %arg2[%dma_wait3A_2084, %dma_wait3A_2085] : memref<10000x128xf32, #tpu.memory_space<hbm>> -> memref<10000x128xf32, #tpu.memory_space<hbm>>
      tpu.wait_indirect_dma semaphore(%arg15 : memref<!tpu.dma_semaphore, #tpu.memory_space<semaphore_mem>>) src(%dma_wait3A_2086 : memref<10000x128xf32, #tpu.memory_space<hbm>>) dst(%arg12 : memref<128x128xf32, #tpu.memory_space<vmem>>)
      %dma_start3A_2087 = arith.constant 4 : i32
      %dma_start3A_2088 = arith.constant 0 : i32
      %dma_start3A_2089 = tpu.memref_slice %arg11[%dma_start3A_2087, %dma_start3A_2088] : memref<8x128xi32, #tpu.memory_space<vmem>> -> memref<1x128xi32, #tpu.memory_space<vmem>>
      %dma_start3A_2090 = tpu.memref_squeeze %dma_start3A_2089 : memref<1x128xi32, #tpu.memory_space<vmem>> -> memref<128xi32, #tpu.memory_space<vmem>>
      %dma_start3A_2091 = arith.constant 0 : i32
      %dma_start3A_2092 = arith.constant 0 : i32
      %dma_start3A_2093 = tpu.memref_slice %arg7[%dma_start3A_2091, %dma_start3A_2092] : memref<10128x128xf32, #tpu.memory_space<vmem_shared>> -> memref<10128x128xf32, #tpu.memory_space<vmem_shared>>
      tpu.enqueue_indirect_dma source(%arg12 : memref<128x128xf32, #tpu.memory_space<vmem>>) target(%dma_start3A_2093 : memref<10128x128xf32, #tpu.memory_space<vmem_shared>>) offsets(%dma_start3A_2090 : memref<128xi32, #tpu.memory_space<vmem>>) semaphore(%arg17 : memref<!tpu.dma_semaphore, #tpu.memory_space<semaphore_mem>>) {add = true}
      %dma_wait3A_2094 = arith.constant 4 : i32
      %dma_wait3A_2095 = arith.constant 0 : i32
      %dma_wait3A_2096 = tpu.memref_slice %arg11[%dma_wait3A_2094, %dma_wait3A_2095] : memref<8x128xi32, #tpu.memory_space<vmem>> -> memref<1x128xi32, #tpu.memory_space<vmem>>
      %dma_wait3A_2097 = tpu.memref_squeeze %dma_wait3A_2096 : memref<1x128xi32, #tpu.memory_space<vmem>> -> memref<128xi32, #tpu.memory_space<vmem>>
      %dma_wait3A_2098 = arith.constant 0 : i32
      %dma_wait3A_2099 = arith.constant 0 : i32
      %dma_wait3A_2100 = tpu.memref_slice %arg7[%dma_wait3A_2098, %dma_wait3A_2099] : memref<10128x128xf32, #tpu.memory_space<vmem_shared>> -> memref<10128x128xf32, #tpu.memory_space<vmem_shared>>
      tpu.wait_indirect_dma semaphore(%arg17 : memref<!tpu.dma_semaphore, #tpu.memory_space<semaphore_mem>>) src(%arg12 : memref<128x128xf32, #tpu.memory_space<vmem>>) dst(%dma_wait3A_2100 : memref<10128x128xf32, #tpu.memory_space<vmem_shared>>)
      %dma_start3A_2101 = arith.constant 6 : i32
      %dma_start3A_2102 = arith.constant 0 : i32
      %dma_start3A_2103 = tpu.memref_slice %arg9[%dma_start3A_2101, %dma_start3A_2102] : memref<8x128xi32, #tpu.memory_space<vmem>> -> memref<1x128xi32, #tpu.memory_space<vmem>>
      %dma_start3A_2104 = tpu.memref_squeeze %dma_start3A_2103 : memref<1x128xi32, #tpu.memory_space<vmem>> -> memref<128xi32, #tpu.memory_space<vmem>>
      %dma_start3A_2105 = arith.constant 0 : i32
      %dma_start3A_2106 = arith.constant 0 : i32
      %dma_start3A_2107 = tpu.memref_slice %arg2[%dma_start3A_2105, %dma_start3A_2106] : memref<10000x128xf32, #tpu.memory_space<hbm>> -> memref<10000x128xf32, #tpu.memory_space<hbm>>
      tpu.enqueue_indirect_dma source(%dma_start3A_2107 : memref<10000x128xf32, #tpu.memory_space<hbm>>) target(%arg12 : memref<128x128xf32, #tpu.memory_space<vmem>>) offsets(%dma_start3A_2104 : memref<128xi32, #tpu.memory_space<vmem>>) semaphore(%arg15 : memref<!tpu.dma_semaphore, #tpu.memory_space<semaphore_mem>>)
      %dma_wait3A_2108 = arith.constant 5 : i32
      %dma_wait3A_2109 = arith.constant 0 : i32
      %dma_wait3A_2110 = tpu.memref_slice %arg9[%dma_wait3A_2108, %dma_wait3A_2109] : memref<8x128xi32, #tpu.memory_space<vmem>> -> memref<1x128xi32, #tpu.memory_space<vmem>>
      %dma_wait3A_2111 = tpu.memref_squeeze %dma_wait3A_2110 : memref<1x128xi32, #tpu.memory_space<vmem>> -> memref<128xi32, #tpu.memory_space<vmem>>
      %dma_wait3A_2112 = arith.constant 0 : i32
      %dma_wait3A_2113 = arith.constant 0 : i32
      %dma_wait3A_2114 = tpu.memref_slice %arg2[%dma_wait3A_2112, %dma_wait3A_2113] : memref<10000x128xf32, #tpu.memory_space<hbm>> -> memref<10000x128xf32, #tpu.memory_space<hbm>>
      tpu.wait_indirect_dma semaphore(%arg16 : memref<!tpu.dma_semaphore, #tpu.memory_space<semaphore_mem>>) src(%dma_wait3A_2114 : memref<10000x128xf32, #tpu.memory_space<hbm>>) dst(%arg13 : memref<128x128xf32, #tpu.memory_space<vmem>>)
      %dma_start3A_2115 = arith.constant 5 : i32
      %dma_start3A_2116 = arith.constant 0 : i32
      %dma_start3A_2117 = tpu.memref_slice %arg11[%dma_start3A_2115, %dma_start3A_2116] : memref<8x128xi32, #tpu.memory_space<vmem>> -> memref<1x128xi32, #tpu.memory_space<vmem>>
      %dma_start3A_2118 = tpu.memref_squeeze %dma_start3A_2117 : memref<1x128xi32, #tpu.memory_space<vmem>> -> memref<128xi32, #tpu.memory_space<vmem>>
      %dma_start3A_2119 = arith.constant 0 : i32
      %dma_start3A_2120 = arith.constant 0 : i32
      %dma_start3A_2121 = tpu.memref_slice %arg7[%dma_start3A_2119, %dma_start3A_2120] : memref<10128x128xf32, #tpu.memory_space<vmem_shared>> -> memref<10128x128xf32, #tpu.memory_space<vmem_shared>>
      tpu.enqueue_indirect_dma source(%arg13 : memref<128x128xf32, #tpu.memory_space<vmem>>) target(%dma_start3A_2121 : memref<10128x128xf32, #tpu.memory_space<vmem_shared>>) offsets(%dma_start3A_2118 : memref<128xi32, #tpu.memory_space<vmem>>) semaphore(%arg18 : memref<!tpu.dma_semaphore, #tpu.memory_space<semaphore_mem>>) {add = true}
      %dma_wait3A_2122 = arith.constant 5 : i32
      %dma_wait3A_2123 = arith.constant 0 : i32
      %dma_wait3A_2124 = tpu.memref_slice %arg11[%dma_wait3A_2122, %dma_wait3A_2123] : memref<8x128xi32, #tpu.memory_space<vmem>> -> memref<1x128xi32, #tpu.memory_space<vmem>>
      %dma_wait3A_2125 = tpu.memref_squeeze %dma_wait3A_2124 : memref<1x128xi32, #tpu.memory_space<vmem>> -> memref<128xi32, #tpu.memory_space<vmem>>
      %dma_wait3A_2126 = arith.constant 0 : i32
      %dma_wait3A_2127 = arith.constant 0 : i32
      %dma_wait3A_2128 = tpu.memref_slice %arg7[%dma_wait3A_2126, %dma_wait3A_2127] : memref<10128x128xf32, #tpu.memory_space<vmem_shared>> -> memref<10128x128xf32, #tpu.memory_space<vmem_shared>>
      tpu.wait_indirect_dma semaphore(%arg18 : memref<!tpu.dma_semaphore, #tpu.memory_space<semaphore_mem>>) src(%arg13 : memref<128x128xf32, #tpu.memory_space<vmem>>) dst(%dma_wait3A_2128 : memref<10128x128xf32, #tpu.memory_space<vmem_shared>>)
      %dma_start3A_2129 = arith.constant 7 : i32
      %dma_start3A_2130 = arith.constant 0 : i32
      %dma_start3A_2131 = tpu.memref_slice %arg9[%dma_start3A_2129, %dma_start3A_2130] : memref<8x128xi32, #tpu.memory_space<vmem>> -> memref<1x128xi32, #tpu.memory_space<vmem>>
      %dma_start3A_2132 = tpu.memref_squeeze %dma_start3A_2131 : memref<1x128xi32, #tpu.memory_space<vmem>> -> memref<128xi32, #tpu.memory_space<vmem>>
      %dma_start3A_2133 = arith.constant 0 : i32
      %dma_start3A_2134 = arith.constant 0 : i32
      %dma_start3A_2135 = tpu.memref_slice %arg2[%dma_start3A_2133, %dma_start3A_2134] : memref<10000x128xf32, #tpu.memory_space<hbm>> -> memref<10000x128xf32, #tpu.memory_space<hbm>>
      tpu.enqueue_indirect_dma source(%dma_start3A_2135 : memref<10000x128xf32, #tpu.memory_space<hbm>>) target(%arg13 : memref<128x128xf32, #tpu.memory_space<vmem>>) offsets(%dma_start3A_2132 : memref<128xi32, #tpu.memory_space<vmem>>) semaphore(%arg16 : memref<!tpu.dma_semaphore, #tpu.memory_space<semaphore_mem>>)
      %dma_wait3A_2136 = arith.constant 6 : i32
      %dma_wait3A_2137 = arith.constant 0 : i32
      %dma_wait3A_2138 = tpu.memref_slice %arg9[%dma_wait3A_2136, %dma_wait3A_2137] : memref<8x128xi32, #tpu.memory_space<vmem>> -> memref<1x128xi32, #tpu.memory_space<vmem>>
      %dma_wait3A_2139 = tpu.memref_squeeze %dma_wait3A_2138 : memref<1x128xi32, #tpu.memory_space<vmem>> -> memref<128xi32, #tpu.memory_space<vmem>>
      %dma_wait3A_2140 = arith.constant 0 : i32
      %dma_wait3A_2141 = arith.constant 0 : i32
      %dma_wait3A_2142 = tpu.memref_slice %arg2[%dma_wait3A_2140, %dma_wait3A_2141] : memref<10000x128xf32, #tpu.memory_space<hbm>> -> memref<10000x128xf32, #tpu.memory_space<hbm>>
      tpu.wait_indirect_dma semaphore(%arg15 : memref<!tpu.dma_semaphore, #tpu.memory_space<semaphore_mem>>) src(%dma_wait3A_2142 : memref<10000x128xf32, #tpu.memory_space<hbm>>) dst(%arg12 : memref<128x128xf32, #tpu.memory_space<vmem>>)
      %dma_start3A_2143 = arith.constant 6 : i32
      %dma_start3A_2144 = arith.constant 0 : i32
      %dma_start3A_2145 = tpu.memref_slice %arg11[%dma_start3A_2143, %dma_start3A_2144] : memref<8x128xi32, #tpu.memory_space<vmem>> -> memref<1x128xi32, #tpu.memory_space<vmem>>
      %dma_start3A_2146 = tpu.memref_squeeze %dma_start3A_2145 : memref<1x128xi32, #tpu.memory_space<vmem>> -> memref<128xi32, #tpu.memory_space<vmem>>
      %dma_start3A_2147 = arith.constant 0 : i32
      %dma_start3A_2148 = arith.constant 0 : i32
      %dma_start3A_2149 = tpu.memref_slice %arg7[%dma_start3A_2147, %dma_start3A_2148] : memref<10128x128xf32, #tpu.memory_space<vmem_shared>> -> memref<10128x128xf32, #tpu.memory_space<vmem_shared>>
      tpu.enqueue_indirect_dma source(%arg12 : memref<128x128xf32, #tpu.memory_space<vmem>>) target(%dma_start3A_2149 : memref<10128x128xf32, #tpu.memory_space<vmem_shared>>) offsets(%dma_start3A_2146 : memref<128xi32, #tpu.memory_space<vmem>>) semaphore(%arg17 : memref<!tpu.dma_semaphore, #tpu.memory_space<semaphore_mem>>) {add = true}
      %dma_wait3A_2150 = arith.constant 7 : i32
      %dma_wait3A_2151 = arith.constant 0 : i32
      %dma_wait3A_2152 = tpu.memref_slice %arg9[%dma_wait3A_2150, %dma_wait3A_2151] : memref<8x128xi32, #tpu.memory_space<vmem>> -> memref<1x128xi32, #tpu.memory_space<vmem>>
      %dma_wait3A_2153 = tpu.memref_squeeze %dma_wait3A_2152 : memref<1x128xi32, #tpu.memory_space<vmem>> -> memref<128xi32, #tpu.memory_space<vmem>>
      %dma_wait3A_2154 = arith.constant 0 : i32
      %dma_wait3A_2155 = arith.constant 0 : i32
      %dma_wait3A_2156 = tpu.memref_slice %arg2[%dma_wait3A_2154, %dma_wait3A_2155] : memref<10000x128xf32, #tpu.memory_space<hbm>> -> memref<10000x128xf32, #tpu.memory_space<hbm>>
      tpu.wait_indirect_dma semaphore(%arg16 : memref<!tpu.dma_semaphore, #tpu.memory_space<semaphore_mem>>) src(%dma_wait3A_2156 : memref<10000x128xf32, #tpu.memory_space<hbm>>) dst(%arg13 : memref<128x128xf32, #tpu.memory_space<vmem>>)
      %dma_start3A_2157 = arith.constant 7 : i32
      %dma_start3A_2158 = arith.constant 0 : i32
      %dma_start3A_2159 = tpu.memref_slice %arg11[%dma_start3A_2157, %dma_start3A_2158] : memref<8x128xi32, #tpu.memory_space<vmem>> -> memref<1x128xi32, #tpu.memory_space<vmem>>
      %dma_start3A_2160 = tpu.memref_squeeze %dma_start3A_2159 : memref<1x128xi32, #tpu.memory_space<vmem>> -> memref<128xi32, #tpu.memory_space<vmem>>
      %dma_start3A_2161 = arith.constant 0 : i32
      %dma_start3A_2162 = arith.constant 0 : i32
      %dma_start3A_2163 = tpu.memref_slice %arg7[%dma_start3A_2161, %dma_start3A_2162] : memref<10128x128xf32, #tpu.memory_space<vmem_shared>> -> memref<10128x128xf32, #tpu.memory_space<vmem_shared>>
      tpu.enqueue_indirect_dma source(%arg13 : memref<128x128xf32, #tpu.memory_space<vmem>>) target(%dma_start3A_2163 : memref<10128x128xf32, #tpu.memory_space<vmem_shared>>) offsets(%dma_start3A_2160 : memref<128xi32, #tpu.memory_space<vmem>>) semaphore(%arg18 : memref<!tpu.dma_semaphore, #tpu.memory_space<semaphore_mem>>) {add = true}
      %dma_wait3A_2164 = arith.constant 6 : i32
      %dma_wait3A_2165 = arith.constant 0 : i32
      %dma_wait3A_2166 = tpu.memref_slice %arg11[%dma_wait3A_2164, %dma_wait3A_2165] : memref<8x128xi32, #tpu.memory_space<vmem>> -> memref<1x128xi32, #tpu.memory_space<vmem>>
      %dma_wait3A_2167 = tpu.memref_squeeze %dma_wait3A_2166 : memref<1x128xi32, #tpu.memory_space<vmem>> -> memref<128xi32, #tpu.memory_space<vmem>>
      %dma_wait3A_2168 = arith.constant 0 : i32
      %dma_wait3A_2169 = arith.constant 0 : i32
      %dma_wait3A_2170 = tpu.memref_slice %arg7[%dma_wait3A_2168, %dma_wait3A_2169] : memref<10128x128xf32, #tpu.memory_space<vmem_shared>> -> memref<10128x128xf32, #tpu.memory_space<vmem_shared>>
      tpu.wait_indirect_dma semaphore(%arg17 : memref<!tpu.dma_semaphore, #tpu.memory_space<semaphore_mem>>) src(%arg12 : memref<128x128xf32, #tpu.memory_space<vmem>>) dst(%dma_wait3A_2170 : memref<10128x128xf32, #tpu.memory_space<vmem_shared>>)
      %dma_wait3A_2171 = arith.constant 7 : i32
      %dma_wait3A_2172 = arith.constant 0 : i32
      %dma_wait3A_2173 = tpu.memref_slice %arg11[%dma_wait3A_2171, %dma_wait3A_2172] : memref<8x128xi32, #tpu.memory_space<vmem>> -> memref<1x128xi32, #tpu.memory_space<vmem>>
      %dma_wait3A_2174 = tpu.memref_squeeze %dma_wait3A_2173 : memref<1x128xi32, #tpu.memory_space<vmem>> -> memref<128xi32, #tpu.memory_space<vmem>>
      %dma_wait3A_2175 = arith.constant 0 : i32
      %dma_wait3A_2176 = arith.constant 0 : i32
      %dma_wait3A_2177 = tpu.memref_slice %arg7[%dma_wait3A_2175, %dma_wait3A_2176] : memref<10128x128xf32, #tpu.memory_space<vmem_shared>> -> memref<10128x128xf32, #tpu.memory_space<vmem_shared>>
      tpu.wait_indirect_dma semaphore(%arg18 : memref<!tpu.dma_semaphore, #tpu.memory_space<semaphore_mem>>) src(%arg13 : memref<128x128xf32, #tpu.memory_space<vmem>>) dst(%dma_wait3A_2177 : memref<10128x128xf32, #tpu.memory_space<vmem_shared>>)
      %lt3A_2178 = arith.constant 4 : i32
      %lt3A_2179 = arith.cmpi slt, %while3A_73, %lt3A_2178 : i32
      %convert_element_type3A_2180 = arith.extui %lt3A_2179 : i1 to i32
      %cond3A_2181 = arith.constant 0 : i32
      %cond3A_2182 = arith.cmpi ne, %convert_element_type3A_2180, %cond3A_2181 : i32
      scf.if %cond3A_2182 {
        %add3A_2183 = arith.constant 512 : i32
        %add3A_2184 = arith.addi %add3A_81, %add3A_2183 : i32
        %dma_start3A_2185 = arith.constant 0 : i32
        %dma_start3A_2186 = tpu.memref_slice %arg3[%add3A_2184, %dma_start3A_2185] : memref<2560x128xi32, #tpu.memory_space<hbm>> -> memref<8x128xi32, #tpu.memory_space<hbm>>
        %dma_start3A_2187 = arith.constant 0 : i32
        %dma_start3A_2188 = tpu.memref_slice %arg3[%add3A_2184, %dma_start3A_2187] : memref<2560x128xi32, #tpu.memory_space<hbm>> -> memref<8x128xi32, #tpu.memory_space<hbm>>
        tpu.enqueue_dma source(%dma_start3A_2188 : memref<8x128xi32, #tpu.memory_space<hbm>>) target(%arg9 : memref<8x128xi32, #tpu.memory_space<vmem>>) target_semaphore(%arg20 : memref<!tpu.dma_semaphore, #tpu.memory_space<semaphore_mem>>)
        %dma_start3A_2189 = arith.constant 0 : i32
        %dma_start3A_2190 = tpu.memref_slice %arg4[%add3A_2184, %dma_start3A_2189] : memref<2560x128xi32, #tpu.memory_space<hbm>> -> memref<8x128xi32, #tpu.memory_space<hbm>>
        %dma_start3A_2191 = arith.constant 0 : i32
        %dma_start3A_2192 = tpu.memref_slice %arg4[%add3A_2184, %dma_start3A_2191] : memref<2560x128xi32, #tpu.memory_space<hbm>> -> memref<8x128xi32, #tpu.memory_space<hbm>>
        tpu.enqueue_dma source(%dma_start3A_2192 : memref<8x128xi32, #tpu.memory_space<hbm>>) target(%arg11 : memref<8x128xi32, #tpu.memory_space<vmem>>) target_semaphore(%arg20 : memref<!tpu.dma_semaphore, #tpu.memory_space<semaphore_mem>>)
      } else {
      }
    }
    %barrier3A_56 = arith.constant 0 : index
    tpu.barrier barrier_id(%barrier3A_56)
    %mul3A_57 = arith.constant 16 : i32
    %mul3A_58 = arith.muli %add3A, %mul3A_57 : i32
    %multiple_of3A_59 = tpu.assume_multiple %mul3A_58, 8 : i32
    %dma_start3A_60 = tpu.memref_slice %arg6[%multiple_of3A_59] : memref<512xi32, #tpu.memory_space<hbm>> -> memref<16xi32, #tpu.memory_space<hbm>>
    %dma_start3A_61 = tpu.memref_slice %arg6[%multiple_of3A_59] : memref<512xi32, #tpu.memory_space<hbm>> -> memref<16xi32, #tpu.memory_space<hbm>>
    tpu.enqueue_dma source(%arg14 : memref<16xi32, #tpu.memory_space<vmem>>) target(%dma_start3A_61 : memref<16xi32, #tpu.memory_space<hbm>>) target_semaphore(%arg15 : memref<!tpu.dma_semaphore, #tpu.memory_space<semaphore_mem>>)
    %lt3A_62 = arith.constant 15 : i32
    %lt3A_63 = arith.cmpi slt, %arg1, %lt3A_62 : i32
    %convert_element_type3A_64 = arith.extui %lt3A_63 : i1 to i32
    %cond3A_65 = arith.constant 0 : i32
    %cond3A_66 = arith.cmpi ne, %convert_element_type3A_64, %cond3A_65 : i32
    scf.if %cond3A_66 {
      "tpu.region"() ({
        %run_scoped3A = tpu.sem_alloc : memref<!tpu.dma_semaphore, #tpu.memory_space<semaphore_mem>>
        %dma_start3A_73 = arith.constant 0 : i32
        %dma_start3A_74 = tpu.memref_slice %arg5[%arg0, %mul3A_34, %dma_start3A_73] : memref<2x10000x128xf32, #tpu.memory_space<hbm>> -> memref<1x624x128xf32, #tpu.memory_space<hbm>>
        %dma_start3A_75 = tpu.memref_squeeze %dma_start3A_74 : memref<1x624x128xf32, #tpu.memory_space<hbm>> -> memref<624x128xf32, #tpu.memory_space<hbm>>
        %dma_start3A_76 = arith.constant 0 : i32
        %dma_start3A_77 = tpu.memref_slice %arg7[%mul3A_34, %dma_start3A_76] : memref<10128x128xf32, #tpu.memory_space<vmem_shared>> -> memref<624x128xf32, #tpu.memory_space<vmem_shared>>
        tpu.enqueue_dma source(%dma_start3A_77 : memref<624x128xf32, #tpu.memory_space<vmem_shared>>) target(%dma_start3A_75 : memref<624x128xf32, #tpu.memory_space<hbm>>) target_semaphore(%run_scoped3A : memref<!tpu.dma_semaphore, #tpu.memory_space<semaphore_mem>>)
        %dma_wait3A_78 = arith.constant 0 : i32
        %dma_wait3A_79 = tpu.memref_slice %arg5[%arg0, %mul3A_34, %dma_wait3A_78] : memref<2x10000x128xf32, #tpu.memory_space<hbm>> -> memref<1x624x128xf32, #tpu.memory_space<hbm>>
        %dma_wait3A_80 = tpu.memref_squeeze %dma_wait3A_79 : memref<1x624x128xf32, #tpu.memory_space<hbm>> -> memref<624x128xf32, #tpu.memory_space<hbm>>
        %dma_wait3A_81 = arith.constant 0 : i32
        %dma_wait3A_82 = tpu.memref_slice %arg7[%mul3A_34, %dma_wait3A_81] : memref<10128x128xf32, #tpu.memory_space<vmem_shared>> -> memref<624x128xf32, #tpu.memory_space<vmem_shared>>
        tpu.wait_dma2 semaphore(%run_scoped3A : memref<!tpu.dma_semaphore, #tpu.memory_space<semaphore_mem>>) src(%dma_wait3A_82 : memref<624x128xf32, #tpu.memory_space<vmem_shared>>) dst(%dma_wait3A_80 : memref<624x128xf32, #tpu.memory_space<hbm>>)
        tpu.yield
      }) : () -> ()
    } else {
    }
    %eq3A_67 = arith.constant 15 : i32
    %eq3A_68 = arith.cmpi eq, %arg1, %eq3A_67 : i32
    %convert_element_type3A_69 = arith.extui %eq3A_68 : i1 to i32
    %cond3A_70 = arith.constant 0 : i32
    %cond3A_71 = arith.cmpi ne, %convert_element_type3A_69, %cond3A_70 : i32
    scf.if %cond3A_71 {
      "tpu.region"() ({
        %run_scoped3A = tpu.sem_alloc : memref<!tpu.dma_semaphore, #tpu.memory_space<semaphore_mem>>
        %dma_start3A_73 = arith.constant 0 : i32
        %dma_start3A_74 = tpu.memref_slice %arg5[%arg0, %mul3A_34, %dma_start3A_73] : memref<2x10000x128xf32, #tpu.memory_space<hbm>> -> memref<1x640x128xf32, #tpu.memory_space<hbm>>
        %dma_start3A_75 = tpu.memref_squeeze %dma_start3A_74 : memref<1x640x128xf32, #tpu.memory_space<hbm>> -> memref<640x128xf32, #tpu.memory_space<hbm>>
        %dma_start3A_76 = arith.constant 0 : i32
        %dma_start3A_77 = tpu.memref_slice %arg7[%mul3A_34, %dma_start3A_76] : memref<10128x128xf32, #tpu.memory_space<vmem_shared>> -> memref<640x128xf32, #tpu.memory_space<vmem_shared>>
        tpu.enqueue_dma source(%dma_start3A_77 : memref<640x128xf32, #tpu.memory_space<vmem_shared>>) target(%dma_start3A_75 : memref<640x128xf32, #tpu.memory_space<hbm>>) target_semaphore(%run_scoped3A : memref<!tpu.dma_semaphore, #tpu.memory_space<semaphore_mem>>)
        %dma_wait3A_78 = arith.constant 0 : i32
        %dma_wait3A_79 = tpu.memref_slice %arg5[%arg0, %mul3A_34, %dma_wait3A_78] : memref<2x10000x128xf32, #tpu.memory_space<hbm>> -> memref<1x640x128xf32, #tpu.memory_space<hbm>>
        %dma_wait3A_80 = tpu.memref_squeeze %dma_wait3A_79 : memref<1x640x128xf32, #tpu.memory_space<hbm>> -> memref<640x128xf32, #tpu.memory_space<hbm>>
        %dma_wait3A_81 = arith.constant 0 : i32
        %dma_wait3A_82 = tpu.memref_slice %arg7[%mul3A_34, %dma_wait3A_81] : memref<10128x128xf32, #tpu.memory_space<vmem_shared>> -> memref<640x128xf32, #tpu.memory_space<vmem_shared>>
        tpu.wait_dma2 semaphore(%run_scoped3A : memref<!tpu.dma_semaphore, #tpu.memory_space<semaphore_mem>>) src(%dma_wait3A_82 : memref<640x128xf32, #tpu.memory_space<vmem_shared>>) dst(%dma_wait3A_80 : memref<640x128xf32, #tpu.memory_space<hbm>>)
        tpu.yield
      }) : () -> ()
    } else {
    }
    %dma_wait3A = tpu.memref_slice %arg6[%multiple_of3A_59] : memref<512xi32, #tpu.memory_space<hbm>> -> memref<16xi32, #tpu.memory_space<hbm>>
    %dma_wait3A_72 = tpu.memref_slice %arg6[%multiple_of3A_59] : memref<512xi32, #tpu.memory_space<hbm>> -> memref<16xi32, #tpu.memory_space<hbm>>
    tpu.wait_dma2 semaphore(%arg15 : memref<!tpu.dma_semaphore, #tpu.memory_space<semaphore_mem>>) src(%arg14 : memref<16xi32, #tpu.memory_space<vmem>>) dst(%dma_wait3A_72 : memref<16xi32, #tpu.memory_space<hbm>>)
    return
  }
}

</mosaic_0001>

<sc_bundles>
// kernel: _scatter_phase.3.cloned.1.call-start
scs
__scs_entry_jumppad:
0x0: {  	(pc) =	sbr.rel $0x88, $3  }
0x1: {  	(tag) =	ssettag $0x0;
	lr =	simm.s32 $0x1  }
0x2: {  	[smem:$0x3F9E] =	sst lr;
	_ =	strace $0xD0000000  }
0x3: {  	_ = 	snop  }
0x4: {  	_ = 	snop  }
0x5: {  	_ = 	snop  }
0x6: {  	_ = 	snop  }
0x7: {  	_ = 	snop  }
__scs_overlays_trampoline_lowered:
0x8: {  	[smem:$0x3FAD] =	sst s0  }
0x9: {  	[smem:$0x3FAE] =	sst s1  }
0xa: {  	[smem:$0x3FAF] =	sst s2  }
0xb: {  	[smem:$0x3FB0] =	sst s3  }
0xc: {  	[smem:$0x3FB1] =	sst s4  }
0xd: {  	[smem:$0x3FB2] =	sst s5  }
0xe: {  	[smem:$0x3FB3] =	sst s6  }
0xf: {  	[smem:$0x3FB4] =	sst s7  }
0x10: {  	[smem:$0x3FB5] =	sst s8  }
0x11: {  	[smem:$0x3FB6] =	sst s9;
	s0 =	simm.s32 @!p0 $0x0  }
0x12: {  	s1 =	sld [smem:$0x3F9C];
	s0 =	simm.s32 @p0 $0x1  }
0x13: {  	[smem:$0x3FB7] =	sst s0;
	s0 =	simm.s32 @!p1 $0x0  }
0x14: {  	s2 =	sld [smem:$0x3F9B];
	s0 =	simm.s32 @p1 $0x1  }
0x15: {  	[smem:$0x3FB8] =	sst s0;
	s0 =	simm.s32 @!p2 $0x0  }
0x16: {  	s3 =	sld [smem:$0x3FDB];
	s0 =	simm.s32 @p2 $0x1  }
0x17: {  	s4 =	simm.s32 $0x1BF5;
	[smem:$0x3FBA] =	sst s0  }
0x18: {  	s0 =	sld [smem:$0x3F9D];
	_ =	swait.ge [sflag:s4], $0x0  }
0x19: {  	s7 =	sld [smem:$0x3F9E]  }
0x1a: {  	s8 =	sadd.s32 $0xFFFFE003, lr  }
0x1b: {  	s9 =	sadd.s32 $0xFFFFFEF7, lr;
	s5 =	simm.s32 $0xFFFFFFFF;
	p2 =	slt.u32 s8, $0xFFFFF086  }
0x1c: {  	p1 =	slt.u32 s9, $0xF7A;
	s5 =	simm.s32 @!p2 $0x0  }
0x1d: {  	s5 =	simm.s32 @p1 $0x1;
	p0 =	seq.s32 s7, s2  }
0x1e: {  	s7 =	smul.u32 @!p0 $0xF7A, s2;
	p2 =	seq.s32 @!p0 s5, $0x0  }
0x1f: {  	s9 =	smul.u32 $0xF7A, s1;
	s8 =	simm.s32 @!p0 $0x1BF5;
	p2 =	por !p2, p0  }
0x20: {  	[sflag:s8] =	ssyncset.s32 @!p0 $0xFFFFF086;
	s6 =	sadd.s32 @!p0 s3, s7;
	s7 =	simm.s32 @!p0 $0x108  }
0x21: {  	s3 =	sadd.s32 s3, s9;
	s6 =	sadd.s32 @!p0 $0x88, s6;
	s7 =	simm.s32 @p2 $0x1082  }
0x22: {  	[simem:s7], [sflag:s8] =	dma.local @!p0 [hbm:s6], $0xF7A  }
0x23: {  	s9 =	sor.u32 $0xD0000000, s2;
	s6 =	simm.s32 $0x108;
	_ =	swait.ge @!p0 [sflag:s8], $0x0  }
0x24: {  	s3 =	sadd.s32 $0x88, s3;
	s6 =	simm.s32 @!p1 $0x1082;
	[sflag:s4] =	ssyncset.s32 $0xFFFFF086  }
0x25: {  	[simem:s6], [sflag:s4] =	dma.local [hbm:s3], $0xF7A  }
0x26: {  	[smem:$0x3F9E] =	sst s1;
	(tag) =	ssettag s2;
	_ =	strace s9  }
0x27: {  	s1 =	sld [smem:$0x3FAE]  }
0x28: {  	s2 =	sld [smem:$0x3FAF]  }
0x29: {  	s4 =	sld [smem:$0x3FB1]  }
0x2a: {  	p0 =	seq.s32 s5, $0x0;
	s5 =	sld [smem:$0x3FB2]  }
0x2b: {  	s6 =	sld [smem:$0x3FB3]  }
0x2c: {  	s7 =	sld [smem:$0x3FB4]  }
0x2d: {  	s3 =	simm.s32 $0x108;
	s8 =	sld [smem:$0x3FB5]  }
0x2e: {  	s3 =	simm.s32 @!p0 $0x1082;
	s9 =	sld [smem:$0x3FB6]  }
0x2f: {  	lr =	sadd.s32 s0, s3;
	s0 =	sld [smem:$0x3FAD]  }
0x30: {  	s3 =	sld [smem:$0x3FB0]  }
0x31: {  	[smem:$0x3FB9] =	sst s10  }
0x32: {  	s10 =	sld [smem:$0x3FB7];
	_ =	sdelay $0x3  }
0x33: {  	p0 =	seq.s32 s10, $0x1;
	s10 =	sld [smem:$0x3FB9];
	_ =	sdelay $0x3  }
0x34: {  	[smem:$0x3FB9] =	sst s10  }
0x35: {  	s10 =	sld [smem:$0x3FB8];
	_ =	sdelay $0x3  }
0x36: {  	p1 =	seq.s32 s10, $0x1;
	s10 =	sld [smem:$0x3FB9];
	_ =	sdelay $0x3  }
0x37: {  	[smem:$0x3FB9] =	sst s10  }
0x38: {  	s10 =	sld [smem:$0x3FBA]  }
0x39: {  	_ = 	snop;
	(pc) =	sbr.ind lr, $3  }
0x3a: {  	_ = 	snop  }
0x3b: {  	_ = 	snop  }
0x3c: {  	p2 =	seq.s32 s10, $0x1;
	s10 =	sld [smem:$0x3FB9]  }
0x3d: {  	_ =	shalt  }
0x3e: {  	_ =	shalt  }
0x3f: {  	_ =	shalt  }
0x40: {  	_ =	shalt  }
0x41: {  	_ =	shalt  }
0x42: {  	_ =	shalt  }
0x43: {  	_ =	shalt  }
0x44: {  	_ =	shalt  }
0x45: {  	_ =	shalt  }
0x46: {  	_ =	shalt  }
0x47: {  	_ =	shalt  }
0x48: {  	_ =	shalt  }
0x49: {  	_ =	shalt  }
0x4a: {  	_ =	shalt  }
0x4b: {  	_ =	shalt  }
0x4c: {  	_ =	shalt  }
0x4d: {  	_ =	shalt  }
0x4e: {  	_ =	shalt  }
0x4f: {  	_ =	shalt  }
0x50: {  	_ =	shalt  }
0x51: {  	_ =	shalt  }
0x52: {  	_ =	shalt  }
0x53: {  	_ =	shalt  }
0x54: {  	_ =	shalt  }
0x55: {  	_ =	shalt  }
0x56: {  	_ =	shalt  }
0x57: {  	_ =	shalt  }
0x58: {  	_ =	shalt  }
0x59: {  	_ =	shalt  }
0x5a: {  	_ =	shalt  }
0x5b: {  	_ =	shalt  }
0x5c: {  	_ =	shalt  }
0x5d: {  	_ =	shalt  }
0x5e: {  	_ =	shalt  }
0x5f: {  	_ =	shalt  }
0x60: {  	_ =	shalt  }
0x61: {  	_ =	shalt  }
0x62: {  	_ =	shalt  }
0x63: {  	_ =	shalt  }
0x64: {  	_ =	shalt  }
0x65: {  	_ =	shalt  }
0x66: {  	_ =	shalt  }
0x67: {  	_ =	shalt  }
0x68: {  	_ =	shalt  }
0x69: {  	_ =	shalt  }
0x6a: {  	_ =	shalt  }
0x6b: {  	_ =	shalt  }
0x6c: {  	_ =	shalt  }
0x6d: {  	_ =	shalt  }
0x6e: {  	_ =	shalt  }
0x6f: {  	_ =	shalt  }
0x70: {  	_ =	shalt  }
0x71: {  	_ =	shalt  }
0x72: {  	_ =	shalt  }
0x73: {  	_ =	shalt  }
0x74: {  	_ =	shalt  }
0x75: {  	_ =	shalt  }
0x76: {  	_ =	shalt  }
0x77: {  	_ =	shalt  }
0x78: {  	_ =	shalt  }
0x79: {  	_ =	shalt  }
0x7a: {  	_ =	shalt  }
0x7b: {  	_ =	shalt  }
0x7c: {  	_ =	shalt  }
0x7d: {  	_ =	shalt  }
0x7e: {  	_ =	shalt  }
0x7f: {  	_ =	shalt  }
0x80: {  	_ =	shalt  }
0x81: {  	_ =	shalt  }
0x82: {  	_ =	shalt  }
0x83: {  	_ =	shalt  }
0x84: {  	_ =	shalt  }
0x85: {  	_ =	shalt  }
0x86: {  	_ =	shalt  }
0x87: {  	_ =	shalt  }
.Lfunc_end0:
.L_simem_size_0:
called_computation_lowered:
.L_overlay_start_0:
0x88: {  	s2 =	sld [smem:$0x3FD9]  }
0x89: {  	s3 =	sld [smem:$0x3FFE];
	_ =	sdelay $0x1  }
0x8a: {  	s1 =	srdreg.scid  }
0x8b: {  	s0 =	sand.u32 $0x1, s1  }
0x8c: {  	s15 =	sshll.u32 s0, $0xA;
	s2 =	sadd.s32 s3, s2  }
0x8d: {  	s2 =	sadd.s32 s2, s15  }
0x8e: {  	[smem:$0x3FC5] =	sst s2  }
0x8f: {  	_ = 	snop  }
0x90: {  	s2 =	sld [smem:$0x3FD0]  }
0x91: {  	s16 =	sld [smem:$0x3FC9]  }
0x92: {  	s4 =	sld [smem:$0x3FC8]  }
0x93: {  	s6 =	simm.s32 $0xA;
	s7 =	simm.s32 $0x10;
	s5 =	sld [smem:$0x3FC7]  }
0x94: {  	[smem:s7], [sflag:s6] =	dma.local [hbm:s2], $0x1  }
0x95: {  	_ =	swait.eq [sflag:s6], $0x1  }
0x96: {  	[sflag:s6] =	ssyncset.done $0x0  }
0x97: {  	s17 =	sld [smem:$0x10];
	[sflag:s6] =	ssyncadd.s32 $0xFFFFFFFF  }
0x98: {  	s18 =	sld [smem:$0x11];
	(tm) =	ssettm $0x1  }
0x99: {  	s19 =	sld [smem:$0x3FFB];
	_ =	sdelay $0x3  }
0x9a: {  	_ =	strace s19  }
0x9b: {  	s7 =	sld [smem:$0x3FFC];
	_ =	sdelay $0x3  }
0x9c: {  	_ =	strace s7  }
0x9d: {  	s7 =	sld [smem:$0x3FFD];
	_ =	sdelay $0x3  }
0x9e: {  	_ =	strace s7  }
0x9f: {  	_ =	strace $0x8FFFFFFF  }
0xa0: {  	s20 =	sld [smem:$0x3FDB];
	_ =	sdelay $0x1  }
0xa1: {  	s8 =	simm.s32 $_scs_section_size  }
0xa2: {  	s9 =	simm.s32 $_size__tile_overlayer_lowered;
	s10 =	simm.s32 $_tile_overlayer_lowered  }
0xa3: {  	s23 =	simm.s32 $0x1BFF;
	s22 =	sshll.u32 s10, $0x1;
	s7 =	sadd.s32 s8, s20  }
0xa4: {  	s11 =	simm.s32 $0x0;
	s21 =	sshll.u32 s9, $0x1;
	s9 =	sadd.s32 s22, s7  }
0xa5: {  	[timem:s11], [sflag:s23] =	dma.local [hbm:s9], s21  }
0xa6: {  	_ =	swait.ge [sflag:s23], s21  }
0xa7: {  	s8 =	ssub.s32 $0x0, s21;
	[sflag:s23] =	ssyncset.done $0x0  }
0xa8: {  	[sflag:s23] =	ssyncadd.s32 s8;
	_ =	sdelay $0x1  }
0xa9: {  	s24 =	simm.s32 $0x1B8B  }
0xaa: {  	_ =	swait.ge [sflag:s24], $0x1  }
0xab: {  	[sflag:s24] =	ssyncset.done $0x0  }
0xac: {  	s25 =	simm.s32 $0x1B8E;
	[sflag:s24] =	ssyncadd.s32 $0xFFFFFFFF  }
0xad: {  	s26 =	simm.s32 $execute0_lowered;
	[smem:$0x3FD2] =	sst s25  }
0xae: {  	s8 =	sshll.u32 s26, $0x1;
	_ =	strace $0x80000046;
	[dreg:$0x1] =	wrdreg $0xFFFFFFFF  }
0xaf: {  	s28 =	simm.s32 $_size_execute0_lowered;
	s7 =	sadd.s32 s7, s8;
	[dreg:$0x0] =	wrdreg $0x0  }
0xb0: {  	s8 =	sshll.u32 s28, $0x1;
	[dreg:$0x2] =	wrdreg s7  }
0xb1: {  	[dreg:$0x3] =	wrdreg s8  }
0xb2: {  	[dreg:$0x4] =	wrdreg $0xC0  }
0xb3: {  	_ =	task [dreg:s11], $0x5FFFF  }
0xb4: {  	[dreg:$0x1] =	wrdreg $0xFFFFFFFF  }
0xb5: {  	[dreg:$0x0] =	wrdreg $0x60  }
0xb6: {  	[dreg:$0x2] =	wrdreg s16  }
0xb7: {  	[dreg:$0x3] =	wrdreg s4  }
0xb8: {  	[dreg:$0x4] =	wrdreg s5  }
0xb9: {  	[dreg:$0x5] =	wrdreg s17  }
0xba: {  	[dreg:$0x6] =	wrdreg s18  }
0xbb: {  	[dreg:$0x7] =	wrdreg $0x0  }
0xbc: {  	[dreg:$0x8] =	wrdreg $0x9  }
0xbd: {  	_ =	task.clear_ibuf [dreg:s11], $0x9FFFF;
	_ =	strace $0x90000046  }
0xbe: {  	s29 =	simm.s32 $0x9;
	_ =	strace $0x80000048  }
0xbf: {  	_ =	swait.ge [sflag:s29], $0x1  }
0xc0: {  	[sflag:s29] =	ssyncadd.s32 $0xFFFFFFFF  }
0xc1: {  	_ =	strace $0x90000048  }
0xc2: {  	_ =	sfence  }
0xc3: {  	s30 =	sld [smem:$0x0];
	_ =	sdelay $0x2  }
0xc4: {  	s31 =	sshll.u32 s1, $0xD;
	s1 =	sshrl.u32 s1, $0x2  }
0xc5: {  	s3 =	sand.u32 $0x4000, s31;
	s1 =	sadd.s32 s1, s30  }
0xc6: {  	s0 =	sor.u32 s3, s0;
	s1 =	sshll.u32 s1, $0x11  }
0xc7: {  	s0 =	sor.u32 s1, s0  }
0xc8: {  	s0 =	sadd.s32 $0x8F2B, s0  }
0xc9: {  	[sflag:s0] =	ssyncadd.remote.s32 $0x1  }
0xca: {  	_ =	sfence.sel $0xFFFF  }
0xcb: {  	[dreg:$0x0] =	wrdreg $0xFFFFFFFF;
	(pc) =	sbr.abs _section_cstart, $3  }
0xcc: {  	[dreg:$0x1] =	wrdreg $0xFFFFFFFF  }
0xcd: {  	_ =	task.clear_ibuf [dreg:s11], $0x2FFFF;
	_ =	strace $0x9FFFFFFF  }
0xce: {  	(tm) =	ssettm $0x7FFFFFFF  }
0xcf: {  	_ =	shalt  }
tec
execute0_lowered:
.L_overlay_start_1:
0x0: {  	(tag) =	ssettag $0x1  }
0x1: {  	s1 =	rddreg [dreg:$0x0]  }
0x2: {  	s0 =	rddreg [dreg:$0x1]  }
0x3: {  	s2 =	rddreg [dreg:$0x2]  }
0x4: {  	s5 =	rddreg [dreg:$0x3]  }
0x5: {  	s6 =	rddreg [dreg:$0x4]  }
0x6: {  	s3 =	rddreg [dreg:$0x5];
	s7 =	srdreg.scid  }
0x7: {  	s4 =	simm.s32 $0x0;
	s13 =	stileid.u32;
	s28 =	simm.s32 $0x13C80  }
0x8: {  	s29 =	simm.s32 $0x14480;
	s30 =	simm.s32 $0x14080;
	s31 =	simm.s32 $0x14880  }
0x9: {  	s7 =	sand.u32 $0x1, s7;
	[smem:$0x7FF] =	sst s4;
	s11 =	smul.u32 $0x4E000, s13  }
0xa: {  	s9 =	sshll.u32 s13, $0x1;
	s20 =	smul.u32 $0x13800, s13;
	s24 =	sadd.s32 $0x128800, s3  }
0xb: {  	s26 =	sshll.u32 s13, $0x8;
	s15 =	sshll.u32 s13, $0x4;
	p0 =	seq.s32 s13, $0xF  }
0xc: {  	s8 =	ssub.s32 $0x2, s7;
	_ =	strace $0x80000047;
	s9 =	sor.u32 s7, s9  }
0xd: {  	s19 =	smul.u32 $0x138800, s7;
	[dreg:$0x11] =	wrdreg s24;
	s16 =	sshll.u32 s9, $0x7  }
0xe: {  	s10 =	sshrl.u32 s8, $0x1;
	s9 =	sshll.u32 s9, $0x1;
	s12 =	sadd.s32 s0, s16  }
0xf: {  	s8 =	ssub.s32 s8, s10;
	s17 =	sadd.s32 s2, s16;
	[dreg:$0x7] =	wrdreg s12  }
0x10: {  	s10 =	sor.u32 $0x1000, s16;
	s6 =	sadd.s32 s6, s9;
	[dreg:$0x8] =	wrdreg s17  }
0x11: {  	s14 =	sadd.s32 s26, s2;
	s18 =	sadd.s32 s0, s10;
	[dreg:$0x12] =	wrdreg s6  }
0x12: {  	s11 =	sshrl.u32 s11, $0x2;
	s10 =	sadd.s32 s2, s10;
	[dreg:$0x9] =	wrdreg s18  }
0x13: {  	s16 =	sshll.u32 s7, $0x3;
	s12 =	sadd.s32 $0x12C800, s3;
	[dreg:$0xa] =	wrdreg s10  }
0x14: {  	s0 =	sadd.s32 s26, s0;
	s26 =	sadd.s32 $0x138800, s3;
	[dreg:$0x14] =	wrdreg s12  }
0x15: {  	s9 =	simm.s32 $0x6;
	s17 =	sadd.s32 s11, s3;
	[dreg:$0x1a] =	wrdreg s26  }
0x16: {  	s2 =	simm.s32 $0x80;
	s11 =	sadd.s32 $0x4000, s17;
	[dreg:$0xb] =	wrdreg s17  }
0x17: {  	s6 =	simm.s32 $0x14B80;
	s21 =	sadd.s32 $0x8000, s17;
	[dreg:$0xc] =	wrdreg s11  }
0x18: {  	s22 =	sadd.s32 $0xC000, s17;
	s23 =	sadd.s32 $0x10000, s17;
	[dreg:$0xd] =	wrdreg s21  }
0x19: {  	s18 =	sadd.s32 $0x124800, s3;
	s10 =	sadd.s32 s20, s19;
	[dreg:$0xe] =	wrdreg s22  }
0x1a: {  	s12 =	simm.s32 $0x2;
	s26 =	simm.s32 $0x14380;
	[dreg:$0xf] =	wrdreg s23  }
0x1b: {  	s10 =	sshrl.u32 s10, $0x3;
	s11 =	sshll.u32 s7, $0x7;
	s21 =	sadd.s32 $0x130800, s3  }
0x1c: {  	s22 =	sor.u32 s16, s15;
	s23 =	sadd.s32 $0x134800, s3;
	s7 =	simm.s32 $0x18C80  }
0x1d: {  	s15 =	simm.s32 $0x4;
	s16 =	simm.s32 $0x0;
	[dreg:$0x10] =	wrdreg s18  }
0x1e: {  	s25 =	sadd.s32 s5, s10;
	s10 =	sshrl.u32 s19, $0x3;
	[dreg:$0x15] =	wrdreg s21  }
0x1f: {  	s19 =	sadd.s32 s11, s0;
	s20 =	sadd.s32 s11, s14;
	[dreg:$0x16] =	wrdreg s22  }
0x20: {  	[dreg:$0x17] =	wrdreg s23;
	s0 =	simm.s32 $0x5;
	s23 =	simm.s32 $0x14A00  }
.Ltmp0:
0x21: {  	s22 =	simm.s32 $0x14B00;
	s14 =	simm.s32 $0x14400;
	(pc) =	sbr.rel .LBB2_1-.Ltmp0, $4  }
0x22: {  	s11 =	simm.s32 $0x14C00;
	[dreg:$0x13] =	wrdreg s25;
	s5 =	sadd.s32 s5, s10  }
0x23: {  	s25 =	smax.u32 s8, $0x1;
	s8 =	simm.s32 $0x1;
	s10 =	simm.s32 $0x3  }
0x24: {  	s24 =	sadd.s32 $0x24900, s5;
	[dreg:$0x19] =	wrdreg s25;
	s5 =	simm.s32 $0x14C80  }
0x25: {  	v0 =	vimm.f32 $0.0e+00;
	v1 =	vimm.s32 $0x0;
	s25 =	simm.s32 $0x14A80;
	[dreg:$0x18] =	wrdreg s24;
	s24 =	simm.s32 $0x14300  }
.LBB2_6:
0x26: {  	[bflag:$0x0] =	sbarrier.arrive $0xFFFF  }
0x27: {  	s13 =	rddreg [dreg:$0x12]  }
0x28: {  	s16 =	simm.s32 $0x1CC80;
	s18 =	rddreg [dreg:$0x10]  }
0x29: {  	[hbm4b:s13+s4] =	stream.linear.scatter [tilespmem:s16], [sflag:$0x1], $0x10, $0x38;
	[tilespmem:$0x1CD00] =	vst v63  }
0x2a: {  	s17 =	rddreg [dreg:$0x18];
	s13 =	sshrl.u32 @p0 s18, $0x3;
	s16 =	simm.s32 @p0 $0x1FC7  }
0x2b: {  	[hbm:s17], [sflag:s16] =	dma.local @p0 [spmem:s13], $0x2800  }
0x2c: {  	s13 =	simm.s32 @p0 $0x7  }
0x2d: {  	_ =	swait.ge @p0 [sflag:s13], $0x2800  }
0x2e: {  	s16 =	stileid.u32;
	s17 =	rddreg [dreg:$0xb]  }
0x2f: {  	s16 =	sshll.u32 @!p0 s16, $0x6;
	[sflag:s13] =	ssyncset.done @p0 $0x0;
	s21 =	rddreg [dreg:$0x13]  }
0x30: {  	[sflag:s13] =	ssyncadd.s32 @p0 $0xFFFFD800;
	s13 =	sor.u32 @!p0 $0x1C07, s16;
	s16 =	sshrl.u32 @!p0 s17, $0x3  }
0x31: {  	[hbm:s21], [sflag:s13] =	dma.local @!p0 [spmem:s16], $0x2700  }
0x32: {  	s13 =	simm.s32 @!p0 $0x7  }
0x33: {  	_ =	swait.ge @!p0 [sflag:s13], $0x2700  }
0x34: {  	[sflag:s13] =	ssyncset.done @!p0 $0x0  }
0x35: {  	[sflag:s13] =	ssyncadd.s32 @!p0 $0xFFFFD900  }
0x36: {  	_ =	swait.ge [sflag:s8], $0x10  }
0x37: {  	s13 =	rddreg [dreg:$0x1b]  }
0x38: {  	s21 =	rddreg [dreg:$0x19];
	s16 =	sadd.s32 $0x1, s13  }
0x39: {  	p1 =	sne.s32 s16, s21  }
.Ltmp1:
0x3a: {  	_ = 	snop;
	(pc) =	sbr.rel @!p1 .LBB2_7-.Ltmp1, $3  }
0x3b: {  	_ =	sdelay $0x1  }
0x3c: {  	[sflag:s8] =	ssyncset.done $0x0  }
0x3d: {  	[sflag:s8] =	ssyncadd.s32 $0xFFFFFFF0  }
.LBB2_1:
0x3e: {  	[dreg:$0x1b] =	wrdreg s16  }
0x3f: {  	s13 =	rddreg [dreg:$0x7]  }
0x40: {  	[tilespmem:s28], [sflag:$0x5] =	stream.linear.gather [hbm4b:s13+s4], $0x400, $0x38;
	[tilespmem:$0x1CD00] =	vst v63  }
0x41: {  	s21 =	rddreg [dreg:$0x8]  }
0x42: {  	[tilespmem:s29], [sflag:$0x5] =	stream.linear.gather [hbm4b:s21+s4], $0x400, $0x38;
	[tilespmem:$0x1CD00] =	vst v63  }
0x43: {  	s16 =	rddreg [dreg:$0x9]  }
0x44: {  	[tilespmem:s30], [sflag:$0x6] =	stream.linear.gather [hbm4b:s16+s4], $0x400, $0x38;
	[tilespmem:$0x1CD00] =	vst v63  }
0x45: {  	s13 =	simm.s32 $0x0;
	s21 =	rddreg [dreg:$0xa];
	s16 =	simm.s32 $0x200  }
0x46: {  	[tilespmem:s31], [sflag:$0x6] =	stream.linear.gather [hbm4b:s21+s4], $0x400, $0x38;
	[tilespmem:$0x1CD00] =	vst v63  }
.LBB2_2:
0x47: {  	p1 =	sne.s32 s16, $0xFE00;
	[tilespmem:s13+$0x14CF0] =	vst v0  }
0x48: {  	[tilespmem:s13+$0x14C80] =	vst v0  }
0x49: {  	[tilespmem:s13+$0x14C90] =	vst v0  }
.Ltmp2:
0x4a: {  	[tilespmem:s13+$0x14CA0] =	vst v0;
	(pc) =	sbr.rel @p1 .LBB2_2-.Ltmp2, $4  }
0x4b: {  	[tilespmem:s13+$0x14CB0] =	vst v0  }
0x4c: {  	[tilespmem:s13+$0x14CC0] =	vst v0  }
0x4d: {  	[tilespmem:s13+$0x14CD0] =	vst v0  }
0x4e: {  	[tilespmem:s13+$0x14CE0] =	vst v0;
	s13 =	sshra.s32 s16, $0x2;
	s16 =	sadd.s32 $0x200, s16  }
0x4f: {  	[tilespmem:s13+$0x14CF0] =	vst v0  }
0x50: {  	[tilespmem:s13+$0x14C80] =	vst v0  }
0x51: {  	[tilespmem:s13+$0x14C90] =	vst v0  }
0x52: {  	[tilespmem:s13+$0x14CA0] =	vst v0  }
0x53: {  	[tilespmem:s13+$0x14CB0] =	vst v0  }
0x54: {  	[tilespmem:s13+$0x14CC0] =	vst v0  }
0x55: {  	[tilespmem:s13+$0x14CD0] =	vst v0  }
0x56: {  	[tilespmem:s13+$0x14CE0] =	vst v0;
	s13 =	simm.s32 @p0 $0x14C80;
	s16 =	simm.s32 @p0 $0x7  }
0x57: {  	[spmem:s18] =	stream.linear.scatter @p0 [tilespmem:s13], [sflag:$0x7], $0x4000, $0x38;
	[tilespmem:$0x1CD00] =	vst v63  }
0x58: {  	_ =	swait.ge @p0 [sflag:s16], $0x4000  }
0x59: {  	[sflag:s16] =	ssyncset.done @p0 $0x0  }
0x5a: {  	s18 =	rddreg [dreg:$0x11];
	[sflag:s16] =	ssyncadd.s32 @p0 $0xFFFFC000  }
0x5b: {  	[spmem:s18] =	stream.linear.scatter @p0 [tilespmem:s13], [sflag:$0x7], $0x4000, $0x38;
	[tilespmem:$0x1CD00] =	vst v63  }
0x5c: {  	_ =	swait.ge @p0 [sflag:s16], $0x4000  }
0x5d: {  	[sflag:s16] =	ssyncset.done @p0 $0x0  }
0x5e: {  	s18 =	rddreg [dreg:$0x14];
	[sflag:s16] =	ssyncadd.s32 @p0 $0xFFFFC000  }
0x5f: {  	[spmem:s18] =	stream.linear.scatter @p0 [tilespmem:s13], [sflag:$0x7], $0x4000, $0x38;
	[tilespmem:$0x1CD00] =	vst v63  }
0x60: {  	_ =	swait.ge @p0 [sflag:s16], $0x4000  }
0x61: {  	[sflag:s16] =	ssyncset.done @p0 $0x0  }
0x62: {  	s18 =	rddreg [dreg:$0x15];
	[sflag:s16] =	ssyncadd.s32 @p0 $0xFFFFC000  }
0x63: {  	[spmem:s18] =	stream.linear.scatter @p0 [tilespmem:s13], [sflag:$0x7], $0x4000, $0x38;
	[tilespmem:$0x1CD00] =	vst v63  }
0x64: {  	_ =	swait.ge @p0 [sflag:s16], $0x4000  }
0x65: {  	[sflag:s16] =	ssyncset.done @p0 $0x0  }
0x66: {  	s18 =	rddreg [dreg:$0x17];
	[sflag:s16] =	ssyncadd.s32 @p0 $0xFFFFC000  }
0x67: {  	[spmem:s18] =	stream.linear.scatter @p0 [tilespmem:s13], [sflag:$0x7], $0x4000, $0x38;
	[tilespmem:$0x1CD00] =	vst v63  }
0x68: {  	_ =	swait.ge @p0 [sflag:s16], $0x4000  }
0x69: {  	[sflag:s16] =	ssyncset.done @p0 $0x0  }
0x6a: {  	s18 =	rddreg [dreg:$0x1a];
	[sflag:s16] =	ssyncadd.s32 @p0 $0xFFFFC000  }
0x6b: {  	[spmem:s18] =	stream.linear.scatter @p0 [tilespmem:s13], [sflag:$0x7], $0x4000, $0x38;
	[tilespmem:$0x1CD00] =	vst v63  }
0x6c: {  	_ =	swait.ge @p0 [sflag:s16], $0x4000  }
0x6d: {  	[sflag:s16] =	ssyncset.done @p0 $0x0  }
0x6e: {  	s13 =	simm.s32 @!p0 $0x14C80;
	[sflag:s16] =	ssyncadd.s32 @p0 $0xFFFFC000;
	s16 =	simm.s32 @!p0 $0x7  }
0x6f: {  	[spmem:s17] =	stream.linear.scatter @!p0 [tilespmem:s13], [sflag:$0x7], $0x4000, $0x38;
	[tilespmem:$0x1CD00] =	vst v63  }
0x70: {  	_ =	swait.ge @!p0 [sflag:s16], $0x4000  }
0x71: {  	[sflag:s16] =	ssyncset.done @!p0 $0x0  }
0x72: {  	s17 =	rddreg [dreg:$0xc];
	[sflag:s16] =	ssyncadd.s32 @!p0 $0xFFFFC000  }
0x73: {  	[spmem:s17] =	stream.linear.scatter @!p0 [tilespmem:s13], [sflag:$0x7], $0x4000, $0x38;
	[tilespmem:$0x1CD00] =	vst v63  }
0x74: {  	_ =	swait.ge @!p0 [sflag:s16], $0x4000  }
0x75: {  	[sflag:s16] =	ssyncset.done @!p0 $0x0  }
0x76: {  	s17 =	rddreg [dreg:$0xd];
	[sflag:s16] =	ssyncadd.s32 @!p0 $0xFFFFC000  }
0x77: {  	[spmem:s17] =	stream.linear.scatter @!p0 [tilespmem:s13], [sflag:$0x7], $0x4000, $0x38;
	[tilespmem:$0x1CD00] =	vst v63  }
0x78: {  	_ =	swait.ge @!p0 [sflag:s16], $0x4000  }
0x79: {  	[sflag:s16] =	ssyncset.done @!p0 $0x0  }
0x7a: {  	s17 =	rddreg [dreg:$0xe];
	[sflag:s16] =	ssyncadd.s32 @!p0 $0xFFFFC000  }
0x7b: {  	[spmem:s17] =	stream.linear.scatter @!p0 [tilespmem:s13], [sflag:$0x7], $0x4000, $0x38;
	[tilespmem:$0x1CD00] =	vst v63  }
0x7c: {  	_ =	swait.ge @!p0 [sflag:s16], $0x4000  }
0x7d: {  	[sflag:s16] =	ssyncset.done @!p0 $0x0  }
0x7e: {  	s17 =	rddreg [dreg:$0xf];
	[sflag:s16] =	ssyncadd.s32 @!p0 $0xFFFFC000  }
0x7f: {  	[spmem:s17] =	stream.linear.scatter @!p0 [tilespmem:s13], [sflag:$0x7], $0x3800, $0x38;
	[tilespmem:$0x1CD00] =	vst v63  }
0x80: {  	_ =	swait.ge @!p0 [sflag:s16], $0x3800  }
0x81: {  	[sflag:s16] =	ssyncset.done @!p0 $0x0  }
0x82: {  	[sflag:s16] =	ssyncadd.s32 @!p0 $0xFFFFC800  }
0x83: {  	[tilespmem:$0x1CC80] =	vst v1  }
0x84: {  	[bflag:$0x0] =	sbarrier.arrive $0xFFFF  }
0x85: {  	s13 =	simm.s32 $0x0;
	s16 =	rddreg [dreg:$0x16]  }
.LBB2_4:
0x86: {  	_ =	swait.ge [sflag:s0], $0x400  }
0x87: {  	[sflag:s0] =	ssyncset.done $0x0  }
0x88: {  	[sflag:s0] =	ssyncadd.s32 $0xFFFFFC00  }
0x89: {  	_ =	swait.ge [sflag:s0], $0x400  }
0x8a: {  	[sflag:s0] =	ssyncset.done $0x0  }
0x8b: {  	[sflag:s0] =	ssyncadd.s32 $0xFFFFFC00  }
0x8c: {  	v2 =	vld [tilespmem:$0x1CC80]  }
0x8d: {  	v3 =	vld [tilespmem:$0x13C80];
	_ =	sdelay $0x1  }
0x8e: {  	v4 =	vld [tilespmem:$0x14480];
	_ =	sdelay $0x1  }
0x8f: {  	v5 =	vld [tilespmem:$0x13C90]  }
0x90: {  	vm0 =	vgt.s32 v2, v3  }
0x91: {  	v2 =	vsel vm0, v2, v3;
	v3 =	vld [tilespmem:$0x14490]  }
0x92: {  	vm0 =	vgt.s32 v2, v4  }
0x93: {  	v22 =	vld [tilespmem:$0x13CA0];
	v2 =	vsel vm0, v2, v4  }
0x94: {  	vm0 =	vgt.s32 v2, v5  }
0x95: {  	v23 =	vld [tilespmem:$0x144A0];
	v2 =	vsel vm0, v2, v5  }
0x96: {  	vm0 =	vgt.s32 v2, v3  }
0x97: {  	v2 =	vsel vm0, v2, v3;
	v3 =	vld [tilespmem:$0x13CB0]  }
0x98: {  	vm0 =	vgt.s32 v2, v22  }
0x99: {  	v24 =	vld [tilespmem:$0x144B0];
	v2 =	vsel vm0, v2, v22  }
0x9a: {  	vm0 =	vgt.s32 v2, v23  }
0x9b: {  	v25 =	vld [tilespmem:$0x13CC0];
	v2 =	vsel vm0, v2, v23  }
0x9c: {  	vm0 =	vgt.s32 v2, v3  }
0x9d: {  	v2 =	vsel vm0, v2, v3;
	v3 =	vld [tilespmem:$0x144C0]  }
0x9e: {  	vm0 =	vgt.s32 v2, v24  }
0x9f: {  	v26 =	vld [tilespmem:$0x13CD0];
	v2 =	vsel vm0, v2, v24  }
0xa0: {  	vm0 =	vgt.s32 v2, v25  }
0xa1: {  	v27 =	vld [tilespmem:$0x144D0];
	v2 =	vsel vm0, v2, v25  }
0xa2: {  	vm0 =	vgt.s32 v2, v3  }
0xa3: {  	v2 =	vsel vm0, v2, v3;
	v3 =	vld [tilespmem:$0x13CE0]  }
0xa4: {  	vm0 =	vgt.s32 v2, v26  }
0xa5: {  	v28 =	vld [tilespmem:$0x144E0];
	v2 =	vsel vm0, v2, v26  }
0xa6: {  	vm0 =	vgt.s32 v2, v27  }
0xa7: {  	v29 =	vld [tilespmem:$0x13CF0];
	v2 =	vsel vm0, v2, v27  }
0xa8: {  	vm0 =	vgt.s32 v2, v3  }
0xa9: {  	v2 =	vsel vm0, v2, v3;
	v3 =	vld [tilespmem:$0x144F0]  }
0xaa: {  	vm0 =	vgt.s32 v2, v28  }
0xab: {  	v30 =	vld [tilespmem:$0x13D00];
	v2 =	vsel vm0, v2, v28  }
0xac: {  	vm0 =	vgt.s32 v2, v29  }
0xad: {  	v31 =	vld [tilespmem:$0x14500];
	v2 =	vsel vm0, v2, v29  }
0xae: {  	vm0 =	vgt.s32 v2, v3  }
0xaf: {  	v2 =	vsel vm0, v2, v3;
	v3 =	vld [tilespmem:$0x13D10]  }
0xb0: {  	vm0 =	vgt.s32 v2, v30  }
0xb1: {  	v32 =	vld [tilespmem:$0x14510];
	v2 =	vsel vm0, v2, v30  }
0xb2: {  	vm0 =	vgt.s32 v2, v31  }
0xb3: {  	v33 =	vld [tilespmem:$0x13D20];
	v2 =	vsel vm0, v2, v31  }
0xb4: {  	vm0 =	vgt.s32 v2, v3  }
0xb5: {  	v2 =	vsel vm0, v2, v3;
	v3 =	vld [tilespmem:$0x14520]  }
0xb6: {  	vm0 =	vgt.s32 v2, v32  }
0xb7: {  	v34 =	vld [tilespmem:$0x13D30];
	v2 =	vsel vm0, v2, v32  }
0xb8: {  	vm0 =	vgt.s32 v2, v33  }
0xb9: {  	v35 =	vld [tilespmem:$0x14530];
	v2 =	vsel vm0, v2, v33  }
0xba: {  	vm0 =	vgt.s32 v2, v3  }
0xbb: {  	v2 =	vsel vm0, v2, v3;
	v3 =	vld [tilespmem:$0x13D40]  }
0xbc: {  	vm0 =	vgt.s32 v2, v34  }
0xbd: {  	v36 =	vld [tilespmem:$0x14540];
	v2 =	vsel vm0, v2, v34  }
0xbe: {  	vm0 =	vgt.s32 v2, v35  }
0xbf: {  	v37 =	vld [tilespmem:$0x13D50];
	v2 =	vsel vm0, v2, v35  }
0xc0: {  	vm0 =	vgt.s32 v2, v3  }
0xc1: {  	v2 =	vsel vm0, v2, v3;
	v3 =	vld [tilespmem:$0x14550]  }
0xc2: {  	vm0 =	vgt.s32 v2, v36  }
0xc3: {  	v38 =	vld [tilespmem:$0x13D60];
	v2 =	vsel vm0, v2, v36  }
0xc4: {  	vm0 =	vgt.s32 v2, v37  }
0xc5: {  	v39 =	vld [tilespmem:$0x14560];
	v2 =	vsel vm0, v2, v37  }
0xc6: {  	vm0 =	vgt.s32 v2, v3  }
0xc7: {  	v2 =	vsel vm0, v2, v3;
	v3 =	vld [tilespmem:$0x13D70]  }
0xc8: {  	vm0 =	vgt.s32 v2, v38  }
0xc9: {  	v40 =	vld [tilespmem:$0x14570];
	v2 =	vsel vm0, v2, v38  }
0xca: {  	vm0 =	vgt.s32 v2, v39  }
0xcb: {  	v41 =	vld [tilespmem:$0x13D80];
	v2 =	vsel vm0, v2, v39  }
0xcc: {  	vm0 =	vgt.s32 v2, v3  }
0xcd: {  	v2 =	vsel vm0, v2, v3;
	v3 =	vld [tilespmem:$0x14580]  }
0xce: {  	vm0 =	vgt.s32 v2, v40  }
0xcf: {  	v42 =	vld [tilespmem:$0x13D90];
	v2 =	vsel vm0, v2, v40  }
0xd0: {  	vm0 =	vgt.s32 v2, v41  }
0xd1: {  	v43 =	vld [tilespmem:$0x14590];
	v2 =	vsel vm0, v2, v41  }
0xd2: {  	vm0 =	vgt.s32 v2, v3  }
0xd3: {  	v2 =	vsel vm0, v2, v3;
	v3 =	vld [tilespmem:$0x13DA0]  }
0xd4: {  	vm0 =	vgt.s32 v2, v42  }
0xd5: {  	v44 =	vld [tilespmem:$0x145A0];
	v2 =	vsel vm0, v2, v42  }
0xd6: {  	vm0 =	vgt.s32 v2, v43  }
0xd7: {  	v45 =	vld [tilespmem:$0x13DB0];
	v2 =	vsel vm0, v2, v43  }
0xd8: {  	vm0 =	vgt.s32 v2, v3  }
0xd9: {  	v2 =	vsel vm0, v2, v3;
	v3 =	vld [tilespmem:$0x145B0]  }
0xda: {  	vm0 =	vgt.s32 v2, v44  }
0xdb: {  	v46 =	vld [tilespmem:$0x13DC0];
	v2 =	vsel vm0, v2, v44  }
0xdc: {  	vm0 =	vgt.s32 v2, v45  }
0xdd: {  	v47 =	vld [tilespmem:$0x145C0];
	v2 =	vsel vm0, v2, v45  }
0xde: {  	vm0 =	vgt.s32 v2, v3  }
0xdf: {  	v2 =	vsel vm0, v2, v3;
	v3 =	vld [tilespmem:$0x13DD0]  }
0xe0: {  	vm0 =	vgt.s32 v2, v46  }
0xe1: {  	v48 =	vld [tilespmem:$0x145D0];
	v2 =	vsel vm0, v2, v46  }
0xe2: {  	vm0 =	vgt.s32 v2, v47  }
0xe3: {  	v49 =	vld [tilespmem:$0x13DE0];
	v2 =	vsel vm0, v2, v47  }
0xe4: {  	vm0 =	vgt.s32 v2, v3  }
0xe5: {  	v2 =	vsel vm0, v2, v3;
	v3 =	vld [tilespmem:$0x145E0]  }
0xe6: {  	vm0 =	vgt.s32 v2, v48  }
0xe7: {  	v50 =	vld [tilespmem:$0x13DF0];
	v2 =	vsel vm0, v2, v48  }
0xe8: {  	vm0 =	vgt.s32 v2, v49  }
0xe9: {  	v51 =	vld [tilespmem:$0x145F0];
	v2 =	vsel vm0, v2, v49  }
0xea: {  	vm0 =	vgt.s32 v2, v3  }
0xeb: {  	v2 =	vsel vm0, v2, v3;
	v3 =	vld [tilespmem:$0x13E00]  }
0xec: {  	vm0 =	vgt.s32 v2, v50  }
0xed: {  	v52 =	vld [tilespmem:$0x14600];
	v2 =	vsel vm0, v2, v50  }
0xee: {  	vm0 =	vgt.s32 v2, v51  }
0xef: {  	v53 =	vld [tilespmem:$0x13E10];
	v2 =	vsel vm0, v2, v51  }
0xf0: {  	vm0 =	vgt.s32 v2, v3  }
0xf1: {  	v2 =	vsel vm0, v2, v3;
	v3 =	vld [tilespmem:$0x14610]  }
0xf2: {  	vm0 =	vgt.s32 v2, v52  }
0xf3: {  	v54 =	vld [tilespmem:$0x13E20];
	v2 =	vsel vm0, v2, v52  }
0xf4: {  	vm0 =	vgt.s32 v2, v53  }
0xf5: {  	v55 =	vld [tilespmem:$0x14620];
	v2 =	vsel vm0, v2, v53  }
0xf6: {  	vm0 =	vgt.s32 v2, v3  }
0xf7: {  	v2 =	vsel vm0, v2, v3;
	v3 =	vld [tilespmem:$0x13E30]  }
0xf8: {  	vm0 =	vgt.s32 v2, v54  }
0xf9: {  	v56 =	vld [tilespmem:$0x14630];
	v2 =	vsel vm0, v2, v54  }
0xfa: {  	vm0 =	vgt.s32 v2, v55  }
0xfb: {  	v57 =	vld [tilespmem:$0x13E40];
	v2 =	vsel vm0, v2, v55  }
0xfc: {  	vm0 =	vgt.s32 v2, v3  }
0xfd: {  	v2 =	vsel vm0, v2, v3;
	v3 =	vld [tilespmem:$0x14640]  }
0xfe: {  	vm0 =	vgt.s32 v2, v56  }
0xff: {  	v58 =	vld [tilespmem:$0x13E50];
	v2 =	vsel vm0, v2, v56  }
0x100: {  	vm0 =	vgt.s32 v2, v57  }
0x101: {  	v59 =	vld [tilespmem:$0x14650];
	v2 =	vsel vm0, v2, v57  }
0x102: {  	vm0 =	vgt.s32 v2, v3  }
0x103: {  	v2 =	vsel vm0, v2, v3;
	v3 =	vld [tilespmem:$0x13E60]  }
0x104: {  	vm0 =	vgt.s32 v2, v58  }
0x105: {  	v60 =	vld [tilespmem:$0x14660];
	v2 =	vsel vm0, v2, v58  }
0x106: {  	vm0 =	vgt.s32 v2, v59  }
0x107: {  	v61 =	vld [tilespmem:$0x13E70];
	v2 =	vsel vm0, v2, v59  }
0x108: {  	vm0 =	vgt.s32 v2, v3  }
0x109: {  	v2 =	vsel vm0, v2, v3;
	v3 =	vld [tilespmem:$0x14670]  }
0x10a: {  	vm0 =	vgt.s32 v2, v60  }
0x10b: {  	v62 =	vld [tilespmem:$0x13E80];
	v2 =	vsel vm0, v2, v60  }
0x10c: {  	vm0 =	vgt.s32 v2, v61  }
0x10d: {  	v63 =	vld [tilespmem:$0x14680];
	v2 =	vsel vm0, v2, v61  }
0x10e: {  	vm0 =	vgt.s32 v2, v3  }
0x10f: {  	v2 =	vsel vm0, v2, v3;
	v3 =	vld [tilespmem:$0x13E90]  }
0x110: {  	vm0 =	vgt.s32 v2, v62  }
0x111: {  	v8 =	vld [tilespmem:$0x14690];
	v2 =	vsel vm0, v2, v62  }
0x112: {  	vm0 =	vgt.s32 v2, v63  }
0x113: {  	v9 =	vld [tilespmem:$0x13EA0];
	v2 =	vsel vm0, v2, v63  }
0x114: {  	vm0 =	vgt.s32 v2, v3  }
0x115: {  	v2 =	vsel vm0, v2, v3;
	v3 =	vld [tilespmem:$0x146A0]  }
0x116: {  	vm0 =	vgt.s32 v2, v8  }
0x117: {  	v10 =	vld [tilespmem:$0x13EB0];
	v2 =	vsel vm0, v2, v8  }
0x118: {  	vm0 =	vgt.s32 v2, v9  }
0x119: {  	v11 =	vld [tilespmem:$0x146B0];
	v2 =	vsel vm0, v2, v9  }
0x11a: {  	vm0 =	vgt.s32 v2, v3  }
0x11b: {  	v2 =	vsel vm0, v2, v3;
	v3 =	vld [tilespmem:$0x13EC0]  }
0x11c: {  	vm0 =	vgt.s32 v2, v10  }
0x11d: {  	v12 =	vld [tilespmem:$0x146C0];
	v2 =	vsel vm0, v2, v10  }
0x11e: {  	vm0 =	vgt.s32 v2, v11  }
0x11f: {  	v13 =	vld [tilespmem:$0x13ED0];
	v2 =	vsel vm0, v2, v11  }
0x120: {  	vm0 =	vgt.s32 v2, v3  }
0x121: {  	v2 =	vsel vm0, v2, v3;
	v3 =	vld [tilespmem:$0x146D0]  }
0x122: {  	vm0 =	vgt.s32 v2, v12  }
0x123: {  	v14 =	vld [tilespmem:$0x13EE0];
	v2 =	vsel vm0, v2, v12  }
0x124: {  	vm0 =	vgt.s32 v2, v13  }
0x125: {  	v15 =	vld [tilespmem:$0x146E0];
	v2 =	vsel vm0, v2, v13  }
0x126: {  	vm0 =	vgt.s32 v2, v3  }
0x127: {  	v2 =	vsel vm0, v2, v3;
	v3 =	vld [tilespmem:$0x13EF0]  }
0x128: {  	vm0 =	vgt.s32 v2, v14  }
0x129: {  	v16 =	vld [tilespmem:$0x146F0];
	v2 =	vsel vm0, v2, v14  }
0x12a: {  	vm0 =	vgt.s32 v2, v15  }
0x12b: {  	v17 =	vld [tilespmem:$0x13F00];
	v2 =	vsel vm0, v2, v15  }
0x12c: {  	vm0 =	vgt.s32 v2, v3  }
0x12d: {  	v2 =	vsel vm0, v2, v3;
	v3 =	vld [tilespmem:$0x14700]  }
0x12e: {  	vm0 =	vgt.s32 v2, v16  }
0x12f: {  	v18 =	vld [tilespmem:$0x13F10];
	v2 =	vsel vm0, v2, v16  }
0x130: {  	vm0 =	vgt.s32 v2, v17  }
0x131: {  	v19 =	vld [tilespmem:$0x14710];
	v2 =	vsel vm0, v2, v17  }
0x132: {  	vm0 =	vgt.s32 v2, v3  }
0x133: {  	v2 =	vsel vm0, v2, v3;
	v3 =	vld [tilespmem:$0x13F20]  }
0x134: {  	vm0 =	vgt.s32 v2, v18  }
0x135: {  	v20 =	vld [tilespmem:$0x14720];
	v2 =	vsel vm0, v2, v18  }
0x136: {  	vm0 =	vgt.s32 v2, v19  }
0x137: {  	v21 =	vld [tilespmem:$0x13F30];
	v2 =	vsel vm0, v2, v19  }
0x138: {  	vm0 =	vgt.s32 v2, v3  }
0x139: {  	v2 =	vsel vm0, v2, v3;
	v3 =	vld [tilespmem:$0x14730]  }
0x13a: {  	vm0 =	vgt.s32 v2, v20  }
0x13b: {  	v22 =	vld [tilespmem:$0x13F40];
	v2 =	vsel vm0, v2, v20  }
0x13c: {  	vm0 =	vgt.s32 v2, v21  }
0x13d: {  	v23 =	vld [tilespmem:$0x14740];
	v2 =	vsel vm0, v2, v21  }
0x13e: {  	vm0 =	vgt.s32 v2, v3  }
0x13f: {  	v2 =	vsel vm0, v2, v3;
	v3 =	vld [tilespmem:$0x13F50]  }
0x140: {  	vm0 =	vgt.s32 v2, v22  }
0x141: {  	v24 =	vld [tilespmem:$0x14750];
	v2 =	vsel vm0, v2, v22  }
0x142: {  	vm0 =	vgt.s32 v2, v23  }
0x143: {  	v25 =	vld [tilespmem:$0x13F60];
	v2 =	vsel vm0, v2, v23  }
0x144: {  	vm0 =	vgt.s32 v2, v3  }
0x145: {  	v2 =	vsel vm0, v2, v3;
	v3 =	vld [tilespmem:$0x14760]  }
0x146: {  	vm0 =	vgt.s32 v2, v24  }
0x147: {  	v26 =	vld [tilespmem:$0x13F70];
	v2 =	vsel vm0, v2, v24  }
0x148: {  	vm0 =	vgt.s32 v2, v25  }
0x149: {  	v27 =	vld [tilespmem:$0x14770];
	v2 =	vsel vm0, v2, v25  }
0x14a: {  	vm0 =	vgt.s32 v2, v3  }
0x14b: {  	v2 =	vsel vm0, v2, v3;
	v3 =	vld [tilespmem:$0x13F80]  }
0x14c: {  	vm0 =	vgt.s32 v2, v26  }
0x14d: {  	v28 =	vld [tilespmem:$0x14780];
	v2 =	vsel vm0, v2, v26  }
0x14e: {  	vm0 =	vgt.s32 v2, v27  }
0x14f: {  	v29 =	vld [tilespmem:$0x13F90];
	v2 =	vsel vm0, v2, v27  }
0x150: {  	vm0 =	vgt.s32 v2, v3  }
0x151: {  	v2 =	vsel vm0, v2, v3;
	v3 =	vld [tilespmem:$0x14790]  }
0x152: {  	vm0 =	vgt.s32 v2, v28  }
0x153: {  	v30 =	vld [tilespmem:$0x13FA0];
	v2 =	vsel vm0, v2, v28  }
0x154: {  	vm0 =	vgt.s32 v2, v29  }
0x155: {  	v31 =	vld [tilespmem:$0x147A0];
	v2 =	vsel vm0, v2, v29  }
0x156: {  	vm0 =	vgt.s32 v2, v3  }
0x157: {  	v2 =	vsel vm0, v2, v3;
	v3 =	vld [tilespmem:$0x13FB0]  }
0x158: {  	vm0 =	vgt.s32 v2, v30  }
0x159: {  	v32 =	vld [tilespmem:$0x147B0];
	v2 =	vsel vm0, v2, v30  }
0x15a: {  	vm0 =	vgt.s32 v2, v31  }
0x15b: {  	v33 =	vld [tilespmem:$0x13FC0];
	v2 =	vsel vm0, v2, v31  }
0x15c: {  	vm0 =	vgt.s32 v2, v3  }
0x15d: {  	v2 =	vsel vm0, v2, v3;
	v3 =	vld [tilespmem:$0x147C0]  }
0x15e: {  	vm0 =	vgt.s32 v2, v32  }
0x15f: {  	v34 =	vld [tilespmem:$0x13FD0];
	v2 =	vsel vm0, v2, v32  }
0x160: {  	vm0 =	vgt.s32 v2, v33  }
0x161: {  	v35 =	vld [tilespmem:$0x147D0];
	v2 =	vsel vm0, v2, v33  }
0x162: {  	vm0 =	vgt.s32 v2, v3  }
0x163: {  	v2 =	vsel vm0, v2, v3;
	v3 =	vld [tilespmem:$0x13FE0]  }
0x164: {  	vm0 =	vgt.s32 v2, v34  }
0x165: {  	v36 =	vld [tilespmem:$0x147E0];
	v2 =	vsel vm0, v2, v34  }
0x166: {  	vm0 =	vgt.s32 v2, v35  }
0x167: {  	v37 =	vld [tilespmem:$0x13FF0];
	v2 =	vsel vm0, v2, v35  }
0x168: {  	vm0 =	vgt.s32 v2, v3  }
0x169: {  	v2 =	vsel vm0, v2, v3;
	v3 =	vld [tilespmem:$0x147F0]  }
0x16a: {  	vm0 =	vgt.s32 v2, v36  }
0x16b: {  	v38 =	vld [tilespmem:$0x14000];
	v2 =	vsel vm0, v2, v36  }
0x16c: {  	vm0 =	vgt.s32 v2, v37  }
0x16d: {  	v39 =	vld [tilespmem:$0x14800];
	v2 =	vsel vm0, v2, v37  }
0x16e: {  	vm0 =	vgt.s32 v2, v3  }
0x16f: {  	v2 =	vsel vm0, v2, v3;
	v3 =	vld [tilespmem:$0x14010]  }
0x170: {  	vm0 =	vgt.s32 v2, v38  }
0x171: {  	v40 =	vld [tilespmem:$0x14810];
	v2 =	vsel vm0, v2, v38  }
0x172: {  	vm0 =	vgt.s32 v2, v39  }
0x173: {  	v41 =	vld [tilespmem:$0x14020];
	v2 =	vsel vm0, v2, v39  }
0x174: {  	vm0 =	vgt.s32 v2, v3  }
0x175: {  	v2 =	vsel vm0, v2, v3;
	v3 =	vld [tilespmem:$0x14820]  }
0x176: {  	vm0 =	vgt.s32 v2, v40  }
0x177: {  	v42 =	vld [tilespmem:$0x14030];
	v2 =	vsel vm0, v2, v40  }
0x178: {  	vm0 =	vgt.s32 v2, v41  }
0x179: {  	v43 =	vld [tilespmem:$0x14830];
	v2 =	vsel vm0, v2, v41  }
0x17a: {  	vm0 =	vgt.s32 v2, v3  }
0x17b: {  	v2 =	vsel vm0, v2, v3;
	v3 =	vld [tilespmem:$0x14040]  }
0x17c: {  	vm0 =	vgt.s32 v2, v42  }
0x17d: {  	v44 =	vld [tilespmem:$0x14840];
	v2 =	vsel vm0, v2, v42  }
0x17e: {  	vm0 =	vgt.s32 v2, v43  }
0x17f: {  	v45 =	vld [tilespmem:$0x14050];
	v2 =	vsel vm0, v2, v43  }
0x180: {  	vm0 =	vgt.s32 v2, v3  }
0x181: {  	v2 =	vsel vm0, v2, v3;
	v3 =	vld [tilespmem:$0x14850]  }
0x182: {  	vm0 =	vgt.s32 v2, v44  }
0x183: {  	v46 =	vld [tilespmem:$0x14060];
	v2 =	vsel vm0, v2, v44  }
0x184: {  	vm0 =	vgt.s32 v2, v45  }
0x185: {  	v47 =	vld [tilespmem:$0x14860];
	v2 =	vsel vm0, v2, v45  }
0x186: {  	vm0 =	vgt.s32 v2, v3  }
0x187: {  	v2 =	vsel vm0, v2, v3;
	v3 =	vld [tilespmem:$0x14070]  }
0x188: {  	vm0 =	vgt.s32 v2, v46  }
0x189: {  	v48 =	vld [tilespmem:$0x14870];
	v2 =	vsel vm0, v2, v46  }
0x18a: {  	vm0 =	vgt.s32 v2, v47  }
0x18b: {  	v2 =	vsel vm0, v2, v47  }
0x18c: {  	vm0 =	vgt.s32 v2, v3  }
0x18d: {  	v2 =	vsel vm0, v2, v3  }
0x18e: {  	vm0 =	vgt.s32 v2, v48  }
0x18f: {  	v2 =	vsel vm0, v2, v48  }
0x190: {  	[tilespmem:$0x1CC80] =	vst v2  }
0x191: {  	[tilespmem:s5], [sflag:$0x1] =	stream.indirect.gather [hbm4b:s1+s2], $0x80, s28, s2, $0xb8;
	[tilespmem:$0x1CD00] =	vst v63  }
0x192: {  	s17 =	simm.s32 $0x13D00  }
0x193: {  	[tilespmem:s7], [sflag:$0x2] =	stream.indirect.gather [hbm4b:s1+s2], $0x80, s17, s2, $0xb8;
	[tilespmem:$0x1CD00] =	vst v63  }
0x194: {  	_ =	swait.ge [sflag:s8], $0x4000  }
0x195: {  	[sflag:s8] =	ssyncset.done $0x0  }
0x196: {  	[sflag:s8] =	ssyncadd.s32 $0xFFFFC000  }
0x197: {  	[spmem:s3] =	stream.indirect.scatter.add.f32 [tilespmem:s5], [sflag:$0x3], $0x80, s29, s2, $0xb8;
	[tilespmem:$0x1CD00] =	vst v63  }
0x198: {  	_ =	swait.ge [sflag:s10], $0x4000  }
0x199: {  	[sflag:s10] =	ssyncset.done $0x0  }
0x19a: {  	s21 =	simm.s32 $0x13D80;
	[sflag:s10] =	ssyncadd.s32 $0xFFFFC000  }
0x19b: {  	[tilespmem:s5], [sflag:$0x1] =	stream.indirect.gather [hbm4b:s1+s2], $0x80, s21, s2, $0xb8;
	[tilespmem:$0x1CD00] =	vst v63  }
0x19c: {  	_ =	swait.ge [sflag:s12], $0x4000  }
0x19d: {  	[sflag:s12] =	ssyncset.done $0x0  }
0x19e: {  	s18 =	simm.s32 $0x14500;
	[sflag:s12] =	ssyncadd.s32 $0xFFFFC000  }
0x19f: {  	[spmem:s3] =	stream.indirect.scatter.add.f32 [tilespmem:s7], [sflag:$0x4], $0x80, s18, s2, $0xb8;
	[tilespmem:$0x1CD00] =	vst v63  }
0x1a0: {  	_ =	swait.ge [sflag:s15], $0x4000  }
0x1a1: {  	[sflag:s15] =	ssyncset.done $0x0  }
0x1a2: {  	s21 =	simm.s32 $0x13E00;
	[sflag:s15] =	ssyncadd.s32 $0xFFFFC000  }
0x1a3: {  	[tilespmem:s7], [sflag:$0x2] =	stream.indirect.gather [hbm4b:s1+s2], $0x80, s21, s2, $0xb8;
	[tilespmem:$0x1CD00] =	vst v63  }
0x1a4: {  	_ =	swait.ge [sflag:s8], $0x4000  }
0x1a5: {  	[sflag:s8] =	ssyncset.done $0x0  }
0x1a6: {  	s18 =	simm.s32 $0x14580;
	[sflag:s8] =	ssyncadd.s32 $0xFFFFC000  }
0x1a7: {  	[spmem:s3] =	stream.indirect.scatter.add.f32 [tilespmem:s5], [sflag:$0x3], $0x80, s18, s2, $0xb8;
	[tilespmem:$0x1CD00] =	vst v63  }
0x1a8: {  	_ =	swait.ge [sflag:s10], $0x4000  }
0x1a9: {  	[sflag:s10] =	ssyncset.done $0x0  }
0x1aa: {  	s21 =	simm.s32 $0x13E80;
	[sflag:s10] =	ssyncadd.s32 $0xFFFFC000  }
0x1ab: {  	[tilespmem:s5], [sflag:$0x1] =	stream.indirect.gather [hbm4b:s1+s2], $0x80, s21, s2, $0xb8;
	[tilespmem:$0x1CD00] =	vst v63  }
0x1ac: {  	_ =	swait.ge [sflag:s12], $0x4000  }
0x1ad: {  	[sflag:s12] =	ssyncset.done $0x0  }
0x1ae: {  	s18 =	simm.s32 $0x14600;
	[sflag:s12] =	ssyncadd.s32 $0xFFFFC000  }
0x1af: {  	[spmem:s3] =	stream.indirect.scatter.add.f32 [tilespmem:s7], [sflag:$0x4], $0x80, s18, s2, $0xb8;
	[tilespmem:$0x1CD00] =	vst v63  }
0x1b0: {  	_ =	swait.ge [sflag:s15], $0x4000  }
0x1b1: {  	[sflag:s15] =	ssyncset.done $0x0  }
0x1b2: {  	s21 =	simm.s32 $0x13F00;
	[sflag:s15] =	ssyncadd.s32 $0xFFFFC000  }
0x1b3: {  	[tilespmem:s7], [sflag:$0x2] =	stream.indirect.gather [hbm4b:s1+s2], $0x80, s21, s2, $0xb8;
	[tilespmem:$0x1CD00] =	vst v63  }
0x1b4: {  	_ =	swait.ge [sflag:s8], $0x4000  }
0x1b5: {  	[sflag:s8] =	ssyncset.done $0x0  }
0x1b6: {  	s18 =	simm.s32 $0x14680;
	[sflag:s8] =	ssyncadd.s32 $0xFFFFC000  }
0x1b7: {  	[spmem:s3] =	stream.indirect.scatter.add.f32 [tilespmem:s5], [sflag:$0x3], $0x80, s18, s2, $0xb8;
	[tilespmem:$0x1CD00] =	vst v63  }
0x1b8: {  	_ =	swait.ge [sflag:s10], $0x4000  }
0x1b9: {  	[sflag:s10] =	ssyncset.done $0x0  }
0x1ba: {  	s21 =	simm.s32 $0x13F80;
	[sflag:s10] =	ssyncadd.s32 $0xFFFFC000  }
0x1bb: {  	[tilespmem:s5], [sflag:$0x1] =	stream.indirect.gather [hbm4b:s1+s2], $0x80, s21, s2, $0xb8;
	[tilespmem:$0x1CD00] =	vst v63  }
0x1bc: {  	_ =	swait.ge [sflag:s12], $0x4000  }
0x1bd: {  	[sflag:s12] =	ssyncset.done $0x0  }
0x1be: {  	s18 =	simm.s32 $0x14700;
	[sflag:s12] =	ssyncadd.s32 $0xFFFFC000  }
0x1bf: {  	[spmem:s3] =	stream.indirect.scatter.add.f32 [tilespmem:s7], [sflag:$0x4], $0x80, s18, s2, $0xb8;
	[tilespmem:$0x1CD00] =	vst v63  }
0x1c0: {  	_ =	swait.ge [sflag:s15], $0x4000  }
0x1c1: {  	[sflag:s15] =	ssyncset.done $0x0  }
0x1c2: {  	s21 =	simm.s32 $0x14000;
	[sflag:s15] =	ssyncadd.s32 $0xFFFFC000  }
0x1c3: {  	[tilespmem:s7], [sflag:$0x2] =	stream.indirect.gather [hbm4b:s1+s2], $0x80, s21, s2, $0xb8;
	[tilespmem:$0x1CD00] =	vst v63  }
0x1c4: {  	_ =	swait.ge [sflag:s8], $0x4000  }
0x1c5: {  	[sflag:s8] =	ssyncset.done $0x0  }
0x1c6: {  	s18 =	simm.s32 $0x14780;
	[sflag:s8] =	ssyncadd.s32 $0xFFFFC000  }
0x1c7: {  	[spmem:s3] =	stream.indirect.scatter.add.f32 [tilespmem:s5], [sflag:$0x3], $0x80, s18, s2, $0xb8;
	[tilespmem:$0x1CD00] =	vst v63  }
0x1c8: {  	_ =	swait.ge [sflag:s10], $0x4000  }
0x1c9: {  	[sflag:s10] =	ssyncset.done $0x0  }
0x1ca: {  	[sflag:s10] =	ssyncadd.s32 $0xFFFFC000  }
0x1cb: {  	_ =	swait.ge [sflag:s9], $0x400  }
0x1cc: {  	[sflag:s9] =	ssyncset.done $0x0  }
0x1cd: {  	[sflag:s9] =	ssyncadd.s32 $0xFFFFFC00  }
0x1ce: {  	_ =	swait.ge [sflag:s9], $0x400  }
0x1cf: {  	[sflag:s9] =	ssyncset.done $0x0  }
0x1d0: {  	[sflag:s9] =	ssyncadd.s32 $0xFFFFFC00  }
0x1d1: {  	[tilespmem:s5], [sflag:$0x1] =	stream.indirect.gather [hbm4b:s1+s2], $0x80, s30, s2, $0xb8;
	[tilespmem:$0x1CD00] =	vst v63  }
0x1d2: {  	_ =	swait.ge [sflag:s12], $0x4000  }
0x1d3: {  	[sflag:s12] =	ssyncset.done $0x0  }
0x1d4: {  	s21 =	simm.s32 $0x14800;
	[sflag:s12] =	ssyncadd.s32 $0xFFFFC000  }
0x1d5: {  	[spmem:s3] =	stream.indirect.scatter.add.f32 [tilespmem:s7], [sflag:$0x4], $0x80, s21, s2, $0xb8;
	[tilespmem:$0x1CD00] =	vst v63  }
0x1d6: {  	_ =	swait.ge [sflag:s15], $0x4000  }
0x1d7: {  	p1 =	seq.s32 s13, $0x8000;
	[sflag:s15] =	ssyncset.done $0x0  }
0x1d8: {  	s17 =	sadd.s32 @!p1 s13, s19;
	s18 =	simm.s32 $0x14100;
	[sflag:s15] =	ssyncadd.s32 $0xFFFFC000  }
0x1d9: {  	[tilespmem:s7], [sflag:$0x2] =	stream.indirect.gather [hbm4b:s1+s2], $0x80, s18, s2, $0xb8;
	[tilespmem:$0x1CD00] =	vst v63  }
0x1da: {  	s17 =	sadd.s32 @!p1 $0x2000, s17;
	s21 =	simm.s32 @!p1 $0x13C80;
	s18 =	simm.s32 @!p1 $0x0  }
0x1db: {  	[tilespmem:s21], [sflag:$0x5] =	stream.linear.gather @!p1 [hbm4b:s17+s18], $0x400, $0x38;
	[tilespmem:$0x1CD00] =	vst v63  }
0x1dc: {  	s17 =	sadd.s32 @!p1 s13, s20  }
0x1dd: {  	s21 =	simm.s32 @!p1 $0x14480;
	s17 =	sadd.s32 @!p1 $0x2000, s17  }
0x1de: {  	[tilespmem:s21], [sflag:$0x5] =	stream.linear.gather @!p1 [hbm4b:s17+s18], $0x400, $0x38;
	[tilespmem:$0x1CD00] =	vst v63  }
0x1df: {  	v2 =	vld [tilespmem:$0x1CC80]  }
0x1e0: {  	v3 =	vld [tilespmem:$0x14080];
	_ =	sdelay $0x1  }
0x1e1: {  	v49 =	vld [tilespmem:$0x14880];
	_ =	sdelay $0x1  }
0x1e2: {  	v50 =	vld [tilespmem:$0x14090]  }
0x1e3: {  	vm8 =	vgt.s32 v2, v3  }
0x1e4: {  	v6 =	vld [tilespmem:$0x14890];
	v3 =	vsel vm8, v2, v3  }
0x1e5: {  	vm0 =	vgt.s32 v3, v49  }
0x1e6: {  	v51 =	vld [tilespmem:$0x140A0];
	v3 =	vsel vm0, v3, v49  }
0x1e7: {  	vm0 =	vgt.s32 v3, v50  }
0x1e8: {  	v52 =	vld [tilespmem:$0x148A0];
	v3 =	vsel vm0, v3, v50  }
0x1e9: {  	vm0 =	vgt.s32 v3, v6  }
0x1ea: {  	v53 =	vld [tilespmem:$0x140B0];
	v3 =	vsel vm0, v3, v6  }
0x1eb: {  	vm0 =	vgt.s32 v3, v51  }
0x1ec: {  	v54 =	vld [tilespmem:$0x148B0];
	v3 =	vsel vm0, v3, v51  }
0x1ed: {  	vm0 =	vgt.s32 v3, v52  }
0x1ee: {  	v55 =	vld [tilespmem:$0x140C0];
	v3 =	vsel vm0, v3, v52  }
0x1ef: {  	vm0 =	vgt.s32 v3, v53  }
0x1f0: {  	v56 =	vld [tilespmem:$0x148C0];
	v3 =	vsel vm0, v3, v53  }
0x1f1: {  	vm0 =	vgt.s32 v3, v54  }
0x1f2: {  	v57 =	vld [tilespmem:$0x140D0];
	v3 =	vsel vm0, v3, v54  }
0x1f3: {  	vm0 =	vgt.s32 v3, v55  }
0x1f4: {  	v58 =	vld [tilespmem:$0x148D0];
	v3 =	vsel vm0, v3, v55  }
0x1f5: {  	vm0 =	vgt.s32 v3, v56  }
0x1f6: {  	v59 =	vld [tilespmem:$0x140E0];
	v3 =	vsel vm0, v3, v56  }
0x1f7: {  	vm0 =	vgt.s32 v3, v57  }
0x1f8: {  	v60 =	vld [tilespmem:$0x148E0];
	v3 =	vsel vm0, v3, v57  }
0x1f9: {  	vm0 =	vgt.s32 v3, v58  }
0x1fa: {  	v61 =	vld [tilespmem:$0x140F0];
	v3 =	vsel vm0, v3, v58  }
0x1fb: {  	vm0 =	vgt.s32 v3, v59  }
0x1fc: {  	v62 =	vld [tilespmem:$0x148F0];
	v3 =	vsel vm0, v3, v59  }
0x1fd: {  	vm0 =	vgt.s32 v3, v60  }
0x1fe: {  	v3 =	vsel vm0, v3, v60  }
0x1ff: {  	v63 =	vld [tilespmem:$0x14100];
	vm0 =	vgt.s32 v3, v61  }
0x200: {  	v3 =	vsel vm0, v3, v61  }
0x201: {  	v9 =	vld [tilespmem:$0x14900];
	vm0 =	vgt.s32 v3, v62  }
0x202: {  	p2 =	slt.u32 s16, $0x8C4;
	v3 =	vsel vm0, v3, v62  }
0x203: {  	v10 =	vld [tilespmem:$0x14110];
	v3 =	vpsel p2, v3, v2  }
0x204: {  	vm9 =	vgt.s32 v3, v63  }
0x205: {  	v11 =	vld [tilespmem:$0x14910];
	v3 =	vsel vm9, v3, v63  }
0x206: {  	vm0 =	vgt.s32 v3, v9  }
0x207: {  	v12 =	vld [tilespmem:$0x14120];
	v3 =	vsel vm0, v3, v9  }
0x208: {  	vm0 =	vgt.s32 v3, v10  }
0x209: {  	v13 =	vld [tilespmem:$0x14920];
	v3 =	vsel vm0, v3, v10  }
0x20a: {  	vm0 =	vgt.s32 v3, v11  }
0x20b: {  	v14 =	vld [tilespmem:$0x14130];
	v3 =	vsel vm0, v3, v11  }
0x20c: {  	vm0 =	vgt.s32 v3, v12  }
0x20d: {  	v15 =	vld [tilespmem:$0x14930];
	v3 =	vsel vm0, v3, v12  }
0x20e: {  	vm0 =	vgt.s32 v3, v13  }
0x20f: {  	v16 =	vld [tilespmem:$0x14140];
	v3 =	vsel vm0, v3, v13  }
0x210: {  	vm0 =	vgt.s32 v3, v14  }
0x211: {  	v17 =	vld [tilespmem:$0x14940];
	v3 =	vsel vm0, v3, v14  }
0x212: {  	vm0 =	vgt.s32 v3, v15  }
0x213: {  	v18 =	vld [tilespmem:$0x14150];
	v3 =	vsel vm0, v3, v15  }
0x214: {  	vm0 =	vgt.s32 v3, v16  }
0x215: {  	v19 =	vld [tilespmem:$0x14950];
	v3 =	vsel vm0, v3, v16  }
0x216: {  	vm0 =	vgt.s32 v3, v17  }
0x217: {  	v20 =	vld [tilespmem:$0x14160];
	v3 =	vsel vm0, v3, v17  }
0x218: {  	vm0 =	vgt.s32 v3, v18  }
0x219: {  	v21 =	vld [tilespmem:$0x14960];
	v3 =	vsel vm0, v3, v18  }
0x21a: {  	vm0 =	vgt.s32 v3, v19  }
0x21b: {  	v22 =	vld [tilespmem:$0x14170];
	v3 =	vsel vm0, v3, v19  }
0x21c: {  	vm0 =	vgt.s32 v3, v20  }
0x21d: {  	v23 =	vld [tilespmem:$0x14970];
	v3 =	vsel vm0, v3, v20  }
0x21e: {  	vm0 =	vgt.s32 v3, v21  }
0x21f: {  	v3 =	vsel vm0, v3, v21  }
0x220: {  	v24 =	vld [tilespmem:$0x14180];
	vm0 =	vgt.s32 v3, v22  }
0x221: {  	v3 =	vsel vm0, v3, v22  }
0x222: {  	v25 =	vld [tilespmem:$0x14980];
	vm0 =	vgt.s32 v3, v23  }
0x223: {  	v3 =	vsel vm0, v3, v23  }
0x224: {  	v26 =	vld [tilespmem:$0x14190];
	v3 =	vpsel p2, v3, v2  }
0x225: {  	vm10 =	vgt.s32 v3, v24  }
0x226: {  	v27 =	vld [tilespmem:$0x14990];
	v3 =	vsel vm10, v3, v24  }
0x227: {  	vm0 =	vgt.s32 v3, v25  }
0x228: {  	v28 =	vld [tilespmem:$0x141A0];
	v3 =	vsel vm0, v3, v25  }
0x229: {  	vm0 =	vgt.s32 v3, v26  }
0x22a: {  	v29 =	vld [tilespmem:$0x149A0];
	v3 =	vsel vm0, v3, v26  }
0x22b: {  	vm0 =	vgt.s32 v3, v27  }
0x22c: {  	v30 =	vld [tilespmem:$0x141B0];
	v3 =	vsel vm0, v3, v27  }
0x22d: {  	vm0 =	vgt.s32 v3, v28  }
0x22e: {  	v31 =	vld [tilespmem:$0x149B0];
	v3 =	vsel vm0, v3, v28  }
0x22f: {  	vm0 =	vgt.s32 v3, v29  }
0x230: {  	v32 =	vld [tilespmem:$0x141C0];
	v3 =	vsel vm0, v3, v29  }
0x231: {  	vm0 =	vgt.s32 v3, v30  }
0x232: {  	v33 =	vld [tilespmem:$0x149C0];
	v3 =	vsel vm0, v3, v30  }
0x233: {  	vm0 =	vgt.s32 v3, v31  }
0x234: {  	v34 =	vld [tilespmem:$0x141D0];
	v3 =	vsel vm0, v3, v31  }
0x235: {  	vm0 =	vgt.s32 v3, v32  }
0x236: {  	v35 =	vld [tilespmem:$0x149D0];
	v3 =	vsel vm0, v3, v32  }
0x237: {  	vm0 =	vgt.s32 v3, v33  }
0x238: {  	v36 =	vld [tilespmem:$0x141E0];
	v3 =	vsel vm0, v3, v33  }
0x239: {  	vm0 =	vgt.s32 v3, v34  }
0x23a: {  	v37 =	vld [tilespmem:$0x149E0];
	v3 =	vsel vm0, v3, v34  }
0x23b: {  	vm0 =	vgt.s32 v3, v35  }
0x23c: {  	v38 =	vld [tilespmem:$0x141F0];
	v3 =	vsel vm0, v3, v35  }
0x23d: {  	vm0 =	vgt.s32 v3, v36  }
0x23e: {  	v39 =	vld [tilespmem:$0x149F0];
	v3 =	vsel vm0, v3, v36  }
0x23f: {  	vm0 =	vgt.s32 v3, v37  }
0x240: {  	v3 =	vsel vm0, v3, v37  }
0x241: {  	v40 =	vld [tilespmem:$0x14200];
	vm0 =	vgt.s32 v3, v38  }
0x242: {  	v3 =	vsel vm0, v3, v38  }
0x243: {  	v41 =	vld [tilespmem:$0x14A00];
	vm0 =	vgt.s32 v3, v39  }
0x244: {  	v3 =	vsel vm0, v3, v39  }
0x245: {  	v42 =	vld [tilespmem:$0x14210];
	v3 =	vpsel p2, v3, v2  }
0x246: {  	vm11 =	vgt.s32 v3, v40  }
0x247: {  	v43 =	vld [tilespmem:$0x14A10];
	v3 =	vsel vm11, v3, v40  }
0x248: {  	vm0 =	vgt.s32 v3, v41  }
0x249: {  	v44 =	vld [tilespmem:$0x14220];
	v3 =	vsel vm0, v3, v41  }
0x24a: {  	vm0 =	vgt.s32 v3, v42  }
0x24b: {  	v45 =	vld [tilespmem:$0x14A20];
	v3 =	vsel vm0, v3, v42  }
0x24c: {  	vm0 =	vgt.s32 v3, v43  }
0x24d: {  	v46 =	vld [tilespmem:$0x14230];
	v3 =	vsel vm0, v3, v43  }
0x24e: {  	vm0 =	vgt.s32 v3, v44  }
0x24f: {  	v47 =	vld [tilespmem:$0x14A30];
	v3 =	vsel vm0, v3, v44  }
0x250: {  	vm0 =	vgt.s32 v3, v45  }
0x251: {  	v48 =	vld [tilespmem:$0x14240];
	v3 =	vsel vm0, v3, v45  }
0x252: {  	vm0 =	vgt.s32 v3, v46  }
0x253: {  	v49 =	vld [tilespmem:$0x14A40];
	v3 =	vsel vm0, v3, v46  }
0x254: {  	vm0 =	vgt.s32 v3, v47  }
0x255: {  	v50 =	vld [tilespmem:$0x14250];
	v3 =	vsel vm0, v3, v47  }
0x256: {  	vm0 =	vgt.s32 v3, v48  }
0x257: {  	v51 =	vld [tilespmem:$0x14A50];
	v3 =	vsel vm0, v3, v48  }
0x258: {  	vm0 =	vgt.s32 v3, v49  }
0x259: {  	v52 =	vld [tilespmem:$0x14260];
	v3 =	vsel vm0, v3, v49  }
0x25a: {  	vm0 =	vgt.s32 v3, v50  }
0x25b: {  	v53 =	vld [tilespmem:$0x14A60];
	v3 =	vsel vm0, v3, v50  }
0x25c: {  	vm0 =	vgt.s32 v3, v51  }
0x25d: {  	v54 =	vld [tilespmem:$0x14270];
	v3 =	vsel vm0, v3, v51  }
0x25e: {  	vm0 =	vgt.s32 v3, v52  }
0x25f: {  	v55 =	vld [tilespmem:$0x14A70];
	v3 =	vsel vm0, v3, v52  }
0x260: {  	vm0 =	vgt.s32 v3, v53  }
0x261: {  	v3 =	vsel vm0, v3, v53  }
0x262: {  	v56 =	vld [tilespmem:$0x14280];
	vm0 =	vgt.s32 v3, v54  }
0x263: {  	v3 =	vsel vm0, v3, v54  }
0x264: {  	v57 =	vld [tilespmem:$0x14A80];
	vm0 =	vgt.s32 v3, v55  }
0x265: {  	v3 =	vsel vm0, v3, v55  }
0x266: {  	v2 =	vpsel p2, v3, v2;
	v3 =	vld [tilespmem:$0x14290]  }
0x267: {  	vm12 =	vgt.s32 v2, v56  }
0x268: {  	v58 =	vld [tilespmem:$0x14A90];
	v4 =	vsel vm12, v2, v56  }
0x269: {  	vm0 =	vgt.s32 v4, v57  }
0x26a: {  	v59 =	vld [tilespmem:$0x142A0];
	v4 =	vsel vm0, v4, v57  }
0x26b: {  	vm0 =	vgt.s32 v4, v3  }
0x26c: {  	v60 =	vld [tilespmem:$0x14AA0];
	v3 =	vsel vm0, v4, v3  }
0x26d: {  	vm0 =	vgt.s32 v3, v58  }
0x26e: {  	v61 =	vld [tilespmem:$0x142B0];
	v3 =	vsel vm0, v3, v58  }
0x26f: {  	vm0 =	vgt.s32 v3, v59  }
0x270: {  	v62 =	vld [tilespmem:$0x14AB0];
	v3 =	vsel vm0, v3, v59  }
0x271: {  	vm0 =	vgt.s32 v3, v60  }
0x272: {  	v63 =	vld [tilespmem:$0x142C0];
	v3 =	vsel vm0, v3, v60  }
0x273: {  	vm0 =	vgt.s32 v3, v61  }
0x274: {  	v9 =	vld [tilespmem:$0x14AC0];
	v3 =	vsel vm0, v3, v61  }
0x275: {  	vm0 =	vgt.s32 v3, v62  }
0x276: {  	v10 =	vld [tilespmem:$0x142D0];
	v3 =	vsel vm0, v3, v62  }
0x277: {  	vm0 =	vgt.s32 v3, v63  }
0x278: {  	v11 =	vld [tilespmem:$0x14AD0];
	v3 =	vsel vm0, v3, v63  }
0x279: {  	vm0 =	vgt.s32 v3, v9  }
0x27a: {  	v12 =	vld [tilespmem:$0x142E0];
	v3 =	vsel vm0, v3, v9  }
0x27b: {  	vm0 =	vgt.s32 v3, v10  }
0x27c: {  	v13 =	vld [tilespmem:$0x14AE0];
	v3 =	vsel vm0, v3, v10  }
0x27d: {  	vm0 =	vgt.s32 v3, v11  }
0x27e: {  	v14 =	vld [tilespmem:$0x142F0];
	v3 =	vsel vm0, v3, v11  }
0x27f: {  	vm0 =	vgt.s32 v3, v12  }
0x280: {  	v15 =	vld [tilespmem:$0x14AF0];
	v3 =	vsel vm0, v3, v12  }
0x281: {  	vm0 =	vgt.s32 v3, v13  }
0x282: {  	v3 =	vsel vm0, v3, v13  }
0x283: {  	v16 =	vld [tilespmem:$0x14300];
	vm0 =	vgt.s32 v3, v14  }
0x284: {  	v3 =	vsel vm0, v3, v14  }
0x285: {  	v17 =	vld [tilespmem:$0x14B00];
	vm0 =	vgt.s32 v3, v15  }
0x286: {  	p6 =	slt.u32 s16, $0x8C0;
	v3 =	vsel vm0, v3, v15  }
0x287: {  	v18 =	vld [tilespmem:$0x14310];
	v3 =	vpsel p6, v3, v2  }
0x288: {  	vm13 =	vgt.s32 v3, v16  }
0x289: {  	v19 =	vld [tilespmem:$0x14B10];
	v3 =	vsel vm13, v3, v16  }
0x28a: {  	vm0 =	vgt.s32 v3, v17  }
0x28b: {  	v20 =	vld [tilespmem:$0x14320];
	v3 =	vsel vm0, v3, v17  }
0x28c: {  	vm0 =	vgt.s32 v3, v18  }
0x28d: {  	v21 =	vld [tilespmem:$0x14B20];
	v3 =	vsel vm0, v3, v18  }
0x28e: {  	vm0 =	vgt.s32 v3, v19  }
0x28f: {  	v22 =	vld [tilespmem:$0x14330];
	v3 =	vsel vm0, v3, v19  }
0x290: {  	vm0 =	vgt.s32 v3, v20  }
0x291: {  	v23 =	vld [tilespmem:$0x14B30];
	v3 =	vsel vm0, v3, v20  }
0x292: {  	vm0 =	vgt.s32 v3, v21  }
0x293: {  	v24 =	vld [tilespmem:$0x14340];
	v3 =	vsel vm0, v3, v21  }
0x294: {  	vm0 =	vgt.s32 v3, v22  }
0x295: {  	v25 =	vld [tilespmem:$0x14B40];
	v3 =	vsel vm0, v3, v22  }
0x296: {  	vm0 =	vgt.s32 v3, v23  }
0x297: {  	v26 =	vld [tilespmem:$0x14350];
	v3 =	vsel vm0, v3, v23  }
0x298: {  	vm0 =	vgt.s32 v3, v24  }
0x299: {  	v27 =	vld [tilespmem:$0x14B50];
	v3 =	vsel vm0, v3, v24  }
0x29a: {  	vm0 =	vgt.s32 v3, v25  }
0x29b: {  	v28 =	vld [tilespmem:$0x14360];
	v3 =	vsel vm0, v3, v25  }
0x29c: {  	vm0 =	vgt.s32 v3, v26  }
0x29d: {  	v29 =	vld [tilespmem:$0x14B60];
	v3 =	vsel vm0, v3, v26  }
0x29e: {  	vm0 =	vgt.s32 v3, v27  }
0x29f: {  	v30 =	vld [tilespmem:$0x14370];
	v3 =	vsel vm0, v3, v27  }
0x2a0: {  	vm0 =	vgt.s32 v3, v28  }
0x2a1: {  	v31 =	vld [tilespmem:$0x14B70];
	v3 =	vsel vm0, v3, v28  }
0x2a2: {  	vm0 =	vgt.s32 v3, v29  }
0x2a3: {  	v3 =	vsel vm0, v3, v29  }
0x2a4: {  	v32 =	vld [tilespmem:$0x14380];
	vm0 =	vgt.s32 v3, v30  }
0x2a5: {  	v3 =	vsel vm0, v3, v30  }
0x2a6: {  	v33 =	vld [tilespmem:$0x14B80];
	vm0 =	vgt.s32 v3, v31  }
0x2a7: {  	v3 =	vsel vm0, v3, v31  }
0x2a8: {  	v34 =	vld [tilespmem:$0x14390];
	v3 =	vpsel p6, v3, v2  }
0x2a9: {  	vm14 =	vgt.s32 v3, v32  }
0x2aa: {  	v35 =	vld [tilespmem:$0x14B90];
	v3 =	vsel vm14, v3, v32  }
0x2ab: {  	vm0 =	vgt.s32 v3, v33  }
0x2ac: {  	v36 =	vld [tilespmem:$0x143A0];
	v3 =	vsel vm0, v3, v33  }
0x2ad: {  	vm0 =	vgt.s32 v3, v34  }
0x2ae: {  	v37 =	vld [tilespmem:$0x14BA0];
	v3 =	vsel vm0, v3, v34  }
0x2af: {  	vm0 =	vgt.s32 v3, v35  }
0x2b0: {  	v38 =	vld [tilespmem:$0x143B0];
	v3 =	vsel vm0, v3, v35  }
0x2b1: {  	vm0 =	vgt.s32 v3, v36  }
0x2b2: {  	v39 =	vld [tilespmem:$0x14BB0];
	v3 =	vsel vm0, v3, v36  }
0x2b3: {  	vm0 =	vgt.s32 v3, v37  }
0x2b4: {  	v40 =	vld [tilespmem:$0x143C0];
	v3 =	vsel vm0, v3, v37  }
0x2b5: {  	vm0 =	vgt.s32 v3, v38  }
0x2b6: {  	v41 =	vld [tilespmem:$0x14BC0];
	v3 =	vsel vm0, v3, v38  }
0x2b7: {  	vm0 =	vgt.s32 v3, v39  }
0x2b8: {  	v42 =	vld [tilespmem:$0x143D0];
	v3 =	vsel vm0, v3, v39  }
0x2b9: {  	vm0 =	vgt.s32 v3, v40  }
0x2ba: {  	v43 =	vld [tilespmem:$0x14BD0];
	v3 =	vsel vm0, v3, v40  }
0x2bb: {  	vm0 =	vgt.s32 v3, v41  }
0x2bc: {  	v44 =	vld [tilespmem:$0x143E0];
	v3 =	vsel vm0, v3, v41  }
0x2bd: {  	vm0 =	vgt.s32 v3, v42  }
0x2be: {  	v45 =	vld [tilespmem:$0x14BE0];
	v3 =	vsel vm0, v3, v42  }
0x2bf: {  	vm0 =	vgt.s32 v3, v43  }
0x2c0: {  	v46 =	vld [tilespmem:$0x143F0];
	v3 =	vsel vm0, v3, v43  }
0x2c1: {  	vm0 =	vgt.s32 v3, v44  }
0x2c2: {  	v47 =	vld [tilespmem:$0x14BF0];
	v3 =	vsel vm0, v3, v44  }
0x2c3: {  	vm0 =	vgt.s32 v3, v45  }
0x2c4: {  	v3 =	vsel vm0, v3, v45  }
0x2c5: {  	v48 =	vld [tilespmem:$0x14400];
	vm0 =	vgt.s32 v3, v46  }
0x2c6: {  	v3 =	vsel vm0, v3, v46  }
0x2c7: {  	v49 =	vld [tilespmem:$0x14C00];
	vm0 =	vgt.s32 v3, v47  }
0x2c8: {  	v3 =	vsel vm0, v3, v47  }
0x2c9: {  	v50 =	vld [tilespmem:$0x14410];
	v3 =	vpsel p6, v3, v2  }
0x2ca: {  	vm15 =	vgt.s32 v3, v48  }
0x2cb: {  	v51 =	vld [tilespmem:$0x14C10];
	v3 =	vsel vm15, v3, v48  }
0x2cc: {  	vm0 =	vgt.s32 v3, v49  }
0x2cd: {  	v52 =	vld [tilespmem:$0x14420];
	v3 =	vsel vm0, v3, v49  }
0x2ce: {  	vm0 =	vgt.s32 v3, v50  }
0x2cf: {  	v53 =	vld [tilespmem:$0x14C20];
	v3 =	vsel vm0, v3, v50  }
0x2d0: {  	vm0 =	vgt.s32 v3, v51  }
0x2d1: {  	v54 =	vld [tilespmem:$0x14430];
	v3 =	vsel vm0, v3, v51  }
0x2d2: {  	vm0 =	vgt.s32 v3, v52  }
0x2d3: {  	v55 =	vld [tilespmem:$0x14C30];
	v3 =	vsel vm0, v3, v52  }
0x2d4: {  	vm0 =	vgt.s32 v3, v53  }
0x2d5: {  	v56 =	vld [tilespmem:$0x14440];
	v3 =	vsel vm0, v3, v53  }
0x2d6: {  	vm0 =	vgt.s32 v3, v54  }
0x2d7: {  	v57 =	vld [tilespmem:$0x14C40];
	v3 =	vsel vm0, v3, v54  }
0x2d8: {  	vm0 =	vgt.s32 v3, v55  }
0x2d9: {  	v58 =	vld [tilespmem:$0x14450];
	v3 =	vsel vm0, v3, v55  }
0x2da: {  	vm0 =	vgt.s32 v3, v56  }
0x2db: {  	v59 =	vld [tilespmem:$0x14C50];
	v3 =	vsel vm0, v3, v56  }
0x2dc: {  	vm0 =	vgt.s32 v3, v57  }
0x2dd: {  	v60 =	vld [tilespmem:$0x14460];
	v3 =	vsel vm0, v3, v57  }
0x2de: {  	vm0 =	vgt.s32 v3, v58  }
0x2df: {  	v61 =	vld [tilespmem:$0x14C60];
	v3 =	vsel vm0, v3, v58  }
0x2e0: {  	vm0 =	vgt.s32 v3, v59  }
0x2e1: {  	v62 =	vld [tilespmem:$0x14470];
	v3 =	vsel vm0, v3, v59  }
0x2e2: {  	vm0 =	vgt.s32 v3, v60  }
0x2e3: {  	v63 =	vld [tilespmem:$0x14C70];
	v3 =	vsel vm0, v3, v60  }
0x2e4: {  	vm0 =	vgt.s32 v3, v61  }
0x2e5: {  	v3 =	vsel vm0, v3, v61  }
0x2e6: {  	vm0 =	vgt.s32 v3, v62  }
0x2e7: {  	v3 =	vsel vm0, v3, v62  }
0x2e8: {  	vm0 =	vgt.s32 v3, v63  }
0x2e9: {  	v3 =	vsel vm0, v3, v63  }
0x2ea: {  	v2 =	vpsel p6, v3, v2  }
0x2eb: {  	[tilespmem:$0x1CC80] =	vst v2  }
0x2ec: {  	_ =	swait.ge [sflag:s8], $0x4000  }
0x2ed: {  	[sflag:s8] =	ssyncset.done $0x0  }
0x2ee: {  	[sflag:s8] =	ssyncadd.s32 $0xFFFFC000  }
0x2ef: {  	[spmem:s3] =	stream.indirect.scatter.add.f32 [tilespmem:s5], [sflag:$0x3], $0x80, s31, s2, $0xb8;
	[tilespmem:$0x1CD00] =	vst v63  }
0x2f0: {  	_ =	swait.ge [sflag:s10], $0x4000  }
0x2f1: {  	[sflag:s10] =	ssyncset.done $0x0  }
0x2f2: {  	s21 =	simm.s32 $0x14180;
	[sflag:s10] =	ssyncadd.s32 $0xFFFFC000  }
0x2f3: {  	[tilespmem:s5], [sflag:$0x1] =	stream.indirect.gather [hbm4b:s1+s2], $0x80, s21, s2, $0xb8;
	[tilespmem:$0x1CD00] =	vst v63  }
0x2f4: {  	_ =	swait.ge [sflag:s12], $0x4000  }
0x2f5: {  	[sflag:s12] =	ssyncset.done $0x0  }
0x2f6: {  	s18 =	simm.s32 $0x14900;
	[sflag:s12] =	ssyncadd.s32 $0xFFFFC000  }
0x2f7: {  	[spmem:s3] =	stream.indirect.scatter.add.f32 [tilespmem:s7], [sflag:$0x4], $0x80, s18, s2, $0xb8;
	[tilespmem:$0x1CD00] =	vst v63  }
0x2f8: {  	_ =	swait.ge [sflag:s15], $0x4000  }
0x2f9: {  	[sflag:s15] =	ssyncset.done $0x0  }
0x2fa: {  	s21 =	simm.s32 $0x14200;
	[sflag:s15] =	ssyncadd.s32 $0xFFFFC000  }
0x2fb: {  	[tilespmem:s7], [sflag:$0x2] =	stream.indirect.gather [hbm4b:s1+s2], $0x80, s21, s2, $0xb8;
	[tilespmem:$0x1CD00] =	vst v63  }
0x2fc: {  	_ =	swait.ge [sflag:s8], $0x4000  }
0x2fd: {  	[sflag:s8] =	ssyncset.done $0x0  }
0x2fe: {  	s18 =	simm.s32 $0x14980;
	[sflag:s8] =	ssyncadd.s32 $0xFFFFC000  }
0x2ff: {  	[spmem:s3] =	stream.indirect.scatter.add.f32 [tilespmem:s5], [sflag:$0x3], $0x80, s18, s2, $0xb8;
	[tilespmem:$0x1CD00] =	vst v63  }
0x300: {  	_ =	swait.ge [sflag:s10], $0x4000  }
0x301: {  	[sflag:s10] =	ssyncset.done $0x0  }
0x302: {  	s21 =	simm.s32 $0x14280;
	[sflag:s10] =	ssyncadd.s32 $0xFFFFC000  }
0x303: {  	[tilespmem:s5], [sflag:$0x1] =	stream.indirect.gather [hbm4b:s1+s2], $0x80, s21, s2, $0xb8;
	[tilespmem:$0x1CD00] =	vst v63  }
0x304: {  	_ =	swait.ge [sflag:s12], $0x4000  }
0x305: {  	[sflag:s12] =	ssyncset.done $0x0  }
0x306: {  	[sflag:s12] =	ssyncadd.s32 $0xFFFFC000  }
0x307: {  	[spmem:s3] =	stream.indirect.scatter.add.f32 [tilespmem:s7], [sflag:$0x4], $0x80, s23, s2, $0xb8;
	[tilespmem:$0x1CD00] =	vst v63  }
0x308: {  	_ =	swait.ge [sflag:s15], $0x4000  }
0x309: {  	[sflag:s15] =	ssyncset.done $0x0  }
0x30a: {  	[sflag:s15] =	ssyncadd.s32 $0xFFFFC000  }
0x30b: {  	[tilespmem:s7], [sflag:$0x2] =	stream.indirect.gather [hbm4b:s1+s2], $0x80, s24, s2, $0xb8;
	[tilespmem:$0x1CD00] =	vst v63  }
0x30c: {  	_ =	swait.ge [sflag:s8], $0x4000  }
0x30d: {  	[sflag:s8] =	ssyncset.done $0x0  }
0x30e: {  	[sflag:s8] =	ssyncadd.s32 $0xFFFFC000  }
0x30f: {  	[spmem:s3] =	stream.indirect.scatter.add.f32 [tilespmem:s5], [sflag:$0x3], $0x80, s25, s2, $0xb8;
	[tilespmem:$0x1CD00] =	vst v63  }
0x310: {  	_ =	swait.ge [sflag:s10], $0x4000  }
0x311: {  	[sflag:s10] =	ssyncset.done $0x0  }
0x312: {  	[sflag:s10] =	ssyncadd.s32 $0xFFFFC000  }
0x313: {  	[tilespmem:s5], [sflag:$0x1] =	stream.indirect.gather [hbm4b:s1+s2], $0x80, s26, s2, $0xb8;
	[tilespmem:$0x1CD00] =	vst v63  }
0x314: {  	_ =	swait.ge [sflag:s12], $0x4000  }
0x315: {  	[sflag:s12] =	ssyncset.done $0x0  }
0x316: {  	[sflag:s12] =	ssyncadd.s32 $0xFFFFC000  }
0x317: {  	[spmem:s3] =	stream.indirect.scatter.add.f32 [tilespmem:s7], [sflag:$0x4], $0x80, s22, s2, $0xb8;
	[tilespmem:$0x1CD00] =	vst v63  }
0x318: {  	_ =	swait.ge [sflag:s15], $0x4000  }
0x319: {  	[sflag:s15] =	ssyncset.done $0x0  }
0x31a: {  	[sflag:s15] =	ssyncadd.s32 $0xFFFFC000  }
0x31b: {  	[tilespmem:s7], [sflag:$0x2] =	stream.indirect.gather [hbm4b:s1+s2], $0x80, s14, s2, $0xb8;
	[tilespmem:$0x1CD00] =	vst v63  }
0x31c: {  	_ =	swait.ge [sflag:s8], $0x4000  }
0x31d: {  	[sflag:s8] =	ssyncset.done $0x0  }
0x31e: {  	[sflag:s8] =	ssyncadd.s32 $0xFFFFC000  }
0x31f: {  	[spmem:s3] =	stream.indirect.scatter.add.f32 [tilespmem:s5], [sflag:$0x3], $0x80, s6, s2, $0xb8;
	[tilespmem:$0x1CD00] =	vst v63  }
0x320: {  	_ =	swait.ge [sflag:s12], $0x4000  }
0x321: {  	[sflag:s12] =	ssyncset.done $0x0  }
0x322: {  	[sflag:s12] =	ssyncadd.s32 $0xFFFFC000  }
0x323: {  	[spmem:s3] =	stream.indirect.scatter.add.f32 [tilespmem:s7], [sflag:$0x4], $0x80, s11, s2, $0xb8;
	[tilespmem:$0x1CD00] =	vst v63  }
0x324: {  	_ =	swait.ge [sflag:s10], $0x4000  }
.Ltmp3:
0x325: {  	[sflag:s10] =	ssyncset.done $0x0;
	(pc) =	sbr.rel @p1 .LBB2_6-.Ltmp3, $4  }
0x326: {  	[sflag:s10] =	ssyncadd.s32 $0xFFFFC000  }
0x327: {  	_ =	swait.ge [sflag:s15], $0x4000  }
0x328: {  	[sflag:s15] =	ssyncset.done $0x0  }
0x329: {  	[sflag:s15] =	ssyncadd.s32 $0xFFFFC000  }
.Ltmp4:
0x32a: {  	s17 =	sadd.s32 s13, s19;
	(pc) =	sbr.rel .LBB2_4-.Ltmp4, $4  }
0x32b: {  	s21 =	sadd.s32 s13, s20;
	s17 =	sadd.s32 $0x3000, s17  }
0x32c: {  	[tilespmem:s30], [sflag:$0x6] =	stream.linear.gather [hbm4b:s17+s4], $0x400, $0x38;
	[tilespmem:$0x1CD00] =	vst v63  }
0x32d: {  	s13 =	sadd.s32 $0x2000, s13;
	s16 =	sadd.s32 $0x200, s16;
	s17 =	sadd.s32 $0x3000, s21  }
0x32e: {  	[tilespmem:s31], [sflag:$0x6] =	stream.linear.gather [hbm4b:s17+s4], $0x400, $0x38;
	[tilespmem:$0x1CD00] =	vst v63  }
.LBB2_7:
0x32f: {  	_ =	sfence.sel $0x180000  }
0x330: {  	[bflag:$0x0] =	sbarrier.arrive $0xFFFF  }
0x331: {  	_ =	strace $0x90000047  }
0x332: {  	s0 =	stileid.u32;
	[bflag:$0x2] =	sbarrier.arrive $0xFFFF  }
0x333: {  	p0 =	sne.s32 s0, $0x0;
	s0 =	rddreg [dreg:$0x6]  }
0x334: {  	s0 =	sadd.s32 @!p0 $0x100000, s0  }
0x335: {  	[sflag:s0] =	ssyncadd.tile.s32 @!p0 $0x1;
	_ =	shalt  }
.Lfunc_end2:
_tile_overlayer_lowered:
.L_overlay_start_2:
0x336: {  	(tag) =	ssettag $0x2  }
0x337: {  	s0 =	rddreg [dreg:$0x0];
	s2 =	stileid.u32  }
0x338: {  	s1 =	rddreg [dreg:$0x1];
	p0 =	sne.s32 s2, $0x0  }
0x339: {  	s3 =	rddreg [dreg:$0x2];
	[bflag:$0x3] =	sbarrier.arrive $0xFFFF;
	s2 =	simm.s32 @!p0 $0x1C07  }
0x33a: {  	[timem:s3], [sflag:s2] =	dma.local @!p0 [hbm:s0], s1  }
0x33b: {  	s0 =	simm.s32 @!p0 $0x7  }
0x33c: {  	_ =	swait.ge @!p0 [sflag:s0], s1  }
0x33d: {  	s1 =	ssub.s32 @!p0 $0x0, s1;
	[sflag:s0] =	ssyncset.done @!p0 $0x0  }
0x33e: {  	[sflag:s0] =	ssyncadd.s32 @!p0 s1  }
0x33f: {  	[bflag:$0x3] =	sbarrier.arrive $0xFFFF  }
0x340: {  	_ =	shalt  }

</sc_bundles>
